<compile_context>
chip_gen: v7x
topology: tpu7x:2x2x1
jax: 0.10.2.dev20260603
libtpu: 0.0.44.dev20260713+nightly
codegen_flags: <defaults>
</compile_context>

<pallas_src>
import functools

import jax
import jax.numpy as jnp
import numpy as np
from jax import lax
from jax.experimental import pallas as pl
from jax.experimental.pallas import tpu as pltpu
from jax.experimental.pallas import tpu_sc as plsc

BS, T, P = 4, 240, 22
N = BS * T * P
E = BS * T * P * (P - 1)
D4 = 152
K = 16
DC = 16
NC = 17

NTILES = 32
CHUNK = 128
NCH = 112
E_PAD = NTILES * NCH * CHUNK
EROWS = E_PAD // CHUNK
ROWS_RD = 1328
NPAD = 16 * ROWS_RD



DEG_ROWS = EROWS // 16

_SC_PARAMS = pltpu.CompilerParams(
    needs_layout_passes=False, use_tc_tiling_on_sc=False)


def _sc_mesh():
    return plsc.VectorSubcoreMesh(core_axis_name="c", subcore_axis_name="s")


def _wid():
    return lax.axis_index("s") * 2 + lax.axis_index("c")


def _newton_rsqrt(x):
    xi = plsc.bitcast(x, jnp.int32)
    y = plsc.bitcast(jnp.int32(0x5F3759DF) - (xi >> 1), jnp.float32)
    for _ in range(4):
        y = y * (1.5 - 0.5 * x * y * y)
    return y


def _scale_rows(get_cf, rows):
    iota16 = lax.iota(jnp.int32, 16)

    def scale(e, carry):
        e0 = lax.broadcast_in_dim(e * 4, (16,), ())
        for u in range(4):
            ev = e0 + u
            cvec = get_cf(ev)
            rowv = plsc.load_gather(rows, [ev, iota16])
            plsc.store_scatter(rows, [ev, iota16], rowv * cvec)
        return carry

    lax.fori_loop(0, CHUNK // 4, scale, 0)


def _sc_prep(edata, g1, zeros1, zeros16):
    def body(edata_h, g1_h, z1_h, z16_h,
             coef_o, dinv_o, out0, out1,
             eb, w_b, cf_b, rows, degv, zb1, zv, rb, dacc, accum, sem):
        c = lax.axis_index("c")
        s = lax.axis_index("s")
        r0 = s * ROWS_RD
        iota16 = lax.iota(jnp.int32, 16)
        zero16 = iota16 ^ iota16
        two16 = zero16 + 2
        pltpu.sync_copy(z1_h.at[pl.ds(r0, ROWS_RD)], zb1)
        pltpu.sync_copy(zb1, dacc.at[pl.ds(r0, ROWS_RD)])
        pltpu.sync_copy(z16_h.at[pl.ds(r0, ROWS_RD)], zv)
        pltpu.sync_copy(zv, accum.at[pl.ds(r0, ROWS_RD)])
        plsc.subcore_barrier()

        def dchunk(i, carry):
            row = s * DEG_ROWS + i
            pltpu.sync_copy(edata_h.at[pl.ds(row, 1)], eb)
            for k in range(CHUNK // 16):
                wv = plsc.load_gather(eb, [zero16, two16, zero16 + k * 16 + iota16])
                w_b[0, pl.ds(k * 16, 16)] = plsc.bitcast(wv, jnp.float32)
            pltpu.sync_copy(w_b.at[0], dacc.at[eb.at[0, 1]], add=True)
            return carry

        lax.fori_loop(0, DEG_ROWS, dchunk, 0)
        plsc.subcore_barrier()

        pltpu.sync_copy(dacc, degv)

        def dl(i, carry):
            x = degv[pl.ds(i * 16, 16)] + 1.0
            degv[pl.ds(i * 16, 16)] = _newton_rsqrt(x)
            return carry

        lax.fori_loop(0, NPAD // 16, dl, 0)

        @pl.when(c == 0)
        def _():
            pltpu.sync_copy(degv.at[pl.ds(r0, ROWS_RD)], dinv_o.at[pl.ds(r0, ROWS_RD)])

        base = _wid() * NCH

        def chunk(i, carry):
            row = base + i
            pltpu.sync_copy(edata_h.at[pl.ds(row, 1)], eb)
            for k in range(CHUNK // 16):
                kv = zero16 + k * 16 + iota16
                sv = plsc.load_gather(eb, [zero16, zero16, kv])
                dv = plsc.load_gather(eb, [zero16, zero16 + 1, kv])
                wv = plsc.bitcast(plsc.load_gather(eb, [zero16, two16, kv]), jnp.float32)
                cf = wv * plsc.load_gather(degv, [sv]) * plsc.load_gather(degv, [dv])
                cf_b[0, pl.ds(k * 16, 16)] = cf
            pltpu.sync_copy(cf_b, coef_o.at[pl.ds(row, 1)])
            pltpu.async_copy(g1_h.at[eb.at[0, 0]], rows, sem).wait()
            _scale_rows(lambda ev: plsc.load_gather(cf_b, [zero16, ev]), rows)
            pltpu.sync_copy(rows, accum.at[eb.at[0, 1]], add=True)
            return carry

        lax.fori_loop(0, NCH, chunk, 0)
        plsc.subcore_barrier()

        pltpu.sync_copy(accum.at[pl.ds(r0, ROWS_RD)], rb)

        @pl.when(c == 0)
        def _():
            pltpu.sync_copy(rb, out0.at[pl.ds(r0, ROWS_RD)])

        @pl.when(c == 1)
        def _():
            pltpu.sync_copy(rb, out1.at[pl.ds(r0, ROWS_RD)])

    f = pl.kernel(
        body,
        out_type=(jax.ShapeDtypeStruct((EROWS, CHUNK), jnp.float32),
                  jax.ShapeDtypeStruct((NPAD,), jnp.float32),
                  jax.ShapeDtypeStruct((NPAD, 16), jnp.float32),
                  jax.ShapeDtypeStruct((NPAD, 16), jnp.float32)),
        mesh=_sc_mesh(),
        compiler_params=_SC_PARAMS,
        scratch_types=[
            pltpu.VMEM((1, 3, CHUNK), jnp.int32),
            pltpu.VMEM((1, CHUNK), jnp.float32),
            pltpu.VMEM((1, CHUNK), jnp.float32),
            pltpu.VMEM((CHUNK, 16), jnp.float32),
            pltpu.VMEM((NPAD,), jnp.float32),
            pltpu.VMEM((ROWS_RD,), jnp.float32),
            pltpu.VMEM((ROWS_RD, 16), jnp.float32),
            pltpu.VMEM((ROWS_RD, 16), jnp.float32),
            pltpu.VMEM_SHARED((NPAD,), jnp.float32),
            pltpu.VMEM_SHARED((NPAD, 16), jnp.float32),
            pltpu.SemaphoreType.DMA,
        ],
    )
    return f(edata, g1, zeros1, zeros16)


def _sc_agg(hparts, edata2, zeros16):
    nparts = len(hparts)

    def body(*refs):
        hs = refs[0:nparts]
        edata_h, z16_h = refs[nparts:nparts + 2]
        outs0 = refs[nparts + 2: nparts + 2 + nparts]
        outs1 = refs[nparts + 2 + nparts: nparts + 2 + 2 * nparts]
        eb, rows, zv, rb, accum, sem = refs[nparts + 2 + 2 * nparts:]
        c = lax.axis_index("c")
        s = lax.axis_index("s")
        r0 = s * ROWS_RD
        iota16 = lax.iota(jnp.int32, 16)
        zero16 = iota16 ^ iota16
        two16 = zero16 + 2
        pltpu.sync_copy(z16_h.at[pl.ds(r0, ROWS_RD)], zv)
        pltpu.sync_copy(zv, accum.at[pl.ds(r0, ROWS_RD)])
        base = _wid() * NCH
        for p in range(nparts):
            plsc.subcore_barrier()

            def chunk(i, carry, _h=hs[p]):
                row = base + i
                pltpu.sync_copy(edata_h.at[pl.ds(row, 1)], eb)
                pltpu.async_copy(_h.at[eb.at[0, 0]], rows, sem).wait()
                _scale_rows(
                    lambda ev: plsc.bitcast(
                        plsc.load_gather(eb, [zero16, two16, ev]), jnp.float32),
                    rows)
                pltpu.sync_copy(rows, accum.at[eb.at[0, 1]], add=True)
                return carry

            lax.fori_loop(0, NCH, chunk, 0)
            plsc.subcore_barrier()
            pltpu.sync_copy(accum.at[pl.ds(r0, ROWS_RD)], rb)
            pltpu.sync_copy(zv, accum.at[pl.ds(r0, ROWS_RD)])

            @pl.when(c == 0)
            def _(p=p):
                pltpu.sync_copy(rb, outs0[p].at[pl.ds(r0, ROWS_RD)])

            @pl.when(c == 1)
            def _(p=p):
                pltpu.sync_copy(rb, outs1[p].at[pl.ds(r0, ROWS_RD)])

    sds = jax.ShapeDtypeStruct((NPAD, 16), jnp.float32)
    f = pl.kernel(
        body,
        out_type=tuple([sds] * (2 * nparts)),
        mesh=_sc_mesh(),
        compiler_params=_SC_PARAMS,
        scratch_types=[
            pltpu.VMEM((1, 3, CHUNK), jnp.int32),
            pltpu.VMEM((CHUNK, 16), jnp.float32),
            pltpu.VMEM((ROWS_RD, 16), jnp.float32),
            pltpu.VMEM((ROWS_RD, 16), jnp.float32),
            pltpu.VMEM_SHARED((NPAD, 16), jnp.float32),
            pltpu.SemaphoreType.DMA,
        ],
    )
    outs = f(*hparts, edata2, zeros16)
    return outs[:nparts], outs[nparts:]



MM_BLK = 1320


def _mm_body(x_ref, w_ref, b_ref, o_ref, *, relu):
    acc = jnp.dot(x_ref[...], w_ref[...], preferred_element_type=jnp.float32)
    acc = acc + b_ref[...]
    o_ref[...] = jnp.maximum(acc, 0.0) if relu else acc


def _mm(x, W, b, relu):
    n, din = x.shape
    dout = W.shape[1]
    return pl.pallas_call(
        functools.partial(_mm_body, relu=relu),
        grid=(n // MM_BLK,),
        in_specs=[
            pl.BlockSpec((MM_BLK, din), lambda i: (i, 0)),
            pl.BlockSpec((din, dout), lambda i: (0, 0)),
            pl.BlockSpec((1, dout), lambda i: (0, 0)),
        ],
        out_specs=pl.BlockSpec((MM_BLK, dout), lambda i: (i, 0)),
        out_shape=jax.ShapeDtypeStruct((n, dout), jnp.float32),
    )(x, W, b.reshape(1, dout))


def _l1_body(p0_ref, p1_ref, h_ref, s_ref, b_ref, o_ref):
    d2 = s_ref[...] * s_ref[...]
    t = p0_ref[...] + p1_ref[...] + d2 * h_ref[...] + b_ref[...]
    o_ref[...] = jnp.maximum(t, 0.0)


def _l1(p0, p1, h, dinv2col, b):
    d = h.shape[1]
    return pl.pallas_call(
        _l1_body,
        grid=(N // MM_BLK,),
        in_specs=[
            pl.BlockSpec((MM_BLK, d), lambda i: (i, 0)),
            pl.BlockSpec((MM_BLK, d), lambda i: (i, 0)),
            pl.BlockSpec((MM_BLK, d), lambda i: (i, 0)),
            pl.BlockSpec((MM_BLK, 1), lambda i: (i, 0)),
            pl.BlockSpec((1, d), lambda i: (0, 0)),
        ],
        out_specs=pl.BlockSpec((MM_BLK, d), lambda i: (i, 0)),
        out_shape=jax.ShapeDtypeStruct((N, d), jnp.float32),
    )(p0, p1, h, dinv2col, b.reshape(1, d))


def _mm_agg_body(p0_ref, p1_ref, h_ref, s_ref, w_ref, b_ref, o_ref):
    t = p0_ref[...] + p1_ref[...] + s_ref[...] * s_ref[...] * h_ref[...]
    acc = jnp.dot(t, w_ref[...], preferred_element_type=jnp.float32) + b_ref[...]
    o_ref[...] = jnp.maximum(acc, 0.0)


def _mm_agg(p0, p1, h, dinv2col, W, b):
    din = h.shape[1]
    dout = W.shape[1]
    return pl.pallas_call(
        _mm_agg_body,
        grid=(N // MM_BLK,),
        in_specs=[
            pl.BlockSpec((MM_BLK, din), lambda i: (i, 0)),
            pl.BlockSpec((MM_BLK, din), lambda i: (i, 0)),
            pl.BlockSpec((MM_BLK, din), lambda i: (i, 0)),
            pl.BlockSpec((MM_BLK, 1), lambda i: (i, 0)),
            pl.BlockSpec((din, dout), lambda i: (0, 0)),
            pl.BlockSpec((1, dout), lambda i: (0, 0)),
        ],
        out_specs=pl.BlockSpec((MM_BLK, dout), lambda i: (i, 0)),
        out_shape=jax.ShapeDtypeStruct((N, dout), jnp.float32),
    )(p0, p1, h, dinv2col, W, b.reshape(1, dout))



F_BLK = 48


def _vlad_body(h_ref, a_ref, c_ref, m_ref, o_ref, acc_ref):
    h = h_ref[...]
    logits = jnp.dot(h, a_ref[...], preferred_element_type=jnp.float32)
    logits = logits - jnp.max(logits, axis=1, keepdims=True)
    expv = jnp.exp(logits)
    assign = expv / jnp.sum(expv, axis=1, keepdims=True)
    m = m_ref[...]
    asum = jnp.dot(m, assign, preferred_element_type=jnp.float32)
    c = c_ref[...]
    ssq = jnp.zeros((F_BLK, 1), jnp.float32)
    for k in range(K):
        vk = jnp.dot(m, assign[:, k:k + 1] * h, preferred_element_type=jnp.float32)
        vk = vk - asum[:, k:k + 1] * c[k:k + 1, :]
        nrm = jnp.sqrt(jnp.sum(vk * vk, axis=1, keepdims=True)) + 1e-12
        vk = vk / nrm
        ssq = ssq + jnp.sum(vk * vk, axis=1, keepdims=True)
        acc_ref[:, k * D4:(k + 1) * D4] = vk
    scale = 1.0 / (jnp.sqrt(ssq) + 1e-12)
    o_ref[...] = acc_ref[...] * scale


def _netvlad(h4, A, C):
    m = np.zeros((F_BLK, F_BLK * P), np.float32)
    for f in range(F_BLK):
        m[f, f * P:(f + 1) * P] = 1.0
    mseg = jnp.asarray(m)
    nfr = BS * T
    return pl.pallas_call(
        _vlad_body,
        grid=(nfr // F_BLK,),
        in_specs=[
            pl.BlockSpec((F_BLK * P, D4), lambda i: (i, 0)),
            pl.BlockSpec((D4, K), lambda i: (0, 0)),
            pl.BlockSpec((K, D4), lambda i: (0, 0)),
            pl.BlockSpec((F_BLK, F_BLK * P), lambda i: (0, 0)),
        ],
        out_specs=pl.BlockSpec((F_BLK, K * D4), lambda i: (i, 0)),
        out_shape=jax.ShapeDtypeStruct((nfr, K * D4), jnp.float32),
        scratch_shapes=[pltpu.VMEM((F_BLK, K * D4), jnp.float32)],
    )(h4, A, C, mseg)



def _head_body(x_ref, w_ref, bc_ref, rm_ref, rs_ref, g_ref, bt_ref, r_ref, o_ref):
    x = x_ref[0]
    acc = jnp.zeros((T, DC * NC), jnp.float32) + bc_ref[...]
    for j in range(5):
        acc = acc + jnp.dot(x[j:j + T, :], w_ref[j], preferred_element_type=jnp.float32)
    bn = (acc - rm_ref[...]) * rs_ref[...] * g_ref[...] + bt_ref[...]
    s = jax.nn.sigmoid(bn)
    q = (s - 0.5) ** 2
    red = jnp.dot(q, r_ref[...], preferred_element_type=jnp.float32) * (4.0 / DC)
    o_ref[0] = jnp.sqrt(red)


def _head(vlad, Wc, bc, gamma, beta, rmean, rvar):
    xpad = jnp.pad(vlad, ((0, 0), (2, 2), (0, 0)))
    w = jnp.transpose(Wc[:, :, :, 0], (2, 1, 0))
    rs = lax.rsqrt(rvar + 1e-3)
    rmat = jnp.asarray(np.tile(np.eye(NC, dtype=np.float32), (DC, 1)))
    return pl.pallas_call(
        _head_body,
        grid=(BS,),
        in_specs=[
            pl.BlockSpec((1, T + 4, K * D4), lambda i: (i, 0, 0)),
            pl.BlockSpec((5, K * D4, DC * NC), lambda i: (0, 0, 0)),
            pl.BlockSpec((1, DC * NC), lambda i: (0, 0)),
            pl.BlockSpec((T, 1), lambda i: (0, 0)),
            pl.BlockSpec((T, 1), lambda i: (0, 0)),
            pl.BlockSpec((T, 1), lambda i: (0, 0)),
            pl.BlockSpec((T, 1), lambda i: (0, 0)),
            pl.BlockSpec((DC * NC, NC), lambda i: (0, 0)),
        ],
        out_specs=pl.BlockSpec((1, T, NC), lambda i: (i, 0, 0)),
        out_shape=jax.ShapeDtypeStruct((BS, T, NC), jnp.float32),
    )(xpad, w, bc.reshape(1, DC * NC), rmean.reshape(T, 1), rs.reshape(T, 1),
      gamma.reshape(T, 1), beta.reshape(T, 1), rmat)



def kernel(x, edge_index, edge_attr, batch, W1, b1, W2, b2, W3, b3, W4, b4,
           A, C, Wc, bc, gamma, beta, rmean, rvar):
    src = edge_index[0]
    dst = edge_index[1]
    w = edge_attr[:, 4]

    pad = E_PAD - E
    srcp = jnp.concatenate([src, jnp.zeros((pad,), jnp.int32)]).reshape(EROWS, CHUNK)
    dstp = jnp.concatenate([dst, jnp.full((pad,), N, jnp.int32)]).reshape(EROWS, CHUNK)
    wp = jnp.concatenate([w, jnp.zeros((pad,), jnp.float32)]).reshape(EROWS, CHUNK)

    edata = jnp.stack(
        [srcp, dstp, lax.bitcast_convert_type(wp, jnp.int32)], axis=1)

    zeros1 = jnp.zeros((NPAD,), jnp.float32)
    zeros16 = jnp.zeros((NPAD, 16), jnp.float32)

    g1 = _mm(x, W1, jnp.zeros((16,), jnp.float32), relu=False)

    coefp, dinv, a10, a11 = _sc_prep(edata, g1, zeros1, zeros16)
    edata2 = jnp.stack(
        [srcp, dstp, lax.bitcast_convert_type(coefp, jnp.int32)], axis=1)
    dinvcol = dinv[:N, None]

    h1 = _l1(a10[:N], a11[:N], g1, dinvcol, b1)

    (p0,), (p1,) = _sc_agg([h1], edata2, zeros16)
    h2 = _mm_agg(p0[:N], p1[:N], h1, dinvcol, W2, b2)

    ps0, ps1 = _sc_agg([h2[:, :16], h2[:, 16:]], edata2, zeros16)
    p0 = jnp.concatenate([o[:N] for o in ps0], axis=1)
    p1 = jnp.concatenate([o[:N] for o in ps1], axis=1)
    h3 = _mm_agg(p0, p1, h2, dinvcol, W3, b3)

    ps0, ps1 = _sc_agg([h3[:, 16 * j:16 * (j + 1)] for j in range(4)],
                       edata2, zeros16)
    p0 = jnp.concatenate([o[:N] for o in ps0], axis=1)
    p1 = jnp.concatenate([o[:N] for o in ps1], axis=1)
    h4 = _mm_agg(p0, p1, h3, dinvcol, W4, b4)

    vlad = _netvlad(h4, A, C)
    vlad = vlad.reshape(BS, T, K * D4)
    return _head(vlad, Wc, bc, gamma, beta, rmean, rvar)

# --- scband reference (transcript-rebuilt; emitter-appended) ---
"""Pipeline reference for scband-context-aware-net-vlad-temporal-41034117546336 (READ-ONLY COPY).

The authoritative reference and input builder live on the scoring server;
editing this copy changes nothing except your own understanding.
"""

import jax, jax.numpy as jnp
import numpy as np

BS, T, P = 4, 240, 22
N = BS * T * P
E = BS * T * P * (P - 1)
D_IN = 128
MULT = 2
D1, D2, D3, D4 = 8 * MULT, 16 * MULT, 32 * MULT, 76 * MULT
K = 16
DC = 16
NC = 17


def setup_inputs(seed: int = 0):
    key = jax.random.key(seed)
    ks = jax.random.split(key, 16)
    inp = {}
    inp['x'] = jax.random.normal(ks[0], (N, D_IN), dtype=jnp.float32)
    inp['edge_index'] = jax.random.randint(ks[1], (2, E), 0, N, dtype=jnp.int32)
    inp['edge_attr'] = jax.random.uniform(ks[2], (E, 5), dtype=jnp.float32)
    inp['batch'] = jnp.sort(jax.random.randint(ks[3], (N,), 0, BS, dtype=jnp.int32))
    dims = [(D_IN, D1), (D1, D2), (D2, D3), (D3, D4)]
    for i, (di, do) in enumerate(dims):
        inp['W' + str(i + 1)] = jax.random.normal(ks[4 + i], (di, do), dtype=jnp.float32) / np.sqrt(di)
        inp['b' + str(i + 1)] = jnp.zeros((do,), dtype=jnp.float32)
    inp['A'] = jax.random.normal(ks[8], (D4, K), dtype=jnp.float32) * 0.1
    inp['C'] = jax.random.normal(ks[9], (K, D4), dtype=jnp.float32) * 0.1
    inp['Wc'] = jax.random.normal(ks[10], (DC * NC, D4 * K, 5, 1), dtype=jnp.float32) / np.sqrt(D4 * K * 5)
    inp['bc'] = jnp.zeros((DC * NC,), dtype=jnp.float32)
    inp['gamma'] = jnp.ones((T,), dtype=jnp.float32)
    inp['beta'] = jnp.zeros((T,), dtype=jnp.float32)
    inp['rmean'] = jnp.zeros((T,), dtype=jnp.float32)
    inp['rvar'] = jnp.ones((T,), dtype=jnp.float32)
    return inp


def _gcn(h, W, b, src, dst, w):
    # GCNConv with edge_weight and self-loops (weight 1), sym normalization
    h = h @ W
    loop = jnp.arange(N, dtype=src.dtype)
    s2 = jnp.concatenate([src, loop])
    d2 = jnp.concatenate([dst, loop])
    w2 = jnp.concatenate([w, jnp.ones((N,), dtype=w.dtype)])
    deg = jnp.zeros((N,), dtype=h.dtype).at[d2].add(w2)
    dinv = jax.lax.rsqrt(jnp.clip(deg, 1e-12, None))
    norm = w2 * dinv[s2] * dinv[d2]
    agg = jnp.zeros((N, h.shape[1]), dtype=h.dtype).at[d2].add(h[s2] * norm[:, None])
    return agg + b


def reference(x, edge_index, edge_attr, batch, W1, b1, W2, b2, W3, b3, W4, b4, A, C, Wc, bc, gamma, beta, rmean, rvar):
    src, dst = edge_index[0], edge_index[1]
    w = edge_attr[:, 4]
    h = jax.nn.relu(_gcn(x, W1, b1, src, dst, w))
    h = jax.nn.relu(_gcn(h, W2, b2, src, dst, w))
    h = jax.nn.relu(_gcn(h, W3, b3, src, dst, w))
    h = jax.nn.relu(_gcn(h, W4, b4, src, dst, w))
    h4 = h.reshape(BS, T, P, D4)
    # NetVLAD over the P players of each (batch, frame)
    assign = jax.nn.softmax(h4 @ A, axis=-1)
    vlad = jnp.einsum('btpk,btpd->btkd', assign, h4) - assign.sum(axis=2)[..., None] * C[None, None]
    vlad = vlad / (jnp.linalg.norm(vlad, axis=-1, keepdims=True) + 1e-12)
    vlad = vlad.reshape(BS, T, K * D4)
    vlad = vlad / (jnp.linalg.norm(vlad, axis=-1, keepdims=True) + 1e-12)
    nv = jnp.transpose(vlad, (0, 2, 1))[..., None]  # (BS, K*D4, T, 1)
    padded = jnp.pad(nv, ((0, 0), (0, 0), (2, 2), (0, 0)))  # ZeroPad2d((0,0,2,2))
    conv = jax.lax.conv_general_dilated(padded, Wc, (1, 1), 'VALID', dimension_numbers=('NCHW', 'OIHW', 'NCHW')) + bc[None, :, None, None]
    perm = jnp.transpose(conv, (0, 2, 3, 1)).reshape(BS, T, DC, NC)
    # BatchNorm2d(num_features=chunk_size) in eval mode, eps=1e-3
    bn = (perm - rmean[None, :, None, None]) * jax.lax.rsqrt(rvar[None, :, None, None] + 1e-3) * gamma[None, :, None, None] + beta[None, :, None, None]
    s = jax.nn.sigmoid(bn)
    return jnp.sqrt(jnp.sum((s - 0.5) ** 2, axis=2) * 4.0 / DC)

if __name__ == "__main__":
    import jax
    _d = setup_inputs()
    print(jax.jit(kernel)(*tuple(_d.values())))

</pallas_src>

<mosaic_0001>
#map = affine_map<(d0, d1) -> (0, 0, 0)>
#map1 = affine_map<(d0, d1) -> (0, 0)>
#map2 = affine_map<(d0, d1) -> (0)>
module attributes {stable_mosaic.version = 14 : i64} {
  func.func @body(%arg0: i32, %arg1: i32, %arg2: memref<3584x3x128xi32, #tpu.memory_space<hbm>>, %arg3: memref<21120x16xf32, #tpu.memory_space<hbm>>, %arg4: memref<21248xf32, #tpu.memory_space<hbm>>, %arg5: memref<21248x16xf32, #tpu.memory_space<hbm>>, %arg6: memref<3584x128xf32, #tpu.memory_space<hbm>>, %arg7: memref<21248xf32, #tpu.memory_space<hbm>>, %arg8: memref<21248x16xf32, #tpu.memory_space<hbm>>, %arg9: memref<21248x16xf32, #tpu.memory_space<hbm>>, %arg10: memref<1x3x128xi32, #tpu.memory_space<vmem>>, %arg11: memref<1x128xf32, #tpu.memory_space<vmem>>, %arg12: memref<1x128xf32, #tpu.memory_space<vmem>>, %arg13: memref<128x16xf32, #tpu.memory_space<vmem>>, %arg14: memref<21248xf32, #tpu.memory_space<vmem>>, %arg15: memref<1328xf32, #tpu.memory_space<vmem>>, %arg16: memref<1328x16xf32, #tpu.memory_space<vmem>>, %arg17: memref<1328x16xf32, #tpu.memory_space<vmem>>, %arg18: memref<21248xf32, #tpu.memory_space<vmem_shared>>, %arg19: memref<21248x16xf32, #tpu.memory_space<vmem_shared>>, %arg20: memref<!tpu.dma_semaphore, #tpu.memory_space<semaphore_mem>>) attributes {dimension_semantics = [#tpu.dimension_semantics<core_parallel>, #tpu.dimension_semantics<subcore_parallel>], iteration_bounds = array<i64: 2, 16>, scalar_prefetch = 0 : i64, scratch_operands = 11 : i64, tpu.core_type = #tpu.core_type<sc_vector_subcore>, window_params = [{transform_indices = #map}, {transform_indices = #map1}, {transform_indices = #map2}, {transform_indices = #map1}, {transform_indices = #map1}, {transform_indices = #map2}, {transform_indices = #map1}, {transform_indices = #map1}]} {
    %mul3A = arith.constant 1328 : i32
    %mul3A_0 = arith.muli %arg1, %mul3A : i32
    %iota3A = tpu.iota {dimensions = array<i32: 0>} : vector<16xi32>
    %xor3A = arith.xori %iota3A, %iota3A : vector<16xi32>
    %add3A = arith.constant 2 : i32
    %add3A_1 = vector.broadcast %add3A : i32 to vector<16xi32>
    %add3A_2 = arith.addi %xor3A, %add3A_1 : vector<16xi32>
    "tpu.region"() ({
      %run_scoped3A = tpu.sem_alloc : memref<!tpu.dma_semaphore, #tpu.memory_space<semaphore_mem>>
      %dma_start3A = tpu.memref_slice %arg4[%mul3A_0] : memref<21248xf32, #tpu.memory_space<hbm>> -> memref<1328xf32, #tpu.memory_space<hbm>>
      %dma_start3A_39 = tpu.memref_slice %arg4[%mul3A_0] : memref<21248xf32, #tpu.memory_space<hbm>> -> memref<1328xf32, #tpu.memory_space<hbm>>
      tpu.enqueue_dma source(%dma_start3A_39 : memref<1328xf32, #tpu.memory_space<hbm>>) target(%arg15 : memref<1328xf32, #tpu.memory_space<vmem>>) target_semaphore(%run_scoped3A : memref<!tpu.dma_semaphore, #tpu.memory_space<semaphore_mem>>)
      %dma_wait3A = tpu.memref_slice %arg4[%mul3A_0] : memref<21248xf32, #tpu.memory_space<hbm>> -> memref<1328xf32, #tpu.memory_space<hbm>>
      %dma_wait3A_40 = tpu.memref_slice %arg4[%mul3A_0] : memref<21248xf32, #tpu.memory_space<hbm>> -> memref<1328xf32, #tpu.memory_space<hbm>>
      tpu.wait_dma2 semaphore(%run_scoped3A : memref<!tpu.dma_semaphore, #tpu.memory_space<semaphore_mem>>) src(%dma_wait3A_40 : memref<1328xf32, #tpu.memory_space<hbm>>) dst(%arg15 : memref<1328xf32, #tpu.memory_space<vmem>>)
      tpu.yield
    }) : () -> ()
    "tpu.region"() ({
      %run_scoped3A = tpu.sem_alloc : memref<!tpu.dma_semaphore, #tpu.memory_space<semaphore_mem>>
      %dma_start3A = tpu.memref_slice %arg18[%mul3A_0] : memref<21248xf32, #tpu.memory_space<vmem_shared>> -> memref<1328xf32, #tpu.memory_space<vmem_shared>>
      %dma_start3A_39 = tpu.memref_slice %arg18[%mul3A_0] : memref<21248xf32, #tpu.memory_space<vmem_shared>> -> memref<1328xf32, #tpu.memory_space<vmem_shared>>
      tpu.enqueue_dma source(%arg15 : memref<1328xf32, #tpu.memory_space<vmem>>) target(%dma_start3A_39 : memref<1328xf32, #tpu.memory_space<vmem_shared>>) target_semaphore(%run_scoped3A : memref<!tpu.dma_semaphore, #tpu.memory_space<semaphore_mem>>)
      %dma_wait3A = tpu.memref_slice %arg18[%mul3A_0] : memref<21248xf32, #tpu.memory_space<vmem_shared>> -> memref<1328xf32, #tpu.memory_space<vmem_shared>>
      %dma_wait3A_40 = tpu.memref_slice %arg18[%mul3A_0] : memref<21248xf32, #tpu.memory_space<vmem_shared>> -> memref<1328xf32, #tpu.memory_space<vmem_shared>>
      tpu.wait_dma2 semaphore(%run_scoped3A : memref<!tpu.dma_semaphore, #tpu.memory_space<semaphore_mem>>) src(%arg15 : memref<1328xf32, #tpu.memory_space<vmem>>) dst(%dma_wait3A_40 : memref<1328xf32, #tpu.memory_space<vmem_shared>>)
      tpu.yield
    }) : () -> ()
    "tpu.region"() ({
      %run_scoped3A = tpu.sem_alloc : memref<!tpu.dma_semaphore, #tpu.memory_space<semaphore_mem>>
      %dma_start3A = arith.constant 0 : i32
      %dma_start3A_39 = tpu.memref_slice %arg5[%mul3A_0, %dma_start3A] : memref<21248x16xf32, #tpu.memory_space<hbm>> -> memref<1328x16xf32, #tpu.memory_space<hbm>>
      %dma_start3A_40 = arith.constant 0 : i32
      %dma_start3A_41 = tpu.memref_slice %arg5[%mul3A_0, %dma_start3A_40] : memref<21248x16xf32, #tpu.memory_space<hbm>> -> memref<1328x16xf32, #tpu.memory_space<hbm>>
      tpu.enqueue_dma source(%dma_start3A_41 : memref<1328x16xf32, #tpu.memory_space<hbm>>) target(%arg16 : memref<1328x16xf32, #tpu.memory_space<vmem>>) target_semaphore(%run_scoped3A : memref<!tpu.dma_semaphore, #tpu.memory_space<semaphore_mem>>)
      %dma_wait3A = arith.constant 0 : i32
      %dma_wait3A_42 = tpu.memref_slice %arg5[%mul3A_0, %dma_wait3A] : memref<21248x16xf32, #tpu.memory_space<hbm>> -> memref<1328x16xf32, #tpu.memory_space<hbm>>
      %dma_wait3A_43 = arith.constant 0 : i32
      %dma_wait3A_44 = tpu.memref_slice %arg5[%mul3A_0, %dma_wait3A_43] : memref<21248x16xf32, #tpu.memory_space<hbm>> -> memref<1328x16xf32, #tpu.memory_space<hbm>>
      tpu.wait_dma2 semaphore(%run_scoped3A : memref<!tpu.dma_semaphore, #tpu.memory_space<semaphore_mem>>) src(%dma_wait3A_44 : memref<1328x16xf32, #tpu.memory_space<hbm>>) dst(%arg16 : memref<1328x16xf32, #tpu.memory_space<vmem>>)
      tpu.yield
    }) : () -> ()
    "tpu.region"() ({
      %run_scoped3A = tpu.sem_alloc : memref<!tpu.dma_semaphore, #tpu.memory_space<semaphore_mem>>
      %dma_start3A = arith.constant 0 : i32
      %dma_start3A_39 = tpu.memref_slice %arg19[%mul3A_0, %dma_start3A] : memref<21248x16xf32, #tpu.memory_space<vmem_shared>> -> memref<1328x16xf32, #tpu.memory_space<vmem_shared>>
      %dma_start3A_40 = arith.constant 0 : i32
      %dma_start3A_41 = tpu.memref_slice %arg19[%mul3A_0, %dma_start3A_40] : memref<21248x16xf32, #tpu.memory_space<vmem_shared>> -> memref<1328x16xf32, #tpu.memory_space<vmem_shared>>
      tpu.enqueue_dma source(%arg16 : memref<1328x16xf32, #tpu.memory_space<vmem>>) target(%dma_start3A_41 : memref<1328x16xf32, #tpu.memory_space<vmem_shared>>) target_semaphore(%run_scoped3A : memref<!tpu.dma_semaphore, #tpu.memory_space<semaphore_mem>>)
      %dma_wait3A = arith.constant 0 : i32
      %dma_wait3A_42 = tpu.memref_slice %arg19[%mul3A_0, %dma_wait3A] : memref<21248x16xf32, #tpu.memory_space<vmem_shared>> -> memref<1328x16xf32, #tpu.memory_space<vmem_shared>>
      %dma_wait3A_43 = arith.constant 0 : i32
      %dma_wait3A_44 = tpu.memref_slice %arg19[%mul3A_0, %dma_wait3A_43] : memref<21248x16xf32, #tpu.memory_space<vmem_shared>> -> memref<1328x16xf32, #tpu.memory_space<vmem_shared>>
      tpu.wait_dma2 semaphore(%run_scoped3A : memref<!tpu.dma_semaphore, #tpu.memory_space<semaphore_mem>>) src(%arg16 : memref<1328x16xf32, #tpu.memory_space<vmem>>) dst(%dma_wait3A_44 : memref<1328x16xf32, #tpu.memory_space<vmem_shared>>)
      tpu.yield
    }) : () -> ()
    %barrier3A = arith.constant 0 : index
    tpu.barrier barrier_id(%barrier3A)
    %scan3A = arith.constant 0 : i32
    %scan3A_3 = arith.constant 0 : i32
    %scan3A_4 = arith.constant 224 : i32
    %scan3A_5 = arith.addi %scan3A_3, %scan3A_4 : i32
    %scan3A_6 = arith.constant 1 : i32
    scf.for %scan3A_39 = %scan3A_3 to %scan3A_5 step %scan3A_6  : i32 {
      %mul3A_40 = arith.constant 224 : i32
      %mul3A_41 = arith.muli %arg1, %mul3A_40 : i32
      %add3A_42 = arith.addi %mul3A_41, %scan3A_39 : i32
      "tpu.region"() ({
        %run_scoped3A_122 = tpu.sem_alloc : memref<!tpu.dma_semaphore, #tpu.memory_space<semaphore_mem>>
        %dma_start3A = arith.constant 0 : i32
        %dma_start3A_123 = arith.constant 0 : i32
        %dma_start3A_124 = tpu.memref_slice %arg2[%add3A_42, %dma_start3A, %dma_start3A_123] : memref<3584x3x128xi32, #tpu.memory_space<hbm>> -> memref<1x3x128xi32, #tpu.memory_space<hbm>>
        %dma_start3A_125 = arith.constant 0 : i32
        %dma_start3A_126 = arith.constant 0 : i32
        %dma_start3A_127 = tpu.memref_slice %arg2[%add3A_42, %dma_start3A_125, %dma_start3A_126] : memref<3584x3x128xi32, #tpu.memory_space<hbm>> -> memref<1x3x128xi32, #tpu.memory_space<hbm>>
        tpu.enqueue_dma source(%dma_start3A_127 : memref<1x3x128xi32, #tpu.memory_space<hbm>>) target(%arg10 : memref<1x3x128xi32, #tpu.memory_space<vmem>>) target_semaphore(%run_scoped3A_122 : memref<!tpu.dma_semaphore, #tpu.memory_space<semaphore_mem>>)
        %dma_wait3A = arith.constant 0 : i32
        %dma_wait3A_128 = arith.constant 0 : i32
        %dma_wait3A_129 = tpu.memref_slice %arg2[%add3A_42, %dma_wait3A, %dma_wait3A_128] : memref<3584x3x128xi32, #tpu.memory_space<hbm>> -> memref<1x3x128xi32, #tpu.memory_space<hbm>>
        %dma_wait3A_130 = arith.constant 0 : i32
        %dma_wait3A_131 = arith.constant 0 : i32
        %dma_wait3A_132 = tpu.memref_slice %arg2[%add3A_42, %dma_wait3A_130, %dma_wait3A_131] : memref<3584x3x128xi32, #tpu.memory_space<hbm>> -> memref<1x3x128xi32, #tpu.memory_space<hbm>>
        tpu.wait_dma2 semaphore(%run_scoped3A_122 : memref<!tpu.dma_semaphore, #tpu.memory_space<semaphore_mem>>) src(%dma_wait3A_132 : memref<1x3x128xi32, #tpu.memory_space<hbm>>) dst(%arg10 : memref<1x3x128xi32, #tpu.memory_space<vmem>>)
        tpu.yield
      }) : () -> ()
      %add3A_43 = arith.constant 0 : i32
      %add3A_44 = vector.broadcast %add3A_43 : i32 to vector<16xi32>
      %add3A_45 = arith.addi %xor3A, %add3A_44 : vector<16xi32>
      %add3A_46 = arith.addi %add3A_45, %iota3A : vector<16xi32>
      %gather3A = tpu.vector_load_idx %arg10[%xor3A, %add3A_2, %add3A_46] : memref<1x3x128xi32, #tpu.memory_space<vmem>>[vector<16xi32>, vector<16xi32>, vector<16xi32>], vector<16xi32>,
      %bitcast3A = vector.bitcast %gather3A : vector<16xi32> to vector<16xf32>
      %swap3A = arith.constant 0 : i32
      %swap3A_47 = arith.index_cast %swap3A : i32 to index
      %swap3A_48 = arith.constant 0 : index
      %swap3A_49 = tpu.vector_load %arg11[%swap3A_47, %swap3A_48] {strides = array<i32>} : memref<1x128xf32, #tpu.memory_space<vmem>>, vector<16xf32>,
      tpu.vector_store %arg11[%swap3A_47, %swap3A_48], %bitcast3A {strides = array<i32>} : memref<1x128xf32, #tpu.memory_space<vmem>>, vector<16xf32>,
      %add3A_50 = arith.constant 16 : i32
      %add3A_51 = vector.broadcast %add3A_50 : i32 to vector<16xi32>
      %add3A_52 = arith.addi %xor3A, %add3A_51 : vector<16xi32>
      %add3A_53 = arith.addi %add3A_52, %iota3A : vector<16xi32>
      %gather3A_54 = tpu.vector_load_idx %arg10[%xor3A, %add3A_2, %add3A_53] : memref<1x3x128xi32, #tpu.memory_space<vmem>>[vector<16xi32>, vector<16xi32>, vector<16xi32>], vector<16xi32>,
      %bitcast3A_55 = vector.bitcast %gather3A_54 : vector<16xi32> to vector<16xf32>
      %swap3A_56 = arith.constant 0 : i32
      %swap3A_57 = arith.index_cast %swap3A_56 : i32 to index
      %swap3A_58 = arith.constant 16 : index
      %swap3A_59 = tpu.vector_load %arg11[%swap3A_57, %swap3A_58] {strides = array<i32>} : memref<1x128xf32, #tpu.memory_space<vmem>>, vector<16xf32>,
      tpu.vector_store %arg11[%swap3A_57, %swap3A_58], %bitcast3A_55 {strides = array<i32>} : memref<1x128xf32, #tpu.memory_space<vmem>>, vector<16xf32>,
      %add3A_60 = arith.constant 32 : i32
      %add3A_61 = vector.broadcast %add3A_60 : i32 to vector<16xi32>
      %add3A_62 = arith.addi %xor3A, %add3A_61 : vector<16xi32>
      %add3A_63 = arith.addi %add3A_62, %iota3A : vector<16xi32>
      %gather3A_64 = tpu.vector_load_idx %arg10[%xor3A, %add3A_2, %add3A_63] : memref<1x3x128xi32, #tpu.memory_space<vmem>>[vector<16xi32>, vector<16xi32>, vector<16xi32>], vector<16xi32>,
      %bitcast3A_65 = vector.bitcast %gather3A_64 : vector<16xi32> to vector<16xf32>
      %swap3A_66 = arith.constant 0 : i32
      %swap3A_67 = arith.index_cast %swap3A_66 : i32 to index
      %swap3A_68 = arith.constant 32 : index
      %swap3A_69 = tpu.vector_load %arg11[%swap3A_67, %swap3A_68] {strides = array<i32>} : memref<1x128xf32, #tpu.memory_space<vmem>>, vector<16xf32>,
      tpu.vector_store %arg11[%swap3A_67, %swap3A_68], %bitcast3A_65 {strides = array<i32>} : memref<1x128xf32, #tpu.memory_space<vmem>>, vector<16xf32>,
      %add3A_70 = arith.constant 48 : i32
      %add3A_71 = vector.broadcast %add3A_70 : i32 to vector<16xi32>
      %add3A_72 = arith.addi %xor3A, %add3A_71 : vector<16xi32>
      %add3A_73 = arith.addi %add3A_72, %iota3A : vector<16xi32>
      %gather3A_74 = tpu.vector_load_idx %arg10[%xor3A, %add3A_2, %add3A_73] : memref<1x3x128xi32, #tpu.memory_space<vmem>>[vector<16xi32>, vector<16xi32>, vector<16xi32>], vector<16xi32>,
      %bitcast3A_75 = vector.bitcast %gather3A_74 : vector<16xi32> to vector<16xf32>
      %swap3A_76 = arith.constant 0 : i32
      %swap3A_77 = arith.index_cast %swap3A_76 : i32 to index
      %swap3A_78 = arith.constant 48 : index
      %swap3A_79 = tpu.vector_load %arg11[%swap3A_77, %swap3A_78] {strides = array<i32>} : memref<1x128xf32, #tpu.memory_space<vmem>>, vector<16xf32>,
      tpu.vector_store %arg11[%swap3A_77, %swap3A_78], %bitcast3A_75 {strides = array<i32>} : memref<1x128xf32, #tpu.memory_space<vmem>>, vector<16xf32>,
      %add3A_80 = arith.constant 64 : i32
      %add3A_81 = vector.broadcast %add3A_80 : i32 to vector<16xi32>
      %add3A_82 = arith.addi %xor3A, %add3A_81 : vector<16xi32>
      %add3A_83 = arith.addi %add3A_82, %iota3A : vector<16xi32>
      %gather3A_84 = tpu.vector_load_idx %arg10[%xor3A, %add3A_2, %add3A_83] : memref<1x3x128xi32, #tpu.memory_space<vmem>>[vector<16xi32>, vector<16xi32>, vector<16xi32>], vector<16xi32>,
      %bitcast3A_85 = vector.bitcast %gather3A_84 : vector<16xi32> to vector<16xf32>
      %swap3A_86 = arith.constant 0 : i32
      %swap3A_87 = arith.index_cast %swap3A_86 : i32 to index
      %swap3A_88 = arith.constant 64 : index
      %swap3A_89 = tpu.vector_load %arg11[%swap3A_87, %swap3A_88] {strides = array<i32>} : memref<1x128xf32, #tpu.memory_space<vmem>>, vector<16xf32>,
      tpu.vector_store %arg11[%swap3A_87, %swap3A_88], %bitcast3A_85 {strides = array<i32>} : memref<1x128xf32, #tpu.memory_space<vmem>>, vector<16xf32>,
      %add3A_90 = arith.constant 80 : i32
      %add3A_91 = vector.broadcast %add3A_90 : i32 to vector<16xi32>
      %add3A_92 = arith.addi %xor3A, %add3A_91 : vector<16xi32>
      %add3A_93 = arith.addi %add3A_92, %iota3A : vector<16xi32>
      %gather3A_94 = tpu.vector_load_idx %arg10[%xor3A, %add3A_2, %add3A_93] : memref<1x3x128xi32, #tpu.memory_space<vmem>>[vector<16xi32>, vector<16xi32>, vector<16xi32>], vector<16xi32>,
      %bitcast3A_95 = vector.bitcast %gather3A_94 : vector<16xi32> to vector<16xf32>
      %swap3A_96 = arith.constant 0 : i32
      %swap3A_97 = arith.index_cast %swap3A_96 : i32 to index
      %swap3A_98 = arith.constant 80 : index
      %swap3A_99 = tpu.vector_load %arg11[%swap3A_97, %swap3A_98] {strides = array<i32>} : memref<1x128xf32, #tpu.memory_space<vmem>>, vector<16xf32>,
      tpu.vector_store %arg11[%swap3A_97, %swap3A_98], %bitcast3A_95 {strides = array<i32>} : memref<1x128xf32, #tpu.memory_space<vmem>>, vector<16xf32>,
      %add3A_100 = arith.constant 96 : i32
      %add3A_101 = vector.broadcast %add3A_100 : i32 to vector<16xi32>
      %add3A_102 = arith.addi %xor3A, %add3A_101 : vector<16xi32>
      %add3A_103 = arith.addi %add3A_102, %iota3A : vector<16xi32>
      %gather3A_104 = tpu.vector_load_idx %arg10[%xor3A, %add3A_2, %add3A_103] : memref<1x3x128xi32, #tpu.memory_space<vmem>>[vector<16xi32>, vector<16xi32>, vector<16xi32>], vector<16xi32>,
      %bitcast3A_105 = vector.bitcast %gather3A_104 : vector<16xi32> to vector<16xf32>
      %swap3A_106 = arith.constant 0 : i32
      %swap3A_107 = arith.index_cast %swap3A_106 : i32 to index
      %swap3A_108 = arith.constant 96 : index
      %swap3A_109 = tpu.vector_load %arg11[%swap3A_107, %swap3A_108] {strides = array<i32>} : memref<1x128xf32, #tpu.memory_space<vmem>>, vector<16xf32>,
      tpu.vector_store %arg11[%swap3A_107, %swap3A_108], %bitcast3A_105 {strides = array<i32>} : memref<1x128xf32, #tpu.memory_space<vmem>>, vector<16xf32>,
      %add3A_110 = arith.constant 112 : i32
      %add3A_111 = vector.broadcast %add3A_110 : i32 to vector<16xi32>
      %add3A_112 = arith.addi %xor3A, %add3A_111 : vector<16xi32>
      %add3A_113 = arith.addi %add3A_112, %iota3A : vector<16xi32>
      %gather3A_114 = tpu.vector_load_idx %arg10[%xor3A, %add3A_2, %add3A_113] : memref<1x3x128xi32, #tpu.memory_space<vmem>>[vector<16xi32>, vector<16xi32>, vector<16xi32>], vector<16xi32>,
      %bitcast3A_115 = vector.bitcast %gather3A_114 : vector<16xi32> to vector<16xf32>
      %swap3A_116 = arith.constant 0 : i32
      %swap3A_117 = arith.index_cast %swap3A_116 : i32 to index
      %swap3A_118 = arith.constant 112 : index
      %swap3A_119 = tpu.vector_load %arg11[%swap3A_117, %swap3A_118] {strides = array<i32>} : memref<1x128xf32, #tpu.memory_space<vmem>>, vector<16xf32>,
      tpu.vector_store %arg11[%swap3A_117, %swap3A_118], %bitcast3A_115 {strides = array<i32>} : memref<1x128xf32, #tpu.memory_space<vmem>>, vector<16xf32>,
      %run_scoped3A = arith.constant 0 : i32
      %run_scoped3A_120 = arith.constant 0 : i32
      %run_scoped3A_121 = arith.constant 1 : i32
      "tpu.region"() ({
        %run_scoped3A_122 = tpu.sem_alloc : memref<!tpu.dma_semaphore, #tpu.memory_space<semaphore_mem>>
        %dma_start3A = arith.constant 0 : i32
        %dma_start3A_123 = tpu.memref_slice %arg11[%run_scoped3A, %dma_start3A] : memref<1x128xf32, #tpu.memory_space<vmem>> -> memref<1x128xf32, #tpu.memory_space<vmem>>
        %dma_start3A_124 = tpu.memref_squeeze %dma_start3A_123 : memref<1x128xf32, #tpu.memory_space<vmem>> -> memref<128xf32, #tpu.memory_space<vmem>>
        %dma_start3A_125 = arith.constant 0 : i32
        %dma_start3A_126 = tpu.memref_slice %arg10[%run_scoped3A_120, %run_scoped3A_121, %dma_start3A_125] : memref<1x3x128xi32, #tpu.memory_space<vmem>> -> memref<1x1x128xi32, #tpu.memory_space<vmem>>
        %dma_start3A_127 = tpu.memref_squeeze %dma_start3A_126 : memref<1x1x128xi32, #tpu.memory_space<vmem>> -> memref<128xi32, #tpu.memory_space<vmem>>
        %dma_start3A_128 = arith.constant 0 : i32
        %dma_start3A_129 = tpu.memref_slice %arg18[%dma_start3A_128] : memref<21248xf32, #tpu.memory_space<vmem_shared>> -> memref<21248xf32, #tpu.memory_space<vmem_shared>>
        tpu.enqueue_indirect_dma source(%dma_start3A_124 : memref<128xf32, #tpu.memory_space<vmem>>) target(%dma_start3A_129 : memref<21248xf32, #tpu.memory_space<vmem_shared>>) offsets(%dma_start3A_127 : memref<128xi32, #tpu.memory_space<vmem>>) semaphore(%run_scoped3A_122 : memref<!tpu.dma_semaphore, #tpu.memory_space<semaphore_mem>>) {add = true}
        %dma_wait3A = arith.constant 0 : i32
        %dma_wait3A_130 = tpu.memref_slice %arg11[%run_scoped3A, %dma_wait3A] : memref<1x128xf32, #tpu.memory_space<vmem>> -> memref<1x128xf32, #tpu.memory_space<vmem>>
        %dma_wait3A_131 = tpu.memref_squeeze %dma_wait3A_130 : memref<1x128xf32, #tpu.memory_space<vmem>> -> memref<128xf32, #tpu.memory_space<vmem>>
        %dma_wait3A_132 = arith.constant 0 : i32
        %dma_wait3A_133 = tpu.memref_slice %arg10[%run_scoped3A_120, %run_scoped3A_121, %dma_wait3A_132] : memref<1x3x128xi32, #tpu.memory_space<vmem>> -> memref<1x1x128xi32, #tpu.memory_space<vmem>>
        %dma_wait3A_134 = tpu.memref_squeeze %dma_wait3A_133 : memref<1x1x128xi32, #tpu.memory_space<vmem>> -> memref<128xi32, #tpu.memory_space<vmem>>
        %dma_wait3A_135 = arith.constant 0 : i32
        %dma_wait3A_136 = tpu.memref_slice %arg18[%dma_wait3A_135] : memref<21248xf32, #tpu.memory_space<vmem_shared>> -> memref<21248xf32, #tpu.memory_space<vmem_shared>>
        tpu.wait_indirect_dma semaphore(%run_scoped3A_122 : memref<!tpu.dma_semaphore, #tpu.memory_space<semaphore_mem>>) src(%dma_wait3A_131 : memref<128xf32, #tpu.memory_space<vmem>>) dst(%dma_wait3A_136 : memref<21248xf32, #tpu.memory_space<vmem_shared>>)
        tpu.yield
      }) : () -> ()
    }
    %scan3A_7 = arith.constant 224 : i32
    %barrier3A_8 = arith.constant 0 : index
    tpu.barrier barrier_id(%barrier3A_8)
    "tpu.region"() ({
      %run_scoped3A = tpu.sem_alloc : memref<!tpu.dma_semaphore, #tpu.memory_space<semaphore_mem>>
      tpu.enqueue_dma source(%arg18 : memref<21248xf32, #tpu.memory_space<vmem_shared>>) target(%arg14 : memref<21248xf32, #tpu.memory_space<vmem>>) target_semaphore(%run_scoped3A : memref<!tpu.dma_semaphore, #tpu.memory_space<semaphore_mem>>)
      tpu.wait_dma2 semaphore(%run_scoped3A : memref<!tpu.dma_semaphore, #tpu.memory_space<semaphore_mem>>) src(%arg18 : memref<21248xf32, #tpu.memory_space<vmem_shared>>) dst(%arg14 : memref<21248xf32, #tpu.memory_space<vmem>>)
      tpu.yield
    }) : () -> ()
    %scan3A_9 = arith.constant 0 : i32
    %scan3A_10 = arith.constant 0 : i32
    %scan3A_11 = arith.constant 1328 : i32
    %scan3A_12 = arith.addi %scan3A_10, %scan3A_11 : i32
    %scan3A_13 = arith.constant 1 : i32
    scf.for %scan3A_39 = %scan3A_10 to %scan3A_12 step %scan3A_13  : i32 {
      %mul3A_40 = arith.constant 16 : i32
      %mul3A_41 = arith.muli %scan3A_39, %mul3A_40 : i32
      %get3A = arith.index_cast %mul3A_41 : i32 to index
      %get3A_42 = tpu.vector_load %arg14[%get3A] {strides = array<i32>} : memref<21248xf32, #tpu.memory_space<vmem>>, vector<16xf32>,
      %add3A_43 = arith.constant 1.000000e+00 : f32
      %add3A_44 = vector.broadcast %add3A_43 : f32 to vector<16xf32>
      %add3A_45 = arith.addf %get3A_42, %add3A_44 : vector<16xf32>
      %bitcast3A = vector.bitcast %add3A_45 : vector<16xf32> to vector<16xi32>
      %shift_right_arithmetic3A = arith.constant 1 : i32
      %shift_right_arithmetic3A_46 = vector.broadcast %shift_right_arithmetic3A : i32 to vector<16xi32>
      %shift_right_arithmetic3A_47 = arith.shrsi %bitcast3A, %shift_right_arithmetic3A_46 : vector<16xi32>
      %sub3A = arith.constant 1597463007 : i32
      %sub3A_48 = vector.broadcast %sub3A : i32 to vector<16xi32>
      %sub3A_49 = arith.subi %sub3A_48, %shift_right_arithmetic3A_47 : vector<16xi32>
      %bitcast3A_50 = vector.bitcast %sub3A_49 : vector<16xi32> to vector<16xf32>
      %mul3A_51 = arith.constant 5.000000e-01 : f32
      %mul3A_52 = vector.broadcast %mul3A_51 : f32 to vector<16xf32>
      %mul3A_53 = arith.mulf %mul3A_52, %add3A_45 : vector<16xf32>
      %mul3A_54 = arith.mulf %mul3A_53, %bitcast3A_50 : vector<16xf32>
      %mul3A_55 = arith.mulf %mul3A_54, %bitcast3A_50 : vector<16xf32>
      %sub3A_56 = arith.constant 1.500000e+00 : f32
      %sub3A_57 = vector.broadcast %sub3A_56 : f32 to vector<16xf32>
      %sub3A_58 = arith.subf %sub3A_57, %mul3A_55 : vector<16xf32>
      %mul3A_59 = arith.mulf %bitcast3A_50, %sub3A_58 : vector<16xf32>
      %mul3A_60 = arith.constant 5.000000e-01 : f32
      %mul3A_61 = vector.broadcast %mul3A_60 : f32 to vector<16xf32>
      %mul3A_62 = arith.mulf %mul3A_61, %add3A_45 : vector<16xf32>
      %mul3A_63 = arith.mulf %mul3A_62, %mul3A_59 : vector<16xf32>
      %mul3A_64 = arith.mulf %mul3A_63, %mul3A_59 : vector<16xf32>
      %sub3A_65 = arith.constant 1.500000e+00 : f32
      %sub3A_66 = vector.broadcast %sub3A_65 : f32 to vector<16xf32>
      %sub3A_67 = arith.subf %sub3A_66, %mul3A_64 : vector<16xf32>
      %mul3A_68 = arith.mulf %mul3A_59, %sub3A_67 : vector<16xf32>
      %mul3A_69 = arith.constant 5.000000e-01 : f32
      %mul3A_70 = vector.broadcast %mul3A_69 : f32 to vector<16xf32>
      %mul3A_71 = arith.mulf %mul3A_70, %add3A_45 : vector<16xf32>
      %mul3A_72 = arith.mulf %mul3A_71, %mul3A_68 : vector<16xf32>
      %mul3A_73 = arith.mulf %mul3A_72, %mul3A_68 : vector<16xf32>
      %sub3A_74 = arith.constant 1.500000e+00 : f32
      %sub3A_75 = vector.broadcast %sub3A_74 : f32 to vector<16xf32>
      %sub3A_76 = arith.subf %sub3A_75, %mul3A_73 : vector<16xf32>
      %mul3A_77 = arith.mulf %mul3A_68, %sub3A_76 : vector<16xf32>
      %mul3A_78 = arith.constant 5.000000e-01 : f32
      %mul3A_79 = vector.broadcast %mul3A_78 : f32 to vector<16xf32>
      %mul3A_80 = arith.mulf %mul3A_79, %add3A_45 : vector<16xf32>
      %mul3A_81 = arith.mulf %mul3A_80, %mul3A_77 : vector<16xf32>
      %mul3A_82 = arith.mulf %mul3A_81, %mul3A_77 : vector<16xf32>
      %sub3A_83 = arith.constant 1.500000e+00 : f32
      %sub3A_84 = vector.broadcast %sub3A_83 : f32 to vector<16xf32>
      %sub3A_85 = arith.subf %sub3A_84, %mul3A_82 : vector<16xf32>
      %mul3A_86 = arith.mulf %mul3A_77, %sub3A_85 : vector<16xf32>
      %mul3A_87 = arith.constant 16 : i32
      %mul3A_88 = arith.muli %scan3A_39, %mul3A_87 : i32
      %swap3A = arith.index_cast %mul3A_88 : i32 to index
      %swap3A_89 = tpu.vector_load %arg14[%swap3A] {strides = array<i32>} : memref<21248xf32, #tpu.memory_space<vmem>>, vector<16xf32>,
      tpu.vector_store %arg14[%swap3A], %mul3A_86 {strides = array<i32>} : memref<21248xf32, #tpu.memory_space<vmem>>, vector<16xf32>,
    }
    %scan3A_14 = arith.constant 1328 : i32
    %eq3A = arith.constant 0 : i32
    %eq3A_15 = arith.cmpi eq, %arg0, %eq3A : i32
    %convert_element_type3A = arith.extui %eq3A_15 : i1 to i32
    %cond3A = arith.constant 0 : i32
    %cond3A_16 = arith.cmpi ne, %convert_element_type3A, %cond3A : i32
    scf.if %cond3A_16 {
      "tpu.region"() ({
        %run_scoped3A = tpu.sem_alloc : memref<!tpu.dma_semaphore, #tpu.memory_space<semaphore_mem>>
        %dma_start3A = tpu.memref_slice %arg14[%mul3A_0] : memref<21248xf32, #tpu.memory_space<vmem>> -> memref<1328xf32, #tpu.memory_space<vmem>>
        %dma_start3A_39 = tpu.memref_slice %arg7[%mul3A_0] : memref<21248xf32, #tpu.memory_space<hbm>> -> memref<1328xf32, #tpu.memory_space<hbm>>
        %dma_start3A_40 = tpu.memref_slice %arg7[%mul3A_0] : memref<21248xf32, #tpu.memory_space<hbm>> -> memref<1328xf32, #tpu.memory_space<hbm>>
        %dma_start3A_41 = tpu.memref_slice %arg14[%mul3A_0] : memref<21248xf32, #tpu.memory_space<vmem>> -> memref<1328xf32, #tpu.memory_space<vmem>>
        tpu.enqueue_dma source(%dma_start3A_41 : memref<1328xf32, #tpu.memory_space<vmem>>) target(%dma_start3A_40 : memref<1328xf32, #tpu.memory_space<hbm>>) target_semaphore(%run_scoped3A : memref<!tpu.dma_semaphore, #tpu.memory_space<semaphore_mem>>)
        %dma_wait3A = tpu.memref_slice %arg14[%mul3A_0] : memref<21248xf32, #tpu.memory_space<vmem>> -> memref<1328xf32, #tpu.memory_space<vmem>>
        %dma_wait3A_42 = tpu.memref_slice %arg7[%mul3A_0] : memref<21248xf32, #tpu.memory_space<hbm>> -> memref<1328xf32, #tpu.memory_space<hbm>>
        %dma_wait3A_43 = tpu.memref_slice %arg7[%mul3A_0] : memref<21248xf32, #tpu.memory_space<hbm>> -> memref<1328xf32, #tpu.memory_space<hbm>>
        %dma_wait3A_44 = tpu.memref_slice %arg14[%mul3A_0] : memref<21248xf32, #tpu.memory_space<vmem>> -> memref<1328xf32, #tpu.memory_space<vmem>>
        tpu.wait_dma2 semaphore(%run_scoped3A : memref<!tpu.dma_semaphore, #tpu.memory_space<semaphore_mem>>) src(%dma_wait3A_44 : memref<1328xf32, #tpu.memory_space<vmem>>) dst(%dma_wait3A_43 : memref<1328xf32, #tpu.memory_space<hbm>>)
        tpu.yield
      }) : () -> ()
    } else {
    }
    %mul3A_17 = arith.constant 2 : i32
    %mul3A_18 = arith.muli %arg1, %mul3A_17 : i32
    %add3A_19 = arith.addi %mul3A_18, %arg0 : i32
    %mul3A_20 = arith.constant 112 : i32
    %mul3A_21 = arith.muli %add3A_19, %mul3A_20 : i32
    %scan3A_22 = arith.constant 0 : i32
    %scan3A_23 = arith.constant 0 : i32
    %scan3A_24 = arith.constant 112 : i32
    %scan3A_25 = arith.addi %scan3A_23, %scan3A_24 : i32
    %scan3A_26 = arith.constant 1 : i32
    scf.for %scan3A_39 = %scan3A_23 to %scan3A_25 step %scan3A_26  : i32 {
      %add3A_40 = arith.addi %mul3A_21, %scan3A_39 : i32
      "tpu.region"() ({
        %run_scoped3A_212 = tpu.sem_alloc : memref<!tpu.dma_semaphore, #tpu.memory_space<semaphore_mem>>
        %dma_start3A_213 = arith.constant 0 : i32
        %dma_start3A_214 = arith.constant 0 : i32
        %dma_start3A_215 = tpu.memref_slice %arg2[%add3A_40, %dma_start3A_213, %dma_start3A_214] : memref<3584x3x128xi32, #tpu.memory_space<hbm>> -> memref<1x3x128xi32, #tpu.memory_space<hbm>>
        %dma_start3A_216 = arith.constant 0 : i32
        %dma_start3A_217 = arith.constant 0 : i32
        %dma_start3A_218 = tpu.memref_slice %arg2[%add3A_40, %dma_start3A_216, %dma_start3A_217] : memref<3584x3x128xi32, #tpu.memory_space<hbm>> -> memref<1x3x128xi32, #tpu.memory_space<hbm>>
        tpu.enqueue_dma source(%dma_start3A_218 : memref<1x3x128xi32, #tpu.memory_space<hbm>>) target(%arg10 : memref<1x3x128xi32, #tpu.memory_space<vmem>>) target_semaphore(%run_scoped3A_212 : memref<!tpu.dma_semaphore, #tpu.memory_space<semaphore_mem>>)
        %dma_wait3A_219 = arith.constant 0 : i32
        %dma_wait3A_220 = arith.constant 0 : i32
        %dma_wait3A_221 = tpu.memref_slice %arg2[%add3A_40, %dma_wait3A_219, %dma_wait3A_220] : memref<3584x3x128xi32, #tpu.memory_space<hbm>> -> memref<1x3x128xi32, #tpu.memory_space<hbm>>
        %dma_wait3A_222 = arith.constant 0 : i32
        %dma_wait3A_223 = arith.constant 0 : i32
        %dma_wait3A_224 = tpu.memref_slice %arg2[%add3A_40, %dma_wait3A_222, %dma_wait3A_223] : memref<3584x3x128xi32, #tpu.memory_space<hbm>> -> memref<1x3x128xi32, #tpu.memory_space<hbm>>
        tpu.wait_dma2 semaphore(%run_scoped3A_212 : memref<!tpu.dma_semaphore, #tpu.memory_space<semaphore_mem>>) src(%dma_wait3A_224 : memref<1x3x128xi32, #tpu.memory_space<hbm>>) dst(%arg10 : memref<1x3x128xi32, #tpu.memory_space<vmem>>)
        tpu.yield
      }) : () -> ()
      %add3A_41 = arith.constant 0 : i32
      %add3A_42 = vector.broadcast %add3A_41 : i32 to vector<16xi32>
      %add3A_43 = arith.addi %xor3A, %add3A_42 : vector<16xi32>
      %add3A_44 = arith.addi %add3A_43, %iota3A : vector<16xi32>
      %gather3A = tpu.vector_load_idx %arg10[%xor3A, %xor3A, %add3A_44] : memref<1x3x128xi32, #tpu.memory_space<vmem>>[vector<16xi32>, vector<16xi32>, vector<16xi32>], vector<16xi32>,
      %add3A_45 = arith.constant 1 : i32
      %add3A_46 = vector.broadcast %add3A_45 : i32 to vector<16xi32>
      %add3A_47 = arith.addi %xor3A, %add3A_46 : vector<16xi32>
      %gather3A_48 = tpu.vector_load_idx %arg10[%xor3A, %add3A_47, %add3A_44] : memref<1x3x128xi32, #tpu.memory_space<vmem>>[vector<16xi32>, vector<16xi32>, vector<16xi32>], vector<16xi32>,
      %gather3A_49 = tpu.vector_load_idx %arg10[%xor3A, %add3A_2, %add3A_44] : memref<1x3x128xi32, #tpu.memory_space<vmem>>[vector<16xi32>, vector<16xi32>, vector<16xi32>], vector<16xi32>,
      %bitcast3A = vector.bitcast %gather3A_49 : vector<16xi32> to vector<16xf32>
      %gather3A_50 = tpu.vector_load_idx %arg14[%gather3A] : memref<21248xf32, #tpu.memory_space<vmem>>[vector<16xi32>], vector<16xf32>,
      %mul3A_51 = arith.mulf %bitcast3A, %gather3A_50 : vector<16xf32>
      %gather3A_52 = tpu.vector_load_idx %arg14[%gather3A_48] : memref<21248xf32, #tpu.memory_space<vmem>>[vector<16xi32>], vector<16xf32>,
      %mul3A_53 = arith.mulf %mul3A_51, %gather3A_52 : vector<16xf32>
      %swap3A = arith.constant 0 : i32
      %swap3A_54 = arith.index_cast %swap3A : i32 to index
      %swap3A_55 = arith.constant 0 : index
      %swap3A_56 = tpu.vector_load %arg12[%swap3A_54, %swap3A_55] {strides = array<i32>} : memref<1x128xf32, #tpu.memory_space<vmem>>, vector<16xf32>,
      tpu.vector_store %arg12[%swap3A_54, %swap3A_55], %mul3A_53 {strides = array<i32>} : memref<1x128xf32, #tpu.memory_space<vmem>>, vector<16xf32>,
      %add3A_57 = arith.constant 16 : i32
      %add3A_58 = vector.broadcast %add3A_57 : i32 to vector<16xi32>
      %add3A_59 = arith.addi %xor3A, %add3A_58 : vector<16xi32>
      %add3A_60 = arith.addi %add3A_59, %iota3A : vector<16xi32>
      %gather3A_61 = tpu.vector_load_idx %arg10[%xor3A, %xor3A, %add3A_60] : memref<1x3x128xi32, #tpu.memory_space<vmem>>[vector<16xi32>, vector<16xi32>, vector<16xi32>], vector<16xi32>,
      %add3A_62 = arith.constant 1 : i32
      %add3A_63 = vector.broadcast %add3A_62 : i32 to vector<16xi32>
      %add3A_64 = arith.addi %xor3A, %add3A_63 : vector<16xi32>
      %gather3A_65 = tpu.vector_load_idx %arg10[%xor3A, %add3A_64, %add3A_60] : memref<1x3x128xi32, #tpu.memory_space<vmem>>[vector<16xi32>, vector<16xi32>, vector<16xi32>], vector<16xi32>,
      %gather3A_66 = tpu.vector_load_idx %arg10[%xor3A, %add3A_2, %add3A_60] : memref<1x3x128xi32, #tpu.memory_space<vmem>>[vector<16xi32>, vector<16xi32>, vector<16xi32>], vector<16xi32>,
      %bitcast3A_67 = vector.bitcast %gather3A_66 : vector<16xi32> to vector<16xf32>
      %gather3A_68 = tpu.vector_load_idx %arg14[%gather3A_61] : memref<21248xf32, #tpu.memory_space<vmem>>[vector<16xi32>], vector<16xf32>,
      %mul3A_69 = arith.mulf %bitcast3A_67, %gather3A_68 : vector<16xf32>
      %gather3A_70 = tpu.vector_load_idx %arg14[%gather3A_65] : memref<21248xf32, #tpu.memory_space<vmem>>[vector<16xi32>], vector<16xf32>,
      %mul3A_71 = arith.mulf %mul3A_69, %gather3A_70 : vector<16xf32>
      %swap3A_72 = arith.constant 0 : i32
      %swap3A_73 = arith.index_cast %swap3A_72 : i32 to index
      %swap3A_74 = arith.constant 16 : index
      %swap3A_75 = tpu.vector_load %arg12[%swap3A_73, %swap3A_74] {strides = array<i32>} : memref<1x128xf32, #tpu.memory_space<vmem>>, vector<16xf32>,
      tpu.vector_store %arg12[%swap3A_73, %swap3A_74], %mul3A_71 {strides = array<i32>} : memref<1x128xf32, #tpu.memory_space<vmem>>, vector<16xf32>,
      %add3A_76 = arith.constant 32 : i32
      %add3A_77 = vector.broadcast %add3A_76 : i32 to vector<16xi32>
      %add3A_78 = arith.addi %xor3A, %add3A_77 : vector<16xi32>
      %add3A_79 = arith.addi %add3A_78, %iota3A : vector<16xi32>
      %gather3A_80 = tpu.vector_load_idx %arg10[%xor3A, %xor3A, %add3A_79] : memref<1x3x128xi32, #tpu.memory_space<vmem>>[vector<16xi32>, vector<16xi32>, vector<16xi32>], vector<16xi32>,
      %add3A_81 = arith.constant 1 : i32
      %add3A_82 = vector.broadcast %add3A_81 : i32 to vector<16xi32>
      %add3A_83 = arith.addi %xor3A, %add3A_82 : vector<16xi32>
      %gather3A_84 = tpu.vector_load_idx %arg10[%xor3A, %add3A_83, %add3A_79] : memref<1x3x128xi32, #tpu.memory_space<vmem>>[vector<16xi32>, vector<16xi32>, vector<16xi32>], vector<16xi32>,
      %gather3A_85 = tpu.vector_load_idx %arg10[%xor3A, %add3A_2, %add3A_79] : memref<1x3x128xi32, #tpu.memory_space<vmem>>[vector<16xi32>, vector<16xi32>, vector<16xi32>], vector<16xi32>,
      %bitcast3A_86 = vector.bitcast %gather3A_85 : vector<16xi32> to vector<16xf32>
      %gather3A_87 = tpu.vector_load_idx %arg14[%gather3A_80] : memref<21248xf32, #tpu.memory_space<vmem>>[vector<16xi32>], vector<16xf32>,
      %mul3A_88 = arith.mulf %bitcast3A_86, %gather3A_87 : vector<16xf32>
      %gather3A_89 = tpu.vector_load_idx %arg14[%gather3A_84] : memref<21248xf32, #tpu.memory_space<vmem>>[vector<16xi32>], vector<16xf32>,
      %mul3A_90 = arith.mulf %mul3A_88, %gather3A_89 : vector<16xf32>
      %swap3A_91 = arith.constant 0 : i32
      %swap3A_92 = arith.index_cast %swap3A_91 : i32 to index
      %swap3A_93 = arith.constant 32 : index
      %swap3A_94 = tpu.vector_load %arg12[%swap3A_92, %swap3A_93] {strides = array<i32>} : memref<1x128xf32, #tpu.memory_space<vmem>>, vector<16xf32>,
      tpu.vector_store %arg12[%swap3A_92, %swap3A_93], %mul3A_90 {strides = array<i32>} : memref<1x128xf32, #tpu.memory_space<vmem>>, vector<16xf32>,
      %add3A_95 = arith.constant 48 : i32
      %add3A_96 = vector.broadcast %add3A_95 : i32 to vector<16xi32>
      %add3A_97 = arith.addi %xor3A, %add3A_96 : vector<16xi32>
      %add3A_98 = arith.addi %add3A_97, %iota3A : vector<16xi32>
      %gather3A_99 = tpu.vector_load_idx %arg10[%xor3A, %xor3A, %add3A_98] : memref<1x3x128xi32, #tpu.memory_space<vmem>>[vector<16xi32>, vector<16xi32>, vector<16xi32>], vector<16xi32>,
      %add3A_100 = arith.constant 1 : i32
      %add3A_101 = vector.broadcast %add3A_100 : i32 to vector<16xi32>
      %add3A_102 = arith.addi %xor3A, %add3A_101 : vector<16xi32>
      %gather3A_103 = tpu.vector_load_idx %arg10[%xor3A, %add3A_102, %add3A_98] : memref<1x3x128xi32, #tpu.memory_space<vmem>>[vector<16xi32>, vector<16xi32>, vector<16xi32>], vector<16xi32>,
      %gather3A_104 = tpu.vector_load_idx %arg10[%xor3A, %add3A_2, %add3A_98] : memref<1x3x128xi32, #tpu.memory_space<vmem>>[vector<16xi32>, vector<16xi32>, vector<16xi32>], vector<16xi32>,
      %bitcast3A_105 = vector.bitcast %gather3A_104 : vector<16xi32> to vector<16xf32>
      %gather3A_106 = tpu.vector_load_idx %arg14[%gather3A_99] : memref<21248xf32, #tpu.memory_space<vmem>>[vector<16xi32>], vector<16xf32>,
      %mul3A_107 = arith.mulf %bitcast3A_105, %gather3A_106 : vector<16xf32>
      %gather3A_108 = tpu.vector_load_idx %arg14[%gather3A_103] : memref<21248xf32, #tpu.memory_space<vmem>>[vector<16xi32>], vector<16xf32>,
      %mul3A_109 = arith.mulf %mul3A_107, %gather3A_108 : vector<16xf32>
      %swap3A_110 = arith.constant 0 : i32
      %swap3A_111 = arith.index_cast %swap3A_110 : i32 to index
      %swap3A_112 = arith.constant 48 : index
      %swap3A_113 = tpu.vector_load %arg12[%swap3A_111, %swap3A_112] {strides = array<i32>} : memref<1x128xf32, #tpu.memory_space<vmem>>, vector<16xf32>,
      tpu.vector_store %arg12[%swap3A_111, %swap3A_112], %mul3A_109 {strides = array<i32>} : memref<1x128xf32, #tpu.memory_space<vmem>>, vector<16xf32>,
      %add3A_114 = arith.constant 64 : i32
      %add3A_115 = vector.broadcast %add3A_114 : i32 to vector<16xi32>
      %add3A_116 = arith.addi %xor3A, %add3A_115 : vector<16xi32>
      %add3A_117 = arith.addi %add3A_116, %iota3A : vector<16xi32>
      %gather3A_118 = tpu.vector_load_idx %arg10[%xor3A, %xor3A, %add3A_117] : memref<1x3x128xi32, #tpu.memory_space<vmem>>[vector<16xi32>, vector<16xi32>, vector<16xi32>], vector<16xi32>,
      %add3A_119 = arith.constant 1 : i32
      %add3A_120 = vector.broadcast %add3A_119 : i32 to vector<16xi32>
      %add3A_121 = arith.addi %xor3A, %add3A_120 : vector<16xi32>
      %gather3A_122 = tpu.vector_load_idx %arg10[%xor3A, %add3A_121, %add3A_117] : memref<1x3x128xi32, #tpu.memory_space<vmem>>[vector<16xi32>, vector<16xi32>, vector<16xi32>], vector<16xi32>,
      %gather3A_123 = tpu.vector_load_idx %arg10[%xor3A, %add3A_2, %add3A_117] : memref<1x3x128xi32, #tpu.memory_space<vmem>>[vector<16xi32>, vector<16xi32>, vector<16xi32>], vector<16xi32>,
      %bitcast3A_124 = vector.bitcast %gather3A_123 : vector<16xi32> to vector<16xf32>
      %gather3A_125 = tpu.vector_load_idx %arg14[%gather3A_118] : memref<21248xf32, #tpu.memory_space<vmem>>[vector<16xi32>], vector<16xf32>,
      %mul3A_126 = arith.mulf %bitcast3A_124, %gather3A_125 : vector<16xf32>
      %gather3A_127 = tpu.vector_load_idx %arg14[%gather3A_122] : memref<21248xf32, #tpu.memory_space<vmem>>[vector<16xi32>], vector<16xf32>,
      %mul3A_128 = arith.mulf %mul3A_126, %gather3A_127 : vector<16xf32>
      %swap3A_129 = arith.constant 0 : i32
      %swap3A_130 = arith.index_cast %swap3A_129 : i32 to index
      %swap3A_131 = arith.constant 64 : index
      %swap3A_132 = tpu.vector_load %arg12[%swap3A_130, %swap3A_131] {strides = array<i32>} : memref<1x128xf32, #tpu.memory_space<vmem>>, vector<16xf32>,
      tpu.vector_store %arg12[%swap3A_130, %swap3A_131], %mul3A_128 {strides = array<i32>} : memref<1x128xf32, #tpu.memory_space<vmem>>, vector<16xf32>,
      %add3A_133 = arith.constant 80 : i32
      %add3A_134 = vector.broadcast %add3A_133 : i32 to vector<16xi32>
      %add3A_135 = arith.addi %xor3A, %add3A_134 : vector<16xi32>
      %add3A_136 = arith.addi %add3A_135, %iota3A : vector<16xi32>
      %gather3A_137 = tpu.vector_load_idx %arg10[%xor3A, %xor3A, %add3A_136] : memref<1x3x128xi32, #tpu.memory_space<vmem>>[vector<16xi32>, vector<16xi32>, vector<16xi32>], vector<16xi32>,
      %add3A_138 = arith.constant 1 : i32
      %add3A_139 = vector.broadcast %add3A_138 : i32 to vector<16xi32>
      %add3A_140 = arith.addi %xor3A, %add3A_139 : vector<16xi32>
      %gather3A_141 = tpu.vector_load_idx %arg10[%xor3A, %add3A_140, %add3A_136] : memref<1x3x128xi32, #tpu.memory_space<vmem>>[vector<16xi32>, vector<16xi32>, vector<16xi32>], vector<16xi32>,
      %gather3A_142 = tpu.vector_load_idx %arg10[%xor3A, %add3A_2, %add3A_136] : memref<1x3x128xi32, #tpu.memory_space<vmem>>[vector<16xi32>, vector<16xi32>, vector<16xi32>], vector<16xi32>,
      %bitcast3A_143 = vector.bitcast %gather3A_142 : vector<16xi32> to vector<16xf32>
      %gather3A_144 = tpu.vector_load_idx %arg14[%gather3A_137] : memref<21248xf32, #tpu.memory_space<vmem>>[vector<16xi32>], vector<16xf32>,
      %mul3A_145 = arith.mulf %bitcast3A_143, %gather3A_144 : vector<16xf32>
      %gather3A_146 = tpu.vector_load_idx %arg14[%gather3A_141] : memref<21248xf32, #tpu.memory_space<vmem>>[vector<16xi32>], vector<16xf32>,
      %mul3A_147 = arith.mulf %mul3A_145, %gather3A_146 : vector<16xf32>
      %swap3A_148 = arith.constant 0 : i32
      %swap3A_149 = arith.index_cast %swap3A_148 : i32 to index
      %swap3A_150 = arith.constant 80 : index
      %swap3A_151 = tpu.vector_load %arg12[%swap3A_149, %swap3A_150] {strides = array<i32>} : memref<1x128xf32, #tpu.memory_space<vmem>>, vector<16xf32>,
      tpu.vector_store %arg12[%swap3A_149, %swap3A_150], %mul3A_147 {strides = array<i32>} : memref<1x128xf32, #tpu.memory_space<vmem>>, vector<16xf32>,
      %add3A_152 = arith.constant 96 : i32
      %add3A_153 = vector.broadcast %add3A_152 : i32 to vector<16xi32>
      %add3A_154 = arith.addi %xor3A, %add3A_153 : vector<16xi32>
      %add3A_155 = arith.addi %add3A_154, %iota3A : vector<16xi32>
      %gather3A_156 = tpu.vector_load_idx %arg10[%xor3A, %xor3A, %add3A_155] : memref<1x3x128xi32, #tpu.memory_space<vmem>>[vector<16xi32>, vector<16xi32>, vector<16xi32>], vector<16xi32>,
      %add3A_157 = arith.constant 1 : i32
      %add3A_158 = vector.broadcast %add3A_157 : i32 to vector<16xi32>
      %add3A_159 = arith.addi %xor3A, %add3A_158 : vector<16xi32>
      %gather3A_160 = tpu.vector_load_idx %arg10[%xor3A, %add3A_159, %add3A_155] : memref<1x3x128xi32, #tpu.memory_space<vmem>>[vector<16xi32>, vector<16xi32>, vector<16xi32>], vector<16xi32>,
      %gather3A_161 = tpu.vector_load_idx %arg10[%xor3A, %add3A_2, %add3A_155] : memref<1x3x128xi32, #tpu.memory_space<vmem>>[vector<16xi32>, vector<16xi32>, vector<16xi32>], vector<16xi32>,
      %bitcast3A_162 = vector.bitcast %gather3A_161 : vector<16xi32> to vector<16xf32>
      %gather3A_163 = tpu.vector_load_idx %arg14[%gather3A_156] : memref<21248xf32, #tpu.memory_space<vmem>>[vector<16xi32>], vector<16xf32>,
      %mul3A_164 = arith.mulf %bitcast3A_162, %gather3A_163 : vector<16xf32>
      %gather3A_165 = tpu.vector_load_idx %arg14[%gather3A_160] : memref<21248xf32, #tpu.memory_space<vmem>>[vector<16xi32>], vector<16xf32>,
      %mul3A_166 = arith.mulf %mul3A_164, %gather3A_165 : vector<16xf32>
      %swap3A_167 = arith.constant 0 : i32
      %swap3A_168 = arith.index_cast %swap3A_167 : i32 to index
      %swap3A_169 = arith.constant 96 : index
      %swap3A_170 = tpu.vector_load %arg12[%swap3A_168, %swap3A_169] {strides = array<i32>} : memref<1x128xf32, #tpu.memory_space<vmem>>, vector<16xf32>,
      tpu.vector_store %arg12[%swap3A_168, %swap3A_169], %mul3A_166 {strides = array<i32>} : memref<1x128xf32, #tpu.memory_space<vmem>>, vector<16xf32>,
      %add3A_171 = arith.constant 112 : i32
      %add3A_172 = vector.broadcast %add3A_171 : i32 to vector<16xi32>
      %add3A_173 = arith.addi %xor3A, %add3A_172 : vector<16xi32>
      %add3A_174 = arith.addi %add3A_173, %iota3A : vector<16xi32>
      %gather3A_175 = tpu.vector_load_idx %arg10[%xor3A, %xor3A, %add3A_174] : memref<1x3x128xi32, #tpu.memory_space<vmem>>[vector<16xi32>, vector<16xi32>, vector<16xi32>], vector<16xi32>,
      %add3A_176 = arith.constant 1 : i32
      %add3A_177 = vector.broadcast %add3A_176 : i32 to vector<16xi32>
      %add3A_178 = arith.addi %xor3A, %add3A_177 : vector<16xi32>
      %gather3A_179 = tpu.vector_load_idx %arg10[%xor3A, %add3A_178, %add3A_174] : memref<1x3x128xi32, #tpu.memory_space<vmem>>[vector<16xi32>, vector<16xi32>, vector<16xi32>], vector<16xi32>,
      %gather3A_180 = tpu.vector_load_idx %arg10[%xor3A, %add3A_2, %add3A_174] : memref<1x3x128xi32, #tpu.memory_space<vmem>>[vector<16xi32>, vector<16xi32>, vector<16xi32>], vector<16xi32>,
      %bitcast3A_181 = vector.bitcast %gather3A_180 : vector<16xi32> to vector<16xf32>
      %gather3A_182 = tpu.vector_load_idx %arg14[%gather3A_175] : memref<21248xf32, #tpu.memory_space<vmem>>[vector<16xi32>], vector<16xf32>,
      %mul3A_183 = arith.mulf %bitcast3A_181, %gather3A_182 : vector<16xf32>
      %gather3A_184 = tpu.vector_load_idx %arg14[%gather3A_179] : memref<21248xf32, #tpu.memory_space<vmem>>[vector<16xi32>], vector<16xf32>,
      %mul3A_185 = arith.mulf %mul3A_183, %gather3A_184 : vector<16xf32>
      %swap3A_186 = arith.constant 0 : i32
      %swap3A_187 = arith.index_cast %swap3A_186 : i32 to index
      %swap3A_188 = arith.constant 112 : index
      %swap3A_189 = tpu.vector_load %arg12[%swap3A_187, %swap3A_188] {strides = array<i32>} : memref<1x128xf32, #tpu.memory_space<vmem>>, vector<16xf32>,
      tpu.vector_store %arg12[%swap3A_187, %swap3A_188], %mul3A_185 {strides = array<i32>} : memref<1x128xf32, #tpu.memory_space<vmem>>, vector<16xf32>,
      "tpu.region"() ({
        %run_scoped3A_212 = tpu.sem_alloc : memref<!tpu.dma_semaphore, #tpu.memory_space<semaphore_mem>>
        %dma_start3A_213 = arith.constant 0 : i32
        %dma_start3A_214 = tpu.memref_slice %arg6[%add3A_40, %dma_start3A_213] : memref<3584x128xf32, #tpu.memory_space<hbm>> -> memref<1x128xf32, #tpu.memory_space<hbm>>
        %dma_start3A_215 = arith.constant 0 : i32
        %dma_start3A_216 = tpu.memref_slice %arg6[%add3A_40, %dma_start3A_215] : memref<3584x128xf32, #tpu.memory_space<hbm>> -> memref<1x128xf32, #tpu.memory_space<hbm>>
        tpu.enqueue_dma source(%arg12 : memref<1x128xf32, #tpu.memory_space<vmem>>) target(%dma_start3A_216 : memref<1x128xf32, #tpu.memory_space<hbm>>) target_semaphore(%run_scoped3A_212 : memref<!tpu.dma_semaphore, #tpu.memory_space<semaphore_mem>>)
        %dma_wait3A_217 = arith.constant 0 : i32
        %dma_wait3A_218 = tpu.memref_slice %arg6[%add3A_40, %dma_wait3A_217] : memref<3584x128xf32, #tpu.memory_space<hbm>> -> memref<1x128xf32, #tpu.memory_space<hbm>>
        %dma_wait3A_219 = arith.constant 0 : i32
        %dma_wait3A_220 = tpu.memref_slice %arg6[%add3A_40, %dma_wait3A_219] : memref<3584x128xf32, #tpu.memory_space<hbm>> -> memref<1x128xf32, #tpu.memory_space<hbm>>
        tpu.wait_dma2 semaphore(%run_scoped3A_212 : memref<!tpu.dma_semaphore, #tpu.memory_space<semaphore_mem>>) src(%arg12 : memref<1x128xf32, #tpu.memory_space<vmem>>) dst(%dma_wait3A_220 : memref<1x128xf32, #tpu.memory_space<hbm>>)
        tpu.yield
      }) : () -> ()
      %dma_start3A = arith.constant 0 : i32
      %dma_start3A_190 = arith.constant 0 : i32
      %dma_start3A_191 = arith.constant 0 : i32
      %dma_start3A_192 = tpu.memref_slice %arg10[%dma_start3A, %dma_start3A_190, %dma_start3A_191] : memref<1x3x128xi32, #tpu.memory_space<vmem>> -> memref<1x1x128xi32, #tpu.memory_space<vmem>>
      %dma_start3A_193 = tpu.memref_squeeze %dma_start3A_192 : memref<1x1x128xi32, #tpu.memory_space<vmem>> -> memref<128xi32, #tpu.memory_space<vmem>>
      %dma_start3A_194 = arith.constant 0 : i32
      %dma_start3A_195 = arith.constant 0 : i32
      %dma_start3A_196 = tpu.memref_slice %arg3[%dma_start3A_194, %dma_start3A_195] : memref<21120x16xf32, #tpu.memory_space<hbm>> -> memref<21120x16xf32, #tpu.memory_space<hbm>>
      tpu.enqueue_indirect_dma source(%dma_start3A_196 : memref<21120x16xf32, #tpu.memory_space<hbm>>) target(%arg13 : memref<128x16xf32, #tpu.memory_space<vmem>>) offsets(%dma_start3A_193 : memref<128xi32, #tpu.memory_space<vmem>>) semaphore(%arg20 : memref<!tpu.dma_semaphore, #tpu.memory_space<semaphore_mem>>)
      %dma_wait3A = arith.constant 0 : i32
      %dma_wait3A_197 = arith.constant 0 : i32
      %dma_wait3A_198 = arith.constant 0 : i32
      %dma_wait3A_199 = tpu.memref_slice %arg10[%dma_wait3A, %dma_wait3A_197, %dma_wait3A_198] : memref<1x3x128xi32, #tpu.memory_space<vmem>> -> memref<1x1x128xi32, #tpu.memory_space<vmem>>
      %dma_wait3A_200 = tpu.memref_squeeze %dma_wait3A_199 : memref<1x1x128xi32, #tpu.memory_space<vmem>> -> memref<128xi32, #tpu.memory_space<vmem>>
      %dma_wait3A_201 = arith.constant 0 : i32
      %dma_wait3A_202 = arith.constant 0 : i32
      %dma_wait3A_203 = tpu.memref_slice %arg3[%dma_wait3A_201, %dma_wait3A_202] : memref<21120x16xf32, #tpu.memory_space<hbm>> -> memref<21120x16xf32, #tpu.memory_space<hbm>>
      tpu.wait_indirect_dma semaphore(%arg20 : memref<!tpu.dma_semaphore, #tpu.memory_space<semaphore_mem>>) src(%dma_wait3A_203 : memref<21120x16xf32, #tpu.memory_space<hbm>>) dst(%arg13 : memref<128x16xf32, #tpu.memory_space<vmem>>)
      %iota3A_204 = tpu.iota {dimensions = array<i32: 0>} : vector<16xi32>
      %scan3A_205 = arith.constant 0 : i32
      %scan3A_206 = arith.constant 0 : i32
      %scan3A_207 = arith.constant 32 : i32
      %scan3A_208 = arith.addi %scan3A_206, %scan3A_207 : i32
      %scan3A_209 = arith.constant 1 : i32
      scf.for %scan3A_212 = %scan3A_206 to %scan3A_208 step %scan3A_209  : i32 {
        %mul3A_213 = arith.constant 4 : i32
        %mul3A_214 = arith.muli %scan3A_212, %mul3A_213 : i32
        %broadcast_in_dim3A = vector.broadcast %mul3A_214 : i32 to vector<16xi32>
        %add3A_215 = arith.constant 0 : i32
        %add3A_216 = vector.broadcast %add3A_215 : i32 to vector<16xi32>
        %add3A_217 = arith.addi %broadcast_in_dim3A, %add3A_216 : vector<16xi32>
        %gather3A_218 = tpu.vector_load_idx %arg12[%xor3A, %add3A_217] : memref<1x128xf32, #tpu.memory_space<vmem>>[vector<16xi32>, vector<16xi32>], vector<16xf32>,
        %gather3A_219 = tpu.vector_load_idx %arg13[%add3A_217, %iota3A_204] : memref<128x16xf32, #tpu.memory_space<vmem>>[vector<16xi32>, vector<16xi32>], vector<16xf32>,
        %mul3A_220 = arith.mulf %gather3A_219, %gather3A_218 : vector<16xf32>
        tpu.vector_store_idx %arg13[%add3A_217, %iota3A_204], %mul3A_220 : memref<128x16xf32, #tpu.memory_space<vmem>>[vector<16xi32>, vector<16xi32>], vector<16xf32>,
        %add3A_221 = arith.constant 1 : i32
        %add3A_222 = vector.broadcast %add3A_221 : i32 to vector<16xi32>
        %add3A_223 = arith.addi %broadcast_in_dim3A, %add3A_222 : vector<16xi32>
        %gather3A_224 = tpu.vector_load_idx %arg12[%xor3A, %add3A_223] : memref<1x128xf32, #tpu.memory_space<vmem>>[vector<16xi32>, vector<16xi32>], vector<16xf32>,
        %gather3A_225 = tpu.vector_load_idx %arg13[%add3A_223, %iota3A_204] : memref<128x16xf32, #tpu.memory_space<vmem>>[vector<16xi32>, vector<16xi32>], vector<16xf32>,
        %mul3A_226 = arith.mulf %gather3A_225, %gather3A_224 : vector<16xf32>
        tpu.vector_store_idx %arg13[%add3A_223, %iota3A_204], %mul3A_226 : memref<128x16xf32, #tpu.memory_space<vmem>>[vector<16xi32>, vector<16xi32>], vector<16xf32>,
        %add3A_227 = arith.constant 2 : i32
        %add3A_228 = vector.broadcast %add3A_227 : i32 to vector<16xi32>
        %add3A_229 = arith.addi %broadcast_in_dim3A, %add3A_228 : vector<16xi32>
        %gather3A_230 = tpu.vector_load_idx %arg12[%xor3A, %add3A_229] : memref<1x128xf32, #tpu.memory_space<vmem>>[vector<16xi32>, vector<16xi32>], vector<16xf32>,
        %gather3A_231 = tpu.vector_load_idx %arg13[%add3A_229, %iota3A_204] : memref<128x16xf32, #tpu.memory_space<vmem>>[vector<16xi32>, vector<16xi32>], vector<16xf32>,
        %mul3A_232 = arith.mulf %gather3A_231, %gather3A_230 : vector<16xf32>
        tpu.vector_store_idx %arg13[%add3A_229, %iota3A_204], %mul3A_232 : memref<128x16xf32, #tpu.memory_space<vmem>>[vector<16xi32>, vector<16xi32>], vector<16xf32>,
        %add3A_233 = arith.constant 3 : i32
        %add3A_234 = vector.broadcast %add3A_233 : i32 to vector<16xi32>
        %add3A_235 = arith.addi %broadcast_in_dim3A, %add3A_234 : vector<16xi32>
        %gather3A_236 = tpu.vector_load_idx %arg12[%xor3A, %add3A_235] : memref<1x128xf32, #tpu.memory_space<vmem>>[vector<16xi32>, vector<16xi32>], vector<16xf32>,
        %gather3A_237 = tpu.vector_load_idx %arg13[%add3A_235, %iota3A_204] : memref<128x16xf32, #tpu.memory_space<vmem>>[vector<16xi32>, vector<16xi32>], vector<16xf32>,
        %mul3A_238 = arith.mulf %gather3A_237, %gather3A_236 : vector<16xf32>
        tpu.vector_store_idx %arg13[%add3A_235, %iota3A_204], %mul3A_238 : memref<128x16xf32, #tpu.memory_space<vmem>>[vector<16xi32>, vector<16xi32>], vector<16xf32>,
      }
      %scan3A_210 = arith.constant 32 : i32
      %run_scoped3A = arith.constant 0 : i32
      %run_scoped3A_211 = arith.constant 1 : i32
      "tpu.region"() ({
        %run_scoped3A_212 = tpu.sem_alloc : memref<!tpu.dma_semaphore, #tpu.memory_space<semaphore_mem>>
        %dma_start3A_213 = arith.constant 0 : i32
        %dma_start3A_214 = tpu.memref_slice %arg10[%run_scoped3A, %run_scoped3A_211, %dma_start3A_213] : memref<1x3x128xi32, #tpu.memory_space<vmem>> -> memref<1x1x128xi32, #tpu.memory_space<vmem>>
        %dma_start3A_215 = tpu.memref_squeeze %dma_start3A_214 : memref<1x1x128xi32, #tpu.memory_space<vmem>> -> memref<128xi32, #tpu.memory_space<vmem>>
        %dma_start3A_216 = arith.constant 0 : i32
        %dma_start3A_217 = arith.constant 0 : i32
        %dma_start3A_218 = tpu.memref_slice %arg19[%dma_start3A_216, %dma_start3A_217] : memref<21248x16xf32, #tpu.memory_space<vmem_shared>> -> memref<21248x16xf32, #tpu.memory_space<vmem_shared>>
        tpu.enqueue_indirect_dma source(%arg13 : memref<128x16xf32, #tpu.memory_space<vmem>>) target(%dma_start3A_218 : memref<21248x16xf32, #tpu.memory_space<vmem_shared>>) offsets(%dma_start3A_215 : memref<128xi32, #tpu.memory_space<vmem>>) semaphore(%run_scoped3A_212 : memref<!tpu.dma_semaphore, #tpu.memory_space<semaphore_mem>>) {add = true}
        %dma_wait3A_219 = arith.constant 0 : i32
        %dma_wait3A_220 = tpu.memref_slice %arg10[%run_scoped3A, %run_scoped3A_211, %dma_wait3A_219] : memref<1x3x128xi32, #tpu.memory_space<vmem>> -> memref<1x1x128xi32, #tpu.memory_space<vmem>>
        %dma_wait3A_221 = tpu.memref_squeeze %dma_wait3A_220 : memref<1x1x128xi32, #tpu.memory_space<vmem>> -> memref<128xi32, #tpu.memory_space<vmem>>
        %dma_wait3A_222 = arith.constant 0 : i32
        %dma_wait3A_223 = arith.constant 0 : i32
        %dma_wait3A_224 = tpu.memref_slice %arg19[%dma_wait3A_222, %dma_wait3A_223] : memref<21248x16xf32, #tpu.memory_space<vmem_shared>> -> memref<21248x16xf32, #tpu.memory_space<vmem_shared>>
        tpu.wait_indirect_dma semaphore(%run_scoped3A_212 : memref<!tpu.dma_semaphore, #tpu.memory_space<semaphore_mem>>) src(%arg13 : memref<128x16xf32, #tpu.memory_space<vmem>>) dst(%dma_wait3A_224 : memref<21248x16xf32, #tpu.memory_space<vmem_shared>>)
        tpu.yield
      }) : () -> ()
    }
    %scan3A_27 = arith.constant 112 : i32
    %barrier3A_28 = arith.constant 0 : index
    tpu.barrier barrier_id(%barrier3A_28)
    "tpu.region"() ({
      %run_scoped3A = tpu.sem_alloc : memref<!tpu.dma_semaphore, #tpu.memory_space<semaphore_mem>>
      %dma_start3A = arith.constant 0 : i32
      %dma_start3A_39 = tpu.memref_slice %arg19[%mul3A_0, %dma_start3A] : memref<21248x16xf32, #tpu.memory_space<vmem_shared>> -> memref<1328x16xf32, #tpu.memory_space<vmem_shared>>
      %dma_start3A_40 = arith.constant 0 : i32
      %dma_start3A_41 = tpu.memref_slice %arg19[%mul3A_0, %dma_start3A_40] : memref<21248x16xf32, #tpu.memory_space<vmem_shared>> -> memref<1328x16xf32, #tpu.memory_space<vmem_shared>>
      tpu.enqueue_dma source(%dma_start3A_41 : memref<1328x16xf32, #tpu.memory_space<vmem_shared>>) target(%arg17 : memref<1328x16xf32, #tpu.memory_space<vmem>>) target_semaphore(%run_scoped3A : memref<!tpu.dma_semaphore, #tpu.memory_space<semaphore_mem>>)
      %dma_wait3A = arith.constant 0 : i32
      %dma_wait3A_42 = tpu.memref_slice %arg19[%mul3A_0, %dma_wait3A] : memref<21248x16xf32, #tpu.memory_space<vmem_shared>> -> memref<1328x16xf32, #tpu.memory_space<vmem_shared>>
      %dma_wait3A_43 = arith.constant 0 : i32
      %dma_wait3A_44 = tpu.memref_slice %arg19[%mul3A_0, %dma_wait3A_43] : memref<21248x16xf32, #tpu.memory_space<vmem_shared>> -> memref<1328x16xf32, #tpu.memory_space<vmem_shared>>
      tpu.wait_dma2 semaphore(%run_scoped3A : memref<!tpu.dma_semaphore, #tpu.memory_space<semaphore_mem>>) src(%dma_wait3A_44 : memref<1328x16xf32, #tpu.memory_space<vmem_shared>>) dst(%arg17 : memref<1328x16xf32, #tpu.memory_space<vmem>>)
      tpu.yield
    }) : () -> ()
    %eq3A_29 = arith.constant 0 : i32
    %eq3A_30 = arith.cmpi eq, %arg0, %eq3A_29 : i32
    %convert_element_type3A_31 = arith.extui %eq3A_30 : i1 to i32
    %cond3A_32 = arith.constant 0 : i32
    %cond3A_33 = arith.cmpi ne, %convert_element_type3A_31, %cond3A_32 : i32
    scf.if %cond3A_33 {
      "tpu.region"() ({
        %run_scoped3A = tpu.sem_alloc : memref<!tpu.dma_semaphore, #tpu.memory_space<semaphore_mem>>
        %dma_start3A = arith.constant 0 : i32
        %dma_start3A_39 = tpu.memref_slice %arg8[%mul3A_0, %dma_start3A] : memref<21248x16xf32, #tpu.memory_space<hbm>> -> memref<1328x16xf32, #tpu.memory_space<hbm>>
        %dma_start3A_40 = arith.constant 0 : i32
        %dma_start3A_41 = tpu.memref_slice %arg8[%mul3A_0, %dma_start3A_40] : memref<21248x16xf32, #tpu.memory_space<hbm>> -> memref<1328x16xf32, #tpu.memory_space<hbm>>
        tpu.enqueue_dma source(%arg17 : memref<1328x16xf32, #tpu.memory_space<vmem>>) target(%dma_start3A_41 : memref<1328x16xf32, #tpu.memory_space<hbm>>) target_semaphore(%run_scoped3A : memref<!tpu.dma_semaphore, #tpu.memory_space<semaphore_mem>>)
        %dma_wait3A = arith.constant 0 : i32
        %dma_wait3A_42 = tpu.memref_slice %arg8[%mul3A_0, %dma_wait3A] : memref<21248x16xf32, #tpu.memory_space<hbm>> -> memref<1328x16xf32, #tpu.memory_space<hbm>>
        %dma_wait3A_43 = arith.constant 0 : i32
        %dma_wait3A_44 = tpu.memref_slice %arg8[%mul3A_0, %dma_wait3A_43] : memref<21248x16xf32, #tpu.memory_space<hbm>> -> memref<1328x16xf32, #tpu.memory_space<hbm>>
        tpu.wait_dma2 semaphore(%run_scoped3A : memref<!tpu.dma_semaphore, #tpu.memory_space<semaphore_mem>>) src(%arg17 : memref<1328x16xf32, #tpu.memory_space<vmem>>) dst(%dma_wait3A_44 : memref<1328x16xf32, #tpu.memory_space<hbm>>)
        tpu.yield
      }) : () -> ()
    } else {
    }
    %eq3A_34 = arith.constant 1 : i32
    %eq3A_35 = arith.cmpi eq, %arg0, %eq3A_34 : i32
    %convert_element_type3A_36 = arith.extui %eq3A_35 : i1 to i32
    %cond3A_37 = arith.constant 0 : i32
    %cond3A_38 = arith.cmpi ne, %convert_element_type3A_36, %cond3A_37 : i32
    scf.if %cond3A_38 {
      "tpu.region"() ({
        %run_scoped3A = tpu.sem_alloc : memref<!tpu.dma_semaphore, #tpu.memory_space<semaphore_mem>>
        %dma_start3A = arith.constant 0 : i32
        %dma_start3A_39 = tpu.memref_slice %arg9[%mul3A_0, %dma_start3A] : memref<21248x16xf32, #tpu.memory_space<hbm>> -> memref<1328x16xf32, #tpu.memory_space<hbm>>
        %dma_start3A_40 = arith.constant 0 : i32
        %dma_start3A_41 = tpu.memref_slice %arg9[%mul3A_0, %dma_start3A_40] : memref<21248x16xf32, #tpu.memory_space<hbm>> -> memref<1328x16xf32, #tpu.memory_space<hbm>>
        tpu.enqueue_dma source(%arg17 : memref<1328x16xf32, #tpu.memory_space<vmem>>) target(%dma_start3A_41 : memref<1328x16xf32, #tpu.memory_space<hbm>>) target_semaphore(%run_scoped3A : memref<!tpu.dma_semaphore, #tpu.memory_space<semaphore_mem>>)
        %dma_wait3A = arith.constant 0 : i32
        %dma_wait3A_42 = tpu.memref_slice %arg9[%mul3A_0, %dma_wait3A] : memref<21248x16xf32, #tpu.memory_space<hbm>> -> memref<1328x16xf32, #tpu.memory_space<hbm>>
        %dma_wait3A_43 = arith.constant 0 : i32
        %dma_wait3A_44 = tpu.memref_slice %arg9[%mul3A_0, %dma_wait3A_43] : memref<21248x16xf32, #tpu.memory_space<hbm>> -> memref<1328x16xf32, #tpu.memory_space<hbm>>
        tpu.wait_dma2 semaphore(%run_scoped3A : memref<!tpu.dma_semaphore, #tpu.memory_space<semaphore_mem>>) src(%arg17 : memref<1328x16xf32, #tpu.memory_space<vmem>>) dst(%dma_wait3A_44 : memref<1328x16xf32, #tpu.memory_space<hbm>>)
        tpu.yield
      }) : () -> ()
    } else {
    }
    return
  }
}

#map = affine_map<(d0, d1) -> (0, 0)>
#map1 = affine_map<(d0, d1) -> (0, 0, 0)>
module attributes {stable_mosaic.version = 14 : i64} {
  func.func @body(%arg0: i32, %arg1: i32, %arg2: memref<21120x16xf32, #tpu.memory_space<hbm>>, %arg3: memref<21120x16xf32, #tpu.memory_space<hbm>>, %arg4: memref<3584x3x128xi32, #tpu.memory_space<hbm>>, %arg5: memref<21248x16xf32, #tpu.memory_space<hbm>>, %arg6: memref<21248x16xf32, #tpu.memory_space<hbm>>, %arg7: memref<21248x16xf32, #tpu.memory_space<hbm>>, %arg8: memref<21248x16xf32, #tpu.memory_space<hbm>>, %arg9: memref<21248x16xf32, #tpu.memory_space<hbm>>, %arg10: memref<1x3x128xi32, #tpu.memory_space<vmem>>, %arg11: memref<128x16xf32, #tpu.memory_space<vmem>>, %arg12: memref<1328x16xf32, #tpu.memory_space<vmem>>, %arg13: memref<1328x16xf32, #tpu.memory_space<vmem>>, %arg14: memref<21248x16xf32, #tpu.memory_space<vmem_shared>>, %arg15: memref<!tpu.dma_semaphore, #tpu.memory_space<semaphore_mem>>) attributes {dimension_semantics = [#tpu.dimension_semantics<core_parallel>, #tpu.dimension_semantics<subcore_parallel>], iteration_bounds = array<i64: 2, 16>, scalar_prefetch = 0 : i64, scratch_operands = 6 : i64, tpu.core_type = #tpu.core_type<sc_vector_subcore>, window_params = [{transform_indices = #map}, {transform_indices = #map}, {transform_indices = #map1}, {transform_indices = #map}, {transform_indices = #map}, {transform_indices = #map}, {transform_indices = #map}, {transform_indices = #map}]} {
    %mul3A = arith.constant 1328 : i32
    %mul3A_0 = arith.muli %arg1, %mul3A : i32
    %iota3A = tpu.iota {dimensions = array<i32: 0>} : vector<16xi32>
    %xor3A = arith.xori %iota3A, %iota3A : vector<16xi32>
    %add3A = arith.constant 2 : i32
    %add3A_1 = vector.broadcast %add3A : i32 to vector<16xi32>
    %add3A_2 = arith.addi %xor3A, %add3A_1 : vector<16xi32>
    "tpu.region"() ({
      %run_scoped3A = tpu.sem_alloc : memref<!tpu.dma_semaphore, #tpu.memory_space<semaphore_mem>>
      %dma_start3A = arith.constant 0 : i32
      %dma_start3A_39 = tpu.memref_slice %arg5[%mul3A_0, %dma_start3A] : memref<21248x16xf32, #tpu.memory_space<hbm>> -> memref<1328x16xf32, #tpu.memory_space<hbm>>
      %dma_start3A_40 = arith.constant 0 : i32
      %dma_start3A_41 = tpu.memref_slice %arg5[%mul3A_0, %dma_start3A_40] : memref<21248x16xf32, #tpu.memory_space<hbm>> -> memref<1328x16xf32, #tpu.memory_space<hbm>>
      tpu.enqueue_dma source(%dma_start3A_41 : memref<1328x16xf32, #tpu.memory_space<hbm>>) target(%arg12 : memref<1328x16xf32, #tpu.memory_space<vmem>>) target_semaphore(%run_scoped3A : memref<!tpu.dma_semaphore, #tpu.memory_space<semaphore_mem>>)
      %dma_wait3A = arith.constant 0 : i32
      %dma_wait3A_42 = tpu.memref_slice %arg5[%mul3A_0, %dma_wait3A] : memref<21248x16xf32, #tpu.memory_space<hbm>> -> memref<1328x16xf32, #tpu.memory_space<hbm>>
      %dma_wait3A_43 = arith.constant 0 : i32
      %dma_wait3A_44 = tpu.memref_slice %arg5[%mul3A_0, %dma_wait3A_43] : memref<21248x16xf32, #tpu.memory_space<hbm>> -> memref<1328x16xf32, #tpu.memory_space<hbm>>
      tpu.wait_dma2 semaphore(%run_scoped3A : memref<!tpu.dma_semaphore, #tpu.memory_space<semaphore_mem>>) src(%dma_wait3A_44 : memref<1328x16xf32, #tpu.memory_space<hbm>>) dst(%arg12 : memref<1328x16xf32, #tpu.memory_space<vmem>>)
      tpu.yield
    }) : () -> ()
    "tpu.region"() ({
      %run_scoped3A = tpu.sem_alloc : memref<!tpu.dma_semaphore, #tpu.memory_space<semaphore_mem>>
      %dma_start3A = arith.constant 0 : i32
      %dma_start3A_39 = tpu.memref_slice %arg14[%mul3A_0, %dma_start3A] : memref<21248x16xf32, #tpu.memory_space<vmem_shared>> -> memref<1328x16xf32, #tpu.memory_space<vmem_shared>>
      %dma_start3A_40 = arith.constant 0 : i32
      %dma_start3A_41 = tpu.memref_slice %arg14[%mul3A_0, %dma_start3A_40] : memref<21248x16xf32, #tpu.memory_space<vmem_shared>> -> memref<1328x16xf32, #tpu.memory_space<vmem_shared>>
      tpu.enqueue_dma source(%arg12 : memref<1328x16xf32, #tpu.memory_space<vmem>>) target(%dma_start3A_41 : memref<1328x16xf32, #tpu.memory_space<vmem_shared>>) target_semaphore(%run_scoped3A : memref<!tpu.dma_semaphore, #tpu.memory_space<semaphore_mem>>)
      %dma_wait3A = arith.constant 0 : i32
      %dma_wait3A_42 = tpu.memref_slice %arg14[%mul3A_0, %dma_wait3A] : memref<21248x16xf32, #tpu.memory_space<vmem_shared>> -> memref<1328x16xf32, #tpu.memory_space<vmem_shared>>
      %dma_wait3A_43 = arith.constant 0 : i32
      %dma_wait3A_44 = tpu.memref_slice %arg14[%mul3A_0, %dma_wait3A_43] : memref<21248x16xf32, #tpu.memory_space<vmem_shared>> -> memref<1328x16xf32, #tpu.memory_space<vmem_shared>>
      tpu.wait_dma2 semaphore(%run_scoped3A : memref<!tpu.dma_semaphore, #tpu.memory_space<semaphore_mem>>) src(%arg12 : memref<1328x16xf32, #tpu.memory_space<vmem>>) dst(%dma_wait3A_44 : memref<1328x16xf32, #tpu.memory_space<vmem_shared>>)
      tpu.yield
    }) : () -> ()
    %mul3A_3 = arith.constant 2 : i32
    %mul3A_4 = arith.muli %arg1, %mul3A_3 : i32
    %add3A_5 = arith.addi %mul3A_4, %arg0 : i32
    %mul3A_6 = arith.constant 112 : i32
    %mul3A_7 = arith.muli %add3A_5, %mul3A_6 : i32
    %barrier3A = arith.constant 0 : index
    tpu.barrier barrier_id(%barrier3A)
    %scan3A = arith.constant 0 : i32
    %scan3A_8 = arith.constant 0 : i32
    %scan3A_9 = arith.constant 112 : i32
    %scan3A_10 = arith.addi %scan3A_8, %scan3A_9 : i32
    %scan3A_11 = arith.constant 1 : i32
    scf.for %scan3A_39 = %scan3A_8 to %scan3A_10 step %scan3A_11  : i32 {
      %add3A_40 = arith.addi %mul3A_7, %scan3A_39 : i32
      "tpu.region"() ({
        %run_scoped3A_63 = tpu.sem_alloc : memref<!tpu.dma_semaphore, #tpu.memory_space<semaphore_mem>>
        %dma_start3A_64 = arith.constant 0 : i32
        %dma_start3A_65 = arith.constant 0 : i32
        %dma_start3A_66 = tpu.memref_slice %arg4[%add3A_40, %dma_start3A_64, %dma_start3A_65] : memref<3584x3x128xi32, #tpu.memory_space<hbm>> -> memref<1x3x128xi32, #tpu.memory_space<hbm>>
        %dma_start3A_67 = arith.constant 0 : i32
        %dma_start3A_68 = arith.constant 0 : i32
        %dma_start3A_69 = tpu.memref_slice %arg4[%add3A_40, %dma_start3A_67, %dma_start3A_68] : memref<3584x3x128xi32, #tpu.memory_space<hbm>> -> memref<1x3x128xi32, #tpu.memory_space<hbm>>
        tpu.enqueue_dma source(%dma_start3A_69 : memref<1x3x128xi32, #tpu.memory_space<hbm>>) target(%arg10 : memref<1x3x128xi32, #tpu.memory_space<vmem>>) target_semaphore(%run_scoped3A_63 : memref<!tpu.dma_semaphore, #tpu.memory_space<semaphore_mem>>)
        %dma_wait3A_70 = arith.constant 0 : i32
        %dma_wait3A_71 = arith.constant 0 : i32
        %dma_wait3A_72 = tpu.memref_slice %arg4[%add3A_40, %dma_wait3A_70, %dma_wait3A_71] : memref<3584x3x128xi32, #tpu.memory_space<hbm>> -> memref<1x3x128xi32, #tpu.memory_space<hbm>>
        %dma_wait3A_73 = arith.constant 0 : i32
        %dma_wait3A_74 = arith.constant 0 : i32
        %dma_wait3A_75 = tpu.memref_slice %arg4[%add3A_40, %dma_wait3A_73, %dma_wait3A_74] : memref<3584x3x128xi32, #tpu.memory_space<hbm>> -> memref<1x3x128xi32, #tpu.memory_space<hbm>>
        tpu.wait_dma2 semaphore(%run_scoped3A_63 : memref<!tpu.dma_semaphore, #tpu.memory_space<semaphore_mem>>) src(%dma_wait3A_75 : memref<1x3x128xi32, #tpu.memory_space<hbm>>) dst(%arg10 : memref<1x3x128xi32, #tpu.memory_space<vmem>>)
        tpu.yield
      }) : () -> ()
      %dma_start3A = arith.constant 0 : i32
      %dma_start3A_41 = arith.constant 0 : i32
      %dma_start3A_42 = arith.constant 0 : i32
      %dma_start3A_43 = tpu.memref_slice %arg10[%dma_start3A, %dma_start3A_41, %dma_start3A_42] : memref<1x3x128xi32, #tpu.memory_space<vmem>> -> memref<1x1x128xi32, #tpu.memory_space<vmem>>
      %dma_start3A_44 = tpu.memref_squeeze %dma_start3A_43 : memref<1x1x128xi32, #tpu.memory_space<vmem>> -> memref<128xi32, #tpu.memory_space<vmem>>
      %dma_start3A_45 = arith.constant 0 : i32
      %dma_start3A_46 = arith.constant 0 : i32
      %dma_start3A_47 = tpu.memref_slice %arg2[%dma_start3A_45, %dma_start3A_46] : memref<21120x16xf32, #tpu.memory_space<hbm>> -> memref<21120x16xf32, #tpu.memory_space<hbm>>
      tpu.enqueue_indirect_dma source(%dma_start3A_47 : memref<21120x16xf32, #tpu.memory_space<hbm>>) target(%arg11 : memref<128x16xf32, #tpu.memory_space<vmem>>) offsets(%dma_start3A_44 : memref<128xi32, #tpu.memory_space<vmem>>) semaphore(%arg15 : memref<!tpu.dma_semaphore, #tpu.memory_space<semaphore_mem>>)
      %dma_wait3A = arith.constant 0 : i32
      %dma_wait3A_48 = arith.constant 0 : i32
      %dma_wait3A_49 = arith.constant 0 : i32
      %dma_wait3A_50 = tpu.memref_slice %arg10[%dma_wait3A, %dma_wait3A_48, %dma_wait3A_49] : memref<1x3x128xi32, #tpu.memory_space<vmem>> -> memref<1x1x128xi32, #tpu.memory_space<vmem>>
      %dma_wait3A_51 = tpu.memref_squeeze %dma_wait3A_50 : memref<1x1x128xi32, #tpu.memory_space<vmem>> -> memref<128xi32, #tpu.memory_space<vmem>>
      %dma_wait3A_52 = arith.constant 0 : i32
      %dma_wait3A_53 = arith.constant 0 : i32
      %dma_wait3A_54 = tpu.memref_slice %arg2[%dma_wait3A_52, %dma_wait3A_53] : memref<21120x16xf32, #tpu.memory_space<hbm>> -> memref<21120x16xf32, #tpu.memory_space<hbm>>
      tpu.wait_indirect_dma semaphore(%arg15 : memref<!tpu.dma_semaphore, #tpu.memory_space<semaphore_mem>>) src(%dma_wait3A_54 : memref<21120x16xf32, #tpu.memory_space<hbm>>) dst(%arg11 : memref<128x16xf32, #tpu.memory_space<vmem>>)
      %iota3A_55 = tpu.iota {dimensions = array<i32: 0>} : vector<16xi32>
      %scan3A_56 = arith.constant 0 : i32
      %scan3A_57 = arith.constant 0 : i32
      %scan3A_58 = arith.constant 32 : i32
      %scan3A_59 = arith.addi %scan3A_57, %scan3A_58 : i32
      %scan3A_60 = arith.constant 1 : i32
      scf.for %scan3A_63 = %scan3A_57 to %scan3A_59 step %scan3A_60  : i32 {
        %mul3A_64 = arith.constant 4 : i32
        %mul3A_65 = arith.muli %scan3A_63, %mul3A_64 : i32
        %broadcast_in_dim3A = vector.broadcast %mul3A_65 : i32 to vector<16xi32>
        %add3A_66 = arith.constant 0 : i32
        %add3A_67 = vector.broadcast %add3A_66 : i32 to vector<16xi32>
        %add3A_68 = arith.addi %broadcast_in_dim3A, %add3A_67 : vector<16xi32>
        %gather3A = tpu.vector_load_idx %arg10[%xor3A, %add3A_2, %add3A_68] : memref<1x3x128xi32, #tpu.memory_space<vmem>>[vector<16xi32>, vector<16xi32>, vector<16xi32>], vector<16xi32>,
        %bitcast3A = vector.bitcast %gather3A : vector<16xi32> to vector<16xf32>
        %gather3A_69 = tpu.vector_load_idx %arg11[%add3A_68, %iota3A_55] : memref<128x16xf32, #tpu.memory_space<vmem>>[vector<16xi32>, vector<16xi32>], vector<16xf32>,
        %mul3A_70 = arith.mulf %gather3A_69, %bitcast3A : vector<16xf32>
        tpu.vector_store_idx %arg11[%add3A_68, %iota3A_55], %mul3A_70 : memref<128x16xf32, #tpu.memory_space<vmem>>[vector<16xi32>, vector<16xi32>], vector<16xf32>,
        %add3A_71 = arith.constant 1 : i32
        %add3A_72 = vector.broadcast %add3A_71 : i32 to vector<16xi32>
        %add3A_73 = arith.addi %broadcast_in_dim3A, %add3A_72 : vector<16xi32>
        %gather3A_74 = tpu.vector_load_idx %arg10[%xor3A, %add3A_2, %add3A_73] : memref<1x3x128xi32, #tpu.memory_space<vmem>>[vector<16xi32>, vector<16xi32>, vector<16xi32>], vector<16xi32>,
        %bitcast3A_75 = vector.bitcast %gather3A_74 : vector<16xi32> to vector<16xf32>
        %gather3A_76 = tpu.vector_load_idx %arg11[%add3A_73, %iota3A_55] : memref<128x16xf32, #tpu.memory_space<vmem>>[vector<16xi32>, vector<16xi32>], vector<16xf32>,
        %mul3A_77 = arith.mulf %gather3A_76, %bitcast3A_75 : vector<16xf32>
        tpu.vector_store_idx %arg11[%add3A_73, %iota3A_55], %mul3A_77 : memref<128x16xf32, #tpu.memory_space<vmem>>[vector<16xi32>, vector<16xi32>], vector<16xf32>,
        %add3A_78 = arith.constant 2 : i32
        %add3A_79 = vector.broadcast %add3A_78 : i32 to vector<16xi32>
        %add3A_80 = arith.addi %broadcast_in_dim3A, %add3A_79 : vector<16xi32>
        %gather3A_81 = tpu.vector_load_idx %arg10[%xor3A, %add3A_2, %add3A_80] : memref<1x3x128xi32, #tpu.memory_space<vmem>>[vector<16xi32>, vector<16xi32>, vector<16xi32>], vector<16xi32>,
        %bitcast3A_82 = vector.bitcast %gather3A_81 : vector<16xi32> to vector<16xf32>
        %gather3A_83 = tpu.vector_load_idx %arg11[%add3A_80, %iota3A_55] : memref<128x16xf32, #tpu.memory_space<vmem>>[vector<16xi32>, vector<16xi32>], vector<16xf32>,
        %mul3A_84 = arith.mulf %gather3A_83, %bitcast3A_82 : vector<16xf32>
        tpu.vector_store_idx %arg11[%add3A_80, %iota3A_55], %mul3A_84 : memref<128x16xf32, #tpu.memory_space<vmem>>[vector<16xi32>, vector<16xi32>], vector<16xf32>,
        %add3A_85 = arith.constant 3 : i32
        %add3A_86 = vector.broadcast %add3A_85 : i32 to vector<16xi32>
        %add3A_87 = arith.addi %broadcast_in_dim3A, %add3A_86 : vector<16xi32>
        %gather3A_88 = tpu.vector_load_idx %arg10[%xor3A, %add3A_2, %add3A_87] : memref<1x3x128xi32, #tpu.memory_space<vmem>>[vector<16xi32>, vector<16xi32>, vector<16xi32>], vector<16xi32>,
        %bitcast3A_89 = vector.bitcast %gather3A_88 : vector<16xi32> to vector<16xf32>
        %gather3A_90 = tpu.vector_load_idx %arg11[%add3A_87, %iota3A_55] : memref<128x16xf32, #tpu.memory_space<vmem>>[vector<16xi32>, vector<16xi32>], vector<16xf32>,
        %mul3A_91 = arith.mulf %gather3A_90, %bitcast3A_89 : vector<16xf32>
        tpu.vector_store_idx %arg11[%add3A_87, %iota3A_55], %mul3A_91 : memref<128x16xf32, #tpu.memory_space<vmem>>[vector<16xi32>, vector<16xi32>], vector<16xf32>,
      }
      %scan3A_61 = arith.constant 32 : i32
      %run_scoped3A = arith.constant 0 : i32
      %run_scoped3A_62 = arith.constant 1 : i32
      "tpu.region"() ({
        %run_scoped3A_63 = tpu.sem_alloc : memref<!tpu.dma_semaphore, #tpu.memory_space<semaphore_mem>>
        %dma_start3A_64 = arith.constant 0 : i32
        %dma_start3A_65 = tpu.memref_slice %arg10[%run_scoped3A, %run_scoped3A_62, %dma_start3A_64] : memref<1x3x128xi32, #tpu.memory_space<vmem>> -> memref<1x1x128xi32, #tpu.memory_space<vmem>>
        %dma_start3A_66 = tpu.memref_squeeze %dma_start3A_65 : memref<1x1x128xi32, #tpu.memory_space<vmem>> -> memref<128xi32, #tpu.memory_space<vmem>>
        %dma_start3A_67 = arith.constant 0 : i32
        %dma_start3A_68 = arith.constant 0 : i32
        %dma_start3A_69 = tpu.memref_slice %arg14[%dma_start3A_67, %dma_start3A_68] : memref<21248x16xf32, #tpu.memory_space<vmem_shared>> -> memref<21248x16xf32, #tpu.memory_space<vmem_shared>>
        tpu.enqueue_indirect_dma source(%arg11 : memref<128x16xf32, #tpu.memory_space<vmem>>) target(%dma_start3A_69 : memref<21248x16xf32, #tpu.memory_space<vmem_shared>>) offsets(%dma_start3A_66 : memref<128xi32, #tpu.memory_space<vmem>>) semaphore(%run_scoped3A_63 : memref<!tpu.dma_semaphore, #tpu.memory_space<semaphore_mem>>) {add = true}
        %dma_wait3A_70 = arith.constant 0 : i32
        %dma_wait3A_71 = tpu.memref_slice %arg10[%run_scoped3A, %run_scoped3A_62, %dma_wait3A_70] : memref<1x3x128xi32, #tpu.memory_space<vmem>> -> memref<1x1x128xi32, #tpu.memory_space<vmem>>
        %dma_wait3A_72 = tpu.memref_squeeze %dma_wait3A_71 : memref<1x1x128xi32, #tpu.memory_space<vmem>> -> memref<128xi32, #tpu.memory_space<vmem>>
        %dma_wait3A_73 = arith.constant 0 : i32
        %dma_wait3A_74 = arith.constant 0 : i32
        %dma_wait3A_75 = tpu.memref_slice %arg14[%dma_wait3A_73, %dma_wait3A_74] : memref<21248x16xf32, #tpu.memory_space<vmem_shared>> -> memref<21248x16xf32, #tpu.memory_space<vmem_shared>>
        tpu.wait_indirect_dma semaphore(%run_scoped3A_63 : memref<!tpu.dma_semaphore, #tpu.memory_space<semaphore_mem>>) src(%arg11 : memref<128x16xf32, #tpu.memory_space<vmem>>) dst(%dma_wait3A_75 : memref<21248x16xf32, #tpu.memory_space<vmem_shared>>)
        tpu.yield
      }) : () -> ()
    }
    %scan3A_12 = arith.constant 112 : i32
    %barrier3A_13 = arith.constant 0 : index
    tpu.barrier barrier_id(%barrier3A_13)
    "tpu.region"() ({
      %run_scoped3A = tpu.sem_alloc : memref<!tpu.dma_semaphore, #tpu.memory_space<semaphore_mem>>
      %dma_start3A = arith.constant 0 : i32
      %dma_start3A_39 = tpu.memref_slice %arg14[%mul3A_0, %dma_start3A] : memref<21248x16xf32, #tpu.memory_space<vmem_shared>> -> memref<1328x16xf32, #tpu.memory_space<vmem_shared>>
      %dma_start3A_40 = arith.constant 0 : i32
      %dma_start3A_41 = tpu.memref_slice %arg14[%mul3A_0, %dma_start3A_40] : memref<21248x16xf32, #tpu.memory_space<vmem_shared>> -> memref<1328x16xf32, #tpu.memory_space<vmem_shared>>
      tpu.enqueue_dma source(%dma_start3A_41 : memref<1328x16xf32, #tpu.memory_space<vmem_shared>>) target(%arg13 : memref<1328x16xf32, #tpu.memory_space<vmem>>) target_semaphore(%run_scoped3A : memref<!tpu.dma_semaphore, #tpu.memory_space<semaphore_mem>>)
      %dma_wait3A = arith.constant 0 : i32
      %dma_wait3A_42 = tpu.memref_slice %arg14[%mul3A_0, %dma_wait3A] : memref<21248x16xf32, #tpu.memory_space<vmem_shared>> -> memref<1328x16xf32, #tpu.memory_space<vmem_shared>>
      %dma_wait3A_43 = arith.constant 0 : i32
      %dma_wait3A_44 = tpu.memref_slice %arg14[%mul3A_0, %dma_wait3A_43] : memref<21248x16xf32, #tpu.memory_space<vmem_shared>> -> memref<1328x16xf32, #tpu.memory_space<vmem_shared>>
      tpu.wait_dma2 semaphore(%run_scoped3A : memref<!tpu.dma_semaphore, #tpu.memory_space<semaphore_mem>>) src(%dma_wait3A_44 : memref<1328x16xf32, #tpu.memory_space<vmem_shared>>) dst(%arg13 : memref<1328x16xf32, #tpu.memory_space<vmem>>)
      tpu.yield
    }) : () -> ()
    "tpu.region"() ({
      %run_scoped3A = tpu.sem_alloc : memref<!tpu.dma_semaphore, #tpu.memory_space<semaphore_mem>>
      %dma_start3A = arith.constant 0 : i32
      %dma_start3A_39 = tpu.memref_slice %arg14[%mul3A_0, %dma_start3A] : memref<21248x16xf32, #tpu.memory_space<vmem_shared>> -> memref<1328x16xf32, #tpu.memory_space<vmem_shared>>
      %dma_start3A_40 = arith.constant 0 : i32
      %dma_start3A_41 = tpu.memref_slice %arg14[%mul3A_0, %dma_start3A_40] : memref<21248x16xf32, #tpu.memory_space<vmem_shared>> -> memref<1328x16xf32, #tpu.memory_space<vmem_shared>>
      tpu.enqueue_dma source(%arg12 : memref<1328x16xf32, #tpu.memory_space<vmem>>) target(%dma_start3A_41 : memref<1328x16xf32, #tpu.memory_space<vmem_shared>>) target_semaphore(%run_scoped3A : memref<!tpu.dma_semaphore, #tpu.memory_space<semaphore_mem>>)
      %dma_wait3A = arith.constant 0 : i32
      %dma_wait3A_42 = tpu.memref_slice %arg14[%mul3A_0, %dma_wait3A] : memref<21248x16xf32, #tpu.memory_space<vmem_shared>> -> memref<1328x16xf32, #tpu.memory_space<vmem_shared>>
      %dma_wait3A_43 = arith.constant 0 : i32
      %dma_wait3A_44 = tpu.memref_slice %arg14[%mul3A_0, %dma_wait3A_43] : memref<21248x16xf32, #tpu.memory_space<vmem_shared>> -> memref<1328x16xf32, #tpu.memory_space<vmem_shared>>
      tpu.wait_dma2 semaphore(%run_scoped3A : memref<!tpu.dma_semaphore, #tpu.memory_space<semaphore_mem>>) src(%arg12 : memref<1328x16xf32, #tpu.memory_space<vmem>>) dst(%dma_wait3A_44 : memref<1328x16xf32, #tpu.memory_space<vmem_shared>>)
      tpu.yield
    }) : () -> ()
    %eq3A = arith.constant 0 : i32
    %eq3A_14 = arith.cmpi eq, %arg0, %eq3A : i32
    %convert_element_type3A = arith.extui %eq3A_14 : i1 to i32
    %cond3A = arith.constant 0 : i32
    %cond3A_15 = arith.cmpi ne, %convert_element_type3A, %cond3A : i32
    scf.if %cond3A_15 {
      "tpu.region"() ({
        %run_scoped3A = tpu.sem_alloc : memref<!tpu.dma_semaphore, #tpu.memory_space<semaphore_mem>>
        %dma_start3A = arith.constant 0 : i32
        %dma_start3A_39 = tpu.memref_slice %arg6[%mul3A_0, %dma_start3A] : memref<21248x16xf32, #tpu.memory_space<hbm>> -> memref<1328x16xf32, #tpu.memory_space<hbm>>
        %dma_start3A_40 = arith.constant 0 : i32
        %dma_start3A_41 = tpu.memref_slice %arg6[%mul3A_0, %dma_start3A_40] : memref<21248x16xf32, #tpu.memory_space<hbm>> -> memref<1328x16xf32, #tpu.memory_space<hbm>>
        tpu.enqueue_dma source(%arg13 : memref<1328x16xf32, #tpu.memory_space<vmem>>) target(%dma_start3A_41 : memref<1328x16xf32, #tpu.memory_space<hbm>>) target_semaphore(%run_scoped3A : memref<!tpu.dma_semaphore, #tpu.memory_space<semaphore_mem>>)
        %dma_wait3A = arith.constant 0 : i32
        %dma_wait3A_42 = tpu.memref_slice %arg6[%mul3A_0, %dma_wait3A] : memref<21248x16xf32, #tpu.memory_space<hbm>> -> memref<1328x16xf32, #tpu.memory_space<hbm>>
        %dma_wait3A_43 = arith.constant 0 : i32
        %dma_wait3A_44 = tpu.memref_slice %arg6[%mul3A_0, %dma_wait3A_43] : memref<21248x16xf32, #tpu.memory_space<hbm>> -> memref<1328x16xf32, #tpu.memory_space<hbm>>
        tpu.wait_dma2 semaphore(%run_scoped3A : memref<!tpu.dma_semaphore, #tpu.memory_space<semaphore_mem>>) src(%arg13 : memref<1328x16xf32, #tpu.memory_space<vmem>>) dst(%dma_wait3A_44 : memref<1328x16xf32, #tpu.memory_space<hbm>>)
        tpu.yield
      }) : () -> ()
    } else {
    }
    %eq3A_16 = arith.constant 1 : i32
    %eq3A_17 = arith.cmpi eq, %arg0, %eq3A_16 : i32
    %convert_element_type3A_18 = arith.extui %eq3A_17 : i1 to i32
    %cond3A_19 = arith.constant 0 : i32
    %cond3A_20 = arith.cmpi ne, %convert_element_type3A_18, %cond3A_19 : i32
    scf.if %cond3A_20 {
      "tpu.region"() ({
        %run_scoped3A = tpu.sem_alloc : memref<!tpu.dma_semaphore, #tpu.memory_space<semaphore_mem>>
        %dma_start3A = arith.constant 0 : i32
        %dma_start3A_39 = tpu.memref_slice %arg8[%mul3A_0, %dma_start3A] : memref<21248x16xf32, #tpu.memory_space<hbm>> -> memref<1328x16xf32, #tpu.memory_space<hbm>>
        %dma_start3A_40 = arith.constant 0 : i32
        %dma_start3A_41 = tpu.memref_slice %arg8[%mul3A_0, %dma_start3A_40] : memref<21248x16xf32, #tpu.memory_space<hbm>> -> memref<1328x16xf32, #tpu.memory_space<hbm>>
        tpu.enqueue_dma source(%arg13 : memref<1328x16xf32, #tpu.memory_space<vmem>>) target(%dma_start3A_41 : memref<1328x16xf32, #tpu.memory_space<hbm>>) target_semaphore(%run_scoped3A : memref<!tpu.dma_semaphore, #tpu.memory_space<semaphore_mem>>)
        %dma_wait3A = arith.constant 0 : i32
        %dma_wait3A_42 = tpu.memref_slice %arg8[%mul3A_0, %dma_wait3A] : memref<21248x16xf32, #tpu.memory_space<hbm>> -> memref<1328x16xf32, #tpu.memory_space<hbm>>
        %dma_wait3A_43 = arith.constant 0 : i32
        %dma_wait3A_44 = tpu.memref_slice %arg8[%mul3A_0, %dma_wait3A_43] : memref<21248x16xf32, #tpu.memory_space<hbm>> -> memref<1328x16xf32, #tpu.memory_space<hbm>>
        tpu.wait_dma2 semaphore(%run_scoped3A : memref<!tpu.dma_semaphore, #tpu.memory_space<semaphore_mem>>) src(%arg13 : memref<1328x16xf32, #tpu.memory_space<vmem>>) dst(%dma_wait3A_44 : memref<1328x16xf32, #tpu.memory_space<hbm>>)
        tpu.yield
      }) : () -> ()
    } else {
    }
    %barrier3A_21 = arith.constant 0 : index
    tpu.barrier barrier_id(%barrier3A_21)
    %scan3A_22 = arith.constant 0 : i32
    %scan3A_23 = arith.constant 0 : i32
    %scan3A_24 = arith.constant 112 : i32
    %scan3A_25 = arith.addi %scan3A_23, %scan3A_24 : i32
    %scan3A_26 = arith.constant 1 : i32
    scf.for %scan3A_39 = %scan3A_23 to %scan3A_25 step %scan3A_26  : i32 {
      %add3A_40 = arith.addi %mul3A_7, %scan3A_39 : i32
      "tpu.region"() ({
        %run_scoped3A_63 = tpu.sem_alloc : memref<!tpu.dma_semaphore, #tpu.memory_space<semaphore_mem>>
        %dma_start3A_64 = arith.constant 0 : i32
        %dma_start3A_65 = arith.constant 0 : i32
        %dma_start3A_66 = tpu.memref_slice %arg4[%add3A_40, %dma_start3A_64, %dma_start3A_65] : memref<3584x3x128xi32, #tpu.memory_space<hbm>> -> memref<1x3x128xi32, #tpu.memory_space<hbm>>
        %dma_start3A_67 = arith.constant 0 : i32
        %dma_start3A_68 = arith.constant 0 : i32
        %dma_start3A_69 = tpu.memref_slice %arg4[%add3A_40, %dma_start3A_67, %dma_start3A_68] : memref<3584x3x128xi32, #tpu.memory_space<hbm>> -> memref<1x3x128xi32, #tpu.memory_space<hbm>>
        tpu.enqueue_dma source(%dma_start3A_69 : memref<1x3x128xi32, #tpu.memory_space<hbm>>) target(%arg10 : memref<1x3x128xi32, #tpu.memory_space<vmem>>) target_semaphore(%run_scoped3A_63 : memref<!tpu.dma_semaphore, #tpu.memory_space<semaphore_mem>>)
        %dma_wait3A_70 = arith.constant 0 : i32
        %dma_wait3A_71 = arith.constant 0 : i32
        %dma_wait3A_72 = tpu.memref_slice %arg4[%add3A_40, %dma_wait3A_70, %dma_wait3A_71] : memref<3584x3x128xi32, #tpu.memory_space<hbm>> -> memref<1x3x128xi32, #tpu.memory_space<hbm>>
        %dma_wait3A_73 = arith.constant 0 : i32
        %dma_wait3A_74 = arith.constant 0 : i32
        %dma_wait3A_75 = tpu.memref_slice %arg4[%add3A_40, %dma_wait3A_73, %dma_wait3A_74] : memref<3584x3x128xi32, #tpu.memory_space<hbm>> -> memref<1x3x128xi32, #tpu.memory_space<hbm>>
        tpu.wait_dma2 semaphore(%run_scoped3A_63 : memref<!tpu.dma_semaphore, #tpu.memory_space<semaphore_mem>>) src(%dma_wait3A_75 : memref<1x3x128xi32, #tpu.memory_space<hbm>>) dst(%arg10 : memref<1x3x128xi32, #tpu.memory_space<vmem>>)
        tpu.yield
      }) : () -> ()
      %dma_start3A = arith.constant 0 : i32
      %dma_start3A_41 = arith.constant 0 : i32
      %dma_start3A_42 = arith.constant 0 : i32
      %dma_start3A_43 = tpu.memref_slice %arg10[%dma_start3A, %dma_start3A_41, %dma_start3A_42] : memref<1x3x128xi32, #tpu.memory_space<vmem>> -> memref<1x1x128xi32, #tpu.memory_space<vmem>>
      %dma_start3A_44 = tpu.memref_squeeze %dma_start3A_43 : memref<1x1x128xi32, #tpu.memory_space<vmem>> -> memref<128xi32, #tpu.memory_space<vmem>>
      %dma_start3A_45 = arith.constant 0 : i32
      %dma_start3A_46 = arith.constant 0 : i32
      %dma_start3A_47 = tpu.memref_slice %arg3[%dma_start3A_45, %dma_start3A_46] : memref<21120x16xf32, #tpu.memory_space<hbm>> -> memref<21120x16xf32, #tpu.memory_space<hbm>>
      tpu.enqueue_indirect_dma source(%dma_start3A_47 : memref<21120x16xf32, #tpu.memory_space<hbm>>) target(%arg11 : memref<128x16xf32, #tpu.memory_space<vmem>>) offsets(%dma_start3A_44 : memref<128xi32, #tpu.memory_space<vmem>>) semaphore(%arg15 : memref<!tpu.dma_semaphore, #tpu.memory_space<semaphore_mem>>)
      %dma_wait3A = arith.constant 0 : i32
      %dma_wait3A_48 = arith.constant 0 : i32
      %dma_wait3A_49 = arith.constant 0 : i32
      %dma_wait3A_50 = tpu.memref_slice %arg10[%dma_wait3A, %dma_wait3A_48, %dma_wait3A_49] : memref<1x3x128xi32, #tpu.memory_space<vmem>> -> memref<1x1x128xi32, #tpu.memory_space<vmem>>
      %dma_wait3A_51 = tpu.memref_squeeze %dma_wait3A_50 : memref<1x1x128xi32, #tpu.memory_space<vmem>> -> memref<128xi32, #tpu.memory_space<vmem>>
      %dma_wait3A_52 = arith.constant 0 : i32
      %dma_wait3A_53 = arith.constant 0 : i32
      %dma_wait3A_54 = tpu.memref_slice %arg3[%dma_wait3A_52, %dma_wait3A_53] : memref<21120x16xf32, #tpu.memory_space<hbm>> -> memref<21120x16xf32, #tpu.memory_space<hbm>>
      tpu.wait_indirect_dma semaphore(%arg15 : memref<!tpu.dma_semaphore, #tpu.memory_space<semaphore_mem>>) src(%dma_wait3A_54 : memref<21120x16xf32, #tpu.memory_space<hbm>>) dst(%arg11 : memref<128x16xf32, #tpu.memory_space<vmem>>)
      %iota3A_55 = tpu.iota {dimensions = array<i32: 0>} : vector<16xi32>
      %scan3A_56 = arith.constant 0 : i32
      %scan3A_57 = arith.constant 0 : i32
      %scan3A_58 = arith.constant 32 : i32
      %scan3A_59 = arith.addi %scan3A_57, %scan3A_58 : i32
      %scan3A_60 = arith.constant 1 : i32
      scf.for %scan3A_63 = %scan3A_57 to %scan3A_59 step %scan3A_60  : i32 {
        %mul3A_64 = arith.constant 4 : i32
        %mul3A_65 = arith.muli %scan3A_63, %mul3A_64 : i32
        %broadcast_in_dim3A = vector.broadcast %mul3A_65 : i32 to vector<16xi32>
        %add3A_66 = arith.constant 0 : i32
        %add3A_67 = vector.broadcast %add3A_66 : i32 to vector<16xi32>
        %add3A_68 = arith.addi %broadcast_in_dim3A, %add3A_67 : vector<16xi32>
        %gather3A = tpu.vector_load_idx %arg10[%xor3A, %add3A_2, %add3A_68] : memref<1x3x128xi32, #tpu.memory_space<vmem>>[vector<16xi32>, vector<16xi32>, vector<16xi32>], vector<16xi32>,
        %bitcast3A = vector.bitcast %gather3A : vector<16xi32> to vector<16xf32>
        %gather3A_69 = tpu.vector_load_idx %arg11[%add3A_68, %iota3A_55] : memref<128x16xf32, #tpu.memory_space<vmem>>[vector<16xi32>, vector<16xi32>], vector<16xf32>,
        %mul3A_70 = arith.mulf %gather3A_69, %bitcast3A : vector<16xf32>
        tpu.vector_store_idx %arg11[%add3A_68, %iota3A_55], %mul3A_70 : memref<128x16xf32, #tpu.memory_space<vmem>>[vector<16xi32>, vector<16xi32>], vector<16xf32>,
        %add3A_71 = arith.constant 1 : i32
        %add3A_72 = vector.broadcast %add3A_71 : i32 to vector<16xi32>
        %add3A_73 = arith.addi %broadcast_in_dim3A, %add3A_72 : vector<16xi32>
        %gather3A_74 = tpu.vector_load_idx %arg10[%xor3A, %add3A_2, %add3A_73] : memref<1x3x128xi32, #tpu.memory_space<vmem>>[vector<16xi32>, vector<16xi32>, vector<16xi32>], vector<16xi32>,
        %bitcast3A_75 = vector.bitcast %gather3A_74 : vector<16xi32> to vector<16xf32>
        %gather3A_76 = tpu.vector_load_idx %arg11[%add3A_73, %iota3A_55] : memref<128x16xf32, #tpu.memory_space<vmem>>[vector<16xi32>, vector<16xi32>], vector<16xf32>,
        %mul3A_77 = arith.mulf %gather3A_76, %bitcast3A_75 : vector<16xf32>
        tpu.vector_store_idx %arg11[%add3A_73, %iota3A_55], %mul3A_77 : memref<128x16xf32, #tpu.memory_space<vmem>>[vector<16xi32>, vector<16xi32>], vector<16xf32>,
        %add3A_78 = arith.constant 2 : i32
        %add3A_79 = vector.broadcast %add3A_78 : i32 to vector<16xi32>
        %add3A_80 = arith.addi %broadcast_in_dim3A, %add3A_79 : vector<16xi32>
        %gather3A_81 = tpu.vector_load_idx %arg10[%xor3A, %add3A_2, %add3A_80] : memref<1x3x128xi32, #tpu.memory_space<vmem>>[vector<16xi32>, vector<16xi32>, vector<16xi32>], vector<16xi32>,
        %bitcast3A_82 = vector.bitcast %gather3A_81 : vector<16xi32> to vector<16xf32>
        %gather3A_83 = tpu.vector_load_idx %arg11[%add3A_80, %iota3A_55] : memref<128x16xf32, #tpu.memory_space<vmem>>[vector<16xi32>, vector<16xi32>], vector<16xf32>,
        %mul3A_84 = arith.mulf %gather3A_83, %bitcast3A_82 : vector<16xf32>
        tpu.vector_store_idx %arg11[%add3A_80, %iota3A_55], %mul3A_84 : memref<128x16xf32, #tpu.memory_space<vmem>>[vector<16xi32>, vector<16xi32>], vector<16xf32>,
        %add3A_85 = arith.constant 3 : i32
        %add3A_86 = vector.broadcast %add3A_85 : i32 to vector<16xi32>
        %add3A_87 = arith.addi %broadcast_in_dim3A, %add3A_86 : vector<16xi32>
        %gather3A_88 = tpu.vector_load_idx %arg10[%xor3A, %add3A_2, %add3A_87] : memref<1x3x128xi32, #tpu.memory_space<vmem>>[vector<16xi32>, vector<16xi32>, vector<16xi32>], vector<16xi32>,
        %bitcast3A_89 = vector.bitcast %gather3A_88 : vector<16xi32> to vector<16xf32>
        %gather3A_90 = tpu.vector_load_idx %arg11[%add3A_87, %iota3A_55] : memref<128x16xf32, #tpu.memory_space<vmem>>[vector<16xi32>, vector<16xi32>], vector<16xf32>,
        %mul3A_91 = arith.mulf %gather3A_90, %bitcast3A_89 : vector<16xf32>
        tpu.vector_store_idx %arg11[%add3A_87, %iota3A_55], %mul3A_91 : memref<128x16xf32, #tpu.memory_space<vmem>>[vector<16xi32>, vector<16xi32>], vector<16xf32>,
      }
      %scan3A_61 = arith.constant 32 : i32
      %run_scoped3A = arith.constant 0 : i32
      %run_scoped3A_62 = arith.constant 1 : i32
      "tpu.region"() ({
        %run_scoped3A_63 = tpu.sem_alloc : memref<!tpu.dma_semaphore, #tpu.memory_space<semaphore_mem>>
        %dma_start3A_64 = arith.constant 0 : i32
        %dma_start3A_65 = tpu.memref_slice %arg10[%run_scoped3A, %run_scoped3A_62, %dma_start3A_64] : memref<1x3x128xi32, #tpu.memory_space<vmem>> -> memref<1x1x128xi32, #tpu.memory_space<vmem>>
        %dma_start3A_66 = tpu.memref_squeeze %dma_start3A_65 : memref<1x1x128xi32, #tpu.memory_space<vmem>> -> memref<128xi32, #tpu.memory_space<vmem>>
        %dma_start3A_67 = arith.constant 0 : i32
        %dma_start3A_68 = arith.constant 0 : i32
        %dma_start3A_69 = tpu.memref_slice %arg14[%dma_start3A_67, %dma_start3A_68] : memref<21248x16xf32, #tpu.memory_space<vmem_shared>> -> memref<21248x16xf32, #tpu.memory_space<vmem_shared>>
        tpu.enqueue_indirect_dma source(%arg11 : memref<128x16xf32, #tpu.memory_space<vmem>>) target(%dma_start3A_69 : memref<21248x16xf32, #tpu.memory_space<vmem_shared>>) offsets(%dma_start3A_66 : memref<128xi32, #tpu.memory_space<vmem>>) semaphore(%run_scoped3A_63 : memref<!tpu.dma_semaphore, #tpu.memory_space<semaphore_mem>>) {add = true}
        %dma_wait3A_70 = arith.constant 0 : i32
        %dma_wait3A_71 = tpu.memref_slice %arg10[%run_scoped3A, %run_scoped3A_62, %dma_wait3A_70] : memref<1x3x128xi32, #tpu.memory_space<vmem>> -> memref<1x1x128xi32, #tpu.memory_space<vmem>>
        %dma_wait3A_72 = tpu.memref_squeeze %dma_wait3A_71 : memref<1x1x128xi32, #tpu.memory_space<vmem>> -> memref<128xi32, #tpu.memory_space<vmem>>
        %dma_wait3A_73 = arith.constant 0 : i32
        %dma_wait3A_74 = arith.constant 0 : i32
        %dma_wait3A_75 = tpu.memref_slice %arg14[%dma_wait3A_73, %dma_wait3A_74] : memref<21248x16xf32, #tpu.memory_space<vmem_shared>> -> memref<21248x16xf32, #tpu.memory_space<vmem_shared>>
        tpu.wait_indirect_dma semaphore(%run_scoped3A_63 : memref<!tpu.dma_semaphore, #tpu.memory_space<semaphore_mem>>) src(%arg11 : memref<128x16xf32, #tpu.memory_space<vmem>>) dst(%dma_wait3A_75 : memref<21248x16xf32, #tpu.memory_space<vmem_shared>>)
        tpu.yield
      }) : () -> ()
    }
    %scan3A_27 = arith.constant 112 : i32
    %barrier3A_28 = arith.constant 0 : index
    tpu.barrier barrier_id(%barrier3A_28)
    "tpu.region"() ({
      %run_scoped3A = tpu.sem_alloc : memref<!tpu.dma_semaphore, #tpu.memory_space<semaphore_mem>>
      %dma_start3A = arith.constant 0 : i32
      %dma_start3A_39 = tpu.memref_slice %arg14[%mul3A_0, %dma_start3A] : memref<21248x16xf32, #tpu.memory_space<vmem_shared>> -> memref<1328x16xf32, #tpu.memory_space<vmem_shared>>
      %dma_start3A_40 = arith.constant 0 : i32
      %dma_start3A_41 = tpu.memref_slice %arg14[%mul3A_0, %dma_start3A_40] : memref<21248x16xf32, #tpu.memory_space<vmem_shared>> -> memref<1328x16xf32, #tpu.memory_space<vmem_shared>>
      tpu.enqueue_dma source(%dma_start3A_41 : memref<1328x16xf32, #tpu.memory_space<vmem_shared>>) target(%arg13 : memref<1328x16xf32, #tpu.memory_space<vmem>>) target_semaphore(%run_scoped3A : memref<!tpu.dma_semaphore, #tpu.memory_space<semaphore_mem>>)
      %dma_wait3A = arith.constant 0 : i32
      %dma_wait3A_42 = tpu.memref_slice %arg14[%mul3A_0, %dma_wait3A] : memref<21248x16xf32, #tpu.memory_space<vmem_shared>> -> memref<1328x16xf32, #tpu.memory_space<vmem_shared>>
      %dma_wait3A_43 = arith.constant 0 : i32
      %dma_wait3A_44 = tpu.memref_slice %arg14[%mul3A_0, %dma_wait3A_43] : memref<21248x16xf32, #tpu.memory_space<vmem_shared>> -> memref<1328x16xf32, #tpu.memory_space<vmem_shared>>
      tpu.wait_dma2 semaphore(%run_scoped3A : memref<!tpu.dma_semaphore, #tpu.memory_space<semaphore_mem>>) src(%dma_wait3A_44 : memref<1328x16xf32, #tpu.memory_space<vmem_shared>>) dst(%arg13 : memref<1328x16xf32, #tpu.memory_space<vmem>>)
      tpu.yield
    }) : () -> ()
    "tpu.region"() ({
      %run_scoped3A = tpu.sem_alloc : memref<!tpu.dma_semaphore, #tpu.memory_space<semaphore_mem>>
      %dma_start3A = arith.constant 0 : i32
      %dma_start3A_39 = tpu.memref_slice %arg14[%mul3A_0, %dma_start3A] : memref<21248x16xf32, #tpu.memory_space<vmem_shared>> -> memref<1328x16xf32, #tpu.memory_space<vmem_shared>>
      %dma_start3A_40 = arith.constant 0 : i32
      %dma_start3A_41 = tpu.memref_slice %arg14[%mul3A_0, %dma_start3A_40] : memref<21248x16xf32, #tpu.memory_space<vmem_shared>> -> memref<1328x16xf32, #tpu.memory_space<vmem_shared>>
      tpu.enqueue_dma source(%arg12 : memref<1328x16xf32, #tpu.memory_space<vmem>>) target(%dma_start3A_41 : memref<1328x16xf32, #tpu.memory_space<vmem_shared>>) target_semaphore(%run_scoped3A : memref<!tpu.dma_semaphore, #tpu.memory_space<semaphore_mem>>)
      %dma_wait3A = arith.constant 0 : i32
      %dma_wait3A_42 = tpu.memref_slice %arg14[%mul3A_0, %dma_wait3A] : memref<21248x16xf32, #tpu.memory_space<vmem_shared>> -> memref<1328x16xf32, #tpu.memory_space<vmem_shared>>
      %dma_wait3A_43 = arith.constant 0 : i32
      %dma_wait3A_44 = tpu.memref_slice %arg14[%mul3A_0, %dma_wait3A_43] : memref<21248x16xf32, #tpu.memory_space<vmem_shared>> -> memref<1328x16xf32, #tpu.memory_space<vmem_shared>>
      tpu.wait_dma2 semaphore(%run_scoped3A : memref<!tpu.dma_semaphore, #tpu.memory_space<semaphore_mem>>) src(%arg12 : memref<1328x16xf32, #tpu.memory_space<vmem>>) dst(%dma_wait3A_44 : memref<1328x16xf32, #tpu.memory_space<vmem_shared>>)
      tpu.yield
    }) : () -> ()
    %eq3A_29 = arith.constant 0 : i32
    %eq3A_30 = arith.cmpi eq, %arg0, %eq3A_29 : i32
    %convert_element_type3A_31 = arith.extui %eq3A_30 : i1 to i32
    %cond3A_32 = arith.constant 0 : i32
    %cond3A_33 = arith.cmpi ne, %convert_element_type3A_31, %cond3A_32 : i32
    scf.if %cond3A_33 {
      "tpu.region"() ({
        %run_scoped3A = tpu.sem_alloc : memref<!tpu.dma_semaphore, #tpu.memory_space<semaphore_mem>>
        %dma_start3A = arith.constant 0 : i32
        %dma_start3A_39 = tpu.memref_slice %arg7[%mul3A_0, %dma_start3A] : memref<21248x16xf32, #tpu.memory_space<hbm>> -> memref<1328x16xf32, #tpu.memory_space<hbm>>
        %dma_start3A_40 = arith.constant 0 : i32
        %dma_start3A_41 = tpu.memref_slice %arg7[%mul3A_0, %dma_start3A_40] : memref<21248x16xf32, #tpu.memory_space<hbm>> -> memref<1328x16xf32, #tpu.memory_space<hbm>>
        tpu.enqueue_dma source(%arg13 : memref<1328x16xf32, #tpu.memory_space<vmem>>) target(%dma_start3A_41 : memref<1328x16xf32, #tpu.memory_space<hbm>>) target_semaphore(%run_scoped3A : memref<!tpu.dma_semaphore, #tpu.memory_space<semaphore_mem>>)
        %dma_wait3A = arith.constant 0 : i32
        %dma_wait3A_42 = tpu.memref_slice %arg7[%mul3A_0, %dma_wait3A] : memref<21248x16xf32, #tpu.memory_space<hbm>> -> memref<1328x16xf32, #tpu.memory_space<hbm>>
        %dma_wait3A_43 = arith.constant 0 : i32
        %dma_wait3A_44 = tpu.memref_slice %arg7[%mul3A_0, %dma_wait3A_43] : memref<21248x16xf32, #tpu.memory_space<hbm>> -> memref<1328x16xf32, #tpu.memory_space<hbm>>
        tpu.wait_dma2 semaphore(%run_scoped3A : memref<!tpu.dma_semaphore, #tpu.memory_space<semaphore_mem>>) src(%arg13 : memref<1328x16xf32, #tpu.memory_space<vmem>>) dst(%dma_wait3A_44 : memref<1328x16xf32, #tpu.memory_space<hbm>>)
        tpu.yield
      }) : () -> ()
    } else {
    }
    %eq3A_34 = arith.constant 1 : i32
    %eq3A_35 = arith.cmpi eq, %arg0, %eq3A_34 : i32
    %convert_element_type3A_36 = arith.extui %eq3A_35 : i1 to i32
    %cond3A_37 = arith.constant 0 : i32
    %cond3A_38 = arith.cmpi ne, %convert_element_type3A_36, %cond3A_37 : i32
    scf.if %cond3A_38 {
      "tpu.region"() ({
        %run_scoped3A = tpu.sem_alloc : memref<!tpu.dma_semaphore, #tpu.memory_space<semaphore_mem>>
        %dma_start3A = arith.constant 0 : i32
        %dma_start3A_39 = tpu.memref_slice %arg9[%mul3A_0, %dma_start3A] : memref<21248x16xf32, #tpu.memory_space<hbm>> -> memref<1328x16xf32, #tpu.memory_space<hbm>>
        %dma_start3A_40 = arith.constant 0 : i32
        %dma_start3A_41 = tpu.memref_slice %arg9[%mul3A_0, %dma_start3A_40] : memref<21248x16xf32, #tpu.memory_space<hbm>> -> memref<1328x16xf32, #tpu.memory_space<hbm>>
        tpu.enqueue_dma source(%arg13 : memref<1328x16xf32, #tpu.memory_space<vmem>>) target(%dma_start3A_41 : memref<1328x16xf32, #tpu.memory_space<hbm>>) target_semaphore(%run_scoped3A : memref<!tpu.dma_semaphore, #tpu.memory_space<semaphore_mem>>)
        %dma_wait3A = arith.constant 0 : i32
        %dma_wait3A_42 = tpu.memref_slice %arg9[%mul3A_0, %dma_wait3A] : memref<21248x16xf32, #tpu.memory_space<hbm>> -> memref<1328x16xf32, #tpu.memory_space<hbm>>
        %dma_wait3A_43 = arith.constant 0 : i32
        %dma_wait3A_44 = tpu.memref_slice %arg9[%mul3A_0, %dma_wait3A_43] : memref<21248x16xf32, #tpu.memory_space<hbm>> -> memref<1328x16xf32, #tpu.memory_space<hbm>>
        tpu.wait_dma2 semaphore(%run_scoped3A : memref<!tpu.dma_semaphore, #tpu.memory_space<semaphore_mem>>) src(%arg13 : memref<1328x16xf32, #tpu.memory_space<vmem>>) dst(%dma_wait3A_44 : memref<1328x16xf32, #tpu.memory_space<hbm>>)
        tpu.yield
      }) : () -> ()
    } else {
    }
    return
  }
}

#map = affine_map<(d0, d1) -> (0, 0)>
#map1 = affine_map<(d0, d1) -> (0, 0, 0)>
module attributes {stable_mosaic.version = 14 : i64} {
  func.func @body(%arg0: i32, %arg1: i32, %arg2: memref<21120x16xf32, #tpu.memory_space<hbm>>, %arg3: memref<21120x16xf32, #tpu.memory_space<hbm>>, %arg4: memref<21120x16xf32, #tpu.memory_space<hbm>>, %arg5: memref<21120x16xf32, #tpu.memory_space<hbm>>, %arg6: memref<3584x3x128xi32, #tpu.memory_space<hbm>>, %arg7: memref<21248x16xf32, #tpu.memory_space<hbm>>, %arg8: memref<21248x16xf32, #tpu.memory_space<hbm>>, %arg9: memref<21248x16xf32, #tpu.memory_space<hbm>>, %arg10: memref<21248x16xf32, #tpu.memory_space<hbm>>, %arg11: memref<21248x16xf32, #tpu.memory_space<hbm>>, %arg12: memref<21248x16xf32, #tpu.memory_space<hbm>>, %arg13: memref<21248x16xf32, #tpu.memory_space<hbm>>, %arg14: memref<21248x16xf32, #tpu.memory_space<hbm>>, %arg15: memref<21248x16xf32, #tpu.memory_space<hbm>>, %arg16: memref<1x3x128xi32, #tpu.memory_space<vmem>>, %arg17: memref<128x16xf32, #tpu.memory_space<vmem>>, %arg18: memref<1328x16xf32, #tpu.memory_space<vmem>>, %arg19: memref<1328x16xf32, #tpu.memory_space<vmem>>, %arg20: memref<21248x16xf32, #tpu.memory_space<vmem_shared>>, %arg21: memref<!tpu.dma_semaphore, #tpu.memory_space<semaphore_mem>>) attributes {dimension_semantics = [#tpu.dimension_semantics<core_parallel>, #tpu.dimension_semantics<subcore_parallel>], iteration_bounds = array<i64: 2, 16>, scalar_prefetch = 0 : i64, scratch_operands = 6 : i64, tpu.core_type = #tpu.core_type<sc_vector_subcore>, window_params = [{transform_indices = #map}, {transform_indices = #map}, {transform_indices = #map}, {transform_indices = #map}, {transform_indices = #map1}, {transform_indices = #map}, {transform_indices = #map}, {transform_indices = #map}, {transform_indices = #map}, {transform_indices = #map}, {transform_indices = #map}, {transform_indices = #map}, {transform_indices = #map}, {transform_indices = #map}]} {
    %mul3A = arith.constant 1328 : i32
    %mul3A_0 = arith.muli %arg1, %mul3A : i32
    %iota3A = tpu.iota {dimensions = array<i32: 0>} : vector<16xi32>
    %xor3A = arith.xori %iota3A, %iota3A : vector<16xi32>
    %add3A = arith.constant 2 : i32
    %add3A_1 = vector.broadcast %add3A : i32 to vector<16xi32>
    %add3A_2 = arith.addi %xor3A, %add3A_1 : vector<16xi32>
    "tpu.region"() ({
      %run_scoped3A = tpu.sem_alloc : memref<!tpu.dma_semaphore, #tpu.memory_space<semaphore_mem>>
      %dma_start3A = arith.constant 0 : i32
      %dma_start3A_75 = tpu.memref_slice %arg7[%mul3A_0, %dma_start3A] : memref<21248x16xf32, #tpu.memory_space<hbm>> -> memref<1328x16xf32, #tpu.memory_space<hbm>>
      %dma_start3A_76 = arith.constant 0 : i32
      %dma_start3A_77 = tpu.memref_slice %arg7[%mul3A_0, %dma_start3A_76] : memref<21248x16xf32, #tpu.memory_space<hbm>> -> memref<1328x16xf32, #tpu.memory_space<hbm>>
      tpu.enqueue_dma source(%dma_start3A_77 : memref<1328x16xf32, #tpu.memory_space<hbm>>) target(%arg18 : memref<1328x16xf32, #tpu.memory_space<vmem>>) target_semaphore(%run_scoped3A : memref<!tpu.dma_semaphore, #tpu.memory_space<semaphore_mem>>)
      %dma_wait3A = arith.constant 0 : i32
      %dma_wait3A_78 = tpu.memref_slice %arg7[%mul3A_0, %dma_wait3A] : memref<21248x16xf32, #tpu.memory_space<hbm>> -> memref<1328x16xf32, #tpu.memory_space<hbm>>
      %dma_wait3A_79 = arith.constant 0 : i32
      %dma_wait3A_80 = tpu.memref_slice %arg7[%mul3A_0, %dma_wait3A_79] : memref<21248x16xf32, #tpu.memory_space<hbm>> -> memref<1328x16xf32, #tpu.memory_space<hbm>>
      tpu.wait_dma2 semaphore(%run_scoped3A : memref<!tpu.dma_semaphore, #tpu.memory_space<semaphore_mem>>) src(%dma_wait3A_80 : memref<1328x16xf32, #tpu.memory_space<hbm>>) dst(%arg18 : memref<1328x16xf32, #tpu.memory_space<vmem>>)
      tpu.yield
    }) : () -> ()
    "tpu.region"() ({
      %run_scoped3A = tpu.sem_alloc : memref<!tpu.dma_semaphore, #tpu.memory_space<semaphore_mem>>
      %dma_start3A = arith.constant 0 : i32
      %dma_start3A_75 = tpu.memref_slice %arg20[%mul3A_0, %dma_start3A] : memref<21248x16xf32, #tpu.memory_space<vmem_shared>> -> memref<1328x16xf32, #tpu.memory_space<vmem_shared>>
      %dma_start3A_76 = arith.constant 0 : i32
      %dma_start3A_77 = tpu.memref_slice %arg20[%mul3A_0, %dma_start3A_76] : memref<21248x16xf32, #tpu.memory_space<vmem_shared>> -> memref<1328x16xf32, #tpu.memory_space<vmem_shared>>
      tpu.enqueue_dma source(%arg18 : memref<1328x16xf32, #tpu.memory_space<vmem>>) target(%dma_start3A_77 : memref<1328x16xf32, #tpu.memory_space<vmem_shared>>) target_semaphore(%run_scoped3A : memref<!tpu.dma_semaphore, #tpu.memory_space<semaphore_mem>>)
      %dma_wait3A = arith.constant 0 : i32
      %dma_wait3A_78 = tpu.memref_slice %arg20[%mul3A_0, %dma_wait3A] : memref<21248x16xf32, #tpu.memory_space<vmem_shared>> -> memref<1328x16xf32, #tpu.memory_space<vmem_shared>>
      %dma_wait3A_79 = arith.constant 0 : i32
      %dma_wait3A_80 = tpu.memref_slice %arg20[%mul3A_0, %dma_wait3A_79] : memref<21248x16xf32, #tpu.memory_space<vmem_shared>> -> memref<1328x16xf32, #tpu.memory_space<vmem_shared>>
      tpu.wait_dma2 semaphore(%run_scoped3A : memref<!tpu.dma_semaphore, #tpu.memory_space<semaphore_mem>>) src(%arg18 : memref<1328x16xf32, #tpu.memory_space<vmem>>) dst(%dma_wait3A_80 : memref<1328x16xf32, #tpu.memory_space<vmem_shared>>)
      tpu.yield
    }) : () -> ()
    %mul3A_3 = arith.constant 2 : i32
    %mul3A_4 = arith.muli %arg1, %mul3A_3 : i32
    %add3A_5 = arith.addi %mul3A_4, %arg0 : i32
    %mul3A_6 = arith.constant 112 : i32
    %mul3A_7 = arith.muli %add3A_5, %mul3A_6 : i32
    %barrier3A = arith.constant 0 : index
    tpu.barrier barrier_id(%barrier3A)
    %scan3A = arith.constant 0 : i32
    %scan3A_8 = arith.constant 0 : i32
    %scan3A_9 = arith.constant 112 : i32
    %scan3A_10 = arith.addi %scan3A_8, %scan3A_9 : i32
    %scan3A_11 = arith.constant 1 : i32
    scf.for %scan3A_75 = %scan3A_8 to %scan3A_10 step %scan3A_11  : i32 {
      %add3A_76 = arith.addi %mul3A_7, %scan3A_75 : i32
      "tpu.region"() ({
        %run_scoped3A_99 = tpu.sem_alloc : memref<!tpu.dma_semaphore, #tpu.memory_space<semaphore_mem>>
        %dma_start3A_100 = arith.constant 0 : i32
        %dma_start3A_101 = arith.constant 0 : i32
        %dma_start3A_102 = tpu.memref_slice %arg6[%add3A_76, %dma_start3A_100, %dma_start3A_101] : memref<3584x3x128xi32, #tpu.memory_space<hbm>> -> memref<1x3x128xi32, #tpu.memory_space<hbm>>
        %dma_start3A_103 = arith.constant 0 : i32
        %dma_start3A_104 = arith.constant 0 : i32
        %dma_start3A_105 = tpu.memref_slice %arg6[%add3A_76, %dma_start3A_103, %dma_start3A_104] : memref<3584x3x128xi32, #tpu.memory_space<hbm>> -> memref<1x3x128xi32, #tpu.memory_space<hbm>>
        tpu.enqueue_dma source(%dma_start3A_105 : memref<1x3x128xi32, #tpu.memory_space<hbm>>) target(%arg16 : memref<1x3x128xi32, #tpu.memory_space<vmem>>) target_semaphore(%run_scoped3A_99 : memref<!tpu.dma_semaphore, #tpu.memory_space<semaphore_mem>>)
        %dma_wait3A_106 = arith.constant 0 : i32
        %dma_wait3A_107 = arith.constant 0 : i32
        %dma_wait3A_108 = tpu.memref_slice %arg6[%add3A_76, %dma_wait3A_106, %dma_wait3A_107] : memref<3584x3x128xi32, #tpu.memory_space<hbm>> -> memref<1x3x128xi32, #tpu.memory_space<hbm>>
        %dma_wait3A_109 = arith.constant 0 : i32
        %dma_wait3A_110 = arith.constant 0 : i32
        %dma_wait3A_111 = tpu.memref_slice %arg6[%add3A_76, %dma_wait3A_109, %dma_wait3A_110] : memref<3584x3x128xi32, #tpu.memory_space<hbm>> -> memref<1x3x128xi32, #tpu.memory_space<hbm>>
        tpu.wait_dma2 semaphore(%run_scoped3A_99 : memref<!tpu.dma_semaphore, #tpu.memory_space<semaphore_mem>>) src(%dma_wait3A_111 : memref<1x3x128xi32, #tpu.memory_space<hbm>>) dst(%arg16 : memref<1x3x128xi32, #tpu.memory_space<vmem>>)
        tpu.yield
      }) : () -> ()
      %dma_start3A = arith.constant 0 : i32
      %dma_start3A_77 = arith.constant 0 : i32
      %dma_start3A_78 = arith.constant 0 : i32
      %dma_start3A_79 = tpu.memref_slice %arg16[%dma_start3A, %dma_start3A_77, %dma_start3A_78] : memref<1x3x128xi32, #tpu.memory_space<vmem>> -> memref<1x1x128xi32, #tpu.memory_space<vmem>>
      %dma_start3A_80 = tpu.memref_squeeze %dma_start3A_79 : memref<1x1x128xi32, #tpu.memory_space<vmem>> -> memref<128xi32, #tpu.memory_space<vmem>>
      %dma_start3A_81 = arith.constant 0 : i32
      %dma_start3A_82 = arith.constant 0 : i32
      %dma_start3A_83 = tpu.memref_slice %arg2[%dma_start3A_81, %dma_start3A_82] : memref<21120x16xf32, #tpu.memory_space<hbm>> -> memref<21120x16xf32, #tpu.memory_space<hbm>>
      tpu.enqueue_indirect_dma source(%dma_start3A_83 : memref<21120x16xf32, #tpu.memory_space<hbm>>) target(%arg17 : memref<128x16xf32, #tpu.memory_space<vmem>>) offsets(%dma_start3A_80 : memref<128xi32, #tpu.memory_space<vmem>>) semaphore(%arg21 : memref<!tpu.dma_semaphore, #tpu.memory_space<semaphore_mem>>)
      %dma_wait3A = arith.constant 0 : i32
      %dma_wait3A_84 = arith.constant 0 : i32
      %dma_wait3A_85 = arith.constant 0 : i32
      %dma_wait3A_86 = tpu.memref_slice %arg16[%dma_wait3A, %dma_wait3A_84, %dma_wait3A_85] : memref<1x3x128xi32, #tpu.memory_space<vmem>> -> memref<1x1x128xi32, #tpu.memory_space<vmem>>
      %dma_wait3A_87 = tpu.memref_squeeze %dma_wait3A_86 : memref<1x1x128xi32, #tpu.memory_space<vmem>> -> memref<128xi32, #tpu.memory_space<vmem>>
      %dma_wait3A_88 = arith.constant 0 : i32
      %dma_wait3A_89 = arith.constant 0 : i32
      %dma_wait3A_90 = tpu.memref_slice %arg2[%dma_wait3A_88, %dma_wait3A_89] : memref<21120x16xf32, #tpu.memory_space<hbm>> -> memref<21120x16xf32, #tpu.memory_space<hbm>>
      tpu.wait_indirect_dma semaphore(%arg21 : memref<!tpu.dma_semaphore, #tpu.memory_space<semaphore_mem>>) src(%dma_wait3A_90 : memref<21120x16xf32, #tpu.memory_space<hbm>>) dst(%arg17 : memref<128x16xf32, #tpu.memory_space<vmem>>)
      %iota3A_91 = tpu.iota {dimensions = array<i32: 0>} : vector<16xi32>
      %scan3A_92 = arith.constant 0 : i32
      %scan3A_93 = arith.constant 0 : i32
      %scan3A_94 = arith.constant 32 : i32
      %scan3A_95 = arith.addi %scan3A_93, %scan3A_94 : i32
      %scan3A_96 = arith.constant 1 : i32
      scf.for %scan3A_99 = %scan3A_93 to %scan3A_95 step %scan3A_96  : i32 {
        %mul3A_100 = arith.constant 4 : i32
        %mul3A_101 = arith.muli %scan3A_99, %mul3A_100 : i32
        %broadcast_in_dim3A = vector.broadcast %mul3A_101 : i32 to vector<16xi32>
        %add3A_102 = arith.constant 0 : i32
        %add3A_103 = vector.broadcast %add3A_102 : i32 to vector<16xi32>
        %add3A_104 = arith.addi %broadcast_in_dim3A, %add3A_103 : vector<16xi32>
        %gather3A = tpu.vector_load_idx %arg16[%xor3A, %add3A_2, %add3A_104] : memref<1x3x128xi32, #tpu.memory_space<vmem>>[vector<16xi32>, vector<16xi32>, vector<16xi32>], vector<16xi32>,
        %bitcast3A = vector.bitcast %gather3A : vector<16xi32> to vector<16xf32>
        %gather3A_105 = tpu.vector_load_idx %arg17[%add3A_104, %iota3A_91] : memref<128x16xf32, #tpu.memory_space<vmem>>[vector<16xi32>, vector<16xi32>], vector<16xf32>,
        %mul3A_106 = arith.mulf %gather3A_105, %bitcast3A : vector<16xf32>
        tpu.vector_store_idx %arg17[%add3A_104, %iota3A_91], %mul3A_106 : memref<128x16xf32, #tpu.memory_space<vmem>>[vector<16xi32>, vector<16xi32>], vector<16xf32>,
        %add3A_107 = arith.constant 1 : i32
        %add3A_108 = vector.broadcast %add3A_107 : i32 to vector<16xi32>
        %add3A_109 = arith.addi %broadcast_in_dim3A, %add3A_108 : vector<16xi32>
        %gather3A_110 = tpu.vector_load_idx %arg16[%xor3A, %add3A_2, %add3A_109] : memref<1x3x128xi32, #tpu.memory_space<vmem>>[vector<16xi32>, vector<16xi32>, vector<16xi32>], vector<16xi32>,
        %bitcast3A_111 = vector.bitcast %gather3A_110 : vector<16xi32> to vector<16xf32>
        %gather3A_112 = tpu.vector_load_idx %arg17[%add3A_109, %iota3A_91] : memref<128x16xf32, #tpu.memory_space<vmem>>[vector<16xi32>, vector<16xi32>], vector<16xf32>,
        %mul3A_113 = arith.mulf %gather3A_112, %bitcast3A_111 : vector<16xf32>
        tpu.vector_store_idx %arg17[%add3A_109, %iota3A_91], %mul3A_113 : memref<128x16xf32, #tpu.memory_space<vmem>>[vector<16xi32>, vector<16xi32>], vector<16xf32>,
        %add3A_114 = arith.constant 2 : i32
        %add3A_115 = vector.broadcast %add3A_114 : i32 to vector<16xi32>
        %add3A_116 = arith.addi %broadcast_in_dim3A, %add3A_115 : vector<16xi32>
        %gather3A_117 = tpu.vector_load_idx %arg16[%xor3A, %add3A_2, %add3A_116] : memref<1x3x128xi32, #tpu.memory_space<vmem>>[vector<16xi32>, vector<16xi32>, vector<16xi32>], vector<16xi32>,
        %bitcast3A_118 = vector.bitcast %gather3A_117 : vector<16xi32> to vector<16xf32>
        %gather3A_119 = tpu.vector_load_idx %arg17[%add3A_116, %iota3A_91] : memref<128x16xf32, #tpu.memory_space<vmem>>[vector<16xi32>, vector<16xi32>], vector<16xf32>,
        %mul3A_120 = arith.mulf %gather3A_119, %bitcast3A_118 : vector<16xf32>
        tpu.vector_store_idx %arg17[%add3A_116, %iota3A_91], %mul3A_120 : memref<128x16xf32, #tpu.memory_space<vmem>>[vector<16xi32>, vector<16xi32>], vector<16xf32>,
        %add3A_121 = arith.constant 3 : i32
        %add3A_122 = vector.broadcast %add3A_121 : i32 to vector<16xi32>
        %add3A_123 = arith.addi %broadcast_in_dim3A, %add3A_122 : vector<16xi32>
        %gather3A_124 = tpu.vector_load_idx %arg16[%xor3A, %add3A_2, %add3A_123] : memref<1x3x128xi32, #tpu.memory_space<vmem>>[vector<16xi32>, vector<16xi32>, vector<16xi32>], vector<16xi32>,
        %bitcast3A_125 = vector.bitcast %gather3A_124 : vector<16xi32> to vector<16xf32>
        %gather3A_126 = tpu.vector_load_idx %arg17[%add3A_123, %iota3A_91] : memref<128x16xf32, #tpu.memory_space<vmem>>[vector<16xi32>, vector<16xi32>], vector<16xf32>,
        %mul3A_127 = arith.mulf %gather3A_126, %bitcast3A_125 : vector<16xf32>
        tpu.vector_store_idx %arg17[%add3A_123, %iota3A_91], %mul3A_127 : memref<128x16xf32, #tpu.memory_space<vmem>>[vector<16xi32>, vector<16xi32>], vector<16xf32>,
      }
      %scan3A_97 = arith.constant 32 : i32
      %run_scoped3A = arith.constant 0 : i32
      %run_scoped3A_98 = arith.constant 1 : i32
      "tpu.region"() ({
        %run_scoped3A_99 = tpu.sem_alloc : memref<!tpu.dma_semaphore, #tpu.memory_space<semaphore_mem>>
        %dma_start3A_100 = arith.constant 0 : i32
        %dma_start3A_101 = tpu.memref_slice %arg16[%run_scoped3A, %run_scoped3A_98, %dma_start3A_100] : memref<1x3x128xi32, #tpu.memory_space<vmem>> -> memref<1x1x128xi32, #tpu.memory_space<vmem>>
        %dma_start3A_102 = tpu.memref_squeeze %dma_start3A_101 : memref<1x1x128xi32, #tpu.memory_space<vmem>> -> memref<128xi32, #tpu.memory_space<vmem>>
        %dma_start3A_103 = arith.constant 0 : i32
        %dma_start3A_104 = arith.constant 0 : i32
        %dma_start3A_105 = tpu.memref_slice %arg20[%dma_start3A_103, %dma_start3A_104] : memref<21248x16xf32, #tpu.memory_space<vmem_shared>> -> memref<21248x16xf32, #tpu.memory_space<vmem_shared>>
        tpu.enqueue_indirect_dma source(%arg17 : memref<128x16xf32, #tpu.memory_space<vmem>>) target(%dma_start3A_105 : memref<21248x16xf32, #tpu.memory_space<vmem_shared>>) offsets(%dma_start3A_102 : memref<128xi32, #tpu.memory_space<vmem>>) semaphore(%run_scoped3A_99 : memref<!tpu.dma_semaphore, #tpu.memory_space<semaphore_mem>>) {add = true}
        %dma_wait3A_106 = arith.constant 0 : i32
        %dma_wait3A_107 = tpu.memref_slice %arg16[%run_scoped3A, %run_scoped3A_98, %dma_wait3A_106] : memref<1x3x128xi32, #tpu.memory_space<vmem>> -> memref<1x1x128xi32, #tpu.memory_space<vmem>>
        %dma_wait3A_108 = tpu.memref_squeeze %dma_wait3A_107 : memref<1x1x128xi32, #tpu.memory_space<vmem>> -> memref<128xi32, #tpu.memory_space<vmem>>
        %dma_wait3A_109 = arith.constant 0 : i32
        %dma_wait3A_110 = arith.constant 0 : i32
        %dma_wait3A_111 = tpu.memref_slice %arg20[%dma_wait3A_109, %dma_wait3A_110] : memref<21248x16xf32, #tpu.memory_space<vmem_shared>> -> memref<21248x16xf32, #tpu.memory_space<vmem_shared>>
        tpu.wait_indirect_dma semaphore(%run_scoped3A_99 : memref<!tpu.dma_semaphore, #tpu.memory_space<semaphore_mem>>) src(%arg17 : memref<128x16xf32, #tpu.memory_space<vmem>>) dst(%dma_wait3A_111 : memref<21248x16xf32, #tpu.memory_space<vmem_shared>>)
        tpu.yield
      }) : () -> ()
    }
    %scan3A_12 = arith.constant 112 : i32
    %barrier3A_13 = arith.constant 0 : index
    tpu.barrier barrier_id(%barrier3A_13)
    "tpu.region"() ({
      %run_scoped3A = tpu.sem_alloc : memref<!tpu.dma_semaphore, #tpu.memory_space<semaphore_mem>>
      %dma_start3A = arith.constant 0 : i32
      %dma_start3A_75 = tpu.memref_slice %arg20[%mul3A_0, %dma_start3A] : memref<21248x16xf32, #tpu.memory_space<vmem_shared>> -> memref<1328x16xf32, #tpu.memory_space<vmem_shared>>
      %dma_start3A_76 = arith.constant 0 : i32
      %dma_start3A_77 = tpu.memref_slice %arg20[%mul3A_0, %dma_start3A_76] : memref<21248x16xf32, #tpu.memory_space<vmem_shared>> -> memref<1328x16xf32, #tpu.memory_space<vmem_shared>>
      tpu.enqueue_dma source(%dma_start3A_77 : memref<1328x16xf32, #tpu.memory_space<vmem_shared>>) target(%arg19 : memref<1328x16xf32, #tpu.memory_space<vmem>>) target_semaphore(%run_scoped3A : memref<!tpu.dma_semaphore, #tpu.memory_space<semaphore_mem>>)
      %dma_wait3A = arith.constant 0 : i32
      %dma_wait3A_78 = tpu.memref_slice %arg20[%mul3A_0, %dma_wait3A] : memref<21248x16xf32, #tpu.memory_space<vmem_shared>> -> memref<1328x16xf32, #tpu.memory_space<vmem_shared>>
      %dma_wait3A_79 = arith.constant 0 : i32
      %dma_wait3A_80 = tpu.memref_slice %arg20[%mul3A_0, %dma_wait3A_79] : memref<21248x16xf32, #tpu.memory_space<vmem_shared>> -> memref<1328x16xf32, #tpu.memory_space<vmem_shared>>
      tpu.wait_dma2 semaphore(%run_scoped3A : memref<!tpu.dma_semaphore, #tpu.memory_space<semaphore_mem>>) src(%dma_wait3A_80 : memref<1328x16xf32, #tpu.memory_space<vmem_shared>>) dst(%arg19 : memref<1328x16xf32, #tpu.memory_space<vmem>>)
      tpu.yield
    }) : () -> ()
    "tpu.region"() ({
      %run_scoped3A = tpu.sem_alloc : memref<!tpu.dma_semaphore, #tpu.memory_space<semaphore_mem>>
      %dma_start3A = arith.constant 0 : i32
      %dma_start3A_75 = tpu.memref_slice %arg20[%mul3A_0, %dma_start3A] : memref<21248x16xf32, #tpu.memory_space<vmem_shared>> -> memref<1328x16xf32, #tpu.memory_space<vmem_shared>>
      %dma_start3A_76 = arith.constant 0 : i32
      %dma_start3A_77 = tpu.memref_slice %arg20[%mul3A_0, %dma_start3A_76] : memref<21248x16xf32, #tpu.memory_space<vmem_shared>> -> memref<1328x16xf32, #tpu.memory_space<vmem_shared>>
      tpu.enqueue_dma source(%arg18 : memref<1328x16xf32, #tpu.memory_space<vmem>>) target(%dma_start3A_77 : memref<1328x16xf32, #tpu.memory_space<vmem_shared>>) target_semaphore(%run_scoped3A : memref<!tpu.dma_semaphore, #tpu.memory_space<semaphore_mem>>)
      %dma_wait3A = arith.constant 0 : i32
      %dma_wait3A_78 = tpu.memref_slice %arg20[%mul3A_0, %dma_wait3A] : memref<21248x16xf32, #tpu.memory_space<vmem_shared>> -> memref<1328x16xf32, #tpu.memory_space<vmem_shared>>
      %dma_wait3A_79 = arith.constant 0 : i32
      %dma_wait3A_80 = tpu.memref_slice %arg20[%mul3A_0, %dma_wait3A_79] : memref<21248x16xf32, #tpu.memory_space<vmem_shared>> -> memref<1328x16xf32, #tpu.memory_space<vmem_shared>>
      tpu.wait_dma2 semaphore(%run_scoped3A : memref<!tpu.dma_semaphore, #tpu.memory_space<semaphore_mem>>) src(%arg18 : memref<1328x16xf32, #tpu.memory_space<vmem>>) dst(%dma_wait3A_80 : memref<1328x16xf32, #tpu.memory_space<vmem_shared>>)
      tpu.yield
    }) : () -> ()
    %eq3A = arith.constant 0 : i32
    %eq3A_14 = arith.cmpi eq, %arg0, %eq3A : i32
    %convert_element_type3A = arith.extui %eq3A_14 : i1 to i32
    %cond3A = arith.constant 0 : i32
    %cond3A_15 = arith.cmpi ne, %convert_element_type3A, %cond3A : i32
    scf.if %cond3A_15 {
      "tpu.region"() ({
        %run_scoped3A = tpu.sem_alloc : memref<!tpu.dma_semaphore, #tpu.memory_space<semaphore_mem>>
        %dma_start3A = arith.constant 0 : i32
        %dma_start3A_75 = tpu.memref_slice %arg8[%mul3A_0, %dma_start3A] : memref<21248x16xf32, #tpu.memory_space<hbm>> -> memref<1328x16xf32, #tpu.memory_space<hbm>>
        %dma_start3A_76 = arith.constant 0 : i32
        %dma_start3A_77 = tpu.memref_slice %arg8[%mul3A_0, %dma_start3A_76] : memref<21248x16xf32, #tpu.memory_space<hbm>> -> memref<1328x16xf32, #tpu.memory_space<hbm>>
        tpu.enqueue_dma source(%arg19 : memref<1328x16xf32, #tpu.memory_space<vmem>>) target(%dma_start3A_77 : memref<1328x16xf32, #tpu.memory_space<hbm>>) target_semaphore(%run_scoped3A : memref<!tpu.dma_semaphore, #tpu.memory_space<semaphore_mem>>)
        %dma_wait3A = arith.constant 0 : i32
        %dma_wait3A_78 = tpu.memref_slice %arg8[%mul3A_0, %dma_wait3A] : memref<21248x16xf32, #tpu.memory_space<hbm>> -> memref<1328x16xf32, #tpu.memory_space<hbm>>
        %dma_wait3A_79 = arith.constant 0 : i32
        %dma_wait3A_80 = tpu.memref_slice %arg8[%mul3A_0, %dma_wait3A_79] : memref<21248x16xf32, #tpu.memory_space<hbm>> -> memref<1328x16xf32, #tpu.memory_space<hbm>>
        tpu.wait_dma2 semaphore(%run_scoped3A : memref<!tpu.dma_semaphore, #tpu.memory_space<semaphore_mem>>) src(%arg19 : memref<1328x16xf32, #tpu.memory_space<vmem>>) dst(%dma_wait3A_80 : memref<1328x16xf32, #tpu.memory_space<hbm>>)
        tpu.yield
      }) : () -> ()
    } else {
    }
    %eq3A_16 = arith.constant 1 : i32
    %eq3A_17 = arith.cmpi eq, %arg0, %eq3A_16 : i32
    %convert_element_type3A_18 = arith.extui %eq3A_17 : i1 to i32
    %cond3A_19 = arith.constant 0 : i32
    %cond3A_20 = arith.cmpi ne, %convert_element_type3A_18, %cond3A_19 : i32
    scf.if %cond3A_20 {
      "tpu.region"() ({
        %run_scoped3A = tpu.sem_alloc : memref<!tpu.dma_semaphore, #tpu.memory_space<semaphore_mem>>
        %dma_start3A = arith.constant 0 : i32
        %dma_start3A_75 = tpu.memref_slice %arg12[%mul3A_0, %dma_start3A] : memref<21248x16xf32, #tpu.memory_space<hbm>> -> memref<1328x16xf32, #tpu.memory_space<hbm>>
        %dma_start3A_76 = arith.constant 0 : i32
        %dma_start3A_77 = tpu.memref_slice %arg12[%mul3A_0, %dma_start3A_76] : memref<21248x16xf32, #tpu.memory_space<hbm>> -> memref<1328x16xf32, #tpu.memory_space<hbm>>
        tpu.enqueue_dma source(%arg19 : memref<1328x16xf32, #tpu.memory_space<vmem>>) target(%dma_start3A_77 : memref<1328x16xf32, #tpu.memory_space<hbm>>) target_semaphore(%run_scoped3A : memref<!tpu.dma_semaphore, #tpu.memory_space<semaphore_mem>>)
        %dma_wait3A = arith.constant 0 : i32
        %dma_wait3A_78 = tpu.memref_slice %arg12[%mul3A_0, %dma_wait3A] : memref<21248x16xf32, #tpu.memory_space<hbm>> -> memref<1328x16xf32, #tpu.memory_space<hbm>>
        %dma_wait3A_79 = arith.constant 0 : i32
        %dma_wait3A_80 = tpu.memref_slice %arg12[%mul3A_0, %dma_wait3A_79] : memref<21248x16xf32, #tpu.memory_space<hbm>> -> memref<1328x16xf32, #tpu.memory_space<hbm>>
        tpu.wait_dma2 semaphore(%run_scoped3A : memref<!tpu.dma_semaphore, #tpu.memory_space<semaphore_mem>>) src(%arg19 : memref<1328x16xf32, #tpu.memory_space<vmem>>) dst(%dma_wait3A_80 : memref<1328x16xf32, #tpu.memory_space<hbm>>)
        tpu.yield
      }) : () -> ()
    } else {
    }
    %barrier3A_21 = arith.constant 0 : index
    tpu.barrier barrier_id(%barrier3A_21)
    %scan3A_22 = arith.constant 0 : i32
    %scan3A_23 = arith.constant 0 : i32
    %scan3A_24 = arith.constant 112 : i32
    %scan3A_25 = arith.addi %scan3A_23, %scan3A_24 : i32
    %scan3A_26 = arith.constant 1 : i32
    scf.for %scan3A_75 = %scan3A_23 to %scan3A_25 step %scan3A_26  : i32 {
      %add3A_76 = arith.addi %mul3A_7, %scan3A_75 : i32
      "tpu.region"() ({
        %run_scoped3A_99 = tpu.sem_alloc : memref<!tpu.dma_semaphore, #tpu.memory_space<semaphore_mem>>
        %dma_start3A_100 = arith.constant 0 : i32
        %dma_start3A_101 = arith.constant 0 : i32
        %dma_start3A_102 = tpu.memref_slice %arg6[%add3A_76, %dma_start3A_100, %dma_start3A_101] : memref<3584x3x128xi32, #tpu.memory_space<hbm>> -> memref<1x3x128xi32, #tpu.memory_space<hbm>>
        %dma_start3A_103 = arith.constant 0 : i32
        %dma_start3A_104 = arith.constant 0 : i32
        %dma_start3A_105 = tpu.memref_slice %arg6[%add3A_76, %dma_start3A_103, %dma_start3A_104] : memref<3584x3x128xi32, #tpu.memory_space<hbm>> -> memref<1x3x128xi32, #tpu.memory_space<hbm>>
        tpu.enqueue_dma source(%dma_start3A_105 : memref<1x3x128xi32, #tpu.memory_space<hbm>>) target(%arg16 : memref<1x3x128xi32, #tpu.memory_space<vmem>>) target_semaphore(%run_scoped3A_99 : memref<!tpu.dma_semaphore, #tpu.memory_space<semaphore_mem>>)
        %dma_wait3A_106 = arith.constant 0 : i32
        %dma_wait3A_107 = arith.constant 0 : i32
        %dma_wait3A_108 = tpu.memref_slice %arg6[%add3A_76, %dma_wait3A_106, %dma_wait3A_107] : memref<3584x3x128xi32, #tpu.memory_space<hbm>> -> memref<1x3x128xi32, #tpu.memory_space<hbm>>
        %dma_wait3A_109 = arith.constant 0 : i32
        %dma_wait3A_110 = arith.constant 0 : i32
        %dma_wait3A_111 = tpu.memref_slice %arg6[%add3A_76, %dma_wait3A_109, %dma_wait3A_110] : memref<3584x3x128xi32, #tpu.memory_space<hbm>> -> memref<1x3x128xi32, #tpu.memory_space<hbm>>
        tpu.wait_dma2 semaphore(%run_scoped3A_99 : memref<!tpu.dma_semaphore, #tpu.memory_space<semaphore_mem>>) src(%dma_wait3A_111 : memref<1x3x128xi32, #tpu.memory_space<hbm>>) dst(%arg16 : memref<1x3x128xi32, #tpu.memory_space<vmem>>)
        tpu.yield
      }) : () -> ()
      %dma_start3A = arith.constant 0 : i32
      %dma_start3A_77 = arith.constant 0 : i32
      %dma_start3A_78 = arith.constant 0 : i32
      %dma_start3A_79 = tpu.memref_slice %arg16[%dma_start3A, %dma_start3A_77, %dma_start3A_78] : memref<1x3x128xi32, #tpu.memory_space<vmem>> -> memref<1x1x128xi32, #tpu.memory_space<vmem>>
      %dma_start3A_80 = tpu.memref_squeeze %dma_start3A_79 : memref<1x1x128xi32, #tpu.memory_space<vmem>> -> memref<128xi32, #tpu.memory_space<vmem>>
      %dma_start3A_81 = arith.constant 0 : i32
      %dma_start3A_82 = arith.constant 0 : i32
      %dma_start3A_83 = tpu.memref_slice %arg3[%dma_start3A_81, %dma_start3A_82] : memref<21120x16xf32, #tpu.memory_space<hbm>> -> memref<21120x16xf32, #tpu.memory_space<hbm>>
      tpu.enqueue_indirect_dma source(%dma_start3A_83 : memref<21120x16xf32, #tpu.memory_space<hbm>>) target(%arg17 : memref<128x16xf32, #tpu.memory_space<vmem>>) offsets(%dma_start3A_80 : memref<128xi32, #tpu.memory_space<vmem>>) semaphore(%arg21 : memref<!tpu.dma_semaphore, #tpu.memory_space<semaphore_mem>>)
      %dma_wait3A = arith.constant 0 : i32
      %dma_wait3A_84 = arith.constant 0 : i32
      %dma_wait3A_85 = arith.constant 0 : i32
      %dma_wait3A_86 = tpu.memref_slice %arg16[%dma_wait3A, %dma_wait3A_84, %dma_wait3A_85] : memref<1x3x128xi32, #tpu.memory_space<vmem>> -> memref<1x1x128xi32, #tpu.memory_space<vmem>>
      %dma_wait3A_87 = tpu.memref_squeeze %dma_wait3A_86 : memref<1x1x128xi32, #tpu.memory_space<vmem>> -> memref<128xi32, #tpu.memory_space<vmem>>
      %dma_wait3A_88 = arith.constant 0 : i32
      %dma_wait3A_89 = arith.constant 0 : i32
      %dma_wait3A_90 = tpu.memref_slice %arg3[%dma_wait3A_88, %dma_wait3A_89] : memref<21120x16xf32, #tpu.memory_space<hbm>> -> memref<21120x16xf32, #tpu.memory_space<hbm>>
      tpu.wait_indirect_dma semaphore(%arg21 : memref<!tpu.dma_semaphore, #tpu.memory_space<semaphore_mem>>) src(%dma_wait3A_90 : memref<21120x16xf32, #tpu.memory_space<hbm>>) dst(%arg17 : memref<128x16xf32, #tpu.memory_space<vmem>>)
      %iota3A_91 = tpu.iota {dimensions = array<i32: 0>} : vector<16xi32>
      %scan3A_92 = arith.constant 0 : i32
      %scan3A_93 = arith.constant 0 : i32
      %scan3A_94 = arith.constant 32 : i32
      %scan3A_95 = arith.addi %scan3A_93, %scan3A_94 : i32
      %scan3A_96 = arith.constant 1 : i32
      scf.for %scan3A_99 = %scan3A_93 to %scan3A_95 step %scan3A_96  : i32 {
        %mul3A_100 = arith.constant 4 : i32
        %mul3A_101 = arith.muli %scan3A_99, %mul3A_100 : i32
        %broadcast_in_dim3A = vector.broadcast %mul3A_101 : i32 to vector<16xi32>
        %add3A_102 = arith.constant 0 : i32
        %add3A_103 = vector.broadcast %add3A_102 : i32 to vector<16xi32>
        %add3A_104 = arith.addi %broadcast_in_dim3A, %add3A_103 : vector<16xi32>
        %gather3A = tpu.vector_load_idx %arg16[%xor3A, %add3A_2, %add3A_104] : memref<1x3x128xi32, #tpu.memory_space<vmem>>[vector<16xi32>, vector<16xi32>, vector<16xi32>], vector<16xi32>,
        %bitcast3A = vector.bitcast %gather3A : vector<16xi32> to vector<16xf32>
        %gather3A_105 = tpu.vector_load_idx %arg17[%add3A_104, %iota3A_91] : memref<128x16xf32, #tpu.memory_space<vmem>>[vector<16xi32>, vector<16xi32>], vector<16xf32>,
        %mul3A_106 = arith.mulf %gather3A_105, %bitcast3A : vector<16xf32>
        tpu.vector_store_idx %arg17[%add3A_104, %iota3A_91], %mul3A_106 : memref<128x16xf32, #tpu.memory_space<vmem>>[vector<16xi32>, vector<16xi32>], vector<16xf32>,
        %add3A_107 = arith.constant 1 : i32
        %add3A_108 = vector.broadcast %add3A_107 : i32 to vector<16xi32>
        %add3A_109 = arith.addi %broadcast_in_dim3A, %add3A_108 : vector<16xi32>
        %gather3A_110 = tpu.vector_load_idx %arg16[%xor3A, %add3A_2, %add3A_109] : memref<1x3x128xi32, #tpu.memory_space<vmem>>[vector<16xi32>, vector<16xi32>, vector<16xi32>], vector<16xi32>,
        %bitcast3A_111 = vector.bitcast %gather3A_110 : vector<16xi32> to vector<16xf32>
        %gather3A_112 = tpu.vector_load_idx %arg17[%add3A_109, %iota3A_91] : memref<128x16xf32, #tpu.memory_space<vmem>>[vector<16xi32>, vector<16xi32>], vector<16xf32>,
        %mul3A_113 = arith.mulf %gather3A_112, %bitcast3A_111 : vector<16xf32>
        tpu.vector_store_idx %arg17[%add3A_109, %iota3A_91], %mul3A_113 : memref<128x16xf32, #tpu.memory_space<vmem>>[vector<16xi32>, vector<16xi32>], vector<16xf32>,
        %add3A_114 = arith.constant 2 : i32
        %add3A_115 = vector.broadcast %add3A_114 : i32 to vector<16xi32>
        %add3A_116 = arith.addi %broadcast_in_dim3A, %add3A_115 : vector<16xi32>
        %gather3A_117 = tpu.vector_load_idx %arg16[%xor3A, %add3A_2, %add3A_116] : memref<1x3x128xi32, #tpu.memory_space<vmem>>[vector<16xi32>, vector<16xi32>, vector<16xi32>], vector<16xi32>,
        %bitcast3A_118 = vector.bitcast %gather3A_117 : vector<16xi32> to vector<16xf32>
        %gather3A_119 = tpu.vector_load_idx %arg17[%add3A_116, %iota3A_91] : memref<128x16xf32, #tpu.memory_space<vmem>>[vector<16xi32>, vector<16xi32>], vector<16xf32>,
        %mul3A_120 = arith.mulf %gather3A_119, %bitcast3A_118 : vector<16xf32>
        tpu.vector_store_idx %arg17[%add3A_116, %iota3A_91], %mul3A_120 : memref<128x16xf32, #tpu.memory_space<vmem>>[vector<16xi32>, vector<16xi32>], vector<16xf32>,
        %add3A_121 = arith.constant 3 : i32
        %add3A_122 = vector.broadcast %add3A_121 : i32 to vector<16xi32>
        %add3A_123 = arith.addi %broadcast_in_dim3A, %add3A_122 : vector<16xi32>
        %gather3A_124 = tpu.vector_load_idx %arg16[%xor3A, %add3A_2, %add3A_123] : memref<1x3x128xi32, #tpu.memory_space<vmem>>[vector<16xi32>, vector<16xi32>, vector<16xi32>], vector<16xi32>,
        %bitcast3A_125 = vector.bitcast %gather3A_124 : vector<16xi32> to vector<16xf32>
        %gather3A_126 = tpu.vector_load_idx %arg17[%add3A_123, %iota3A_91] : memref<128x16xf32, #tpu.memory_space<vmem>>[vector<16xi32>, vector<16xi32>], vector<16xf32>,
        %mul3A_127 = arith.mulf %gather3A_126, %bitcast3A_125 : vector<16xf32>
        tpu.vector_store_idx %arg17[%add3A_123, %iota3A_91], %mul3A_127 : memref<128x16xf32, #tpu.memory_space<vmem>>[vector<16xi32>, vector<16xi32>], vector<16xf32>,
      }
      %scan3A_97 = arith.constant 32 : i32
      %run_scoped3A = arith.constant 0 : i32
      %run_scoped3A_98 = arith.constant 1 : i32
      "tpu.region"() ({
        %run_scoped3A_99 = tpu.sem_alloc : memref<!tpu.dma_semaphore, #tpu.memory_space<semaphore_mem>>
        %dma_start3A_100 = arith.constant 0 : i32
        %dma_start3A_101 = tpu.memref_slice %arg16[%run_scoped3A, %run_scoped3A_98, %dma_start3A_100] : memref<1x3x128xi32, #tpu.memory_space<vmem>> -> memref<1x1x128xi32, #tpu.memory_space<vmem>>
        %dma_start3A_102 = tpu.memref_squeeze %dma_start3A_101 : memref<1x1x128xi32, #tpu.memory_space<vmem>> -> memref<128xi32, #tpu.memory_space<vmem>>
        %dma_start3A_103 = arith.constant 0 : i32
        %dma_start3A_104 = arith.constant 0 : i32
        %dma_start3A_105 = tpu.memref_slice %arg20[%dma_start3A_103, %dma_start3A_104] : memref<21248x16xf32, #tpu.memory_space<vmem_shared>> -> memref<21248x16xf32, #tpu.memory_space<vmem_shared>>
        tpu.enqueue_indirect_dma source(%arg17 : memref<128x16xf32, #tpu.memory_space<vmem>>) target(%dma_start3A_105 : memref<21248x16xf32, #tpu.memory_space<vmem_shared>>) offsets(%dma_start3A_102 : memref<128xi32, #tpu.memory_space<vmem>>) semaphore(%run_scoped3A_99 : memref<!tpu.dma_semaphore, #tpu.memory_space<semaphore_mem>>) {add = true}
        %dma_wait3A_106 = arith.constant 0 : i32
        %dma_wait3A_107 = tpu.memref_slice %arg16[%run_scoped3A, %run_scoped3A_98, %dma_wait3A_106] : memref<1x3x128xi32, #tpu.memory_space<vmem>> -> memref<1x1x128xi32, #tpu.memory_space<vmem>>
        %dma_wait3A_108 = tpu.memref_squeeze %dma_wait3A_107 : memref<1x1x128xi32, #tpu.memory_space<vmem>> -> memref<128xi32, #tpu.memory_space<vmem>>
        %dma_wait3A_109 = arith.constant 0 : i32
        %dma_wait3A_110 = arith.constant 0 : i32
        %dma_wait3A_111 = tpu.memref_slice %arg20[%dma_wait3A_109, %dma_wait3A_110] : memref<21248x16xf32, #tpu.memory_space<vmem_shared>> -> memref<21248x16xf32, #tpu.memory_space<vmem_shared>>
        tpu.wait_indirect_dma semaphore(%run_scoped3A_99 : memref<!tpu.dma_semaphore, #tpu.memory_space<semaphore_mem>>) src(%arg17 : memref<128x16xf32, #tpu.memory_space<vmem>>) dst(%dma_wait3A_111 : memref<21248x16xf32, #tpu.memory_space<vmem_shared>>)
        tpu.yield
      }) : () -> ()
    }
    %scan3A_27 = arith.constant 112 : i32
    %barrier3A_28 = arith.constant 0 : index
    tpu.barrier barrier_id(%barrier3A_28)
    "tpu.region"() ({
      %run_scoped3A = tpu.sem_alloc : memref<!tpu.dma_semaphore, #tpu.memory_space<semaphore_mem>>
      %dma_start3A = arith.constant 0 : i32
      %dma_start3A_75 = tpu.memref_slice %arg20[%mul3A_0, %dma_start3A] : memref<21248x16xf32, #tpu.memory_space<vmem_shared>> -> memref<1328x16xf32, #tpu.memory_space<vmem_shared>>
      %dma_start3A_76 = arith.constant 0 : i32
      %dma_start3A_77 = tpu.memref_slice %arg20[%mul3A_0, %dma_start3A_76] : memref<21248x16xf32, #tpu.memory_space<vmem_shared>> -> memref<1328x16xf32, #tpu.memory_space<vmem_shared>>
      tpu.enqueue_dma source(%dma_start3A_77 : memref<1328x16xf32, #tpu.memory_space<vmem_shared>>) target(%arg19 : memref<1328x16xf32, #tpu.memory_space<vmem>>) target_semaphore(%run_scoped3A : memref<!tpu.dma_semaphore, #tpu.memory_space<semaphore_mem>>)
      %dma_wait3A = arith.constant 0 : i32
      %dma_wait3A_78 = tpu.memref_slice %arg20[%mul3A_0, %dma_wait3A] : memref<21248x16xf32, #tpu.memory_space<vmem_shared>> -> memref<1328x16xf32, #tpu.memory_space<vmem_shared>>
      %dma_wait3A_79 = arith.constant 0 : i32
      %dma_wait3A_80 = tpu.memref_slice %arg20[%mul3A_0, %dma_wait3A_79] : memref<21248x16xf32, #tpu.memory_space<vmem_shared>> -> memref<1328x16xf32, #tpu.memory_space<vmem_shared>>
      tpu.wait_dma2 semaphore(%run_scoped3A : memref<!tpu.dma_semaphore, #tpu.memory_space<semaphore_mem>>) src(%dma_wait3A_80 : memref<1328x16xf32, #tpu.memory_space<vmem_shared>>) dst(%arg19 : memref<1328x16xf32, #tpu.memory_space<vmem>>)
      tpu.yield
    }) : () -> ()
    "tpu.region"() ({
      %run_scoped3A = tpu.sem_alloc : memref<!tpu.dma_semaphore, #tpu.memory_space<semaphore_mem>>
      %dma_start3A = arith.constant 0 : i32
      %dma_start3A_75 = tpu.memref_slice %arg20[%mul3A_0, %dma_start3A] : memref<21248x16xf32, #tpu.memory_space<vmem_shared>> -> memref<1328x16xf32, #tpu.memory_space<vmem_shared>>
      %dma_start3A_76 = arith.constant 0 : i32
      %dma_start3A_77 = tpu.memref_slice %arg20[%mul3A_0, %dma_start3A_76] : memref<21248x16xf32, #tpu.memory_space<vmem_shared>> -> memref<1328x16xf32, #tpu.memory_space<vmem_shared>>
      tpu.enqueue_dma source(%arg18 : memref<1328x16xf32, #tpu.memory_space<vmem>>) target(%dma_start3A_77 : memref<1328x16xf32, #tpu.memory_space<vmem_shared>>) target_semaphore(%run_scoped3A : memref<!tpu.dma_semaphore, #tpu.memory_space<semaphore_mem>>)
      %dma_wait3A = arith.constant 0 : i32
      %dma_wait3A_78 = tpu.memref_slice %arg20[%mul3A_0, %dma_wait3A] : memref<21248x16xf32, #tpu.memory_space<vmem_shared>> -> memref<1328x16xf32, #tpu.memory_space<vmem_shared>>
      %dma_wait3A_79 = arith.constant 0 : i32
      %dma_wait3A_80 = tpu.memref_slice %arg20[%mul3A_0, %dma_wait3A_79] : memref<21248x16xf32, #tpu.memory_space<vmem_shared>> -> memref<1328x16xf32, #tpu.memory_space<vmem_shared>>
      tpu.wait_dma2 semaphore(%run_scoped3A : memref<!tpu.dma_semaphore, #tpu.memory_space<semaphore_mem>>) src(%arg18 : memref<1328x16xf32, #tpu.memory_space<vmem>>) dst(%dma_wait3A_80 : memref<1328x16xf32, #tpu.memory_space<vmem_shared>>)
      tpu.yield
    }) : () -> ()
    %eq3A_29 = arith.constant 0 : i32
    %eq3A_30 = arith.cmpi eq, %arg0, %eq3A_29 : i32
    %convert_element_type3A_31 = arith.extui %eq3A_30 : i1 to i32
    %cond3A_32 = arith.constant 0 : i32
    %cond3A_33 = arith.cmpi ne, %convert_element_type3A_31, %cond3A_32 : i32
    scf.if %cond3A_33 {
      "tpu.region"() ({
        %run_scoped3A = tpu.sem_alloc : memref<!tpu.dma_semaphore, #tpu.memory_space<semaphore_mem>>
        %dma_start3A = arith.constant 0 : i32
        %dma_start3A_75 = tpu.memref_slice %arg9[%mul3A_0, %dma_start3A] : memref<21248x16xf32, #tpu.memory_space<hbm>> -> memref<1328x16xf32, #tpu.memory_space<hbm>>
        %dma_start3A_76 = arith.constant 0 : i32
        %dma_start3A_77 = tpu.memref_slice %arg9[%mul3A_0, %dma_start3A_76] : memref<21248x16xf32, #tpu.memory_space<hbm>> -> memref<1328x16xf32, #tpu.memory_space<hbm>>
        tpu.enqueue_dma source(%arg19 : memref<1328x16xf32, #tpu.memory_space<vmem>>) target(%dma_start3A_77 : memref<1328x16xf32, #tpu.memory_space<hbm>>) target_semaphore(%run_scoped3A : memref<!tpu.dma_semaphore, #tpu.memory_space<semaphore_mem>>)
        %dma_wait3A = arith.constant 0 : i32
        %dma_wait3A_78 = tpu.memref_slice %arg9[%mul3A_0, %dma_wait3A] : memref<21248x16xf32, #tpu.memory_space<hbm>> -> memref<1328x16xf32, #tpu.memory_space<hbm>>
        %dma_wait3A_79 = arith.constant 0 : i32
        %dma_wait3A_80 = tpu.memref_slice %arg9[%mul3A_0, %dma_wait3A_79] : memref<21248x16xf32, #tpu.memory_space<hbm>> -> memref<1328x16xf32, #tpu.memory_space<hbm>>
        tpu.wait_dma2 semaphore(%run_scoped3A : memref<!tpu.dma_semaphore, #tpu.memory_space<semaphore_mem>>) src(%arg19 : memref<1328x16xf32, #tpu.memory_space<vmem>>) dst(%dma_wait3A_80 : memref<1328x16xf32, #tpu.memory_space<hbm>>)
        tpu.yield
      }) : () -> ()
    } else {
    }
    %eq3A_34 = arith.constant 1 : i32
    %eq3A_35 = arith.cmpi eq, %arg0, %eq3A_34 : i32
    %convert_element_type3A_36 = arith.extui %eq3A_35 : i1 to i32
    %cond3A_37 = arith.constant 0 : i32
    %cond3A_38 = arith.cmpi ne, %convert_element_type3A_36, %cond3A_37 : i32
    scf.if %cond3A_38 {
      "tpu.region"() ({
        %run_scoped3A = tpu.sem_alloc : memref<!tpu.dma_semaphore, #tpu.memory_space<semaphore_mem>>
        %dma_start3A = arith.constant 0 : i32
        %dma_start3A_75 = tpu.memref_slice %arg13[%mul3A_0, %dma_start3A] : memref<21248x16xf32, #tpu.memory_space<hbm>> -> memref<1328x16xf32, #tpu.memory_space<hbm>>
        %dma_start3A_76 = arith.constant 0 : i32
        %dma_start3A_77 = tpu.memref_slice %arg13[%mul3A_0, %dma_start3A_76] : memref<21248x16xf32, #tpu.memory_space<hbm>> -> memref<1328x16xf32, #tpu.memory_space<hbm>>
        tpu.enqueue_dma source(%arg19 : memref<1328x16xf32, #tpu.memory_space<vmem>>) target(%dma_start3A_77 : memref<1328x16xf32, #tpu.memory_space<hbm>>) target_semaphore(%run_scoped3A : memref<!tpu.dma_semaphore, #tpu.memory_space<semaphore_mem>>)
        %dma_wait3A = arith.constant 0 : i32
        %dma_wait3A_78 = tpu.memref_slice %arg13[%mul3A_0, %dma_wait3A] : memref<21248x16xf32, #tpu.memory_space<hbm>> -> memref<1328x16xf32, #tpu.memory_space<hbm>>
        %dma_wait3A_79 = arith.constant 0 : i32
        %dma_wait3A_80 = tpu.memref_slice %arg13[%mul3A_0, %dma_wait3A_79] : memref<21248x16xf32, #tpu.memory_space<hbm>> -> memref<1328x16xf32, #tpu.memory_space<hbm>>
        tpu.wait_dma2 semaphore(%run_scoped3A : memref<!tpu.dma_semaphore, #tpu.memory_space<semaphore_mem>>) src(%arg19 : memref<1328x16xf32, #tpu.memory_space<vmem>>) dst(%dma_wait3A_80 : memref<1328x16xf32, #tpu.memory_space<hbm>>)
        tpu.yield
      }) : () -> ()
    } else {
    }
    %barrier3A_39 = arith.constant 0 : index
    tpu.barrier barrier_id(%barrier3A_39)
    %scan3A_40 = arith.constant 0 : i32
    %scan3A_41 = arith.constant 0 : i32
    %scan3A_42 = arith.constant 112 : i32
    %scan3A_43 = arith.addi %scan3A_41, %scan3A_42 : i32
    %scan3A_44 = arith.constant 1 : i32
    scf.for %scan3A_75 = %scan3A_41 to %scan3A_43 step %scan3A_44  : i32 {
      %add3A_76 = arith.addi %mul3A_7, %scan3A_75 : i32
      "tpu.region"() ({
        %run_scoped3A_99 = tpu.sem_alloc : memref<!tpu.dma_semaphore, #tpu.memory_space<semaphore_mem>>
        %dma_start3A_100 = arith.constant 0 : i32
        %dma_start3A_101 = arith.constant 0 : i32
        %dma_start3A_102 = tpu.memref_slice %arg6[%add3A_76, %dma_start3A_100, %dma_start3A_101] : memref<3584x3x128xi32, #tpu.memory_space<hbm>> -> memref<1x3x128xi32, #tpu.memory_space<hbm>>
        %dma_start3A_103 = arith.constant 0 : i32
        %dma_start3A_104 = arith.constant 0 : i32
        %dma_start3A_105 = tpu.memref_slice %arg6[%add3A_76, %dma_start3A_103, %dma_start3A_104] : memref<3584x3x128xi32, #tpu.memory_space<hbm>> -> memref<1x3x128xi32, #tpu.memory_space<hbm>>
        tpu.enqueue_dma source(%dma_start3A_105 : memref<1x3x128xi32, #tpu.memory_space<hbm>>) target(%arg16 : memref<1x3x128xi32, #tpu.memory_space<vmem>>) target_semaphore(%run_scoped3A_99 : memref<!tpu.dma_semaphore, #tpu.memory_space<semaphore_mem>>)
        %dma_wait3A_106 = arith.constant 0 : i32
        %dma_wait3A_107 = arith.constant 0 : i32
        %dma_wait3A_108 = tpu.memref_slice %arg6[%add3A_76, %dma_wait3A_106, %dma_wait3A_107] : memref<3584x3x128xi32, #tpu.memory_space<hbm>> -> memref<1x3x128xi32, #tpu.memory_space<hbm>>
        %dma_wait3A_109 = arith.constant 0 : i32
        %dma_wait3A_110 = arith.constant 0 : i32
        %dma_wait3A_111 = tpu.memref_slice %arg6[%add3A_76, %dma_wait3A_109, %dma_wait3A_110] : memref<3584x3x128xi32, #tpu.memory_space<hbm>> -> memref<1x3x128xi32, #tpu.memory_space<hbm>>
        tpu.wait_dma2 semaphore(%run_scoped3A_99 : memref<!tpu.dma_semaphore, #tpu.memory_space<semaphore_mem>>) src(%dma_wait3A_111 : memref<1x3x128xi32, #tpu.memory_space<hbm>>) dst(%arg16 : memref<1x3x128xi32, #tpu.memory_space<vmem>>)
        tpu.yield
      }) : () -> ()
      %dma_start3A = arith.constant 0 : i32
      %dma_start3A_77 = arith.constant 0 : i32
      %dma_start3A_78 = arith.constant 0 : i32
      %dma_start3A_79 = tpu.memref_slice %arg16[%dma_start3A, %dma_start3A_77, %dma_start3A_78] : memref<1x3x128xi32, #tpu.memory_space<vmem>> -> memref<1x1x128xi32, #tpu.memory_space<vmem>>
      %dma_start3A_80 = tpu.memref_squeeze %dma_start3A_79 : memref<1x1x128xi32, #tpu.memory_space<vmem>> -> memref<128xi32, #tpu.memory_space<vmem>>
      %dma_start3A_81 = arith.constant 0 : i32
      %dma_start3A_82 = arith.constant 0 : i32
      %dma_start3A_83 = tpu.memref_slice %arg4[%dma_start3A_81, %dma_start3A_82] : memref<21120x16xf32, #tpu.memory_space<hbm>> -> memref<21120x16xf32, #tpu.memory_space<hbm>>
      tpu.enqueue_indirect_dma source(%dma_start3A_83 : memref<21120x16xf32, #tpu.memory_space<hbm>>) target(%arg17 : memref<128x16xf32, #tpu.memory_space<vmem>>) offsets(%dma_start3A_80 : memref<128xi32, #tpu.memory_space<vmem>>) semaphore(%arg21 : memref<!tpu.dma_semaphore, #tpu.memory_space<semaphore_mem>>)
      %dma_wait3A = arith.constant 0 : i32
      %dma_wait3A_84 = arith.constant 0 : i32
      %dma_wait3A_85 = arith.constant 0 : i32
      %dma_wait3A_86 = tpu.memref_slice %arg16[%dma_wait3A, %dma_wait3A_84, %dma_wait3A_85] : memref<1x3x128xi32, #tpu.memory_space<vmem>> -> memref<1x1x128xi32, #tpu.memory_space<vmem>>
      %dma_wait3A_87 = tpu.memref_squeeze %dma_wait3A_86 : memref<1x1x128xi32, #tpu.memory_space<vmem>> -> memref<128xi32, #tpu.memory_space<vmem>>
      %dma_wait3A_88 = arith.constant 0 : i32
      %dma_wait3A_89 = arith.constant 0 : i32
      %dma_wait3A_90 = tpu.memref_slice %arg4[%dma_wait3A_88, %dma_wait3A_89] : memref<21120x16xf32, #tpu.memory_space<hbm>> -> memref<21120x16xf32, #tpu.memory_space<hbm>>
      tpu.wait_indirect_dma semaphore(%arg21 : memref<!tpu.dma_semaphore, #tpu.memory_space<semaphore_mem>>) src(%dma_wait3A_90 : memref<21120x16xf32, #tpu.memory_space<hbm>>) dst(%arg17 : memref<128x16xf32, #tpu.memory_space<vmem>>)
      %iota3A_91 = tpu.iota {dimensions = array<i32: 0>} : vector<16xi32>
      %scan3A_92 = arith.constant 0 : i32
      %scan3A_93 = arith.constant 0 : i32
      %scan3A_94 = arith.constant 32 : i32
      %scan3A_95 = arith.addi %scan3A_93, %scan3A_94 : i32
      %scan3A_96 = arith.constant 1 : i32
      scf.for %scan3A_99 = %scan3A_93 to %scan3A_95 step %scan3A_96  : i32 {
        %mul3A_100 = arith.constant 4 : i32
        %mul3A_101 = arith.muli %scan3A_99, %mul3A_100 : i32
        %broadcast_in_dim3A = vector.broadcast %mul3A_101 : i32 to vector<16xi32>
        %add3A_102 = arith.constant 0 : i32
        %add3A_103 = vector.broadcast %add3A_102 : i32 to vector<16xi32>
        %add3A_104 = arith.addi %broadcast_in_dim3A, %add3A_103 : vector<16xi32>
        %gather3A = tpu.vector_load_idx %arg16[%xor3A, %add3A_2, %add3A_104] : memref<1x3x128xi32, #tpu.memory_space<vmem>>[vector<16xi32>, vector<16xi32>, vector<16xi32>], vector<16xi32>,
        %bitcast3A = vector.bitcast %gather3A : vector<16xi32> to vector<16xf32>
        %gather3A_105 = tpu.vector_load_idx %arg17[%add3A_104, %iota3A_91] : memref<128x16xf32, #tpu.memory_space<vmem>>[vector<16xi32>, vector<16xi32>], vector<16xf32>,
        %mul3A_106 = arith.mulf %gather3A_105, %bitcast3A : vector<16xf32>
        tpu.vector_store_idx %arg17[%add3A_104, %iota3A_91], %mul3A_106 : memref<128x16xf32, #tpu.memory_space<vmem>>[vector<16xi32>, vector<16xi32>], vector<16xf32>,
        %add3A_107 = arith.constant 1 : i32
        %add3A_108 = vector.broadcast %add3A_107 : i32 to vector<16xi32>
        %add3A_109 = arith.addi %broadcast_in_dim3A, %add3A_108 : vector<16xi32>
        %gather3A_110 = tpu.vector_load_idx %arg16[%xor3A, %add3A_2, %add3A_109] : memref<1x3x128xi32, #tpu.memory_space<vmem>>[vector<16xi32>, vector<16xi32>, vector<16xi32>], vector<16xi32>,
        %bitcast3A_111 = vector.bitcast %gather3A_110 : vector<16xi32> to vector<16xf32>
        %gather3A_112 = tpu.vector_load_idx %arg17[%add3A_109, %iota3A_91] : memref<128x16xf32, #tpu.memory_space<vmem>>[vector<16xi32>, vector<16xi32>], vector<16xf32>,
        %mul3A_113 = arith.mulf %gather3A_112, %bitcast3A_111 : vector<16xf32>
        tpu.vector_store_idx %arg17[%add3A_109, %iota3A_91], %mul3A_113 : memref<128x16xf32, #tpu.memory_space<vmem>>[vector<16xi32>, vector<16xi32>], vector<16xf32>,
        %add3A_114 = arith.constant 2 : i32
        %add3A_115 = vector.broadcast %add3A_114 : i32 to vector<16xi32>
        %add3A_116 = arith.addi %broadcast_in_dim3A, %add3A_115 : vector<16xi32>
        %gather3A_117 = tpu.vector_load_idx %arg16[%xor3A, %add3A_2, %add3A_116] : memref<1x3x128xi32, #tpu.memory_space<vmem>>[vector<16xi32>, vector<16xi32>, vector<16xi32>], vector<16xi32>,
        %bitcast3A_118 = vector.bitcast %gather3A_117 : vector<16xi32> to vector<16xf32>
        %gather3A_119 = tpu.vector_load_idx %arg17[%add3A_116, %iota3A_91] : memref<128x16xf32, #tpu.memory_space<vmem>>[vector<16xi32>, vector<16xi32>], vector<16xf32>,
        %mul3A_120 = arith.mulf %gather3A_119, %bitcast3A_118 : vector<16xf32>
        tpu.vector_store_idx %arg17[%add3A_116, %iota3A_91], %mul3A_120 : memref<128x16xf32, #tpu.memory_space<vmem>>[vector<16xi32>, vector<16xi32>], vector<16xf32>,
        %add3A_121 = arith.constant 3 : i32
        %add3A_122 = vector.broadcast %add3A_121 : i32 to vector<16xi32>
        %add3A_123 = arith.addi %broadcast_in_dim3A, %add3A_122 : vector<16xi32>
        %gather3A_124 = tpu.vector_load_idx %arg16[%xor3A, %add3A_2, %add3A_123] : memref<1x3x128xi32, #tpu.memory_space<vmem>>[vector<16xi32>, vector<16xi32>, vector<16xi32>], vector<16xi32>,
        %bitcast3A_125 = vector.bitcast %gather3A_124 : vector<16xi32> to vector<16xf32>
        %gather3A_126 = tpu.vector_load_idx %arg17[%add3A_123, %iota3A_91] : memref<128x16xf32, #tpu.memory_space<vmem>>[vector<16xi32>, vector<16xi32>], vector<16xf32>,
        %mul3A_127 = arith.mulf %gather3A_126, %bitcast3A_125 : vector<16xf32>
        tpu.vector_store_idx %arg17[%add3A_123, %iota3A_91], %mul3A_127 : memref<128x16xf32, #tpu.memory_space<vmem>>[vector<16xi32>, vector<16xi32>], vector<16xf32>,
      }
      %scan3A_97 = arith.constant 32 : i32
      %run_scoped3A = arith.constant 0 : i32
      %run_scoped3A_98 = arith.constant 1 : i32
      "tpu.region"() ({
        %run_scoped3A_99 = tpu.sem_alloc : memref<!tpu.dma_semaphore, #tpu.memory_space<semaphore_mem>>
        %dma_start3A_100 = arith.constant 0 : i32
        %dma_start3A_101 = tpu.memref_slice %arg16[%run_scoped3A, %run_scoped3A_98, %dma_start3A_100] : memref<1x3x128xi32, #tpu.memory_space<vmem>> -> memref<1x1x128xi32, #tpu.memory_space<vmem>>
        %dma_start3A_102 = tpu.memref_squeeze %dma_start3A_101 : memref<1x1x128xi32, #tpu.memory_space<vmem>> -> memref<128xi32, #tpu.memory_space<vmem>>
        %dma_start3A_103 = arith.constant 0 : i32
        %dma_start3A_104 = arith.constant 0 : i32
        %dma_start3A_105 = tpu.memref_slice %arg20[%dma_start3A_103, %dma_start3A_104] : memref<21248x16xf32, #tpu.memory_space<vmem_shared>> -> memref<21248x16xf32, #tpu.memory_space<vmem_shared>>
        tpu.enqueue_indirect_dma source(%arg17 : memref<128x16xf32, #tpu.memory_space<vmem>>) target(%dma_start3A_105 : memref<21248x16xf32, #tpu.memory_space<vmem_shared>>) offsets(%dma_start3A_102 : memref<128xi32, #tpu.memory_space<vmem>>) semaphore(%run_scoped3A_99 : memref<!tpu.dma_semaphore, #tpu.memory_space<semaphore_mem>>) {add = true}
        %dma_wait3A_106 = arith.constant 0 : i32
        %dma_wait3A_107 = tpu.memref_slice %arg16[%run_scoped3A, %run_scoped3A_98, %dma_wait3A_106] : memref<1x3x128xi32, #tpu.memory_space<vmem>> -> memref<1x1x128xi32, #tpu.memory_space<vmem>>
        %dma_wait3A_108 = tpu.memref_squeeze %dma_wait3A_107 : memref<1x1x128xi32, #tpu.memory_space<vmem>> -> memref<128xi32, #tpu.memory_space<vmem>>
        %dma_wait3A_109 = arith.constant 0 : i32
        %dma_wait3A_110 = arith.constant 0 : i32
        %dma_wait3A_111 = tpu.memref_slice %arg20[%dma_wait3A_109, %dma_wait3A_110] : memref<21248x16xf32, #tpu.memory_space<vmem_shared>> -> memref<21248x16xf32, #tpu.memory_space<vmem_shared>>
        tpu.wait_indirect_dma semaphore(%run_scoped3A_99 : memref<!tpu.dma_semaphore, #tpu.memory_space<semaphore_mem>>) src(%arg17 : memref<128x16xf32, #tpu.memory_space<vmem>>) dst(%dma_wait3A_111 : memref<21248x16xf32, #tpu.memory_space<vmem_shared>>)
        tpu.yield
      }) : () -> ()
    }
    %scan3A_45 = arith.constant 112 : i32
    %barrier3A_46 = arith.constant 0 : index
    tpu.barrier barrier_id(%barrier3A_46)
    "tpu.region"() ({
      %run_scoped3A = tpu.sem_alloc : memref<!tpu.dma_semaphore, #tpu.memory_space<semaphore_mem>>
      %dma_start3A = arith.constant 0 : i32
      %dma_start3A_75 = tpu.memref_slice %arg20[%mul3A_0, %dma_start3A] : memref<21248x16xf32, #tpu.memory_space<vmem_shared>> -> memref<1328x16xf32, #tpu.memory_space<vmem_shared>>
      %dma_start3A_76 = arith.constant 0 : i32
      %dma_start3A_77 = tpu.memref_slice %arg20[%mul3A_0, %dma_start3A_76] : memref<21248x16xf32, #tpu.memory_space<vmem_shared>> -> memref<1328x16xf32, #tpu.memory_space<vmem_shared>>
      tpu.enqueue_dma source(%dma_start3A_77 : memref<1328x16xf32, #tpu.memory_space<vmem_shared>>) target(%arg19 : memref<1328x16xf32, #tpu.memory_space<vmem>>) target_semaphore(%run_scoped3A : memref<!tpu.dma_semaphore, #tpu.memory_space<semaphore_mem>>)
      %dma_wait3A = arith.constant 0 : i32
      %dma_wait3A_78 = tpu.memref_slice %arg20[%mul3A_0, %dma_wait3A] : memref<21248x16xf32, #tpu.memory_space<vmem_shared>> -> memref<1328x16xf32, #tpu.memory_space<vmem_shared>>
      %dma_wait3A_79 = arith.constant 0 : i32
      %dma_wait3A_80 = tpu.memref_slice %arg20[%mul3A_0, %dma_wait3A_79] : memref<21248x16xf32, #tpu.memory_space<vmem_shared>> -> memref<1328x16xf32, #tpu.memory_space<vmem_shared>>
      tpu.wait_dma2 semaphore(%run_scoped3A : memref<!tpu.dma_semaphore, #tpu.memory_space<semaphore_mem>>) src(%dma_wait3A_80 : memref<1328x16xf32, #tpu.memory_space<vmem_shared>>) dst(%arg19 : memref<1328x16xf32, #tpu.memory_space<vmem>>)
      tpu.yield
    }) : () -> ()
    "tpu.region"() ({
      %run_scoped3A = tpu.sem_alloc : memref<!tpu.dma_semaphore, #tpu.memory_space<semaphore_mem>>
      %dma_start3A = arith.constant 0 : i32
      %dma_start3A_75 = tpu.memref_slice %arg20[%mul3A_0, %dma_start3A] : memref<21248x16xf32, #tpu.memory_space<vmem_shared>> -> memref<1328x16xf32, #tpu.memory_space<vmem_shared>>
      %dma_start3A_76 = arith.constant 0 : i32
      %dma_start3A_77 = tpu.memref_slice %arg20[%mul3A_0, %dma_start3A_76] : memref<21248x16xf32, #tpu.memory_space<vmem_shared>> -> memref<1328x16xf32, #tpu.memory_space<vmem_shared>>
      tpu.enqueue_dma source(%arg18 : memref<1328x16xf32, #tpu.memory_space<vmem>>) target(%dma_start3A_77 : memref<1328x16xf32, #tpu.memory_space<vmem_shared>>) target_semaphore(%run_scoped3A : memref<!tpu.dma_semaphore, #tpu.memory_space<semaphore_mem>>)
      %dma_wait3A = arith.constant 0 : i32
      %dma_wait3A_78 = tpu.memref_slice %arg20[%mul3A_0, %dma_wait3A] : memref<21248x16xf32, #tpu.memory_space<vmem_shared>> -> memref<1328x16xf32, #tpu.memory_space<vmem_shared>>
      %dma_wait3A_79 = arith.constant 0 : i32
      %dma_wait3A_80 = tpu.memref_slice %arg20[%mul3A_0, %dma_wait3A_79] : memref<21248x16xf32, #tpu.memory_space<vmem_shared>> -> memref<1328x16xf32, #tpu.memory_space<vmem_shared>>
      tpu.wait_dma2 semaphore(%run_scoped3A : memref<!tpu.dma_semaphore, #tpu.memory_space<semaphore_mem>>) src(%arg18 : memref<1328x16xf32, #tpu.memory_space<vmem>>) dst(%dma_wait3A_80 : memref<1328x16xf32, #tpu.memory_space<vmem_shared>>)
      tpu.yield
    }) : () -> ()
    %eq3A_47 = arith.constant 0 : i32
    %eq3A_48 = arith.cmpi eq, %arg0, %eq3A_47 : i32
    %convert_element_type3A_49 = arith.extui %eq3A_48 : i1 to i32
    %cond3A_50 = arith.constant 0 : i32
    %cond3A_51 = arith.cmpi ne, %convert_element_type3A_49, %cond3A_50 : i32
    scf.if %cond3A_51 {
      "tpu.region"() ({
        %run_scoped3A = tpu.sem_alloc : memref<!tpu.dma_semaphore, #tpu.memory_space<semaphore_mem>>
        %dma_start3A = arith.constant 0 : i32
        %dma_start3A_75 = tpu.memref_slice %arg10[%mul3A_0, %dma_start3A] : memref<21248x16xf32, #tpu.memory_space<hbm>> -> memref<1328x16xf32, #tpu.memory_space<hbm>>
        %dma_start3A_76 = arith.constant 0 : i32
        %dma_start3A_77 = tpu.memref_slice %arg10[%mul3A_0, %dma_start3A_76] : memref<21248x16xf32, #tpu.memory_space<hbm>> -> memref<1328x16xf32, #tpu.memory_space<hbm>>
        tpu.enqueue_dma source(%arg19 : memref<1328x16xf32, #tpu.memory_space<vmem>>) target(%dma_start3A_77 : memref<1328x16xf32, #tpu.memory_space<hbm>>) target_semaphore(%run_scoped3A : memref<!tpu.dma_semaphore, #tpu.memory_space<semaphore_mem>>)
        %dma_wait3A = arith.constant 0 : i32
        %dma_wait3A_78 = tpu.memref_slice %arg10[%mul3A_0, %dma_wait3A] : memref<21248x16xf32, #tpu.memory_space<hbm>> -> memref<1328x16xf32, #tpu.memory_space<hbm>>
        %dma_wait3A_79 = arith.constant 0 : i32
        %dma_wait3A_80 = tpu.memref_slice %arg10[%mul3A_0, %dma_wait3A_79] : memref<21248x16xf32, #tpu.memory_space<hbm>> -> memref<1328x16xf32, #tpu.memory_space<hbm>>
        tpu.wait_dma2 semaphore(%run_scoped3A : memref<!tpu.dma_semaphore, #tpu.memory_space<semaphore_mem>>) src(%arg19 : memref<1328x16xf32, #tpu.memory_space<vmem>>) dst(%dma_wait3A_80 : memref<1328x16xf32, #tpu.memory_space<hbm>>)
        tpu.yield
      }) : () -> ()
    } else {
    }
    %eq3A_52 = arith.constant 1 : i32
    %eq3A_53 = arith.cmpi eq, %arg0, %eq3A_52 : i32
    %convert_element_type3A_54 = arith.extui %eq3A_53 : i1 to i32
    %cond3A_55 = arith.constant 0 : i32
    %cond3A_56 = arith.cmpi ne, %convert_element_type3A_54, %cond3A_55 : i32
    scf.if %cond3A_56 {
      "tpu.region"() ({
        %run_scoped3A = tpu.sem_alloc : memref<!tpu.dma_semaphore, #tpu.memory_space<semaphore_mem>>
        %dma_start3A = arith.constant 0 : i32
        %dma_start3A_75 = tpu.memref_slice %arg14[%mul3A_0, %dma_start3A] : memref<21248x16xf32, #tpu.memory_space<hbm>> -> memref<1328x16xf32, #tpu.memory_space<hbm>>
        %dma_start3A_76 = arith.constant 0 : i32
        %dma_start3A_77 = tpu.memref_slice %arg14[%mul3A_0, %dma_start3A_76] : memref<21248x16xf32, #tpu.memory_space<hbm>> -> memref<1328x16xf32, #tpu.memory_space<hbm>>
        tpu.enqueue_dma source(%arg19 : memref<1328x16xf32, #tpu.memory_space<vmem>>) target(%dma_start3A_77 : memref<1328x16xf32, #tpu.memory_space<hbm>>) target_semaphore(%run_scoped3A : memref<!tpu.dma_semaphore, #tpu.memory_space<semaphore_mem>>)
        %dma_wait3A = arith.constant 0 : i32
        %dma_wait3A_78 = tpu.memref_slice %arg14[%mul3A_0, %dma_wait3A] : memref<21248x16xf32, #tpu.memory_space<hbm>> -> memref<1328x16xf32, #tpu.memory_space<hbm>>
        %dma_wait3A_79 = arith.constant 0 : i32
        %dma_wait3A_80 = tpu.memref_slice %arg14[%mul3A_0, %dma_wait3A_79] : memref<21248x16xf32, #tpu.memory_space<hbm>> -> memref<1328x16xf32, #tpu.memory_space<hbm>>
        tpu.wait_dma2 semaphore(%run_scoped3A : memref<!tpu.dma_semaphore, #tpu.memory_space<semaphore_mem>>) src(%arg19 : memref<1328x16xf32, #tpu.memory_space<vmem>>) dst(%dma_wait3A_80 : memref<1328x16xf32, #tpu.memory_space<hbm>>)
        tpu.yield
      }) : () -> ()
    } else {
    }
    %barrier3A_57 = arith.constant 0 : index
    tpu.barrier barrier_id(%barrier3A_57)
    %scan3A_58 = arith.constant 0 : i32
    %scan3A_59 = arith.constant 0 : i32
    %scan3A_60 = arith.constant 112 : i32
    %scan3A_61 = arith.addi %scan3A_59, %scan3A_60 : i32
    %scan3A_62 = arith.constant 1 : i32
    scf.for %scan3A_75 = %scan3A_59 to %scan3A_61 step %scan3A_62  : i32 {
      %add3A_76 = arith.addi %mul3A_7, %scan3A_75 : i32
      "tpu.region"() ({
        %run_scoped3A_99 = tpu.sem_alloc : memref<!tpu.dma_semaphore, #tpu.memory_space<semaphore_mem>>
        %dma_start3A_100 = arith.constant 0 : i32
        %dma_start3A_101 = arith.constant 0 : i32
        %dma_start3A_102 = tpu.memref_slice %arg6[%add3A_76, %dma_start3A_100, %dma_start3A_101] : memref<3584x3x128xi32, #tpu.memory_space<hbm>> -> memref<1x3x128xi32, #tpu.memory_space<hbm>>
        %dma_start3A_103 = arith.constant 0 : i32
        %dma_start3A_104 = arith.constant 0 : i32
        %dma_start3A_105 = tpu.memref_slice %arg6[%add3A_76, %dma_start3A_103, %dma_start3A_104] : memref<3584x3x128xi32, #tpu.memory_space<hbm>> -> memref<1x3x128xi32, #tpu.memory_space<hbm>>
        tpu.enqueue_dma source(%dma_start3A_105 : memref<1x3x128xi32, #tpu.memory_space<hbm>>) target(%arg16 : memref<1x3x128xi32, #tpu.memory_space<vmem>>) target_semaphore(%run_scoped3A_99 : memref<!tpu.dma_semaphore, #tpu.memory_space<semaphore_mem>>)
        %dma_wait3A_106 = arith.constant 0 : i32
        %dma_wait3A_107 = arith.constant 0 : i32
        %dma_wait3A_108 = tpu.memref_slice %arg6[%add3A_76, %dma_wait3A_106, %dma_wait3A_107] : memref<3584x3x128xi32, #tpu.memory_space<hbm>> -> memref<1x3x128xi32, #tpu.memory_space<hbm>>
        %dma_wait3A_109 = arith.constant 0 : i32
        %dma_wait3A_110 = arith.constant 0 : i32
        %dma_wait3A_111 = tpu.memref_slice %arg6[%add3A_76, %dma_wait3A_109, %dma_wait3A_110] : memref<3584x3x128xi32, #tpu.memory_space<hbm>> -> memref<1x3x128xi32, #tpu.memory_space<hbm>>
        tpu.wait_dma2 semaphore(%run_scoped3A_99 : memref<!tpu.dma_semaphore, #tpu.memory_space<semaphore_mem>>) src(%dma_wait3A_111 : memref<1x3x128xi32, #tpu.memory_space<hbm>>) dst(%arg16 : memref<1x3x128xi32, #tpu.memory_space<vmem>>)
        tpu.yield
      }) : () -> ()
      %dma_start3A = arith.constant 0 : i32
      %dma_start3A_77 = arith.constant 0 : i32
      %dma_start3A_78 = arith.constant 0 : i32
      %dma_start3A_79 = tpu.memref_slice %arg16[%dma_start3A, %dma_start3A_77, %dma_start3A_78] : memref<1x3x128xi32, #tpu.memory_space<vmem>> -> memref<1x1x128xi32, #tpu.memory_space<vmem>>
      %dma_start3A_80 = tpu.memref_squeeze %dma_start3A_79 : memref<1x1x128xi32, #tpu.memory_space<vmem>> -> memref<128xi32, #tpu.memory_space<vmem>>
      %dma_start3A_81 = arith.constant 0 : i32
      %dma_start3A_82 = arith.constant 0 : i32
      %dma_start3A_83 = tpu.memref_slice %arg5[%dma_start3A_81, %dma_start3A_82] : memref<21120x16xf32, #tpu.memory_space<hbm>> -> memref<21120x16xf32, #tpu.memory_space<hbm>>
      tpu.enqueue_indirect_dma source(%dma_start3A_83 : memref<21120x16xf32, #tpu.memory_space<hbm>>) target(%arg17 : memref<128x16xf32, #tpu.memory_space<vmem>>) offsets(%dma_start3A_80 : memref<128xi32, #tpu.memory_space<vmem>>) semaphore(%arg21 : memref<!tpu.dma_semaphore, #tpu.memory_space<semaphore_mem>>)
      %dma_wait3A = arith.constant 0 : i32
      %dma_wait3A_84 = arith.constant 0 : i32
      %dma_wait3A_85 = arith.constant 0 : i32
      %dma_wait3A_86 = tpu.memref_slice %arg16[%dma_wait3A, %dma_wait3A_84, %dma_wait3A_85] : memref<1x3x128xi32, #tpu.memory_space<vmem>> -> memref<1x1x128xi32, #tpu.memory_space<vmem>>
      %dma_wait3A_87 = tpu.memref_squeeze %dma_wait3A_86 : memref<1x1x128xi32, #tpu.memory_space<vmem>> -> memref<128xi32, #tpu.memory_space<vmem>>
      %dma_wait3A_88 = arith.constant 0 : i32
      %dma_wait3A_89 = arith.constant 0 : i32
      %dma_wait3A_90 = tpu.memref_slice %arg5[%dma_wait3A_88, %dma_wait3A_89] : memref<21120x16xf32, #tpu.memory_space<hbm>> -> memref<21120x16xf32, #tpu.memory_space<hbm>>
      tpu.wait_indirect_dma semaphore(%arg21 : memref<!tpu.dma_semaphore, #tpu.memory_space<semaphore_mem>>) src(%dma_wait3A_90 : memref<21120x16xf32, #tpu.memory_space<hbm>>) dst(%arg17 : memref<128x16xf32, #tpu.memory_space<vmem>>)
      %iota3A_91 = tpu.iota {dimensions = array<i32: 0>} : vector<16xi32>
      %scan3A_92 = arith.constant 0 : i32
      %scan3A_93 = arith.constant 0 : i32
      %scan3A_94 = arith.constant 32 : i32
      %scan3A_95 = arith.addi %scan3A_93, %scan3A_94 : i32
      %scan3A_96 = arith.constant 1 : i32
      scf.for %scan3A_99 = %scan3A_93 to %scan3A_95 step %scan3A_96  : i32 {
        %mul3A_100 = arith.constant 4 : i32
        %mul3A_101 = arith.muli %scan3A_99, %mul3A_100 : i32
        %broadcast_in_dim3A = vector.broadcast %mul3A_101 : i32 to vector<16xi32>
        %add3A_102 = arith.constant 0 : i32
        %add3A_103 = vector.broadcast %add3A_102 : i32 to vector<16xi32>
        %add3A_104 = arith.addi %broadcast_in_dim3A, %add3A_103 : vector<16xi32>
        %gather3A = tpu.vector_load_idx %arg16[%xor3A, %add3A_2, %add3A_104] : memref<1x3x128xi32, #tpu.memory_space<vmem>>[vector<16xi32>, vector<16xi32>, vector<16xi32>], vector<16xi32>,
        %bitcast3A = vector.bitcast %gather3A : vector<16xi32> to vector<16xf32>
        %gather3A_105 = tpu.vector_load_idx %arg17[%add3A_104, %iota3A_91] : memref<128x16xf32, #tpu.memory_space<vmem>>[vector<16xi32>, vector<16xi32>], vector<16xf32>,
        %mul3A_106 = arith.mulf %gather3A_105, %bitcast3A : vector<16xf32>
        tpu.vector_store_idx %arg17[%add3A_104, %iota3A_91], %mul3A_106 : memref<128x16xf32, #tpu.memory_space<vmem>>[vector<16xi32>, vector<16xi32>], vector<16xf32>,
        %add3A_107 = arith.constant 1 : i32
        %add3A_108 = vector.broadcast %add3A_107 : i32 to vector<16xi32>
        %add3A_109 = arith.addi %broadcast_in_dim3A, %add3A_108 : vector<16xi32>
        %gather3A_110 = tpu.vector_load_idx %arg16[%xor3A, %add3A_2, %add3A_109] : memref<1x3x128xi32, #tpu.memory_space<vmem>>[vector<16xi32>, vector<16xi32>, vector<16xi32>], vector<16xi32>,
        %bitcast3A_111 = vector.bitcast %gather3A_110 : vector<16xi32> to vector<16xf32>
        %gather3A_112 = tpu.vector_load_idx %arg17[%add3A_109, %iota3A_91] : memref<128x16xf32, #tpu.memory_space<vmem>>[vector<16xi32>, vector<16xi32>], vector<16xf32>,
        %mul3A_113 = arith.mulf %gather3A_112, %bitcast3A_111 : vector<16xf32>
        tpu.vector_store_idx %arg17[%add3A_109, %iota3A_91], %mul3A_113 : memref<128x16xf32, #tpu.memory_space<vmem>>[vector<16xi32>, vector<16xi32>], vector<16xf32>,
        %add3A_114 = arith.constant 2 : i32
        %add3A_115 = vector.broadcast %add3A_114 : i32 to vector<16xi32>
        %add3A_116 = arith.addi %broadcast_in_dim3A, %add3A_115 : vector<16xi32>
        %gather3A_117 = tpu.vector_load_idx %arg16[%xor3A, %add3A_2, %add3A_116] : memref<1x3x128xi32, #tpu.memory_space<vmem>>[vector<16xi32>, vector<16xi32>, vector<16xi32>], vector<16xi32>,
        %bitcast3A_118 = vector.bitcast %gather3A_117 : vector<16xi32> to vector<16xf32>
        %gather3A_119 = tpu.vector_load_idx %arg17[%add3A_116, %iota3A_91] : memref<128x16xf32, #tpu.memory_space<vmem>>[vector<16xi32>, vector<16xi32>], vector<16xf32>,
        %mul3A_120 = arith.mulf %gather3A_119, %bitcast3A_118 : vector<16xf32>
        tpu.vector_store_idx %arg17[%add3A_116, %iota3A_91], %mul3A_120 : memref<128x16xf32, #tpu.memory_space<vmem>>[vector<16xi32>, vector<16xi32>], vector<16xf32>,
        %add3A_121 = arith.constant 3 : i32
        %add3A_122 = vector.broadcast %add3A_121 : i32 to vector<16xi32>
        %add3A_123 = arith.addi %broadcast_in_dim3A, %add3A_122 : vector<16xi32>
        %gather3A_124 = tpu.vector_load_idx %arg16[%xor3A, %add3A_2, %add3A_123] : memref<1x3x128xi32, #tpu.memory_space<vmem>>[vector<16xi32>, vector<16xi32>, vector<16xi32>], vector<16xi32>,
        %bitcast3A_125 = vector.bitcast %gather3A_124 : vector<16xi32> to vector<16xf32>
        %gather3A_126 = tpu.vector_load_idx %arg17[%add3A_123, %iota3A_91] : memref<128x16xf32, #tpu.memory_space<vmem>>[vector<16xi32>, vector<16xi32>], vector<16xf32>,
        %mul3A_127 = arith.mulf %gather3A_126, %bitcast3A_125 : vector<16xf32>
        tpu.vector_store_idx %arg17[%add3A_123, %iota3A_91], %mul3A_127 : memref<128x16xf32, #tpu.memory_space<vmem>>[vector<16xi32>, vector<16xi32>], vector<16xf32>,
      }
      %scan3A_97 = arith.constant 32 : i32
      %run_scoped3A = arith.constant 0 : i32
      %run_scoped3A_98 = arith.constant 1 : i32
      "tpu.region"() ({
        %run_scoped3A_99 = tpu.sem_alloc : memref<!tpu.dma_semaphore, #tpu.memory_space<semaphore_mem>>
        %dma_start3A_100 = arith.constant 0 : i32
        %dma_start3A_101 = tpu.memref_slice %arg16[%run_scoped3A, %run_scoped3A_98, %dma_start3A_100] : memref<1x3x128xi32, #tpu.memory_space<vmem>> -> memref<1x1x128xi32, #tpu.memory_space<vmem>>
        %dma_start3A_102 = tpu.memref_squeeze %dma_start3A_101 : memref<1x1x128xi32, #tpu.memory_space<vmem>> -> memref<128xi32, #tpu.memory_space<vmem>>
        %dma_start3A_103 = arith.constant 0 : i32
        %dma_start3A_104 = arith.constant 0 : i32
        %dma_start3A_105 = tpu.memref_slice %arg20[%dma_start3A_103, %dma_start3A_104] : memref<21248x16xf32, #tpu.memory_space<vmem_shared>> -> memref<21248x16xf32, #tpu.memory_space<vmem_shared>>
        tpu.enqueue_indirect_dma source(%arg17 : memref<128x16xf32, #tpu.memory_space<vmem>>) target(%dma_start3A_105 : memref<21248x16xf32, #tpu.memory_space<vmem_shared>>) offsets(%dma_start3A_102 : memref<128xi32, #tpu.memory_space<vmem>>) semaphore(%run_scoped3A_99 : memref<!tpu.dma_semaphore, #tpu.memory_space<semaphore_mem>>) {add = true}
        %dma_wait3A_106 = arith.constant 0 : i32
        %dma_wait3A_107 = tpu.memref_slice %arg16[%run_scoped3A, %run_scoped3A_98, %dma_wait3A_106] : memref<1x3x128xi32, #tpu.memory_space<vmem>> -> memref<1x1x128xi32, #tpu.memory_space<vmem>>
        %dma_wait3A_108 = tpu.memref_squeeze %dma_wait3A_107 : memref<1x1x128xi32, #tpu.memory_space<vmem>> -> memref<128xi32, #tpu.memory_space<vmem>>
        %dma_wait3A_109 = arith.constant 0 : i32
        %dma_wait3A_110 = arith.constant 0 : i32
        %dma_wait3A_111 = tpu.memref_slice %arg20[%dma_wait3A_109, %dma_wait3A_110] : memref<21248x16xf32, #tpu.memory_space<vmem_shared>> -> memref<21248x16xf32, #tpu.memory_space<vmem_shared>>
        tpu.wait_indirect_dma semaphore(%run_scoped3A_99 : memref<!tpu.dma_semaphore, #tpu.memory_space<semaphore_mem>>) src(%arg17 : memref<128x16xf32, #tpu.memory_space<vmem>>) dst(%dma_wait3A_111 : memref<21248x16xf32, #tpu.memory_space<vmem_shared>>)
        tpu.yield
      }) : () -> ()
    }
    %scan3A_63 = arith.constant 112 : i32
    %barrier3A_64 = arith.constant 0 : index
    tpu.barrier barrier_id(%barrier3A_64)
    "tpu.region"() ({
      %run_scoped3A = tpu.sem_alloc : memref<!tpu.dma_semaphore, #tpu.memory_space<semaphore_mem>>
      %dma_start3A = arith.constant 0 : i32
      %dma_start3A_75 = tpu.memref_slice %arg20[%mul3A_0, %dma_start3A] : memref<21248x16xf32, #tpu.memory_space<vmem_shared>> -> memref<1328x16xf32, #tpu.memory_space<vmem_shared>>
      %dma_start3A_76 = arith.constant 0 : i32
      %dma_start3A_77 = tpu.memref_slice %arg20[%mul3A_0, %dma_start3A_76] : memref<21248x16xf32, #tpu.memory_space<vmem_shared>> -> memref<1328x16xf32, #tpu.memory_space<vmem_shared>>
      tpu.enqueue_dma source(%dma_start3A_77 : memref<1328x16xf32, #tpu.memory_space<vmem_shared>>) target(%arg19 : memref<1328x16xf32, #tpu.memory_space<vmem>>) target_semaphore(%run_scoped3A : memref<!tpu.dma_semaphore, #tpu.memory_space<semaphore_mem>>)
      %dma_wait3A = arith.constant 0 : i32
      %dma_wait3A_78 = tpu.memref_slice %arg20[%mul3A_0, %dma_wait3A] : memref<21248x16xf32, #tpu.memory_space<vmem_shared>> -> memref<1328x16xf32, #tpu.memory_space<vmem_shared>>
      %dma_wait3A_79 = arith.constant 0 : i32
      %dma_wait3A_80 = tpu.memref_slice %arg20[%mul3A_0, %dma_wait3A_79] : memref<21248x16xf32, #tpu.memory_space<vmem_shared>> -> memref<1328x16xf32, #tpu.memory_space<vmem_shared>>
      tpu.wait_dma2 semaphore(%run_scoped3A : memref<!tpu.dma_semaphore, #tpu.memory_space<semaphore_mem>>) src(%dma_wait3A_80 : memref<1328x16xf32, #tpu.memory_space<vmem_shared>>) dst(%arg19 : memref<1328x16xf32, #tpu.memory_space<vmem>>)
      tpu.yield
    }) : () -> ()
    "tpu.region"() ({
      %run_scoped3A = tpu.sem_alloc : memref<!tpu.dma_semaphore, #tpu.memory_space<semaphore_mem>>
      %dma_start3A = arith.constant 0 : i32
      %dma_start3A_75 = tpu.memref_slice %arg20[%mul3A_0, %dma_start3A] : memref<21248x16xf32, #tpu.memory_space<vmem_shared>> -> memref<1328x16xf32, #tpu.memory_space<vmem_shared>>
      %dma_start3A_76 = arith.constant 0 : i32
      %dma_start3A_77 = tpu.memref_slice %arg20[%mul3A_0, %dma_start3A_76] : memref<21248x16xf32, #tpu.memory_space<vmem_shared>> -> memref<1328x16xf32, #tpu.memory_space<vmem_shared>>
      tpu.enqueue_dma source(%arg18 : memref<1328x16xf32, #tpu.memory_space<vmem>>) target(%dma_start3A_77 : memref<1328x16xf32, #tpu.memory_space<vmem_shared>>) target_semaphore(%run_scoped3A : memref<!tpu.dma_semaphore, #tpu.memory_space<semaphore_mem>>)
      %dma_wait3A = arith.constant 0 : i32
      %dma_wait3A_78 = tpu.memref_slice %arg20[%mul3A_0, %dma_wait3A] : memref<21248x16xf32, #tpu.memory_space<vmem_shared>> -> memref<1328x16xf32, #tpu.memory_space<vmem_shared>>
      %dma_wait3A_79 = arith.constant 0 : i32
      %dma_wait3A_80 = tpu.memref_slice %arg20[%mul3A_0, %dma_wait3A_79] : memref<21248x16xf32, #tpu.memory_space<vmem_shared>> -> memref<1328x16xf32, #tpu.memory_space<vmem_shared>>
      tpu.wait_dma2 semaphore(%run_scoped3A : memref<!tpu.dma_semaphore, #tpu.memory_space<semaphore_mem>>) src(%arg18 : memref<1328x16xf32, #tpu.memory_space<vmem>>) dst(%dma_wait3A_80 : memref<1328x16xf32, #tpu.memory_space<vmem_shared>>)
      tpu.yield
    }) : () -> ()
    %eq3A_65 = arith.constant 0 : i32
    %eq3A_66 = arith.cmpi eq, %arg0, %eq3A_65 : i32
    %convert_element_type3A_67 = arith.extui %eq3A_66 : i1 to i32
    %cond3A_68 = arith.constant 0 : i32
    %cond3A_69 = arith.cmpi ne, %convert_element_type3A_67, %cond3A_68 : i32
    scf.if %cond3A_69 {
      "tpu.region"() ({
        %run_scoped3A = tpu.sem_alloc : memref<!tpu.dma_semaphore, #tpu.memory_space<semaphore_mem>>
        %dma_start3A = arith.constant 0 : i32
        %dma_start3A_75 = tpu.memref_slice %arg11[%mul3A_0, %dma_start3A] : memref<21248x16xf32, #tpu.memory_space<hbm>> -> memref<1328x16xf32, #tpu.memory_space<hbm>>
        %dma_start3A_76 = arith.constant 0 : i32
        %dma_start3A_77 = tpu.memref_slice %arg11[%mul3A_0, %dma_start3A_76] : memref<21248x16xf32, #tpu.memory_space<hbm>> -> memref<1328x16xf32, #tpu.memory_space<hbm>>
        tpu.enqueue_dma source(%arg19 : memref<1328x16xf32, #tpu.memory_space<vmem>>) target(%dma_start3A_77 : memref<1328x16xf32, #tpu.memory_space<hbm>>) target_semaphore(%run_scoped3A : memref<!tpu.dma_semaphore, #tpu.memory_space<semaphore_mem>>)
        %dma_wait3A = arith.constant 0 : i32
        %dma_wait3A_78 = tpu.memref_slice %arg11[%mul3A_0, %dma_wait3A] : memref<21248x16xf32, #tpu.memory_space<hbm>> -> memref<1328x16xf32, #tpu.memory_space<hbm>>
        %dma_wait3A_79 = arith.constant 0 : i32
        %dma_wait3A_80 = tpu.memref_slice %arg11[%mul3A_0, %dma_wait3A_79] : memref<21248x16xf32, #tpu.memory_space<hbm>> -> memref<1328x16xf32, #tpu.memory_space<hbm>>
        tpu.wait_dma2 semaphore(%run_scoped3A : memref<!tpu.dma_semaphore, #tpu.memory_space<semaphore_mem>>) src(%arg19 : memref<1328x16xf32, #tpu.memory_space<vmem>>) dst(%dma_wait3A_80 : memref<1328x16xf32, #tpu.memory_space<hbm>>)
        tpu.yield
      }) : () -> ()
    } else {
    }
    %eq3A_70 = arith.constant 1 : i32
    %eq3A_71 = arith.cmpi eq, %arg0, %eq3A_70 : i32
    %convert_element_type3A_72 = arith.extui %eq3A_71 : i1 to i32
    %cond3A_73 = arith.constant 0 : i32
    %cond3A_74 = arith.cmpi ne, %convert_element_type3A_72, %cond3A_73 : i32
    scf.if %cond3A_74 {
      "tpu.region"() ({
        %run_scoped3A = tpu.sem_alloc : memref<!tpu.dma_semaphore, #tpu.memory_space<semaphore_mem>>
        %dma_start3A = arith.constant 0 : i32
        %dma_start3A_75 = tpu.memref_slice %arg15[%mul3A_0, %dma_start3A] : memref<21248x16xf32, #tpu.memory_space<hbm>> -> memref<1328x16xf32, #tpu.memory_space<hbm>>
        %dma_start3A_76 = arith.constant 0 : i32
        %dma_start3A_77 = tpu.memref_slice %arg15[%mul3A_0, %dma_start3A_76] : memref<21248x16xf32, #tpu.memory_space<hbm>> -> memref<1328x16xf32, #tpu.memory_space<hbm>>
        tpu.enqueue_dma source(%arg19 : memref<1328x16xf32, #tpu.memory_space<vmem>>) target(%dma_start3A_77 : memref<1328x16xf32, #tpu.memory_space<hbm>>) target_semaphore(%run_scoped3A : memref<!tpu.dma_semaphore, #tpu.memory_space<semaphore_mem>>)
        %dma_wait3A = arith.constant 0 : i32
        %dma_wait3A_78 = tpu.memref_slice %arg15[%mul3A_0, %dma_wait3A] : memref<21248x16xf32, #tpu.memory_space<hbm>> -> memref<1328x16xf32, #tpu.memory_space<hbm>>
        %dma_wait3A_79 = arith.constant 0 : i32
        %dma_wait3A_80 = tpu.memref_slice %arg15[%mul3A_0, %dma_wait3A_79] : memref<21248x16xf32, #tpu.memory_space<hbm>> -> memref<1328x16xf32, #tpu.memory_space<hbm>>
        tpu.wait_dma2 semaphore(%run_scoped3A : memref<!tpu.dma_semaphore, #tpu.memory_space<semaphore_mem>>) src(%arg19 : memref<1328x16xf32, #tpu.memory_space<vmem>>) dst(%dma_wait3A_80 : memref<1328x16xf32, #tpu.memory_space<hbm>>)
        tpu.yield
      }) : () -> ()
    } else {
    }
    return
  }
}

#map = affine_map<(d0, d1) -> (0, 0)>
#map1 = affine_map<(d0, d1) -> (0, 0, 0)>
module attributes {stable_mosaic.version = 14 : i64} {
  func.func @body(%arg0: i32, %arg1: i32, %arg2: memref<21120x16xf32, #tpu.memory_space<hbm>>, %arg3: memref<3584x3x128xi32, #tpu.memory_space<hbm>>, %arg4: memref<21248x16xf32, #tpu.memory_space<hbm>>, %arg5: memref<21248x16xf32, #tpu.memory_space<hbm>>, %arg6: memref<21248x16xf32, #tpu.memory_space<hbm>>, %arg7: memref<1x3x128xi32, #tpu.memory_space<vmem>>, %arg8: memref<128x16xf32, #tpu.memory_space<vmem>>, %arg9: memref<1328x16xf32, #tpu.memory_space<vmem>>, %arg10: memref<1328x16xf32, #tpu.memory_space<vmem>>, %arg11: memref<21248x16xf32, #tpu.memory_space<vmem_shared>>, %arg12: memref<!tpu.dma_semaphore, #tpu.memory_space<semaphore_mem>>) attributes {dimension_semantics = [#tpu.dimension_semantics<core_parallel>, #tpu.dimension_semantics<subcore_parallel>], iteration_bounds = array<i64: 2, 16>, scalar_prefetch = 0 : i64, scratch_operands = 6 : i64, tpu.core_type = #tpu.core_type<sc_vector_subcore>, window_params = [{transform_indices = #map}, {transform_indices = #map1}, {transform_indices = #map}, {transform_indices = #map}, {transform_indices = #map}]} {
    %mul3A = arith.constant 1328 : i32
    %mul3A_0 = arith.muli %arg1, %mul3A : i32
    %iota3A = tpu.iota {dimensions = array<i32: 0>} : vector<16xi32>
    %xor3A = arith.xori %iota3A, %iota3A : vector<16xi32>
    %add3A = arith.constant 2 : i32
    %add3A_1 = vector.broadcast %add3A : i32 to vector<16xi32>
    %add3A_2 = arith.addi %xor3A, %add3A_1 : vector<16xi32>
    "tpu.region"() ({
      %run_scoped3A = tpu.sem_alloc : memref<!tpu.dma_semaphore, #tpu.memory_space<semaphore_mem>>
      %dma_start3A = arith.constant 0 : i32
      %dma_start3A_21 = tpu.memref_slice %arg4[%mul3A_0, %dma_start3A] : memref<21248x16xf32, #tpu.memory_space<hbm>> -> memref<1328x16xf32, #tpu.memory_space<hbm>>
      %dma_start3A_22 = arith.constant 0 : i32
      %dma_start3A_23 = tpu.memref_slice %arg4[%mul3A_0, %dma_start3A_22] : memref<21248x16xf32, #tpu.memory_space<hbm>> -> memref<1328x16xf32, #tpu.memory_space<hbm>>
      tpu.enqueue_dma source(%dma_start3A_23 : memref<1328x16xf32, #tpu.memory_space<hbm>>) target(%arg9 : memref<1328x16xf32, #tpu.memory_space<vmem>>) target_semaphore(%run_scoped3A : memref<!tpu.dma_semaphore, #tpu.memory_space<semaphore_mem>>)
      %dma_wait3A = arith.constant 0 : i32
      %dma_wait3A_24 = tpu.memref_slice %arg4[%mul3A_0, %dma_wait3A] : memref<21248x16xf32, #tpu.memory_space<hbm>> -> memref<1328x16xf32, #tpu.memory_space<hbm>>
      %dma_wait3A_25 = arith.constant 0 : i32
      %dma_wait3A_26 = tpu.memref_slice %arg4[%mul3A_0, %dma_wait3A_25] : memref<21248x16xf32, #tpu.memory_space<hbm>> -> memref<1328x16xf32, #tpu.memory_space<hbm>>
      tpu.wait_dma2 semaphore(%run_scoped3A : memref<!tpu.dma_semaphore, #tpu.memory_space<semaphore_mem>>) src(%dma_wait3A_26 : memref<1328x16xf32, #tpu.memory_space<hbm>>) dst(%arg9 : memref<1328x16xf32, #tpu.memory_space<vmem>>)
      tpu.yield
    }) : () -> ()
    "tpu.region"() ({
      %run_scoped3A = tpu.sem_alloc : memref<!tpu.dma_semaphore, #tpu.memory_space<semaphore_mem>>
      %dma_start3A = arith.constant 0 : i32
      %dma_start3A_21 = tpu.memref_slice %arg11[%mul3A_0, %dma_start3A] : memref<21248x16xf32, #tpu.memory_space<vmem_shared>> -> memref<1328x16xf32, #tpu.memory_space<vmem_shared>>
      %dma_start3A_22 = arith.constant 0 : i32
      %dma_start3A_23 = tpu.memref_slice %arg11[%mul3A_0, %dma_start3A_22] : memref<21248x16xf32, #tpu.memory_space<vmem_shared>> -> memref<1328x16xf32, #tpu.memory_space<vmem_shared>>
      tpu.enqueue_dma source(%arg9 : memref<1328x16xf32, #tpu.memory_space<vmem>>) target(%dma_start3A_23 : memref<1328x16xf32, #tpu.memory_space<vmem_shared>>) target_semaphore(%run_scoped3A : memref<!tpu.dma_semaphore, #tpu.memory_space<semaphore_mem>>)
      %dma_wait3A = arith.constant 0 : i32
      %dma_wait3A_24 = tpu.memref_slice %arg11[%mul3A_0, %dma_wait3A] : memref<21248x16xf32, #tpu.memory_space<vmem_shared>> -> memref<1328x16xf32, #tpu.memory_space<vmem_shared>>
      %dma_wait3A_25 = arith.constant 0 : i32
      %dma_wait3A_26 = tpu.memref_slice %arg11[%mul3A_0, %dma_wait3A_25] : memref<21248x16xf32, #tpu.memory_space<vmem_shared>> -> memref<1328x16xf32, #tpu.memory_space<vmem_shared>>
      tpu.wait_dma2 semaphore(%run_scoped3A : memref<!tpu.dma_semaphore, #tpu.memory_space<semaphore_mem>>) src(%arg9 : memref<1328x16xf32, #tpu.memory_space<vmem>>) dst(%dma_wait3A_26 : memref<1328x16xf32, #tpu.memory_space<vmem_shared>>)
      tpu.yield
    }) : () -> ()
    %mul3A_3 = arith.constant 2 : i32
    %mul3A_4 = arith.muli %arg1, %mul3A_3 : i32
    %add3A_5 = arith.addi %mul3A_4, %arg0 : i32
    %mul3A_6 = arith.constant 112 : i32
    %mul3A_7 = arith.muli %add3A_5, %mul3A_6 : i32
    %barrier3A = arith.constant 0 : index
    tpu.barrier barrier_id(%barrier3A)
    %scan3A = arith.constant 0 : i32
    %scan3A_8 = arith.constant 0 : i32
    %scan3A_9 = arith.constant 112 : i32
    %scan3A_10 = arith.addi %scan3A_8, %scan3A_9 : i32
    %scan3A_11 = arith.constant 1 : i32
    scf.for %scan3A_21 = %scan3A_8 to %scan3A_10 step %scan3A_11  : i32 {
      %add3A_22 = arith.addi %mul3A_7, %scan3A_21 : i32
      "tpu.region"() ({
        %run_scoped3A_45 = tpu.sem_alloc : memref<!tpu.dma_semaphore, #tpu.memory_space<semaphore_mem>>
        %dma_start3A_46 = arith.constant 0 : i32
        %dma_start3A_47 = arith.constant 0 : i32
        %dma_start3A_48 = tpu.memref_slice %arg3[%add3A_22, %dma_start3A_46, %dma_start3A_47] : memref<3584x3x128xi32, #tpu.memory_space<hbm>> -> memref<1x3x128xi32, #tpu.memory_space<hbm>>
        %dma_start3A_49 = arith.constant 0 : i32
        %dma_start3A_50 = arith.constant 0 : i32
        %dma_start3A_51 = tpu.memref_slice %arg3[%add3A_22, %dma_start3A_49, %dma_start3A_50] : memref<3584x3x128xi32, #tpu.memory_space<hbm>> -> memref<1x3x128xi32, #tpu.memory_space<hbm>>
        tpu.enqueue_dma source(%dma_start3A_51 : memref<1x3x128xi32, #tpu.memory_space<hbm>>) target(%arg7 : memref<1x3x128xi32, #tpu.memory_space<vmem>>) target_semaphore(%run_scoped3A_45 : memref<!tpu.dma_semaphore, #tpu.memory_space<semaphore_mem>>)
        %dma_wait3A_52 = arith.constant 0 : i32
        %dma_wait3A_53 = arith.constant 0 : i32
        %dma_wait3A_54 = tpu.memref_slice %arg3[%add3A_22, %dma_wait3A_52, %dma_wait3A_53] : memref<3584x3x128xi32, #tpu.memory_space<hbm>> -> memref<1x3x128xi32, #tpu.memory_space<hbm>>
        %dma_wait3A_55 = arith.constant 0 : i32
        %dma_wait3A_56 = arith.constant 0 : i32
        %dma_wait3A_57 = tpu.memref_slice %arg3[%add3A_22, %dma_wait3A_55, %dma_wait3A_56] : memref<3584x3x128xi32, #tpu.memory_space<hbm>> -> memref<1x3x128xi32, #tpu.memory_space<hbm>>
        tpu.wait_dma2 semaphore(%run_scoped3A_45 : memref<!tpu.dma_semaphore, #tpu.memory_space<semaphore_mem>>) src(%dma_wait3A_57 : memref<1x3x128xi32, #tpu.memory_space<hbm>>) dst(%arg7 : memref<1x3x128xi32, #tpu.memory_space<vmem>>)
        tpu.yield
      }) : () -> ()
      %dma_start3A = arith.constant 0 : i32
      %dma_start3A_23 = arith.constant 0 : i32
      %dma_start3A_24 = arith.constant 0 : i32
      %dma_start3A_25 = tpu.memref_slice %arg7[%dma_start3A, %dma_start3A_23, %dma_start3A_24] : memref<1x3x128xi32, #tpu.memory_space<vmem>> -> memref<1x1x128xi32, #tpu.memory_space<vmem>>
      %dma_start3A_26 = tpu.memref_squeeze %dma_start3A_25 : memref<1x1x128xi32, #tpu.memory_space<vmem>> -> memref<128xi32, #tpu.memory_space<vmem>>
      %dma_start3A_27 = arith.constant 0 : i32
      %dma_start3A_28 = arith.constant 0 : i32
      %dma_start3A_29 = tpu.memref_slice %arg2[%dma_start3A_27, %dma_start3A_28] : memref<21120x16xf32, #tpu.memory_space<hbm>> -> memref<21120x16xf32, #tpu.memory_space<hbm>>
      tpu.enqueue_indirect_dma source(%dma_start3A_29 : memref<21120x16xf32, #tpu.memory_space<hbm>>) target(%arg8 : memref<128x16xf32, #tpu.memory_space<vmem>>) offsets(%dma_start3A_26 : memref<128xi32, #tpu.memory_space<vmem>>) semaphore(%arg12 : memref<!tpu.dma_semaphore, #tpu.memory_space<semaphore_mem>>)
      %dma_wait3A = arith.constant 0 : i32
      %dma_wait3A_30 = arith.constant 0 : i32
      %dma_wait3A_31 = arith.constant 0 : i32
      %dma_wait3A_32 = tpu.memref_slice %arg7[%dma_wait3A, %dma_wait3A_30, %dma_wait3A_31] : memref<1x3x128xi32, #tpu.memory_space<vmem>> -> memref<1x1x128xi32, #tpu.memory_space<vmem>>
      %dma_wait3A_33 = tpu.memref_squeeze %dma_wait3A_32 : memref<1x1x128xi32, #tpu.memory_space<vmem>> -> memref<128xi32, #tpu.memory_space<vmem>>
      %dma_wait3A_34 = arith.constant 0 : i32
      %dma_wait3A_35 = arith.constant 0 : i32
      %dma_wait3A_36 = tpu.memref_slice %arg2[%dma_wait3A_34, %dma_wait3A_35] : memref<21120x16xf32, #tpu.memory_space<hbm>> -> memref<21120x16xf32, #tpu.memory_space<hbm>>
      tpu.wait_indirect_dma semaphore(%arg12 : memref<!tpu.dma_semaphore, #tpu.memory_space<semaphore_mem>>) src(%dma_wait3A_36 : memref<21120x16xf32, #tpu.memory_space<hbm>>) dst(%arg8 : memref<128x16xf32, #tpu.memory_space<vmem>>)
      %iota3A_37 = tpu.iota {dimensions = array<i32: 0>} : vector<16xi32>
      %scan3A_38 = arith.constant 0 : i32
      %scan3A_39 = arith.constant 0 : i32
      %scan3A_40 = arith.constant 32 : i32
      %scan3A_41 = arith.addi %scan3A_39, %scan3A_40 : i32
      %scan3A_42 = arith.constant 1 : i32
      scf.for %scan3A_45 = %scan3A_39 to %scan3A_41 step %scan3A_42  : i32 {
        %mul3A_46 = arith.constant 4 : i32
        %mul3A_47 = arith.muli %scan3A_45, %mul3A_46 : i32
        %broadcast_in_dim3A = vector.broadcast %mul3A_47 : i32 to vector<16xi32>
        %add3A_48 = arith.constant 0 : i32
        %add3A_49 = vector.broadcast %add3A_48 : i32 to vector<16xi32>
        %add3A_50 = arith.addi %broadcast_in_dim3A, %add3A_49 : vector<16xi32>
        %gather3A = tpu.vector_load_idx %arg7[%xor3A, %add3A_2, %add3A_50] : memref<1x3x128xi32, #tpu.memory_space<vmem>>[vector<16xi32>, vector<16xi32>, vector<16xi32>], vector<16xi32>,
        %bitcast3A = vector.bitcast %gather3A : vector<16xi32> to vector<16xf32>
        %gather3A_51 = tpu.vector_load_idx %arg8[%add3A_50, %iota3A_37] : memref<128x16xf32, #tpu.memory_space<vmem>>[vector<16xi32>, vector<16xi32>], vector<16xf32>,
        %mul3A_52 = arith.mulf %gather3A_51, %bitcast3A : vector<16xf32>
        tpu.vector_store_idx %arg8[%add3A_50, %iota3A_37], %mul3A_52 : memref<128x16xf32, #tpu.memory_space<vmem>>[vector<16xi32>, vector<16xi32>], vector<16xf32>,
        %add3A_53 = arith.constant 1 : i32
        %add3A_54 = vector.broadcast %add3A_53 : i32 to vector<16xi32>
        %add3A_55 = arith.addi %broadcast_in_dim3A, %add3A_54 : vector<16xi32>
        %gather3A_56 = tpu.vector_load_idx %arg7[%xor3A, %add3A_2, %add3A_55] : memref<1x3x128xi32, #tpu.memory_space<vmem>>[vector<16xi32>, vector<16xi32>, vector<16xi32>], vector<16xi32>,
        %bitcast3A_57 = vector.bitcast %gather3A_56 : vector<16xi32> to vector<16xf32>
        %gather3A_58 = tpu.vector_load_idx %arg8[%add3A_55, %iota3A_37] : memref<128x16xf32, #tpu.memory_space<vmem>>[vector<16xi32>, vector<16xi32>], vector<16xf32>,
        %mul3A_59 = arith.mulf %gather3A_58, %bitcast3A_57 : vector<16xf32>
        tpu.vector_store_idx %arg8[%add3A_55, %iota3A_37], %mul3A_59 : memref<128x16xf32, #tpu.memory_space<vmem>>[vector<16xi32>, vector<16xi32>], vector<16xf32>,
        %add3A_60 = arith.constant 2 : i32
        %add3A_61 = vector.broadcast %add3A_60 : i32 to vector<16xi32>
        %add3A_62 = arith.addi %broadcast_in_dim3A, %add3A_61 : vector<16xi32>
        %gather3A_63 = tpu.vector_load_idx %arg7[%xor3A, %add3A_2, %add3A_62] : memref<1x3x128xi32, #tpu.memory_space<vmem>>[vector<16xi32>, vector<16xi32>, vector<16xi32>], vector<16xi32>,
        %bitcast3A_64 = vector.bitcast %gather3A_63 : vector<16xi32> to vector<16xf32>
        %gather3A_65 = tpu.vector_load_idx %arg8[%add3A_62, %iota3A_37] : memref<128x16xf32, #tpu.memory_space<vmem>>[vector<16xi32>, vector<16xi32>], vector<16xf32>,
        %mul3A_66 = arith.mulf %gather3A_65, %bitcast3A_64 : vector<16xf32>
        tpu.vector_store_idx %arg8[%add3A_62, %iota3A_37], %mul3A_66 : memref<128x16xf32, #tpu.memory_space<vmem>>[vector<16xi32>, vector<16xi32>], vector<16xf32>,
        %add3A_67 = arith.constant 3 : i32
        %add3A_68 = vector.broadcast %add3A_67 : i32 to vector<16xi32>
        %add3A_69 = arith.addi %broadcast_in_dim3A, %add3A_68 : vector<16xi32>
        %gather3A_70 = tpu.vector_load_idx %arg7[%xor3A, %add3A_2, %add3A_69] : memref<1x3x128xi32, #tpu.memory_space<vmem>>[vector<16xi32>, vector<16xi32>, vector<16xi32>], vector<16xi32>,
        %bitcast3A_71 = vector.bitcast %gather3A_70 : vector<16xi32> to vector<16xf32>
        %gather3A_72 = tpu.vector_load_idx %arg8[%add3A_69, %iota3A_37] : memref<128x16xf32, #tpu.memory_space<vmem>>[vector<16xi32>, vector<16xi32>], vector<16xf32>,
        %mul3A_73 = arith.mulf %gather3A_72, %bitcast3A_71 : vector<16xf32>
        tpu.vector_store_idx %arg8[%add3A_69, %iota3A_37], %mul3A_73 : memref<128x16xf32, #tpu.memory_space<vmem>>[vector<16xi32>, vector<16xi32>], vector<16xf32>,
      }
      %scan3A_43 = arith.constant 32 : i32
      %run_scoped3A = arith.constant 0 : i32
      %run_scoped3A_44 = arith.constant 1 : i32
      "tpu.region"() ({
        %run_scoped3A_45 = tpu.sem_alloc : memref<!tpu.dma_semaphore, #tpu.memory_space<semaphore_mem>>
        %dma_start3A_46 = arith.constant 0 : i32
        %dma_start3A_47 = tpu.memref_slice %arg7[%run_scoped3A, %run_scoped3A_44, %dma_start3A_46] : memref<1x3x128xi32, #tpu.memory_space<vmem>> -> memref<1x1x128xi32, #tpu.memory_space<vmem>>
        %dma_start3A_48 = tpu.memref_squeeze %dma_start3A_47 : memref<1x1x128xi32, #tpu.memory_space<vmem>> -> memref<128xi32, #tpu.memory_space<vmem>>
        %dma_start3A_49 = arith.constant 0 : i32
        %dma_start3A_50 = arith.constant 0 : i32
        %dma_start3A_51 = tpu.memref_slice %arg11[%dma_start3A_49, %dma_start3A_50] : memref<21248x16xf32, #tpu.memory_space<vmem_shared>> -> memref<21248x16xf32, #tpu.memory_space<vmem_shared>>
        tpu.enqueue_indirect_dma source(%arg8 : memref<128x16xf32, #tpu.memory_space<vmem>>) target(%dma_start3A_51 : memref<21248x16xf32, #tpu.memory_space<vmem_shared>>) offsets(%dma_start3A_48 : memref<128xi32, #tpu.memory_space<vmem>>) semaphore(%run_scoped3A_45 : memref<!tpu.dma_semaphore, #tpu.memory_space<semaphore_mem>>) {add = true}
        %dma_wait3A_52 = arith.constant 0 : i32
        %dma_wait3A_53 = tpu.memref_slice %arg7[%run_scoped3A, %run_scoped3A_44, %dma_wait3A_52] : memref<1x3x128xi32, #tpu.memory_space<vmem>> -> memref<1x1x128xi32, #tpu.memory_space<vmem>>
        %dma_wait3A_54 = tpu.memref_squeeze %dma_wait3A_53 : memref<1x1x128xi32, #tpu.memory_space<vmem>> -> memref<128xi32, #tpu.memory_space<vmem>>
        %dma_wait3A_55 = arith.constant 0 : i32
        %dma_wait3A_56 = arith.constant 0 : i32
        %dma_wait3A_57 = tpu.memref_slice %arg11[%dma_wait3A_55, %dma_wait3A_56] : memref<21248x16xf32, #tpu.memory_space<vmem_shared>> -> memref<21248x16xf32, #tpu.memory_space<vmem_shared>>
        tpu.wait_indirect_dma semaphore(%run_scoped3A_45 : memref<!tpu.dma_semaphore, #tpu.memory_space<semaphore_mem>>) src(%arg8 : memref<128x16xf32, #tpu.memory_space<vmem>>) dst(%dma_wait3A_57 : memref<21248x16xf32, #tpu.memory_space<vmem_shared>>)
        tpu.yield
      }) : () -> ()
    }
    %scan3A_12 = arith.constant 112 : i32
    %barrier3A_13 = arith.constant 0 : index
    tpu.barrier barrier_id(%barrier3A_13)
    "tpu.region"() ({
      %run_scoped3A = tpu.sem_alloc : memref<!tpu.dma_semaphore, #tpu.memory_space<semaphore_mem>>
      %dma_start3A = arith.constant 0 : i32
      %dma_start3A_21 = tpu.memref_slice %arg11[%mul3A_0, %dma_start3A] : memref<21248x16xf32, #tpu.memory_space<vmem_shared>> -> memref<1328x16xf32, #tpu.memory_space<vmem_shared>>
      %dma_start3A_22 = arith.constant 0 : i32
      %dma_start3A_23 = tpu.memref_slice %arg11[%mul3A_0, %dma_start3A_22] : memref<21248x16xf32, #tpu.memory_space<vmem_shared>> -> memref<1328x16xf32, #tpu.memory_space<vmem_shared>>
      tpu.enqueue_dma source(%dma_start3A_23 : memref<1328x16xf32, #tpu.memory_space<vmem_shared>>) target(%arg10 : memref<1328x16xf32, #tpu.memory_space<vmem>>) target_semaphore(%run_scoped3A : memref<!tpu.dma_semaphore, #tpu.memory_space<semaphore_mem>>)
      %dma_wait3A = arith.constant 0 : i32
      %dma_wait3A_24 = tpu.memref_slice %arg11[%mul3A_0, %dma_wait3A] : memref<21248x16xf32, #tpu.memory_space<vmem_shared>> -> memref<1328x16xf32, #tpu.memory_space<vmem_shared>>
      %dma_wait3A_25 = arith.constant 0 : i32
      %dma_wait3A_26 = tpu.memref_slice %arg11[%mul3A_0, %dma_wait3A_25] : memref<21248x16xf32, #tpu.memory_space<vmem_shared>> -> memref<1328x16xf32, #tpu.memory_space<vmem_shared>>
      tpu.wait_dma2 semaphore(%run_scoped3A : memref<!tpu.dma_semaphore, #tpu.memory_space<semaphore_mem>>) src(%dma_wait3A_26 : memref<1328x16xf32, #tpu.memory_space<vmem_shared>>) dst(%arg10 : memref<1328x16xf32, #tpu.memory_space<vmem>>)
      tpu.yield
    }) : () -> ()
    "tpu.region"() ({
      %run_scoped3A = tpu.sem_alloc : memref<!tpu.dma_semaphore, #tpu.memory_space<semaphore_mem>>
      %dma_start3A = arith.constant 0 : i32
      %dma_start3A_21 = tpu.memref_slice %arg11[%mul3A_0, %dma_start3A] : memref<21248x16xf32, #tpu.memory_space<vmem_shared>> -> memref<1328x16xf32, #tpu.memory_space<vmem_shared>>
      %dma_start3A_22 = arith.constant 0 : i32
      %dma_start3A_23 = tpu.memref_slice %arg11[%mul3A_0, %dma_start3A_22] : memref<21248x16xf32, #tpu.memory_space<vmem_shared>> -> memref<1328x16xf32, #tpu.memory_space<vmem_shared>>
      tpu.enqueue_dma source(%arg9 : memref<1328x16xf32, #tpu.memory_space<vmem>>) target(%dma_start3A_23 : memref<1328x16xf32, #tpu.memory_space<vmem_shared>>) target_semaphore(%run_scoped3A : memref<!tpu.dma_semaphore, #tpu.memory_space<semaphore_mem>>)
      %dma_wait3A = arith.constant 0 : i32
      %dma_wait3A_24 = tpu.memref_slice %arg11[%mul3A_0, %dma_wait3A] : memref<21248x16xf32, #tpu.memory_space<vmem_shared>> -> memref<1328x16xf32, #tpu.memory_space<vmem_shared>>
      %dma_wait3A_25 = arith.constant 0 : i32
      %dma_wait3A_26 = tpu.memref_slice %arg11[%mul3A_0, %dma_wait3A_25] : memref<21248x16xf32, #tpu.memory_space<vmem_shared>> -> memref<1328x16xf32, #tpu.memory_space<vmem_shared>>
      tpu.wait_dma2 semaphore(%run_scoped3A : memref<!tpu.dma_semaphore, #tpu.memory_space<semaphore_mem>>) src(%arg9 : memref<1328x16xf32, #tpu.memory_space<vmem>>) dst(%dma_wait3A_26 : memref<1328x16xf32, #tpu.memory_space<vmem_shared>>)
      tpu.yield
    }) : () -> ()
    %eq3A = arith.constant 0 : i32
    %eq3A_14 = arith.cmpi eq, %arg0, %eq3A : i32
    %convert_element_type3A = arith.extui %eq3A_14 : i1 to i32
    %cond3A = arith.constant 0 : i32
    %cond3A_15 = arith.cmpi ne, %convert_element_type3A, %cond3A : i32
    scf.if %cond3A_15 {
      "tpu.region"() ({
        %run_scoped3A = tpu.sem_alloc : memref<!tpu.dma_semaphore, #tpu.memory_space<semaphore_mem>>
        %dma_start3A = arith.constant 0 : i32
        %dma_start3A_21 = tpu.memref_slice %arg5[%mul3A_0, %dma_start3A] : memref<21248x16xf32, #tpu.memory_space<hbm>> -> memref<1328x16xf32, #tpu.memory_space<hbm>>
        %dma_start3A_22 = arith.constant 0 : i32
        %dma_start3A_23 = tpu.memref_slice %arg5[%mul3A_0, %dma_start3A_22] : memref<21248x16xf32, #tpu.memory_space<hbm>> -> memref<1328x16xf32, #tpu.memory_space<hbm>>
        tpu.enqueue_dma source(%arg10 : memref<1328x16xf32, #tpu.memory_space<vmem>>) target(%dma_start3A_23 : memref<1328x16xf32, #tpu.memory_space<hbm>>) target_semaphore(%run_scoped3A : memref<!tpu.dma_semaphore, #tpu.memory_space<semaphore_mem>>)
        %dma_wait3A = arith.constant 0 : i32
        %dma_wait3A_24 = tpu.memref_slice %arg5[%mul3A_0, %dma_wait3A] : memref<21248x16xf32, #tpu.memory_space<hbm>> -> memref<1328x16xf32, #tpu.memory_space<hbm>>
        %dma_wait3A_25 = arith.constant 0 : i32
        %dma_wait3A_26 = tpu.memref_slice %arg5[%mul3A_0, %dma_wait3A_25] : memref<21248x16xf32, #tpu.memory_space<hbm>> -> memref<1328x16xf32, #tpu.memory_space<hbm>>
        tpu.wait_dma2 semaphore(%run_scoped3A : memref<!tpu.dma_semaphore, #tpu.memory_space<semaphore_mem>>) src(%arg10 : memref<1328x16xf32, #tpu.memory_space<vmem>>) dst(%dma_wait3A_26 : memref<1328x16xf32, #tpu.memory_space<hbm>>)
        tpu.yield
      }) : () -> ()
    } else {
    }
    %eq3A_16 = arith.constant 1 : i32
    %eq3A_17 = arith.cmpi eq, %arg0, %eq3A_16 : i32
    %convert_element_type3A_18 = arith.extui %eq3A_17 : i1 to i32
    %cond3A_19 = arith.constant 0 : i32
    %cond3A_20 = arith.cmpi ne, %convert_element_type3A_18, %cond3A_19 : i32
    scf.if %cond3A_20 {
      "tpu.region"() ({
        %run_scoped3A = tpu.sem_alloc : memref<!tpu.dma_semaphore, #tpu.memory_space<semaphore_mem>>
        %dma_start3A = arith.constant 0 : i32
        %dma_start3A_21 = tpu.memref_slice %arg6[%mul3A_0, %dma_start3A] : memref<21248x16xf32, #tpu.memory_space<hbm>> -> memref<1328x16xf32, #tpu.memory_space<hbm>>
        %dma_start3A_22 = arith.constant 0 : i32
        %dma_start3A_23 = tpu.memref_slice %arg6[%mul3A_0, %dma_start3A_22] : memref<21248x16xf32, #tpu.memory_space<hbm>> -> memref<1328x16xf32, #tpu.memory_space<hbm>>
        tpu.enqueue_dma source(%arg10 : memref<1328x16xf32, #tpu.memory_space<vmem>>) target(%dma_start3A_23 : memref<1328x16xf32, #tpu.memory_space<hbm>>) target_semaphore(%run_scoped3A : memref<!tpu.dma_semaphore, #tpu.memory_space<semaphore_mem>>)
        %dma_wait3A = arith.constant 0 : i32
        %dma_wait3A_24 = tpu.memref_slice %arg6[%mul3A_0, %dma_wait3A] : memref<21248x16xf32, #tpu.memory_space<hbm>> -> memref<1328x16xf32, #tpu.memory_space<hbm>>
        %dma_wait3A_25 = arith.constant 0 : i32
        %dma_wait3A_26 = tpu.memref_slice %arg6[%mul3A_0, %dma_wait3A_25] : memref<21248x16xf32, #tpu.memory_space<hbm>> -> memref<1328x16xf32, #tpu.memory_space<hbm>>
        tpu.wait_dma2 semaphore(%run_scoped3A : memref<!tpu.dma_semaphore, #tpu.memory_space<semaphore_mem>>) src(%arg10 : memref<1328x16xf32, #tpu.memory_space<vmem>>) dst(%dma_wait3A_26 : memref<1328x16xf32, #tpu.memory_space<hbm>>)
        tpu.yield
      }) : () -> ()
    } else {
    }
    return
  }
}

module attributes {stable_mosaic.version = 14 : i64} {
  func.func @_mm_body(%arg0: i32, %arg1: memref<1320x128xf32, #tpu.memory_space<vmem>>, %arg2: memref<128x16xf32, #tpu.memory_space<vmem>>, %arg3: memref<1x16xf32, #tpu.memory_space<vmem>>, %arg4: memref<1320x16xf32, #tpu.memory_space<vmem>>) attributes {dimension_semantics = [#tpu.dimension_semantics<arbitrary>], iteration_bounds = array<i64: 16>, scalar_prefetch = 0 : i64, scratch_operands = 0 : i64, tpu.core_type = #tpu.core_type<tc>, window_params = [{transform_indices = @transform_0, window_bounds = array<i64: 1320, 128>}, {pipeline_mode = #tpu.pipeline_mode<synchronous>, transform_indices = @transform_1, window_bounds = array<i64: 128, 16>}, {pipeline_mode = #tpu.pipeline_mode<synchronous>, transform_indices = @transform_2, window_bounds = array<i64: 1, 16>}, {transform_indices = @transform_3, window_bounds = array<i64: 1320, 16>}]} {
    %get3A = arith.constant 0 : index
    %get3A_0 = arith.constant 0 : index
    %get3A_1 = vector.load %arg1[%get3A, %get3A_0] : memref<1320x128xf32, #tpu.memory_space<vmem>>, vector<1320x128xf32>
    %get3A_2 = arith.constant 0 : index
    %get3A_3 = arith.constant 0 : index
    %get3A_4 = vector.load %arg2[%get3A_2, %get3A_3] : memref<128x16xf32, #tpu.memory_space<vmem>>, vector<128x16xf32>
    %dot_general3A = arith.constant dense<0.000000e+00> : vector<1320x16xf32>
    %dot_general3A_5 = tpu.matmul %get3A_1, %get3A_4, %dot_general3A {dimension_numbers = #tpu.dot_dimension_numbers<[1], [0], [0], [1], [0, 0, 1, 1], [], []>, transpose_lhs_hint = false} : vector<1320x128xf32>, vector<128x16xf32>, vector<1320x16xf32> -> vector<1320x16xf32>
    %get3A_6 = arith.constant 0 : index
    %get3A_7 = arith.constant 0 : index
    %get3A_8 = vector.load %arg3[%get3A_6, %get3A_7] : memref<1x16xf32, #tpu.memory_space<vmem>>, vector<1x16xf32>
    %add3A = vector.broadcast %get3A_8 : vector<1x16xf32> to vector<1320x16xf32>
    %add3A_9 = arith.addf %dot_general3A_5, %add3A : vector<1320x16xf32>
    %swap3A = arith.constant 0 : index
    %swap3A_10 = arith.constant 0 : index
    %swap3A_11 = vector.load %arg4[%swap3A, %swap3A_10] : memref<1320x16xf32, #tpu.memory_space<vmem>>, vector<1320x16xf32>
    tpu.vector_store %arg4[%swap3A, %swap3A_10], %add3A_9 {strides = array<i32>} : memref<1320x16xf32, #tpu.memory_space<vmem>>, vector<1320x16xf32>,
    return
  }
  func.func @transform_0(%arg0: i32) -> (i32, i32) {
    %c0_i32 = arith.constant 0 : i32
    %c0_i32_0 = arith.constant 0 : i32
    return %arg0, %c0_i32 : i32, i32
  }
  func.func @transform_1(%arg0: i32) -> (i32, i32) {
    %c0_i32 = arith.constant 0 : i32
    %c0_i32_0 = arith.constant 0 : i32
    %c0_i32_1 = arith.constant 0 : i32
    return %c0_i32, %c0_i32_0 : i32, i32
  }
  func.func @transform_2(%arg0: i32) -> (i32, i32) {
    %c0_i32 = arith.constant 0 : i32
    %c0_i32_0 = arith.constant 0 : i32
    %c0_i32_1 = arith.constant 0 : i32
    return %c0_i32, %c0_i32_0 : i32, i32
  }
  func.func @transform_3(%arg0: i32) -> (i32, i32) {
    %c0_i32 = arith.constant 0 : i32
    %c0_i32_0 = arith.constant 0 : i32
    return %arg0, %c0_i32 : i32, i32
  }
}

module attributes {stable_mosaic.version = 14 : i64} {
  func.func @_l1_body(%arg0: i32, %arg1: memref<1320x16xf32, #tpu.memory_space<vmem>>, %arg2: memref<1320x16xf32, #tpu.memory_space<vmem>>, %arg3: memref<1320x16xf32, #tpu.memory_space<vmem>>, %arg4: memref<1320x1xf32, #tpu.memory_space<vmem>>, %arg5: memref<1x16xf32, #tpu.memory_space<vmem>>, %arg6: memref<1320x16xf32, #tpu.memory_space<vmem>>) attributes {dimension_semantics = [#tpu.dimension_semantics<arbitrary>], iteration_bounds = array<i64: 16>, scalar_prefetch = 0 : i64, scratch_operands = 0 : i64, tpu.core_type = #tpu.core_type<tc>, window_params = [{transform_indices = @transform_0, window_bounds = array<i64: 1320, 16>}, {transform_indices = @transform_1, window_bounds = array<i64: 1320, 16>}, {transform_indices = @transform_2, window_bounds = array<i64: 1320, 16>}, {transform_indices = @transform_3, window_bounds = array<i64: 1320, 1>}, {pipeline_mode = #tpu.pipeline_mode<synchronous>, transform_indices = @transform_4, window_bounds = array<i64: 1, 16>}, {transform_indices = @transform_5, window_bounds = array<i64: 1320, 16>}]} {
    %get3A = arith.constant 0 : index
    %get3A_0 = arith.constant 0 : index
    %get3A_1 = vector.load %arg4[%get3A, %get3A_0] : memref<1320x1xf32, #tpu.memory_space<vmem>>, vector<1320x1xf32>
    %get3A_2 = arith.constant 0 : index
    %get3A_3 = arith.constant 0 : index
    %get3A_4 = vector.load %arg4[%get3A_2, %get3A_3] : memref<1320x1xf32, #tpu.memory_space<vmem>>, vector<1320x1xf32>
    %mul3A = arith.mulf %get3A_1, %get3A_4 : vector<1320x1xf32>
    %get3A_5 = arith.constant 0 : index
    %get3A_6 = arith.constant 0 : index
    %get3A_7 = vector.load %arg1[%get3A_5, %get3A_6] : memref<1320x16xf32, #tpu.memory_space<vmem>>, vector<1320x16xf32>
    %get3A_8 = arith.constant 0 : index
    %get3A_9 = arith.constant 0 : index
    %get3A_10 = vector.load %arg2[%get3A_8, %get3A_9] : memref<1320x16xf32, #tpu.memory_space<vmem>>, vector<1320x16xf32>
    %add3A = arith.addf %get3A_7, %get3A_10 : vector<1320x16xf32>
    %get3A_11 = arith.constant 0 : index
    %get3A_12 = arith.constant 0 : index
    %get3A_13 = vector.load %arg3[%get3A_11, %get3A_12] : memref<1320x16xf32, #tpu.memory_space<vmem>>, vector<1320x16xf32>
    %mul3A_14 = vector.broadcast %mul3A : vector<1320x1xf32> to vector<1320x16xf32>
    %mul3A_15 = arith.mulf %mul3A_14, %get3A_13 : vector<1320x16xf32>
    %add3A_16 = arith.addf %add3A, %mul3A_15 : vector<1320x16xf32>
    %get3A_17 = arith.constant 0 : index
    %get3A_18 = arith.constant 0 : index
    %get3A_19 = vector.load %arg5[%get3A_17, %get3A_18] : memref<1x16xf32, #tpu.memory_space<vmem>>, vector<1x16xf32>
    %add3A_20 = vector.broadcast %get3A_19 : vector<1x16xf32> to vector<1320x16xf32>
    %add3A_21 = arith.addf %add3A_16, %add3A_20 : vector<1320x16xf32>
    %max3A = arith.constant 0.000000e+00 : f32
    %max3A_22 = vector.broadcast %max3A : f32 to vector<1320x16xf32>
    %max3A_23 = arith.maximumf %add3A_21, %max3A_22 : vector<1320x16xf32>
    %swap3A = arith.constant 0 : index
    %swap3A_24 = arith.constant 0 : index
    %swap3A_25 = vector.load %arg6[%swap3A, %swap3A_24] : memref<1320x16xf32, #tpu.memory_space<vmem>>, vector<1320x16xf32>
    tpu.vector_store %arg6[%swap3A, %swap3A_24], %max3A_23 {strides = array<i32>} : memref<1320x16xf32, #tpu.memory_space<vmem>>, vector<1320x16xf32>,
    return
  }
  func.func @transform_0(%arg0: i32) -> (i32, i32) {
    %c0_i32 = arith.constant 0 : i32
    %c0_i32_0 = arith.constant 0 : i32
    return %arg0, %c0_i32 : i32, i32
  }
  func.func @transform_1(%arg0: i32) -> (i32, i32) {
    %c0_i32 = arith.constant 0 : i32
    %c0_i32_0 = arith.constant 0 : i32
    return %arg0, %c0_i32 : i32, i32
  }
  func.func @transform_2(%arg0: i32) -> (i32, i32) {
    %c0_i32 = arith.constant 0 : i32
    %c0_i32_0 = arith.constant 0 : i32
    return %arg0, %c0_i32 : i32, i32
  }
  func.func @transform_3(%arg0: i32) -> (i32, i32) {
    %c0_i32 = arith.constant 0 : i32
    %c0_i32_0 = arith.constant 0 : i32
    return %arg0, %c0_i32 : i32, i32
  }
  func.func @transform_4(%arg0: i32) -> (i32, i32) {
    %c0_i32 = arith.constant 0 : i32
    %c0_i32_0 = arith.constant 0 : i32
    %c0_i32_1 = arith.constant 0 : i32
    return %c0_i32, %c0_i32_0 : i32, i32
  }
  func.func @transform_5(%arg0: i32) -> (i32, i32) {
    %c0_i32 = arith.constant 0 : i32
    %c0_i32_0 = arith.constant 0 : i32
    return %arg0, %c0_i32 : i32, i32
  }
}

module attributes {stable_mosaic.version = 14 : i64} {
  func.func @_mm_agg_body(%arg0: i32, %arg1: memref<1320x16xf32, #tpu.memory_space<vmem>>, %arg2: memref<1320x16xf32, #tpu.memory_space<vmem>>, %arg3: memref<1320x16xf32, #tpu.memory_space<vmem>>, %arg4: memref<1320x1xf32, #tpu.memory_space<vmem>>, %arg5: memref<16x32xf32, #tpu.memory_space<vmem>>, %arg6: memref<1x32xf32, #tpu.memory_space<vmem>>, %arg7: memref<1320x32xf32, #tpu.memory_space<vmem>>) attributes {dimension_semantics = [#tpu.dimension_semantics<arbitrary>], iteration_bounds = array<i64: 16>, scalar_prefetch = 0 : i64, scratch_operands = 0 : i64, tpu.core_type = #tpu.core_type<tc>, window_params = [{transform_indices = @transform_0, window_bounds = array<i64: 1320, 16>}, {transform_indices = @transform_1, window_bounds = array<i64: 1320, 16>}, {transform_indices = @transform_2, window_bounds = array<i64: 1320, 16>}, {transform_indices = @transform_3, window_bounds = array<i64: 1320, 1>}, {pipeline_mode = #tpu.pipeline_mode<synchronous>, transform_indices = @transform_4, window_bounds = array<i64: 16, 32>}, {pipeline_mode = #tpu.pipeline_mode<synchronous>, transform_indices = @transform_5, window_bounds = array<i64: 1, 32>}, {transform_indices = @transform_6, window_bounds = array<i64: 1320, 32>}]} {
    %get3A = arith.constant 0 : index
    %get3A_0 = arith.constant 0 : index
    %get3A_1 = vector.load %arg1[%get3A, %get3A_0] : memref<1320x16xf32, #tpu.memory_space<vmem>>, vector<1320x16xf32>
    %get3A_2 = arith.constant 0 : index
    %get3A_3 = arith.constant 0 : index
    %get3A_4 = vector.load %arg2[%get3A_2, %get3A_3] : memref<1320x16xf32, #tpu.memory_space<vmem>>, vector<1320x16xf32>
    %add3A = arith.addf %get3A_1, %get3A_4 : vector<1320x16xf32>
    %get3A_5 = arith.constant 0 : index
    %get3A_6 = arith.constant 0 : index
    %get3A_7 = vector.load %arg4[%get3A_5, %get3A_6] : memref<1320x1xf32, #tpu.memory_space<vmem>>, vector<1320x1xf32>
    %get3A_8 = arith.constant 0 : index
    %get3A_9 = arith.constant 0 : index
    %get3A_10 = vector.load %arg4[%get3A_8, %get3A_9] : memref<1320x1xf32, #tpu.memory_space<vmem>>, vector<1320x1xf32>
    %mul3A = arith.mulf %get3A_7, %get3A_10 : vector<1320x1xf32>
    %get3A_11 = arith.constant 0 : index
    %get3A_12 = arith.constant 0 : index
    %get3A_13 = vector.load %arg3[%get3A_11, %get3A_12] : memref<1320x16xf32, #tpu.memory_space<vmem>>, vector<1320x16xf32>
    %mul3A_14 = vector.broadcast %mul3A : vector<1320x1xf32> to vector<1320x16xf32>
    %mul3A_15 = arith.mulf %mul3A_14, %get3A_13 : vector<1320x16xf32>
    %add3A_16 = arith.addf %add3A, %mul3A_15 : vector<1320x16xf32>
    %get3A_17 = arith.constant 0 : index
    %get3A_18 = arith.constant 0 : index
    %get3A_19 = vector.load %arg5[%get3A_17, %get3A_18] : memref<16x32xf32, #tpu.memory_space<vmem>>, vector<16x32xf32>
    %dot_general3A = arith.constant dense<0.000000e+00> : vector<1320x32xf32>
    %dot_general3A_20 = tpu.matmul %add3A_16, %get3A_19, %dot_general3A {dimension_numbers = #tpu.dot_dimension_numbers<[1], [0], [0], [1], [0, 0, 1, 1], [], []>, transpose_lhs_hint = false} : vector<1320x16xf32>, vector<16x32xf32>, vector<1320x32xf32> -> vector<1320x32xf32>
    %get3A_21 = arith.constant 0 : index
    %get3A_22 = arith.constant 0 : index
    %get3A_23 = vector.load %arg6[%get3A_21, %get3A_22] : memref<1x32xf32, #tpu.memory_space<vmem>>, vector<1x32xf32>
    %add3A_24 = vector.broadcast %get3A_23 : vector<1x32xf32> to vector<1320x32xf32>
    %add3A_25 = arith.addf %dot_general3A_20, %add3A_24 : vector<1320x32xf32>
    %max3A = arith.constant 0.000000e+00 : f32
    %max3A_26 = vector.broadcast %max3A : f32 to vector<1320x32xf32>
    %max3A_27 = arith.maximumf %add3A_25, %max3A_26 : vector<1320x32xf32>
    %swap3A = arith.constant 0 : index
    %swap3A_28 = arith.constant 0 : index
    %swap3A_29 = vector.load %arg7[%swap3A, %swap3A_28] : memref<1320x32xf32, #tpu.memory_space<vmem>>, vector<1320x32xf32>
    tpu.vector_store %arg7[%swap3A, %swap3A_28], %max3A_27 {strides = array<i32>} : memref<1320x32xf32, #tpu.memory_space<vmem>>, vector<1320x32xf32>,
    return
  }
  func.func @transform_0(%arg0: i32) -> (i32, i32) {
    %c0_i32 = arith.constant 0 : i32
    %c0_i32_0 = arith.constant 0 : i32
    return %arg0, %c0_i32 : i32, i32
  }
  func.func @transform_1(%arg0: i32) -> (i32, i32) {
    %c0_i32 = arith.constant 0 : i32
    %c0_i32_0 = arith.constant 0 : i32
    return %arg0, %c0_i32 : i32, i32
  }
  func.func @transform_2(%arg0: i32) -> (i32, i32) {
    %c0_i32 = arith.constant 0 : i32
    %c0_i32_0 = arith.constant 0 : i32
    return %arg0, %c0_i32 : i32, i32
  }
  func.func @transform_3(%arg0: i32) -> (i32, i32) {
    %c0_i32 = arith.constant 0 : i32
    %c0_i32_0 = arith.constant 0 : i32
    return %arg0, %c0_i32 : i32, i32
  }
  func.func @transform_4(%arg0: i32) -> (i32, i32) {
    %c0_i32 = arith.constant 0 : i32
    %c0_i32_0 = arith.constant 0 : i32
    %c0_i32_1 = arith.constant 0 : i32
    return %c0_i32, %c0_i32_0 : i32, i32
  }
  func.func @transform_5(%arg0: i32) -> (i32, i32) {
    %c0_i32 = arith.constant 0 : i32
    %c0_i32_0 = arith.constant 0 : i32
    %c0_i32_1 = arith.constant 0 : i32
    return %c0_i32, %c0_i32_0 : i32, i32
  }
  func.func @transform_6(%arg0: i32) -> (i32, i32) {
    %c0_i32 = arith.constant 0 : i32
    %c0_i32_0 = arith.constant 0 : i32
    return %arg0, %c0_i32 : i32, i32
  }
}

module attributes {stable_mosaic.version = 14 : i64} {
  func.func @_mm_agg_body(%arg0: i32, %arg1: memref<1320x32xf32, #tpu.memory_space<vmem>>, %arg2: memref<1320x32xf32, #tpu.memory_space<vmem>>, %arg3: memref<1320x32xf32, #tpu.memory_space<vmem>>, %arg4: memref<1320x1xf32, #tpu.memory_space<vmem>>, %arg5: memref<32x64xf32, #tpu.memory_space<vmem>>, %arg6: memref<1x64xf32, #tpu.memory_space<vmem>>, %arg7: memref<1320x64xf32, #tpu.memory_space<vmem>>) attributes {dimension_semantics = [#tpu.dimension_semantics<arbitrary>], iteration_bounds = array<i64: 16>, scalar_prefetch = 0 : i64, scratch_operands = 0 : i64, tpu.core_type = #tpu.core_type<tc>, window_params = [{transform_indices = @transform_0, window_bounds = array<i64: 1320, 32>}, {transform_indices = @transform_1, window_bounds = array<i64: 1320, 32>}, {transform_indices = @transform_2, window_bounds = array<i64: 1320, 32>}, {transform_indices = @transform_3, window_bounds = array<i64: 1320, 1>}, {pipeline_mode = #tpu.pipeline_mode<synchronous>, transform_indices = @transform_4, window_bounds = array<i64: 32, 64>}, {pipeline_mode = #tpu.pipeline_mode<synchronous>, transform_indices = @transform_5, window_bounds = array<i64: 1, 64>}, {transform_indices = @transform_6, window_bounds = array<i64: 1320, 64>}]} {
    %get3A = arith.constant 0 : index
    %get3A_0 = arith.constant 0 : index
    %get3A_1 = vector.load %arg1[%get3A, %get3A_0] : memref<1320x32xf32, #tpu.memory_space<vmem>>, vector<1320x32xf32>
    %get3A_2 = arith.constant 0 : index
    %get3A_3 = arith.constant 0 : index
    %get3A_4 = vector.load %arg2[%get3A_2, %get3A_3] : memref<1320x32xf32, #tpu.memory_space<vmem>>, vector<1320x32xf32>
    %add3A = arith.addf %get3A_1, %get3A_4 : vector<1320x32xf32>
    %get3A_5 = arith.constant 0 : index
    %get3A_6 = arith.constant 0 : index
    %get3A_7 = vector.load %arg4[%get3A_5, %get3A_6] : memref<1320x1xf32, #tpu.memory_space<vmem>>, vector<1320x1xf32>
    %get3A_8 = arith.constant 0 : index
    %get3A_9 = arith.constant 0 : index
    %get3A_10 = vector.load %arg4[%get3A_8, %get3A_9] : memref<1320x1xf32, #tpu.memory_space<vmem>>, vector<1320x1xf32>
    %mul3A = arith.mulf %get3A_7, %get3A_10 : vector<1320x1xf32>
    %get3A_11 = arith.constant 0 : index
    %get3A_12 = arith.constant 0 : index
    %get3A_13 = vector.load %arg3[%get3A_11, %get3A_12] : memref<1320x32xf32, #tpu.memory_space<vmem>>, vector<1320x32xf32>
    %mul3A_14 = vector.broadcast %mul3A : vector<1320x1xf32> to vector<1320x32xf32>
    %mul3A_15 = arith.mulf %mul3A_14, %get3A_13 : vector<1320x32xf32>
    %add3A_16 = arith.addf %add3A, %mul3A_15 : vector<1320x32xf32>
    %get3A_17 = arith.constant 0 : index
    %get3A_18 = arith.constant 0 : index
    %get3A_19 = vector.load %arg5[%get3A_17, %get3A_18] : memref<32x64xf32, #tpu.memory_space<vmem>>, vector<32x64xf32>
    %dot_general3A = arith.constant dense<0.000000e+00> : vector<1320x64xf32>
    %dot_general3A_20 = tpu.matmul %add3A_16, %get3A_19, %dot_general3A {dimension_numbers = #tpu.dot_dimension_numbers<[1], [0], [0], [1], [0, 0, 1, 1], [], []>, transpose_lhs_hint = false} : vector<1320x32xf32>, vector<32x64xf32>, vector<1320x64xf32> -> vector<1320x64xf32>
    %get3A_21 = arith.constant 0 : index
    %get3A_22 = arith.constant 0 : index
    %get3A_23 = vector.load %arg6[%get3A_21, %get3A_22] : memref<1x64xf32, #tpu.memory_space<vmem>>, vector<1x64xf32>
    %add3A_24 = vector.broadcast %get3A_23 : vector<1x64xf32> to vector<1320x64xf32>
    %add3A_25 = arith.addf %dot_general3A_20, %add3A_24 : vector<1320x64xf32>
    %max3A = arith.constant 0.000000e+00 : f32
    %max3A_26 = vector.broadcast %max3A : f32 to vector<1320x64xf32>
    %max3A_27 = arith.maximumf %add3A_25, %max3A_26 : vector<1320x64xf32>
    %swap3A = arith.constant 0 : index
    %swap3A_28 = arith.constant 0 : index
    %swap3A_29 = vector.load %arg7[%swap3A, %swap3A_28] : memref<1320x64xf32, #tpu.memory_space<vmem>>, vector<1320x64xf32>
    tpu.vector_store %arg7[%swap3A, %swap3A_28], %max3A_27 {strides = array<i32>} : memref<1320x64xf32, #tpu.memory_space<vmem>>, vector<1320x64xf32>,
    return
  }
  func.func @transform_0(%arg0: i32) -> (i32, i32) {
    %c0_i32 = arith.constant 0 : i32
    %c0_i32_0 = arith.constant 0 : i32
    return %arg0, %c0_i32 : i32, i32
  }
  func.func @transform_1(%arg0: i32) -> (i32, i32) {
    %c0_i32 = arith.constant 0 : i32
    %c0_i32_0 = arith.constant 0 : i32
    return %arg0, %c0_i32 : i32, i32
  }
  func.func @transform_2(%arg0: i32) -> (i32, i32) {
    %c0_i32 = arith.constant 0 : i32
    %c0_i32_0 = arith.constant 0 : i32
    return %arg0, %c0_i32 : i32, i32
  }
  func.func @transform_3(%arg0: i32) -> (i32, i32) {
    %c0_i32 = arith.constant 0 : i32
    %c0_i32_0 = arith.constant 0 : i32
    return %arg0, %c0_i32 : i32, i32
  }
  func.func @transform_4(%arg0: i32) -> (i32, i32) {
    %c0_i32 = arith.constant 0 : i32
    %c0_i32_0 = arith.constant 0 : i32
    %c0_i32_1 = arith.constant 0 : i32
    return %c0_i32, %c0_i32_0 : i32, i32
  }
  func.func @transform_5(%arg0: i32) -> (i32, i32) {
    %c0_i32 = arith.constant 0 : i32
    %c0_i32_0 = arith.constant 0 : i32
    %c0_i32_1 = arith.constant 0 : i32
    return %c0_i32, %c0_i32_0 : i32, i32
  }
  func.func @transform_6(%arg0: i32) -> (i32, i32) {
    %c0_i32 = arith.constant 0 : i32
    %c0_i32_0 = arith.constant 0 : i32
    return %arg0, %c0_i32 : i32, i32
  }
}

module attributes {stable_mosaic.version = 14 : i64} {
  func.func @_mm_agg_body(%arg0: i32, %arg1: memref<1320x64xf32, #tpu.memory_space<vmem>>, %arg2: memref<1320x64xf32, #tpu.memory_space<vmem>>, %arg3: memref<1320x64xf32, #tpu.memory_space<vmem>>, %arg4: memref<1320x1xf32, #tpu.memory_space<vmem>>, %arg5: memref<64x152xf32, #tpu.memory_space<vmem>>, %arg6: memref<1x152xf32, #tpu.memory_space<vmem>>, %arg7: memref<1320x152xf32, #tpu.memory_space<vmem>>) attributes {dimension_semantics = [#tpu.dimension_semantics<arbitrary>], iteration_bounds = array<i64: 16>, scalar_prefetch = 0 : i64, scratch_operands = 0 : i64, tpu.core_type = #tpu.core_type<tc>, window_params = [{transform_indices = @transform_0, window_bounds = array<i64: 1320, 64>}, {transform_indices = @transform_1, window_bounds = array<i64: 1320, 64>}, {transform_indices = @transform_2, window_bounds = array<i64: 1320, 64>}, {transform_indices = @transform_3, window_bounds = array<i64: 1320, 1>}, {pipeline_mode = #tpu.pipeline_mode<synchronous>, transform_indices = @transform_4, window_bounds = array<i64: 64, 152>}, {pipeline_mode = #tpu.pipeline_mode<synchronous>, transform_indices = @transform_5, window_bounds = array<i64: 1, 152>}, {transform_indices = @transform_6, window_bounds = array<i64: 1320, 152>}]} {
    %get3A = arith.constant 0 : index
    %get3A_0 = arith.constant 0 : index
    %get3A_1 = vector.load %arg1[%get3A, %get3A_0] : memref<1320x64xf32, #tpu.memory_space<vmem>>, vector<1320x64xf32>
    %get3A_2 = arith.constant 0 : index
    %get3A_3 = arith.constant 0 : index
    %get3A_4 = vector.load %arg2[%get3A_2, %get3A_3] : memref<1320x64xf32, #tpu.memory_space<vmem>>, vector<1320x64xf32>
    %add3A = arith.addf %get3A_1, %get3A_4 : vector<1320x64xf32>
    %get3A_5 = arith.constant 0 : index
    %get3A_6 = arith.constant 0 : index
    %get3A_7 = vector.load %arg4[%get3A_5, %get3A_6] : memref<1320x1xf32, #tpu.memory_space<vmem>>, vector<1320x1xf32>
    %get3A_8 = arith.constant 0 : index
    %get3A_9 = arith.constant 0 : index
    %get3A_10 = vector.load %arg4[%get3A_8, %get3A_9] : memref<1320x1xf32, #tpu.memory_space<vmem>>, vector<1320x1xf32>
    %mul3A = arith.mulf %get3A_7, %get3A_10 : vector<1320x1xf32>
    %get3A_11 = arith.constant 0 : index
    %get3A_12 = arith.constant 0 : index
    %get3A_13 = vector.load %arg3[%get3A_11, %get3A_12] : memref<1320x64xf32, #tpu.memory_space<vmem>>, vector<1320x64xf32>
    %mul3A_14 = vector.broadcast %mul3A : vector<1320x1xf32> to vector<1320x64xf32>
    %mul3A_15 = arith.mulf %mul3A_14, %get3A_13 : vector<1320x64xf32>
    %add3A_16 = arith.addf %add3A, %mul3A_15 : vector<1320x64xf32>
    %get3A_17 = arith.constant 0 : index
    %get3A_18 = arith.constant 0 : index
    %get3A_19 = vector.load %arg5[%get3A_17, %get3A_18] : memref<64x152xf32, #tpu.memory_space<vmem>>, vector<64x152xf32>
    %dot_general3A = arith.constant dense<0.000000e+00> : vector<1320x152xf32>
    %dot_general3A_20 = tpu.matmul %add3A_16, %get3A_19, %dot_general3A {dimension_numbers = #tpu.dot_dimension_numbers<[1], [0], [0], [1], [0, 0, 1, 1], [], []>, transpose_lhs_hint = false} : vector<1320x64xf32>, vector<64x152xf32>, vector<1320x152xf32> -> vector<1320x152xf32>
    %get3A_21 = arith.constant 0 : index
    %get3A_22 = arith.constant 0 : index
    %get3A_23 = vector.load %arg6[%get3A_21, %get3A_22] : memref<1x152xf32, #tpu.memory_space<vmem>>, vector<1x152xf32>
    %add3A_24 = vector.broadcast %get3A_23 : vector<1x152xf32> to vector<1320x152xf32>
    %add3A_25 = arith.addf %dot_general3A_20, %add3A_24 : vector<1320x152xf32>
    %max3A = arith.constant 0.000000e+00 : f32
    %max3A_26 = vector.broadcast %max3A : f32 to vector<1320x152xf32>
    %max3A_27 = arith.maximumf %add3A_25, %max3A_26 : vector<1320x152xf32>
    %swap3A = arith.constant 0 : index
    %swap3A_28 = arith.constant 0 : index
    %swap3A_29 = vector.load %arg7[%swap3A, %swap3A_28] : memref<1320x152xf32, #tpu.memory_space<vmem>>, vector<1320x152xf32>
    tpu.vector_store %arg7[%swap3A, %swap3A_28], %max3A_27 {strides = array<i32>} : memref<1320x152xf32, #tpu.memory_space<vmem>>, vector<1320x152xf32>,
    return
  }
  func.func @transform_0(%arg0: i32) -> (i32, i32) {
    %c0_i32 = arith.constant 0 : i32
    %c0_i32_0 = arith.constant 0 : i32
    return %arg0, %c0_i32 : i32, i32
  }
  func.func @transform_1(%arg0: i32) -> (i32, i32) {
    %c0_i32 = arith.constant 0 : i32
    %c0_i32_0 = arith.constant 0 : i32
    return %arg0, %c0_i32 : i32, i32
  }
  func.func @transform_2(%arg0: i32) -> (i32, i32) {
    %c0_i32 = arith.constant 0 : i32
    %c0_i32_0 = arith.constant 0 : i32
    return %arg0, %c0_i32 : i32, i32
  }
  func.func @transform_3(%arg0: i32) -> (i32, i32) {
    %c0_i32 = arith.constant 0 : i32
    %c0_i32_0 = arith.constant 0 : i32
    return %arg0, %c0_i32 : i32, i32
  }
  func.func @transform_4(%arg0: i32) -> (i32, i32) {
    %c0_i32 = arith.constant 0 : i32
    %c0_i32_0 = arith.constant 0 : i32
    %c0_i32_1 = arith.constant 0 : i32
    return %c0_i32, %c0_i32_0 : i32, i32
  }
  func.func @transform_5(%arg0: i32) -> (i32, i32) {
    %c0_i32 = arith.constant 0 : i32
    %c0_i32_0 = arith.constant 0 : i32
    %c0_i32_1 = arith.constant 0 : i32
    return %c0_i32, %c0_i32_0 : i32, i32
  }
  func.func @transform_6(%arg0: i32) -> (i32, i32) {
    %c0_i32 = arith.constant 0 : i32
    %c0_i32_0 = arith.constant 0 : i32
    return %arg0, %c0_i32 : i32, i32
  }
}

module attributes {stable_mosaic.version = 14 : i64} {
  func.func @_vlad_body(%arg0: i32, %arg1: memref<1056x152xf32, #tpu.memory_space<vmem>>, %arg2: memref<152x16xf32, #tpu.memory_space<vmem>>, %arg3: memref<16x152xf32, #tpu.memory_space<vmem>>, %arg4: memref<48x1056xf32, #tpu.memory_space<vmem>>, %arg5: memref<48x2432xf32, #tpu.memory_space<vmem>>, %arg6: memref<48x2432xf32, #tpu.memory_space<vmem>>) attributes {dimension_semantics = [#tpu.dimension_semantics<arbitrary>], iteration_bounds = array<i64: 20>, scalar_prefetch = 0 : i64, scratch_operands = 1 : i64, tpu.core_type = #tpu.core_type<tc>, window_params = [{transform_indices = @transform_0, window_bounds = array<i64: 1056, 152>}, {pipeline_mode = #tpu.pipeline_mode<synchronous>, transform_indices = @transform_1, window_bounds = array<i64: 152, 16>}, {pipeline_mode = #tpu.pipeline_mode<synchronous>, transform_indices = @transform_2, window_bounds = array<i64: 16, 152>}, {pipeline_mode = #tpu.pipeline_mode<synchronous>, transform_indices = @transform_3, window_bounds = array<i64: 48, 1056>}, {transform_indices = @transform_4, window_bounds = array<i64: 48, 2432>}]} {
    %get3A = arith.constant 0 : index
    %get3A_0 = arith.constant 0 : index
    %get3A_1 = vector.load %arg1[%get3A, %get3A_0] : memref<1056x152xf32, #tpu.memory_space<vmem>>, vector<1056x152xf32>
    %get3A_2 = arith.constant 0 : index
    %get3A_3 = arith.constant 0 : index
    %get3A_4 = vector.load %arg2[%get3A_2, %get3A_3] : memref<152x16xf32, #tpu.memory_space<vmem>>, vector<152x16xf32>
    %dot_general3A = arith.constant dense<0.000000e+00> : vector<1056x16xf32>
    %dot_general3A_5 = tpu.matmul %get3A_1, %get3A_4, %dot_general3A {dimension_numbers = #tpu.dot_dimension_numbers<[1], [0], [0], [1], [0, 0, 1, 1], [], []>, transpose_lhs_hint = false} : vector<1056x152xf32>, vector<152x16xf32>, vector<1056x16xf32> -> vector<1056x16xf32>
    %reduce_max3A = arith.constant dense<0xFF800000> : vector<1056xf32>
    %reduce_max3A_6 = vector.multi_reduction <maximumf>, %dot_general3A_5, %reduce_max3A [1] : vector<1056x16xf32> to vector<1056xf32>
    %broadcast_in_dim3A = vector.shape_cast %reduce_max3A_6 : vector<1056xf32> to vector<1056x1xf32>
    %sub3A = vector.broadcast %broadcast_in_dim3A : vector<1056x1xf32> to vector<1056x16xf32>
    %sub3A_7 = arith.subf %dot_general3A_5, %sub3A : vector<1056x16xf32>
    %exp3A = math.exp %sub3A_7 : vector<1056x16xf32>
    %reduce_sum3A = arith.constant dense<0.000000e+00> : vector<1056xf32>
    %reduce_sum3A_8 = vector.multi_reduction <add>, %exp3A, %reduce_sum3A [1] : vector<1056x16xf32> to vector<1056xf32>
    %broadcast_in_dim3A_9 = vector.shape_cast %reduce_sum3A_8 : vector<1056xf32> to vector<1056x1xf32>
    %div3A = vector.broadcast %broadcast_in_dim3A_9 : vector<1056x1xf32> to vector<1056x16xf32>
    %div3A_10 = arith.divf %exp3A, %div3A : vector<1056x16xf32>
    %get3A_11 = arith.constant 0 : index
    %get3A_12 = arith.constant 0 : index
    %get3A_13 = vector.load %arg4[%get3A_11, %get3A_12] : memref<48x1056xf32, #tpu.memory_space<vmem>>, vector<48x1056xf32>
    %dot_general3A_14 = arith.constant dense<0.000000e+00> : vector<48x16xf32>
    %dot_general3A_15 = tpu.matmul %get3A_13, %div3A_10, %dot_general3A_14 {dimension_numbers = #tpu.dot_dimension_numbers<[1], [0], [0], [1], [0, 0, 1, 1], [], []>, transpose_lhs_hint = false} : vector<48x1056xf32>, vector<1056x16xf32>, vector<48x16xf32> -> vector<48x16xf32>
    %get3A_16 = arith.constant 0 : index
    %get3A_17 = arith.constant 0 : index
    %get3A_18 = vector.load %arg3[%get3A_16, %get3A_17] : memref<16x152xf32, #tpu.memory_space<vmem>>, vector<16x152xf32>
    %broadcast_in_dim3A_19 = arith.constant 0.000000e+00 : f32
    %broadcast_in_dim3A_20 = vector.broadcast %broadcast_in_dim3A_19 : f32 to vector<48x1xf32>
    %slice3A = vector.extract_strided_slice %div3A_10 {offsets = [0, 0], sizes = [1056, 1], strides = [1, 1]} : vector<1056x16xf32> to vector<1056x1xf32>
    %mul3A = vector.broadcast %slice3A : vector<1056x1xf32> to vector<1056x152xf32>
    %mul3A_21 = arith.mulf %mul3A, %get3A_1 : vector<1056x152xf32>
    %dot_general3A_22 = arith.constant dense<0.000000e+00> : vector<48x152xf32>
    %dot_general3A_23 = tpu.matmul %get3A_13, %mul3A_21, %dot_general3A_22 {dimension_numbers = #tpu.dot_dimension_numbers<[1], [0], [0], [1], [0, 0, 1, 1], [], []>, transpose_lhs_hint = false} : vector<48x1056xf32>, vector<1056x152xf32>, vector<48x152xf32> -> vector<48x152xf32>
    %slice3A_24 = vector.extract_strided_slice %dot_general3A_15 {offsets = [0, 0], sizes = [48, 1], strides = [1, 1]} : vector<48x16xf32> to vector<48x1xf32>
    %slice3A_25 = vector.extract_strided_slice %get3A_18 {offsets = [0, 0], sizes = [1, 152], strides = [1, 1]} : vector<16x152xf32> to vector<1x152xf32>
    %mul3A_26 = vector.broadcast %slice3A_24 : vector<48x1xf32> to vector<48x152xf32>
    %mul3A_27 = vector.broadcast %slice3A_25 : vector<1x152xf32> to vector<48x152xf32>
    %mul3A_28 = arith.mulf %mul3A_26, %mul3A_27 : vector<48x152xf32>
    %sub3A_29 = arith.subf %dot_general3A_23, %mul3A_28 : vector<48x152xf32>
    %mul3A_30 = arith.mulf %sub3A_29, %sub3A_29 : vector<48x152xf32>
    %reduce_sum3A_31 = arith.constant dense<0.000000e+00> : vector<48xf32>
    %reduce_sum3A_32 = vector.multi_reduction <add>, %mul3A_30, %reduce_sum3A_31 [1] : vector<48x152xf32> to vector<48xf32>
    %broadcast_in_dim3A_33 = vector.shape_cast %reduce_sum3A_32 : vector<48xf32> to vector<48x1xf32>
    %sqrt3A = math.sqrt %broadcast_in_dim3A_33 : vector<48x1xf32>
    %add3A = arith.constant 9.99999996E-13 : f32
    %add3A_34 = vector.broadcast %add3A : f32 to vector<48x1xf32>
    %add3A_35 = arith.addf %sqrt3A, %add3A_34 : vector<48x1xf32>
    %div3A_36 = vector.broadcast %add3A_35 : vector<48x1xf32> to vector<48x152xf32>
    %div3A_37 = arith.divf %sub3A_29, %div3A_36 : vector<48x152xf32>
    %mul3A_38 = arith.mulf %div3A_37, %div3A_37 : vector<48x152xf32>
    %reduce_sum3A_39 = arith.constant dense<0.000000e+00> : vector<48xf32>
    %reduce_sum3A_40 = vector.multi_reduction <add>, %mul3A_38, %reduce_sum3A_39 [1] : vector<48x152xf32> to vector<48xf32>
    %broadcast_in_dim3A_41 = vector.shape_cast %reduce_sum3A_40 : vector<48xf32> to vector<48x1xf32>
    %add3A_42 = arith.addf %broadcast_in_dim3A_20, %broadcast_in_dim3A_41 : vector<48x1xf32>
    %swap3A = arith.constant 0 : index
    %swap3A_43 = arith.constant 0 : index
    %swap3A_44 = vector.load %arg6[%swap3A, %swap3A_43] : memref<48x2432xf32, #tpu.memory_space<vmem>>, vector<48x152xf32>
    tpu.vector_store %arg6[%swap3A, %swap3A_43], %div3A_37 {strides = array<i32>} : memref<48x2432xf32, #tpu.memory_space<vmem>>, vector<48x152xf32>,
    %slice3A_45 = vector.extract_strided_slice %div3A_10 {offsets = [0, 1], sizes = [1056, 1], strides = [1, 1]} : vector<1056x16xf32> to vector<1056x1xf32>
    %mul3A_46 = vector.broadcast %slice3A_45 : vector<1056x1xf32> to vector<1056x152xf32>
    %mul3A_47 = arith.mulf %mul3A_46, %get3A_1 : vector<1056x152xf32>
    %dot_general3A_48 = arith.constant dense<0.000000e+00> : vector<48x152xf32>
    %dot_general3A_49 = tpu.matmul %get3A_13, %mul3A_47, %dot_general3A_48 {dimension_numbers = #tpu.dot_dimension_numbers<[1], [0], [0], [1], [0, 0, 1, 1], [], []>, transpose_lhs_hint = false} : vector<48x1056xf32>, vector<1056x152xf32>, vector<48x152xf32> -> vector<48x152xf32>
    %slice3A_50 = vector.extract_strided_slice %dot_general3A_15 {offsets = [0, 1], sizes = [48, 1], strides = [1, 1]} : vector<48x16xf32> to vector<48x1xf32>
    %slice3A_51 = vector.extract_strided_slice %get3A_18 {offsets = [1, 0], sizes = [1, 152], strides = [1, 1]} : vector<16x152xf32> to vector<1x152xf32>
    %mul3A_52 = vector.broadcast %slice3A_50 : vector<48x1xf32> to vector<48x152xf32>
    %mul3A_53 = vector.broadcast %slice3A_51 : vector<1x152xf32> to vector<48x152xf32>
    %mul3A_54 = arith.mulf %mul3A_52, %mul3A_53 : vector<48x152xf32>
    %sub3A_55 = arith.subf %dot_general3A_49, %mul3A_54 : vector<48x152xf32>
    %mul3A_56 = arith.mulf %sub3A_55, %sub3A_55 : vector<48x152xf32>
    %reduce_sum3A_57 = arith.constant dense<0.000000e+00> : vector<48xf32>
    %reduce_sum3A_58 = vector.multi_reduction <add>, %mul3A_56, %reduce_sum3A_57 [1] : vector<48x152xf32> to vector<48xf32>
    %broadcast_in_dim3A_59 = vector.shape_cast %reduce_sum3A_58 : vector<48xf32> to vector<48x1xf32>
    %sqrt3A_60 = math.sqrt %broadcast_in_dim3A_59 : vector<48x1xf32>
    %add3A_61 = arith.constant 9.99999996E-13 : f32
    %add3A_62 = vector.broadcast %add3A_61 : f32 to vector<48x1xf32>
    %add3A_63 = arith.addf %sqrt3A_60, %add3A_62 : vector<48x1xf32>
    %div3A_64 = vector.broadcast %add3A_63 : vector<48x1xf32> to vector<48x152xf32>
    %div3A_65 = arith.divf %sub3A_55, %div3A_64 : vector<48x152xf32>
    %mul3A_66 = arith.mulf %div3A_65, %div3A_65 : vector<48x152xf32>
    %reduce_sum3A_67 = arith.constant dense<0.000000e+00> : vector<48xf32>
    %reduce_sum3A_68 = vector.multi_reduction <add>, %mul3A_66, %reduce_sum3A_67 [1] : vector<48x152xf32> to vector<48xf32>
    %broadcast_in_dim3A_69 = vector.shape_cast %reduce_sum3A_68 : vector<48xf32> to vector<48x1xf32>
    %add3A_70 = arith.addf %add3A_42, %broadcast_in_dim3A_69 : vector<48x1xf32>
    %swap3A_71 = arith.constant 0 : index
    %swap3A_72 = arith.constant 152 : index
    %swap3A_73 = vector.load %arg6[%swap3A_71, %swap3A_72] : memref<48x2432xf32, #tpu.memory_space<vmem>>, vector<48x152xf32>
    tpu.vector_store %arg6[%swap3A_71, %swap3A_72], %div3A_65 {strides = array<i32>} : memref<48x2432xf32, #tpu.memory_space<vmem>>, vector<48x152xf32>,
    %slice3A_74 = vector.extract_strided_slice %div3A_10 {offsets = [0, 2], sizes = [1056, 1], strides = [1, 1]} : vector<1056x16xf32> to vector<1056x1xf32>
    %mul3A_75 = vector.broadcast %slice3A_74 : vector<1056x1xf32> to vector<1056x152xf32>
    %mul3A_76 = arith.mulf %mul3A_75, %get3A_1 : vector<1056x152xf32>
    %dot_general3A_77 = arith.constant dense<0.000000e+00> : vector<48x152xf32>
    %dot_general3A_78 = tpu.matmul %get3A_13, %mul3A_76, %dot_general3A_77 {dimension_numbers = #tpu.dot_dimension_numbers<[1], [0], [0], [1], [0, 0, 1, 1], [], []>, transpose_lhs_hint = false} : vector<48x1056xf32>, vector<1056x152xf32>, vector<48x152xf32> -> vector<48x152xf32>
    %slice3A_79 = vector.extract_strided_slice %dot_general3A_15 {offsets = [0, 2], sizes = [48, 1], strides = [1, 1]} : vector<48x16xf32> to vector<48x1xf32>
    %slice3A_80 = vector.extract_strided_slice %get3A_18 {offsets = [2, 0], sizes = [1, 152], strides = [1, 1]} : vector<16x152xf32> to vector<1x152xf32>
    %mul3A_81 = vector.broadcast %slice3A_79 : vector<48x1xf32> to vector<48x152xf32>
    %mul3A_82 = vector.broadcast %slice3A_80 : vector<1x152xf32> to vector<48x152xf32>
    %mul3A_83 = arith.mulf %mul3A_81, %mul3A_82 : vector<48x152xf32>
    %sub3A_84 = arith.subf %dot_general3A_78, %mul3A_83 : vector<48x152xf32>
    %mul3A_85 = arith.mulf %sub3A_84, %sub3A_84 : vector<48x152xf32>
    %reduce_sum3A_86 = arith.constant dense<0.000000e+00> : vector<48xf32>
    %reduce_sum3A_87 = vector.multi_reduction <add>, %mul3A_85, %reduce_sum3A_86 [1] : vector<48x152xf32> to vector<48xf32>
    %broadcast_in_dim3A_88 = vector.shape_cast %reduce_sum3A_87 : vector<48xf32> to vector<48x1xf32>
    %sqrt3A_89 = math.sqrt %broadcast_in_dim3A_88 : vector<48x1xf32>
    %add3A_90 = arith.constant 9.99999996E-13 : f32
    %add3A_91 = vector.broadcast %add3A_90 : f32 to vector<48x1xf32>
    %add3A_92 = arith.addf %sqrt3A_89, %add3A_91 : vector<48x1xf32>
    %div3A_93 = vector.broadcast %add3A_92 : vector<48x1xf32> to vector<48x152xf32>
    %div3A_94 = arith.divf %sub3A_84, %div3A_93 : vector<48x152xf32>
    %mul3A_95 = arith.mulf %div3A_94, %div3A_94 : vector<48x152xf32>
    %reduce_sum3A_96 = arith.constant dense<0.000000e+00> : vector<48xf32>
    %reduce_sum3A_97 = vector.multi_reduction <add>, %mul3A_95, %reduce_sum3A_96 [1] : vector<48x152xf32> to vector<48xf32>
    %broadcast_in_dim3A_98 = vector.shape_cast %reduce_sum3A_97 : vector<48xf32> to vector<48x1xf32>
    %add3A_99 = arith.addf %add3A_70, %broadcast_in_dim3A_98 : vector<48x1xf32>
    %swap3A_100 = arith.constant 0 : index
    %swap3A_101 = arith.constant 304 : index
    %swap3A_102 = vector.load %arg6[%swap3A_100, %swap3A_101] : memref<48x2432xf32, #tpu.memory_space<vmem>>, vector<48x152xf32>
    tpu.vector_store %arg6[%swap3A_100, %swap3A_101], %div3A_94 {strides = array<i32>} : memref<48x2432xf32, #tpu.memory_space<vmem>>, vector<48x152xf32>,
    %slice3A_103 = vector.extract_strided_slice %div3A_10 {offsets = [0, 3], sizes = [1056, 1], strides = [1, 1]} : vector<1056x16xf32> to vector<1056x1xf32>
    %mul3A_104 = vector.broadcast %slice3A_103 : vector<1056x1xf32> to vector<1056x152xf32>
    %mul3A_105 = arith.mulf %mul3A_104, %get3A_1 : vector<1056x152xf32>
    %dot_general3A_106 = arith.constant dense<0.000000e+00> : vector<48x152xf32>
    %dot_general3A_107 = tpu.matmul %get3A_13, %mul3A_105, %dot_general3A_106 {dimension_numbers = #tpu.dot_dimension_numbers<[1], [0], [0], [1], [0, 0, 1, 1], [], []>, transpose_lhs_hint = false} : vector<48x1056xf32>, vector<1056x152xf32>, vector<48x152xf32> -> vector<48x152xf32>
    %slice3A_108 = vector.extract_strided_slice %dot_general3A_15 {offsets = [0, 3], sizes = [48, 1], strides = [1, 1]} : vector<48x16xf32> to vector<48x1xf32>
    %slice3A_109 = vector.extract_strided_slice %get3A_18 {offsets = [3, 0], sizes = [1, 152], strides = [1, 1]} : vector<16x152xf32> to vector<1x152xf32>
    %mul3A_110 = vector.broadcast %slice3A_108 : vector<48x1xf32> to vector<48x152xf32>
    %mul3A_111 = vector.broadcast %slice3A_109 : vector<1x152xf32> to vector<48x152xf32>
    %mul3A_112 = arith.mulf %mul3A_110, %mul3A_111 : vector<48x152xf32>
    %sub3A_113 = arith.subf %dot_general3A_107, %mul3A_112 : vector<48x152xf32>
    %mul3A_114 = arith.mulf %sub3A_113, %sub3A_113 : vector<48x152xf32>
    %reduce_sum3A_115 = arith.constant dense<0.000000e+00> : vector<48xf32>
    %reduce_sum3A_116 = vector.multi_reduction <add>, %mul3A_114, %reduce_sum3A_115 [1] : vector<48x152xf32> to vector<48xf32>
    %broadcast_in_dim3A_117 = vector.shape_cast %reduce_sum3A_116 : vector<48xf32> to vector<48x1xf32>
    %sqrt3A_118 = math.sqrt %broadcast_in_dim3A_117 : vector<48x1xf32>
    %add3A_119 = arith.constant 9.99999996E-13 : f32
    %add3A_120 = vector.broadcast %add3A_119 : f32 to vector<48x1xf32>
    %add3A_121 = arith.addf %sqrt3A_118, %add3A_120 : vector<48x1xf32>
    %div3A_122 = vector.broadcast %add3A_121 : vector<48x1xf32> to vector<48x152xf32>
    %div3A_123 = arith.divf %sub3A_113, %div3A_122 : vector<48x152xf32>
    %mul3A_124 = arith.mulf %div3A_123, %div3A_123 : vector<48x152xf32>
    %reduce_sum3A_125 = arith.constant dense<0.000000e+00> : vector<48xf32>
    %reduce_sum3A_126 = vector.multi_reduction <add>, %mul3A_124, %reduce_sum3A_125 [1] : vector<48x152xf32> to vector<48xf32>
    %broadcast_in_dim3A_127 = vector.shape_cast %reduce_sum3A_126 : vector<48xf32> to vector<48x1xf32>
    %add3A_128 = arith.addf %add3A_99, %broadcast_in_dim3A_127 : vector<48x1xf32>
    %swap3A_129 = arith.constant 0 : index
    %swap3A_130 = arith.constant 456 : index
    %swap3A_131 = vector.load %arg6[%swap3A_129, %swap3A_130] : memref<48x2432xf32, #tpu.memory_space<vmem>>, vector<48x152xf32>
    tpu.vector_store %arg6[%swap3A_129, %swap3A_130], %div3A_123 {strides = array<i32>} : memref<48x2432xf32, #tpu.memory_space<vmem>>, vector<48x152xf32>,
    %slice3A_132 = vector.extract_strided_slice %div3A_10 {offsets = [0, 4], sizes = [1056, 1], strides = [1, 1]} : vector<1056x16xf32> to vector<1056x1xf32>
    %mul3A_133 = vector.broadcast %slice3A_132 : vector<1056x1xf32> to vector<1056x152xf32>
    %mul3A_134 = arith.mulf %mul3A_133, %get3A_1 : vector<1056x152xf32>
    %dot_general3A_135 = arith.constant dense<0.000000e+00> : vector<48x152xf32>
    %dot_general3A_136 = tpu.matmul %get3A_13, %mul3A_134, %dot_general3A_135 {dimension_numbers = #tpu.dot_dimension_numbers<[1], [0], [0], [1], [0, 0, 1, 1], [], []>, transpose_lhs_hint = false} : vector<48x1056xf32>, vector<1056x152xf32>, vector<48x152xf32> -> vector<48x152xf32>
    %slice3A_137 = vector.extract_strided_slice %dot_general3A_15 {offsets = [0, 4], sizes = [48, 1], strides = [1, 1]} : vector<48x16xf32> to vector<48x1xf32>
    %slice3A_138 = vector.extract_strided_slice %get3A_18 {offsets = [4, 0], sizes = [1, 152], strides = [1, 1]} : vector<16x152xf32> to vector<1x152xf32>
    %mul3A_139 = vector.broadcast %slice3A_137 : vector<48x1xf32> to vector<48x152xf32>
    %mul3A_140 = vector.broadcast %slice3A_138 : vector<1x152xf32> to vector<48x152xf32>
    %mul3A_141 = arith.mulf %mul3A_139, %mul3A_140 : vector<48x152xf32>
    %sub3A_142 = arith.subf %dot_general3A_136, %mul3A_141 : vector<48x152xf32>
    %mul3A_143 = arith.mulf %sub3A_142, %sub3A_142 : vector<48x152xf32>
    %reduce_sum3A_144 = arith.constant dense<0.000000e+00> : vector<48xf32>
    %reduce_sum3A_145 = vector.multi_reduction <add>, %mul3A_143, %reduce_sum3A_144 [1] : vector<48x152xf32> to vector<48xf32>
    %broadcast_in_dim3A_146 = vector.shape_cast %reduce_sum3A_145 : vector<48xf32> to vector<48x1xf32>
    %sqrt3A_147 = math.sqrt %broadcast_in_dim3A_146 : vector<48x1xf32>
    %add3A_148 = arith.constant 9.99999996E-13 : f32
    %add3A_149 = vector.broadcast %add3A_148 : f32 to vector<48x1xf32>
    %add3A_150 = arith.addf %sqrt3A_147, %add3A_149 : vector<48x1xf32>
    %div3A_151 = vector.broadcast %add3A_150 : vector<48x1xf32> to vector<48x152xf32>
    %div3A_152 = arith.divf %sub3A_142, %div3A_151 : vector<48x152xf32>
    %mul3A_153 = arith.mulf %div3A_152, %div3A_152 : vector<48x152xf32>
    %reduce_sum3A_154 = arith.constant dense<0.000000e+00> : vector<48xf32>
    %reduce_sum3A_155 = vector.multi_reduction <add>, %mul3A_153, %reduce_sum3A_154 [1] : vector<48x152xf32> to vector<48xf32>
    %broadcast_in_dim3A_156 = vector.shape_cast %reduce_sum3A_155 : vector<48xf32> to vector<48x1xf32>
    %add3A_157 = arith.addf %add3A_128, %broadcast_in_dim3A_156 : vector<48x1xf32>
    %swap3A_158 = arith.constant 0 : index
    %swap3A_159 = arith.constant 608 : index
    %swap3A_160 = vector.load %arg6[%swap3A_158, %swap3A_159] : memref<48x2432xf32, #tpu.memory_space<vmem>>, vector<48x152xf32>
    tpu.vector_store %arg6[%swap3A_158, %swap3A_159], %div3A_152 {strides = array<i32>} : memref<48x2432xf32, #tpu.memory_space<vmem>>, vector<48x152xf32>,
    %slice3A_161 = vector.extract_strided_slice %div3A_10 {offsets = [0, 5], sizes = [1056, 1], strides = [1, 1]} : vector<1056x16xf32> to vector<1056x1xf32>
    %mul3A_162 = vector.broadcast %slice3A_161 : vector<1056x1xf32> to vector<1056x152xf32>
    %mul3A_163 = arith.mulf %mul3A_162, %get3A_1 : vector<1056x152xf32>
    %dot_general3A_164 = arith.constant dense<0.000000e+00> : vector<48x152xf32>
    %dot_general3A_165 = tpu.matmul %get3A_13, %mul3A_163, %dot_general3A_164 {dimension_numbers = #tpu.dot_dimension_numbers<[1], [0], [0], [1], [0, 0, 1, 1], [], []>, transpose_lhs_hint = false} : vector<48x1056xf32>, vector<1056x152xf32>, vector<48x152xf32> -> vector<48x152xf32>
    %slice3A_166 = vector.extract_strided_slice %dot_general3A_15 {offsets = [0, 5], sizes = [48, 1], strides = [1, 1]} : vector<48x16xf32> to vector<48x1xf32>
    %slice3A_167 = vector.extract_strided_slice %get3A_18 {offsets = [5, 0], sizes = [1, 152], strides = [1, 1]} : vector<16x152xf32> to vector<1x152xf32>
    %mul3A_168 = vector.broadcast %slice3A_166 : vector<48x1xf32> to vector<48x152xf32>
    %mul3A_169 = vector.broadcast %slice3A_167 : vector<1x152xf32> to vector<48x152xf32>
    %mul3A_170 = arith.mulf %mul3A_168, %mul3A_169 : vector<48x152xf32>
    %sub3A_171 = arith.subf %dot_general3A_165, %mul3A_170 : vector<48x152xf32>
    %mul3A_172 = arith.mulf %sub3A_171, %sub3A_171 : vector<48x152xf32>
    %reduce_sum3A_173 = arith.constant dense<0.000000e+00> : vector<48xf32>
    %reduce_sum3A_174 = vector.multi_reduction <add>, %mul3A_172, %reduce_sum3A_173 [1] : vector<48x152xf32> to vector<48xf32>
    %broadcast_in_dim3A_175 = vector.shape_cast %reduce_sum3A_174 : vector<48xf32> to vector<48x1xf32>
    %sqrt3A_176 = math.sqrt %broadcast_in_dim3A_175 : vector<48x1xf32>
    %add3A_177 = arith.constant 9.99999996E-13 : f32
    %add3A_178 = vector.broadcast %add3A_177 : f32 to vector<48x1xf32>
    %add3A_179 = arith.addf %sqrt3A_176, %add3A_178 : vector<48x1xf32>
    %div3A_180 = vector.broadcast %add3A_179 : vector<48x1xf32> to vector<48x152xf32>
    %div3A_181 = arith.divf %sub3A_171, %div3A_180 : vector<48x152xf32>
    %mul3A_182 = arith.mulf %div3A_181, %div3A_181 : vector<48x152xf32>
    %reduce_sum3A_183 = arith.constant dense<0.000000e+00> : vector<48xf32>
    %reduce_sum3A_184 = vector.multi_reduction <add>, %mul3A_182, %reduce_sum3A_183 [1] : vector<48x152xf32> to vector<48xf32>
    %broadcast_in_dim3A_185 = vector.shape_cast %reduce_sum3A_184 : vector<48xf32> to vector<48x1xf32>
    %add3A_186 = arith.addf %add3A_157, %broadcast_in_dim3A_185 : vector<48x1xf32>
    %swap3A_187 = arith.constant 0 : index
    %swap3A_188 = arith.constant 760 : index
    %swap3A_189 = vector.load %arg6[%swap3A_187, %swap3A_188] : memref<48x2432xf32, #tpu.memory_space<vmem>>, vector<48x152xf32>
    tpu.vector_store %arg6[%swap3A_187, %swap3A_188], %div3A_181 {strides = array<i32>} : memref<48x2432xf32, #tpu.memory_space<vmem>>, vector<48x152xf32>,
    %slice3A_190 = vector.extract_strided_slice %div3A_10 {offsets = [0, 6], sizes = [1056, 1], strides = [1, 1]} : vector<1056x16xf32> to vector<1056x1xf32>
    %mul3A_191 = vector.broadcast %slice3A_190 : vector<1056x1xf32> to vector<1056x152xf32>
    %mul3A_192 = arith.mulf %mul3A_191, %get3A_1 : vector<1056x152xf32>
    %dot_general3A_193 = arith.constant dense<0.000000e+00> : vector<48x152xf32>
    %dot_general3A_194 = tpu.matmul %get3A_13, %mul3A_192, %dot_general3A_193 {dimension_numbers = #tpu.dot_dimension_numbers<[1], [0], [0], [1], [0, 0, 1, 1], [], []>, transpose_lhs_hint = false} : vector<48x1056xf32>, vector<1056x152xf32>, vector<48x152xf32> -> vector<48x152xf32>
    %slice3A_195 = vector.extract_strided_slice %dot_general3A_15 {offsets = [0, 6], sizes = [48, 1], strides = [1, 1]} : vector<48x16xf32> to vector<48x1xf32>
    %slice3A_196 = vector.extract_strided_slice %get3A_18 {offsets = [6, 0], sizes = [1, 152], strides = [1, 1]} : vector<16x152xf32> to vector<1x152xf32>
    %mul3A_197 = vector.broadcast %slice3A_195 : vector<48x1xf32> to vector<48x152xf32>
    %mul3A_198 = vector.broadcast %slice3A_196 : vector<1x152xf32> to vector<48x152xf32>
    %mul3A_199 = arith.mulf %mul3A_197, %mul3A_198 : vector<48x152xf32>
    %sub3A_200 = arith.subf %dot_general3A_194, %mul3A_199 : vector<48x152xf32>
    %mul3A_201 = arith.mulf %sub3A_200, %sub3A_200 : vector<48x152xf32>
    %reduce_sum3A_202 = arith.constant dense<0.000000e+00> : vector<48xf32>
    %reduce_sum3A_203 = vector.multi_reduction <add>, %mul3A_201, %reduce_sum3A_202 [1] : vector<48x152xf32> to vector<48xf32>
    %broadcast_in_dim3A_204 = vector.shape_cast %reduce_sum3A_203 : vector<48xf32> to vector<48x1xf32>
    %sqrt3A_205 = math.sqrt %broadcast_in_dim3A_204 : vector<48x1xf32>
    %add3A_206 = arith.constant 9.99999996E-13 : f32
    %add3A_207 = vector.broadcast %add3A_206 : f32 to vector<48x1xf32>
    %add3A_208 = arith.addf %sqrt3A_205, %add3A_207 : vector<48x1xf32>
    %div3A_209 = vector.broadcast %add3A_208 : vector<48x1xf32> to vector<48x152xf32>
    %div3A_210 = arith.divf %sub3A_200, %div3A_209 : vector<48x152xf32>
    %mul3A_211 = arith.mulf %div3A_210, %div3A_210 : vector<48x152xf32>
    %reduce_sum3A_212 = arith.constant dense<0.000000e+00> : vector<48xf32>
    %reduce_sum3A_213 = vector.multi_reduction <add>, %mul3A_211, %reduce_sum3A_212 [1] : vector<48x152xf32> to vector<48xf32>
    %broadcast_in_dim3A_214 = vector.shape_cast %reduce_sum3A_213 : vector<48xf32> to vector<48x1xf32>
    %add3A_215 = arith.addf %add3A_186, %broadcast_in_dim3A_214 : vector<48x1xf32>
    %swap3A_216 = arith.constant 0 : index
    %swap3A_217 = arith.constant 912 : index
    %swap3A_218 = vector.load %arg6[%swap3A_216, %swap3A_217] : memref<48x2432xf32, #tpu.memory_space<vmem>>, vector<48x152xf32>
    tpu.vector_store %arg6[%swap3A_216, %swap3A_217], %div3A_210 {strides = array<i32>} : memref<48x2432xf32, #tpu.memory_space<vmem>>, vector<48x152xf32>,
    %slice3A_219 = vector.extract_strided_slice %div3A_10 {offsets = [0, 7], sizes = [1056, 1], strides = [1, 1]} : vector<1056x16xf32> to vector<1056x1xf32>
    %mul3A_220 = vector.broadcast %slice3A_219 : vector<1056x1xf32> to vector<1056x152xf32>
    %mul3A_221 = arith.mulf %mul3A_220, %get3A_1 : vector<1056x152xf32>
    %dot_general3A_222 = arith.constant dense<0.000000e+00> : vector<48x152xf32>
    %dot_general3A_223 = tpu.matmul %get3A_13, %mul3A_221, %dot_general3A_222 {dimension_numbers = #tpu.dot_dimension_numbers<[1], [0], [0], [1], [0, 0, 1, 1], [], []>, transpose_lhs_hint = false} : vector<48x1056xf32>, vector<1056x152xf32>, vector<48x152xf32> -> vector<48x152xf32>
    %slice3A_224 = vector.extract_strided_slice %dot_general3A_15 {offsets = [0, 7], sizes = [48, 1], strides = [1, 1]} : vector<48x16xf32> to vector<48x1xf32>
    %slice3A_225 = vector.extract_strided_slice %get3A_18 {offsets = [7, 0], sizes = [1, 152], strides = [1, 1]} : vector<16x152xf32> to vector<1x152xf32>
    %mul3A_226 = vector.broadcast %slice3A_224 : vector<48x1xf32> to vector<48x152xf32>
    %mul3A_227 = vector.broadcast %slice3A_225 : vector<1x152xf32> to vector<48x152xf32>
    %mul3A_228 = arith.mulf %mul3A_226, %mul3A_227 : vector<48x152xf32>
    %sub3A_229 = arith.subf %dot_general3A_223, %mul3A_228 : vector<48x152xf32>
    %mul3A_230 = arith.mulf %sub3A_229, %sub3A_229 : vector<48x152xf32>
    %reduce_sum3A_231 = arith.constant dense<0.000000e+00> : vector<48xf32>
    %reduce_sum3A_232 = vector.multi_reduction <add>, %mul3A_230, %reduce_sum3A_231 [1] : vector<48x152xf32> to vector<48xf32>
    %broadcast_in_dim3A_233 = vector.shape_cast %reduce_sum3A_232 : vector<48xf32> to vector<48x1xf32>
    %sqrt3A_234 = math.sqrt %broadcast_in_dim3A_233 : vector<48x1xf32>
    %add3A_235 = arith.constant 9.99999996E-13 : f32
    %add3A_236 = vector.broadcast %add3A_235 : f32 to vector<48x1xf32>
    %add3A_237 = arith.addf %sqrt3A_234, %add3A_236 : vector<48x1xf32>
    %div3A_238 = vector.broadcast %add3A_237 : vector<48x1xf32> to vector<48x152xf32>
    %div3A_239 = arith.divf %sub3A_229, %div3A_238 : vector<48x152xf32>
    %mul3A_240 = arith.mulf %div3A_239, %div3A_239 : vector<48x152xf32>
    %reduce_sum3A_241 = arith.constant dense<0.000000e+00> : vector<48xf32>
    %reduce_sum3A_242 = vector.multi_reduction <add>, %mul3A_240, %reduce_sum3A_241 [1] : vector<48x152xf32> to vector<48xf32>
    %broadcast_in_dim3A_243 = vector.shape_cast %reduce_sum3A_242 : vector<48xf32> to vector<48x1xf32>
    %add3A_244 = arith.addf %add3A_215, %broadcast_in_dim3A_243 : vector<48x1xf32>
    %swap3A_245 = arith.constant 0 : index
    %swap3A_246 = arith.constant 1064 : index
    %swap3A_247 = vector.load %arg6[%swap3A_245, %swap3A_246] : memref<48x2432xf32, #tpu.memory_space<vmem>>, vector<48x152xf32>
    tpu.vector_store %arg6[%swap3A_245, %swap3A_246], %div3A_239 {strides = array<i32>} : memref<48x2432xf32, #tpu.memory_space<vmem>>, vector<48x152xf32>,
    %slice3A_248 = vector.extract_strided_slice %div3A_10 {offsets = [0, 8], sizes = [1056, 1], strides = [1, 1]} : vector<1056x16xf32> to vector<1056x1xf32>
    %mul3A_249 = vector.broadcast %slice3A_248 : vector<1056x1xf32> to vector<1056x152xf32>
    %mul3A_250 = arith.mulf %mul3A_249, %get3A_1 : vector<1056x152xf32>
    %dot_general3A_251 = arith.constant dense<0.000000e+00> : vector<48x152xf32>
    %dot_general3A_252 = tpu.matmul %get3A_13, %mul3A_250, %dot_general3A_251 {dimension_numbers = #tpu.dot_dimension_numbers<[1], [0], [0], [1], [0, 0, 1, 1], [], []>, transpose_lhs_hint = false} : vector<48x1056xf32>, vector<1056x152xf32>, vector<48x152xf32> -> vector<48x152xf32>
    %slice3A_253 = vector.extract_strided_slice %dot_general3A_15 {offsets = [0, 8], sizes = [48, 1], strides = [1, 1]} : vector<48x16xf32> to vector<48x1xf32>
    %slice3A_254 = vector.extract_strided_slice %get3A_18 {offsets = [8, 0], sizes = [1, 152], strides = [1, 1]} : vector<16x152xf32> to vector<1x152xf32>
    %mul3A_255 = vector.broadcast %slice3A_253 : vector<48x1xf32> to vector<48x152xf32>
    %mul3A_256 = vector.broadcast %slice3A_254 : vector<1x152xf32> to vector<48x152xf32>
    %mul3A_257 = arith.mulf %mul3A_255, %mul3A_256 : vector<48x152xf32>
    %sub3A_258 = arith.subf %dot_general3A_252, %mul3A_257 : vector<48x152xf32>
    %mul3A_259 = arith.mulf %sub3A_258, %sub3A_258 : vector<48x152xf32>
    %reduce_sum3A_260 = arith.constant dense<0.000000e+00> : vector<48xf32>
    %reduce_sum3A_261 = vector.multi_reduction <add>, %mul3A_259, %reduce_sum3A_260 [1] : vector<48x152xf32> to vector<48xf32>
    %broadcast_in_dim3A_262 = vector.shape_cast %reduce_sum3A_261 : vector<48xf32> to vector<48x1xf32>
    %sqrt3A_263 = math.sqrt %broadcast_in_dim3A_262 : vector<48x1xf32>
    %add3A_264 = arith.constant 9.99999996E-13 : f32
    %add3A_265 = vector.broadcast %add3A_264 : f32 to vector<48x1xf32>
    %add3A_266 = arith.addf %sqrt3A_263, %add3A_265 : vector<48x1xf32>
    %div3A_267 = vector.broadcast %add3A_266 : vector<48x1xf32> to vector<48x152xf32>
    %div3A_268 = arith.divf %sub3A_258, %div3A_267 : vector<48x152xf32>
    %mul3A_269 = arith.mulf %div3A_268, %div3A_268 : vector<48x152xf32>
    %reduce_sum3A_270 = arith.constant dense<0.000000e+00> : vector<48xf32>
    %reduce_sum3A_271 = vector.multi_reduction <add>, %mul3A_269, %reduce_sum3A_270 [1] : vector<48x152xf32> to vector<48xf32>
    %broadcast_in_dim3A_272 = vector.shape_cast %reduce_sum3A_271 : vector<48xf32> to vector<48x1xf32>
    %add3A_273 = arith.addf %add3A_244, %broadcast_in_dim3A_272 : vector<48x1xf32>
    %swap3A_274 = arith.constant 0 : index
    %swap3A_275 = arith.constant 1216 : index
    %swap3A_276 = vector.load %arg6[%swap3A_274, %swap3A_275] : memref<48x2432xf32, #tpu.memory_space<vmem>>, vector<48x152xf32>
    tpu.vector_store %arg6[%swap3A_274, %swap3A_275], %div3A_268 {strides = array<i32>} : memref<48x2432xf32, #tpu.memory_space<vmem>>, vector<48x152xf32>,
    %slice3A_277 = vector.extract_strided_slice %div3A_10 {offsets = [0, 9], sizes = [1056, 1], strides = [1, 1]} : vector<1056x16xf32> to vector<1056x1xf32>
    %mul3A_278 = vector.broadcast %slice3A_277 : vector<1056x1xf32> to vector<1056x152xf32>
    %mul3A_279 = arith.mulf %mul3A_278, %get3A_1 : vector<1056x152xf32>
    %dot_general3A_280 = arith.constant dense<0.000000e+00> : vector<48x152xf32>
    %dot_general3A_281 = tpu.matmul %get3A_13, %mul3A_279, %dot_general3A_280 {dimension_numbers = #tpu.dot_dimension_numbers<[1], [0], [0], [1], [0, 0, 1, 1], [], []>, transpose_lhs_hint = false} : vector<48x1056xf32>, vector<1056x152xf32>, vector<48x152xf32> -> vector<48x152xf32>
    %slice3A_282 = vector.extract_strided_slice %dot_general3A_15 {offsets = [0, 9], sizes = [48, 1], strides = [1, 1]} : vector<48x16xf32> to vector<48x1xf32>
    %slice3A_283 = vector.extract_strided_slice %get3A_18 {offsets = [9, 0], sizes = [1, 152], strides = [1, 1]} : vector<16x152xf32> to vector<1x152xf32>
    %mul3A_284 = vector.broadcast %slice3A_282 : vector<48x1xf32> to vector<48x152xf32>
    %mul3A_285 = vector.broadcast %slice3A_283 : vector<1x152xf32> to vector<48x152xf32>
    %mul3A_286 = arith.mulf %mul3A_284, %mul3A_285 : vector<48x152xf32>
    %sub3A_287 = arith.subf %dot_general3A_281, %mul3A_286 : vector<48x152xf32>
    %mul3A_288 = arith.mulf %sub3A_287, %sub3A_287 : vector<48x152xf32>
    %reduce_sum3A_289 = arith.constant dense<0.000000e+00> : vector<48xf32>
    %reduce_sum3A_290 = vector.multi_reduction <add>, %mul3A_288, %reduce_sum3A_289 [1] : vector<48x152xf32> to vector<48xf32>
    %broadcast_in_dim3A_291 = vector.shape_cast %reduce_sum3A_290 : vector<48xf32> to vector<48x1xf32>
    %sqrt3A_292 = math.sqrt %broadcast_in_dim3A_291 : vector<48x1xf32>
    %add3A_293 = arith.constant 9.99999996E-13 : f32
    %add3A_294 = vector.broadcast %add3A_293 : f32 to vector<48x1xf32>
    %add3A_295 = arith.addf %sqrt3A_292, %add3A_294 : vector<48x1xf32>
    %div3A_296 = vector.broadcast %add3A_295 : vector<48x1xf32> to vector<48x152xf32>
    %div3A_297 = arith.divf %sub3A_287, %div3A_296 : vector<48x152xf32>
    %mul3A_298 = arith.mulf %div3A_297, %div3A_297 : vector<48x152xf32>
    %reduce_sum3A_299 = arith.constant dense<0.000000e+00> : vector<48xf32>
    %reduce_sum3A_300 = vector.multi_reduction <add>, %mul3A_298, %reduce_sum3A_299 [1] : vector<48x152xf32> to vector<48xf32>
    %broadcast_in_dim3A_301 = vector.shape_cast %reduce_sum3A_300 : vector<48xf32> to vector<48x1xf32>
    %add3A_302 = arith.addf %add3A_273, %broadcast_in_dim3A_301 : vector<48x1xf32>
    %swap3A_303 = arith.constant 0 : index
    %swap3A_304 = arith.constant 1368 : index
    %swap3A_305 = vector.load %arg6[%swap3A_303, %swap3A_304] : memref<48x2432xf32, #tpu.memory_space<vmem>>, vector<48x152xf32>
    tpu.vector_store %arg6[%swap3A_303, %swap3A_304], %div3A_297 {strides = array<i32>} : memref<48x2432xf32, #tpu.memory_space<vmem>>, vector<48x152xf32>,
    %slice3A_306 = vector.extract_strided_slice %div3A_10 {offsets = [0, 10], sizes = [1056, 1], strides = [1, 1]} : vector<1056x16xf32> to vector<1056x1xf32>
    %mul3A_307 = vector.broadcast %slice3A_306 : vector<1056x1xf32> to vector<1056x152xf32>
    %mul3A_308 = arith.mulf %mul3A_307, %get3A_1 : vector<1056x152xf32>
    %dot_general3A_309 = arith.constant dense<0.000000e+00> : vector<48x152xf32>
    %dot_general3A_310 = tpu.matmul %get3A_13, %mul3A_308, %dot_general3A_309 {dimension_numbers = #tpu.dot_dimension_numbers<[1], [0], [0], [1], [0, 0, 1, 1], [], []>, transpose_lhs_hint = false} : vector<48x1056xf32>, vector<1056x152xf32>, vector<48x152xf32> -> vector<48x152xf32>
    %slice3A_311 = vector.extract_strided_slice %dot_general3A_15 {offsets = [0, 10], sizes = [48, 1], strides = [1, 1]} : vector<48x16xf32> to vector<48x1xf32>
    %slice3A_312 = vector.extract_strided_slice %get3A_18 {offsets = [10, 0], sizes = [1, 152], strides = [1, 1]} : vector<16x152xf32> to vector<1x152xf32>
    %mul3A_313 = vector.broadcast %slice3A_311 : vector<48x1xf32> to vector<48x152xf32>
    %mul3A_314 = vector.broadcast %slice3A_312 : vector<1x152xf32> to vector<48x152xf32>
    %mul3A_315 = arith.mulf %mul3A_313, %mul3A_314 : vector<48x152xf32>
    %sub3A_316 = arith.subf %dot_general3A_310, %mul3A_315 : vector<48x152xf32>
    %mul3A_317 = arith.mulf %sub3A_316, %sub3A_316 : vector<48x152xf32>
    %reduce_sum3A_318 = arith.constant dense<0.000000e+00> : vector<48xf32>
    %reduce_sum3A_319 = vector.multi_reduction <add>, %mul3A_317, %reduce_sum3A_318 [1] : vector<48x152xf32> to vector<48xf32>
    %broadcast_in_dim3A_320 = vector.shape_cast %reduce_sum3A_319 : vector<48xf32> to vector<48x1xf32>
    %sqrt3A_321 = math.sqrt %broadcast_in_dim3A_320 : vector<48x1xf32>
    %add3A_322 = arith.constant 9.99999996E-13 : f32
    %add3A_323 = vector.broadcast %add3A_322 : f32 to vector<48x1xf32>
    %add3A_324 = arith.addf %sqrt3A_321, %add3A_323 : vector<48x1xf32>
    %div3A_325 = vector.broadcast %add3A_324 : vector<48x1xf32> to vector<48x152xf32>
    %div3A_326 = arith.divf %sub3A_316, %div3A_325 : vector<48x152xf32>
    %mul3A_327 = arith.mulf %div3A_326, %div3A_326 : vector<48x152xf32>
    %reduce_sum3A_328 = arith.constant dense<0.000000e+00> : vector<48xf32>
    %reduce_sum3A_329 = vector.multi_reduction <add>, %mul3A_327, %reduce_sum3A_328 [1] : vector<48x152xf32> to vector<48xf32>
    %broadcast_in_dim3A_330 = vector.shape_cast %reduce_sum3A_329 : vector<48xf32> to vector<48x1xf32>
    %add3A_331 = arith.addf %add3A_302, %broadcast_in_dim3A_330 : vector<48x1xf32>
    %swap3A_332 = arith.constant 0 : index
    %swap3A_333 = arith.constant 1520 : index
    %swap3A_334 = vector.load %arg6[%swap3A_332, %swap3A_333] : memref<48x2432xf32, #tpu.memory_space<vmem>>, vector<48x152xf32>
    tpu.vector_store %arg6[%swap3A_332, %swap3A_333], %div3A_326 {strides = array<i32>} : memref<48x2432xf32, #tpu.memory_space<vmem>>, vector<48x152xf32>,
    %slice3A_335 = vector.extract_strided_slice %div3A_10 {offsets = [0, 11], sizes = [1056, 1], strides = [1, 1]} : vector<1056x16xf32> to vector<1056x1xf32>
    %mul3A_336 = vector.broadcast %slice3A_335 : vector<1056x1xf32> to vector<1056x152xf32>
    %mul3A_337 = arith.mulf %mul3A_336, %get3A_1 : vector<1056x152xf32>
    %dot_general3A_338 = arith.constant dense<0.000000e+00> : vector<48x152xf32>
    %dot_general3A_339 = tpu.matmul %get3A_13, %mul3A_337, %dot_general3A_338 {dimension_numbers = #tpu.dot_dimension_numbers<[1], [0], [0], [1], [0, 0, 1, 1], [], []>, transpose_lhs_hint = false} : vector<48x1056xf32>, vector<1056x152xf32>, vector<48x152xf32> -> vector<48x152xf32>
    %slice3A_340 = vector.extract_strided_slice %dot_general3A_15 {offsets = [0, 11], sizes = [48, 1], strides = [1, 1]} : vector<48x16xf32> to vector<48x1xf32>
    %slice3A_341 = vector.extract_strided_slice %get3A_18 {offsets = [11, 0], sizes = [1, 152], strides = [1, 1]} : vector<16x152xf32> to vector<1x152xf32>
    %mul3A_342 = vector.broadcast %slice3A_340 : vector<48x1xf32> to vector<48x152xf32>
    %mul3A_343 = vector.broadcast %slice3A_341 : vector<1x152xf32> to vector<48x152xf32>
    %mul3A_344 = arith.mulf %mul3A_342, %mul3A_343 : vector<48x152xf32>
    %sub3A_345 = arith.subf %dot_general3A_339, %mul3A_344 : vector<48x152xf32>
    %mul3A_346 = arith.mulf %sub3A_345, %sub3A_345 : vector<48x152xf32>
    %reduce_sum3A_347 = arith.constant dense<0.000000e+00> : vector<48xf32>
    %reduce_sum3A_348 = vector.multi_reduction <add>, %mul3A_346, %reduce_sum3A_347 [1] : vector<48x152xf32> to vector<48xf32>
    %broadcast_in_dim3A_349 = vector.shape_cast %reduce_sum3A_348 : vector<48xf32> to vector<48x1xf32>
    %sqrt3A_350 = math.sqrt %broadcast_in_dim3A_349 : vector<48x1xf32>
    %add3A_351 = arith.constant 9.99999996E-13 : f32
    %add3A_352 = vector.broadcast %add3A_351 : f32 to vector<48x1xf32>
    %add3A_353 = arith.addf %sqrt3A_350, %add3A_352 : vector<48x1xf32>
    %div3A_354 = vector.broadcast %add3A_353 : vector<48x1xf32> to vector<48x152xf32>
    %div3A_355 = arith.divf %sub3A_345, %div3A_354 : vector<48x152xf32>
    %mul3A_356 = arith.mulf %div3A_355, %div3A_355 : vector<48x152xf32>
    %reduce_sum3A_357 = arith.constant dense<0.000000e+00> : vector<48xf32>
    %reduce_sum3A_358 = vector.multi_reduction <add>, %mul3A_356, %reduce_sum3A_357 [1] : vector<48x152xf32> to vector<48xf32>
    %broadcast_in_dim3A_359 = vector.shape_cast %reduce_sum3A_358 : vector<48xf32> to vector<48x1xf32>
    %add3A_360 = arith.addf %add3A_331, %broadcast_in_dim3A_359 : vector<48x1xf32>
    %swap3A_361 = arith.constant 0 : index
    %swap3A_362 = arith.constant 1672 : index
    %swap3A_363 = vector.load %arg6[%swap3A_361, %swap3A_362] : memref<48x2432xf32, #tpu.memory_space<vmem>>, vector<48x152xf32>
    tpu.vector_store %arg6[%swap3A_361, %swap3A_362], %div3A_355 {strides = array<i32>} : memref<48x2432xf32, #tpu.memory_space<vmem>>, vector<48x152xf32>,
    %slice3A_364 = vector.extract_strided_slice %div3A_10 {offsets = [0, 12], sizes = [1056, 1], strides = [1, 1]} : vector<1056x16xf32> to vector<1056x1xf32>
    %mul3A_365 = vector.broadcast %slice3A_364 : vector<1056x1xf32> to vector<1056x152xf32>
    %mul3A_366 = arith.mulf %mul3A_365, %get3A_1 : vector<1056x152xf32>
    %dot_general3A_367 = arith.constant dense<0.000000e+00> : vector<48x152xf32>
    %dot_general3A_368 = tpu.matmul %get3A_13, %mul3A_366, %dot_general3A_367 {dimension_numbers = #tpu.dot_dimension_numbers<[1], [0], [0], [1], [0, 0, 1, 1], [], []>, transpose_lhs_hint = false} : vector<48x1056xf32>, vector<1056x152xf32>, vector<48x152xf32> -> vector<48x152xf32>
    %slice3A_369 = vector.extract_strided_slice %dot_general3A_15 {offsets = [0, 12], sizes = [48, 1], strides = [1, 1]} : vector<48x16xf32> to vector<48x1xf32>
    %slice3A_370 = vector.extract_strided_slice %get3A_18 {offsets = [12, 0], sizes = [1, 152], strides = [1, 1]} : vector<16x152xf32> to vector<1x152xf32>
    %mul3A_371 = vector.broadcast %slice3A_369 : vector<48x1xf32> to vector<48x152xf32>
    %mul3A_372 = vector.broadcast %slice3A_370 : vector<1x152xf32> to vector<48x152xf32>
    %mul3A_373 = arith.mulf %mul3A_371, %mul3A_372 : vector<48x152xf32>
    %sub3A_374 = arith.subf %dot_general3A_368, %mul3A_373 : vector<48x152xf32>
    %mul3A_375 = arith.mulf %sub3A_374, %sub3A_374 : vector<48x152xf32>
    %reduce_sum3A_376 = arith.constant dense<0.000000e+00> : vector<48xf32>
    %reduce_sum3A_377 = vector.multi_reduction <add>, %mul3A_375, %reduce_sum3A_376 [1] : vector<48x152xf32> to vector<48xf32>
    %broadcast_in_dim3A_378 = vector.shape_cast %reduce_sum3A_377 : vector<48xf32> to vector<48x1xf32>
    %sqrt3A_379 = math.sqrt %broadcast_in_dim3A_378 : vector<48x1xf32>
    %add3A_380 = arith.constant 9.99999996E-13 : f32
    %add3A_381 = vector.broadcast %add3A_380 : f32 to vector<48x1xf32>
    %add3A_382 = arith.addf %sqrt3A_379, %add3A_381 : vector<48x1xf32>
    %div3A_383 = vector.broadcast %add3A_382 : vector<48x1xf32> to vector<48x152xf32>
    %div3A_384 = arith.divf %sub3A_374, %div3A_383 : vector<48x152xf32>
    %mul3A_385 = arith.mulf %div3A_384, %div3A_384 : vector<48x152xf32>
    %reduce_sum3A_386 = arith.constant dense<0.000000e+00> : vector<48xf32>
    %reduce_sum3A_387 = vector.multi_reduction <add>, %mul3A_385, %reduce_sum3A_386 [1] : vector<48x152xf32> to vector<48xf32>
    %broadcast_in_dim3A_388 = vector.shape_cast %reduce_sum3A_387 : vector<48xf32> to vector<48x1xf32>
    %add3A_389 = arith.addf %add3A_360, %broadcast_in_dim3A_388 : vector<48x1xf32>
    %swap3A_390 = arith.constant 0 : index
    %swap3A_391 = arith.constant 1824 : index
    %swap3A_392 = vector.load %arg6[%swap3A_390, %swap3A_391] : memref<48x2432xf32, #tpu.memory_space<vmem>>, vector<48x152xf32>
    tpu.vector_store %arg6[%swap3A_390, %swap3A_391], %div3A_384 {strides = array<i32>} : memref<48x2432xf32, #tpu.memory_space<vmem>>, vector<48x152xf32>,
    %slice3A_393 = vector.extract_strided_slice %div3A_10 {offsets = [0, 13], sizes = [1056, 1], strides = [1, 1]} : vector<1056x16xf32> to vector<1056x1xf32>
    %mul3A_394 = vector.broadcast %slice3A_393 : vector<1056x1xf32> to vector<1056x152xf32>
    %mul3A_395 = arith.mulf %mul3A_394, %get3A_1 : vector<1056x152xf32>
    %dot_general3A_396 = arith.constant dense<0.000000e+00> : vector<48x152xf32>
    %dot_general3A_397 = tpu.matmul %get3A_13, %mul3A_395, %dot_general3A_396 {dimension_numbers = #tpu.dot_dimension_numbers<[1], [0], [0], [1], [0, 0, 1, 1], [], []>, transpose_lhs_hint = false} : vector<48x1056xf32>, vector<1056x152xf32>, vector<48x152xf32> -> vector<48x152xf32>
    %slice3A_398 = vector.extract_strided_slice %dot_general3A_15 {offsets = [0, 13], sizes = [48, 1], strides = [1, 1]} : vector<48x16xf32> to vector<48x1xf32>
    %slice3A_399 = vector.extract_strided_slice %get3A_18 {offsets = [13, 0], sizes = [1, 152], strides = [1, 1]} : vector<16x152xf32> to vector<1x152xf32>
    %mul3A_400 = vector.broadcast %slice3A_398 : vector<48x1xf32> to vector<48x152xf32>
    %mul3A_401 = vector.broadcast %slice3A_399 : vector<1x152xf32> to vector<48x152xf32>
    %mul3A_402 = arith.mulf %mul3A_400, %mul3A_401 : vector<48x152xf32>
    %sub3A_403 = arith.subf %dot_general3A_397, %mul3A_402 : vector<48x152xf32>
    %mul3A_404 = arith.mulf %sub3A_403, %sub3A_403 : vector<48x152xf32>
    %reduce_sum3A_405 = arith.constant dense<0.000000e+00> : vector<48xf32>
    %reduce_sum3A_406 = vector.multi_reduction <add>, %mul3A_404, %reduce_sum3A_405 [1] : vector<48x152xf32> to vector<48xf32>
    %broadcast_in_dim3A_407 = vector.shape_cast %reduce_sum3A_406 : vector<48xf32> to vector<48x1xf32>
    %sqrt3A_408 = math.sqrt %broadcast_in_dim3A_407 : vector<48x1xf32>
    %add3A_409 = arith.constant 9.99999996E-13 : f32
    %add3A_410 = vector.broadcast %add3A_409 : f32 to vector<48x1xf32>
    %add3A_411 = arith.addf %sqrt3A_408, %add3A_410 : vector<48x1xf32>
    %div3A_412 = vector.broadcast %add3A_411 : vector<48x1xf32> to vector<48x152xf32>
    %div3A_413 = arith.divf %sub3A_403, %div3A_412 : vector<48x152xf32>
    %mul3A_414 = arith.mulf %div3A_413, %div3A_413 : vector<48x152xf32>
    %reduce_sum3A_415 = arith.constant dense<0.000000e+00> : vector<48xf32>
    %reduce_sum3A_416 = vector.multi_reduction <add>, %mul3A_414, %reduce_sum3A_415 [1] : vector<48x152xf32> to vector<48xf32>
    %broadcast_in_dim3A_417 = vector.shape_cast %reduce_sum3A_416 : vector<48xf32> to vector<48x1xf32>
    %add3A_418 = arith.addf %add3A_389, %broadcast_in_dim3A_417 : vector<48x1xf32>
    %swap3A_419 = arith.constant 0 : index
    %swap3A_420 = arith.constant 1976 : index
    %swap3A_421 = vector.load %arg6[%swap3A_419, %swap3A_420] : memref<48x2432xf32, #tpu.memory_space<vmem>>, vector<48x152xf32>
    tpu.vector_store %arg6[%swap3A_419, %swap3A_420], %div3A_413 {strides = array<i32>} : memref<48x2432xf32, #tpu.memory_space<vmem>>, vector<48x152xf32>,
    %slice3A_422 = vector.extract_strided_slice %div3A_10 {offsets = [0, 14], sizes = [1056, 1], strides = [1, 1]} : vector<1056x16xf32> to vector<1056x1xf32>
    %mul3A_423 = vector.broadcast %slice3A_422 : vector<1056x1xf32> to vector<1056x152xf32>
    %mul3A_424 = arith.mulf %mul3A_423, %get3A_1 : vector<1056x152xf32>
    %dot_general3A_425 = arith.constant dense<0.000000e+00> : vector<48x152xf32>
    %dot_general3A_426 = tpu.matmul %get3A_13, %mul3A_424, %dot_general3A_425 {dimension_numbers = #tpu.dot_dimension_numbers<[1], [0], [0], [1], [0, 0, 1, 1], [], []>, transpose_lhs_hint = false} : vector<48x1056xf32>, vector<1056x152xf32>, vector<48x152xf32> -> vector<48x152xf32>
    %slice3A_427 = vector.extract_strided_slice %dot_general3A_15 {offsets = [0, 14], sizes = [48, 1], strides = [1, 1]} : vector<48x16xf32> to vector<48x1xf32>
    %slice3A_428 = vector.extract_strided_slice %get3A_18 {offsets = [14, 0], sizes = [1, 152], strides = [1, 1]} : vector<16x152xf32> to vector<1x152xf32>
    %mul3A_429 = vector.broadcast %slice3A_427 : vector<48x1xf32> to vector<48x152xf32>
    %mul3A_430 = vector.broadcast %slice3A_428 : vector<1x152xf32> to vector<48x152xf32>
    %mul3A_431 = arith.mulf %mul3A_429, %mul3A_430 : vector<48x152xf32>
    %sub3A_432 = arith.subf %dot_general3A_426, %mul3A_431 : vector<48x152xf32>
    %mul3A_433 = arith.mulf %sub3A_432, %sub3A_432 : vector<48x152xf32>
    %reduce_sum3A_434 = arith.constant dense<0.000000e+00> : vector<48xf32>
    %reduce_sum3A_435 = vector.multi_reduction <add>, %mul3A_433, %reduce_sum3A_434 [1] : vector<48x152xf32> to vector<48xf32>
    %broadcast_in_dim3A_436 = vector.shape_cast %reduce_sum3A_435 : vector<48xf32> to vector<48x1xf32>
    %sqrt3A_437 = math.sqrt %broadcast_in_dim3A_436 : vector<48x1xf32>
    %add3A_438 = arith.constant 9.99999996E-13 : f32
    %add3A_439 = vector.broadcast %add3A_438 : f32 to vector<48x1xf32>
    %add3A_440 = arith.addf %sqrt3A_437, %add3A_439 : vector<48x1xf32>
    %div3A_441 = vector.broadcast %add3A_440 : vector<48x1xf32> to vector<48x152xf32>
    %div3A_442 = arith.divf %sub3A_432, %div3A_441 : vector<48x152xf32>
    %mul3A_443 = arith.mulf %div3A_442, %div3A_442 : vector<48x152xf32>
    %reduce_sum3A_444 = arith.constant dense<0.000000e+00> : vector<48xf32>
    %reduce_sum3A_445 = vector.multi_reduction <add>, %mul3A_443, %reduce_sum3A_444 [1] : vector<48x152xf32> to vector<48xf32>
    %broadcast_in_dim3A_446 = vector.shape_cast %reduce_sum3A_445 : vector<48xf32> to vector<48x1xf32>
    %add3A_447 = arith.addf %add3A_418, %broadcast_in_dim3A_446 : vector<48x1xf32>
    %swap3A_448 = arith.constant 0 : index
    %swap3A_449 = arith.constant 2128 : index
    %swap3A_450 = vector.load %arg6[%swap3A_448, %swap3A_449] : memref<48x2432xf32, #tpu.memory_space<vmem>>, vector<48x152xf32>
    tpu.vector_store %arg6[%swap3A_448, %swap3A_449], %div3A_442 {strides = array<i32>} : memref<48x2432xf32, #tpu.memory_space<vmem>>, vector<48x152xf32>,
    %slice3A_451 = vector.extract_strided_slice %div3A_10 {offsets = [0, 15], sizes = [1056, 1], strides = [1, 1]} : vector<1056x16xf32> to vector<1056x1xf32>
    %mul3A_452 = vector.broadcast %slice3A_451 : vector<1056x1xf32> to vector<1056x152xf32>
    %mul3A_453 = arith.mulf %mul3A_452, %get3A_1 : vector<1056x152xf32>
    %dot_general3A_454 = arith.constant dense<0.000000e+00> : vector<48x152xf32>
    %dot_general3A_455 = tpu.matmul %get3A_13, %mul3A_453, %dot_general3A_454 {dimension_numbers = #tpu.dot_dimension_numbers<[1], [0], [0], [1], [0, 0, 1, 1], [], []>, transpose_lhs_hint = false} : vector<48x1056xf32>, vector<1056x152xf32>, vector<48x152xf32> -> vector<48x152xf32>
    %slice3A_456 = vector.extract_strided_slice %dot_general3A_15 {offsets = [0, 15], sizes = [48, 1], strides = [1, 1]} : vector<48x16xf32> to vector<48x1xf32>
    %slice3A_457 = vector.extract_strided_slice %get3A_18 {offsets = [15, 0], sizes = [1, 152], strides = [1, 1]} : vector<16x152xf32> to vector<1x152xf32>
    %mul3A_458 = vector.broadcast %slice3A_456 : vector<48x1xf32> to vector<48x152xf32>
    %mul3A_459 = vector.broadcast %slice3A_457 : vector<1x152xf32> to vector<48x152xf32>
    %mul3A_460 = arith.mulf %mul3A_458, %mul3A_459 : vector<48x152xf32>
    %sub3A_461 = arith.subf %dot_general3A_455, %mul3A_460 : vector<48x152xf32>
    %mul3A_462 = arith.mulf %sub3A_461, %sub3A_461 : vector<48x152xf32>
    %reduce_sum3A_463 = arith.constant dense<0.000000e+00> : vector<48xf32>
    %reduce_sum3A_464 = vector.multi_reduction <add>, %mul3A_462, %reduce_sum3A_463 [1] : vector<48x152xf32> to vector<48xf32>
    %broadcast_in_dim3A_465 = vector.shape_cast %reduce_sum3A_464 : vector<48xf32> to vector<48x1xf32>
    %sqrt3A_466 = math.sqrt %broadcast_in_dim3A_465 : vector<48x1xf32>
    %add3A_467 = arith.constant 9.99999996E-13 : f32
    %add3A_468 = vector.broadcast %add3A_467 : f32 to vector<48x1xf32>
    %add3A_469 = arith.addf %sqrt3A_466, %add3A_468 : vector<48x1xf32>
    %div3A_470 = vector.broadcast %add3A_469 : vector<48x1xf32> to vector<48x152xf32>
    %div3A_471 = arith.divf %sub3A_461, %div3A_470 : vector<48x152xf32>
    %mul3A_472 = arith.mulf %div3A_471, %div3A_471 : vector<48x152xf32>
    %reduce_sum3A_473 = arith.constant dense<0.000000e+00> : vector<48xf32>
    %reduce_sum3A_474 = vector.multi_reduction <add>, %mul3A_472, %reduce_sum3A_473 [1] : vector<48x152xf32> to vector<48xf32>
    %broadcast_in_dim3A_475 = vector.shape_cast %reduce_sum3A_474 : vector<48xf32> to vector<48x1xf32>
    %add3A_476 = arith.addf %add3A_447, %broadcast_in_dim3A_475 : vector<48x1xf32>
    %swap3A_477 = arith.constant 0 : index
    %swap3A_478 = arith.constant 2280 : index
    %swap3A_479 = vector.load %arg6[%swap3A_477, %swap3A_478] : memref<48x2432xf32, #tpu.memory_space<vmem>>, vector<48x152xf32>
    tpu.vector_store %arg6[%swap3A_477, %swap3A_478], %div3A_471 {strides = array<i32>} : memref<48x2432xf32, #tpu.memory_space<vmem>>, vector<48x152xf32>,
    %sqrt3A_480 = math.sqrt %add3A_476 : vector<48x1xf32>
    %add3A_481 = arith.constant 9.99999996E-13 : f32
    %add3A_482 = vector.broadcast %add3A_481 : f32 to vector<48x1xf32>
    %add3A_483 = arith.addf %sqrt3A_480, %add3A_482 : vector<48x1xf32>
    %div3A_484 = arith.constant 1.000000e+00 : f32
    %div3A_485 = vector.broadcast %div3A_484 : f32 to vector<48x1xf32>
    %div3A_486 = arith.divf %div3A_485, %add3A_483 : vector<48x1xf32>
    %get3A_487 = arith.constant 0 : index
    %get3A_488 = arith.constant 0 : index
    %get3A_489 = vector.load %arg6[%get3A_487, %get3A_488] : memref<48x2432xf32, #tpu.memory_space<vmem>>, vector<48x2432xf32>
    %mul3A_490 = vector.broadcast %div3A_486 : vector<48x1xf32> to vector<48x2432xf32>
    %mul3A_491 = arith.mulf %get3A_489, %mul3A_490 : vector<48x2432xf32>
    %swap3A_492 = arith.constant 0 : index
    %swap3A_493 = arith.constant 0 : index
    %swap3A_494 = vector.load %arg5[%swap3A_492, %swap3A_493] : memref<48x2432xf32, #tpu.memory_space<vmem>>, vector<48x2432xf32>
    tpu.vector_store %arg5[%swap3A_492, %swap3A_493], %mul3A_491 {strides = array<i32>} : memref<48x2432xf32, #tpu.memory_space<vmem>>, vector<48x2432xf32>,
    return
  }
  func.func @transform_0(%arg0: i32) -> (i32, i32) {
    %c0_i32 = arith.constant 0 : i32
    %c0_i32_0 = arith.constant 0 : i32
    return %arg0, %c0_i32 : i32, i32
  }
  func.func @transform_1(%arg0: i32) -> (i32, i32) {
    %c0_i32 = arith.constant 0 : i32
    %c0_i32_0 = arith.constant 0 : i32
    %c0_i32_1 = arith.constant 0 : i32
    return %c0_i32, %c0_i32_0 : i32, i32
  }
  func.func @transform_2(%arg0: i32) -> (i32, i32) {
    %c0_i32 = arith.constant 0 : i32
    %c0_i32_0 = arith.constant 0 : i32
    %c0_i32_1 = arith.constant 0 : i32
    return %c0_i32, %c0_i32_0 : i32, i32
  }
  func.func @transform_3(%arg0: i32) -> (i32, i32) {
    %c0_i32 = arith.constant 0 : i32
    %c0_i32_0 = arith.constant 0 : i32
    %c0_i32_1 = arith.constant 0 : i32
    return %c0_i32, %c0_i32_0 : i32, i32
  }
  func.func @transform_4(%arg0: i32) -> (i32, i32) {
    %c0_i32 = arith.constant 0 : i32
    %c0_i32_0 = arith.constant 0 : i32
    return %arg0, %c0_i32 : i32, i32
  }
}

module attributes {stable_mosaic.version = 14 : i64} {
  func.func @_head_body(%arg0: i32, %arg1: memref<1x244x2432xf32, #tpu.memory_space<vmem>>, %arg2: memref<5x2432x272xf32, #tpu.memory_space<vmem>>, %arg3: memref<1x272xf32, #tpu.memory_space<vmem>>, %arg4: memref<240x1xf32, #tpu.memory_space<vmem>>, %arg5: memref<240x1xf32, #tpu.memory_space<vmem>>, %arg6: memref<240x1xf32, #tpu.memory_space<vmem>>, %arg7: memref<240x1xf32, #tpu.memory_space<vmem>>, %arg8: memref<272x17xf32, #tpu.memory_space<vmem>>, %arg9: memref<1x240x17xf32, #tpu.memory_space<vmem>>) attributes {dimension_semantics = [#tpu.dimension_semantics<arbitrary>], iteration_bounds = array<i64: 4>, scalar_prefetch = 0 : i64, scratch_operands = 0 : i64, tpu.core_type = #tpu.core_type<tc>, window_params = [{transform_indices = @transform_0, window_bounds = array<i64: 1, 244, 2432>}, {pipeline_mode = #tpu.pipeline_mode<synchronous>, transform_indices = @transform_1, window_bounds = array<i64: 5, 2432, 272>}, {pipeline_mode = #tpu.pipeline_mode<synchronous>, transform_indices = @transform_2, window_bounds = array<i64: 1, 272>}, {pipeline_mode = #tpu.pipeline_mode<synchronous>, transform_indices = @transform_3, window_bounds = array<i64: 240, 1>}, {pipeline_mode = #tpu.pipeline_mode<synchronous>, transform_indices = @transform_4, window_bounds = array<i64: 240, 1>}, {pipeline_mode = #tpu.pipeline_mode<synchronous>, transform_indices = @transform_5, window_bounds = array<i64: 240, 1>}, {pipeline_mode = #tpu.pipeline_mode<synchronous>, transform_indices = @transform_6, window_bounds = array<i64: 240, 1>}, {pipeline_mode = #tpu.pipeline_mode<synchronous>, transform_indices = @transform_7, window_bounds = array<i64: 272, 17>}, {transform_indices = @transform_8, window_bounds = array<i64: 1, 240, 17>}]} {
    %get3A = arith.constant 0 : index
    %get3A_0 = arith.constant 0 : index
    %get3A_1 = arith.constant 0 : index
    %get3A_2 = vector.load %arg1[%get3A, %get3A_0, %get3A_1] : memref<1x244x2432xf32, #tpu.memory_space<vmem>>, vector<1x244x2432xf32>
    %get3A_3 = vector.shape_cast %get3A_2 : vector<1x244x2432xf32> to vector<244x2432xf32>
    %broadcast_in_dim3A = arith.constant 0.000000e+00 : f32
    %broadcast_in_dim3A_4 = vector.broadcast %broadcast_in_dim3A : f32 to vector<240x272xf32>
    %get3A_5 = arith.constant 0 : index
    %get3A_6 = arith.constant 0 : index
    %get3A_7 = vector.load %arg3[%get3A_5, %get3A_6] : memref<1x272xf32, #tpu.memory_space<vmem>>, vector<1x272xf32>
    %add3A = vector.broadcast %get3A_7 : vector<1x272xf32> to vector<240x272xf32>
    %add3A_8 = arith.addf %broadcast_in_dim3A_4, %add3A : vector<240x272xf32>
    %slice3A = vector.extract_strided_slice %get3A_3 {offsets = [0, 0], sizes = [240, 2432], strides = [1, 1]} : vector<244x2432xf32> to vector<240x2432xf32>
    %get3A_9 = arith.constant 0 : index
    %get3A_10 = arith.constant 0 : index
    %get3A_11 = arith.constant 0 : index
    %get3A_12 = vector.load %arg2[%get3A_9, %get3A_10, %get3A_11] : memref<5x2432x272xf32, #tpu.memory_space<vmem>>, vector<1x2432x272xf32>
    %get3A_13 = vector.shape_cast %get3A_12 : vector<1x2432x272xf32> to vector<2432x272xf32>
    %dot_general3A = arith.constant dense<0.000000e+00> : vector<240x272xf32>
    %dot_general3A_14 = tpu.matmul %slice3A, %get3A_13, %dot_general3A {dimension_numbers = #tpu.dot_dimension_numbers<[1], [0], [0], [1], [0, 0, 1, 1], [], []>, transpose_lhs_hint = false} : vector<240x2432xf32>, vector<2432x272xf32>, vector<240x272xf32> -> vector<240x272xf32>
    %add3A_15 = arith.addf %add3A_8, %dot_general3A_14 : vector<240x272xf32>
    %slice3A_16 = vector.extract_strided_slice %get3A_3 {offsets = [1, 0], sizes = [240, 2432], strides = [1, 1]} : vector<244x2432xf32> to vector<240x2432xf32>
    %get3A_17 = arith.constant 1 : index
    %get3A_18 = arith.constant 0 : index
    %get3A_19 = arith.constant 0 : index
    %get3A_20 = vector.load %arg2[%get3A_17, %get3A_18, %get3A_19] : memref<5x2432x272xf32, #tpu.memory_space<vmem>>, vector<1x2432x272xf32>
    %get3A_21 = vector.shape_cast %get3A_20 : vector<1x2432x272xf32> to vector<2432x272xf32>
    %dot_general3A_22 = arith.constant dense<0.000000e+00> : vector<240x272xf32>
    %dot_general3A_23 = tpu.matmul %slice3A_16, %get3A_21, %dot_general3A_22 {dimension_numbers = #tpu.dot_dimension_numbers<[1], [0], [0], [1], [0, 0, 1, 1], [], []>, transpose_lhs_hint = false} : vector<240x2432xf32>, vector<2432x272xf32>, vector<240x272xf32> -> vector<240x272xf32>
    %add3A_24 = arith.addf %add3A_15, %dot_general3A_23 : vector<240x272xf32>
    %slice3A_25 = vector.extract_strided_slice %get3A_3 {offsets = [2, 0], sizes = [240, 2432], strides = [1, 1]} : vector<244x2432xf32> to vector<240x2432xf32>
    %get3A_26 = arith.constant 2 : index
    %get3A_27 = arith.constant 0 : index
    %get3A_28 = arith.constant 0 : index
    %get3A_29 = vector.load %arg2[%get3A_26, %get3A_27, %get3A_28] : memref<5x2432x272xf32, #tpu.memory_space<vmem>>, vector<1x2432x272xf32>
    %get3A_30 = vector.shape_cast %get3A_29 : vector<1x2432x272xf32> to vector<2432x272xf32>
    %dot_general3A_31 = arith.constant dense<0.000000e+00> : vector<240x272xf32>
    %dot_general3A_32 = tpu.matmul %slice3A_25, %get3A_30, %dot_general3A_31 {dimension_numbers = #tpu.dot_dimension_numbers<[1], [0], [0], [1], [0, 0, 1, 1], [], []>, transpose_lhs_hint = false} : vector<240x2432xf32>, vector<2432x272xf32>, vector<240x272xf32> -> vector<240x272xf32>
    %add3A_33 = arith.addf %add3A_24, %dot_general3A_32 : vector<240x272xf32>
    %slice3A_34 = vector.extract_strided_slice %get3A_3 {offsets = [3, 0], sizes = [240, 2432], strides = [1, 1]} : vector<244x2432xf32> to vector<240x2432xf32>
    %get3A_35 = arith.constant 3 : index
    %get3A_36 = arith.constant 0 : index
    %get3A_37 = arith.constant 0 : index
    %get3A_38 = vector.load %arg2[%get3A_35, %get3A_36, %get3A_37] : memref<5x2432x272xf32, #tpu.memory_space<vmem>>, vector<1x2432x272xf32>
    %get3A_39 = vector.shape_cast %get3A_38 : vector<1x2432x272xf32> to vector<2432x272xf32>
    %dot_general3A_40 = arith.constant dense<0.000000e+00> : vector<240x272xf32>
    %dot_general3A_41 = tpu.matmul %slice3A_34, %get3A_39, %dot_general3A_40 {dimension_numbers = #tpu.dot_dimension_numbers<[1], [0], [0], [1], [0, 0, 1, 1], [], []>, transpose_lhs_hint = false} : vector<240x2432xf32>, vector<2432x272xf32>, vector<240x272xf32> -> vector<240x272xf32>
    %add3A_42 = arith.addf %add3A_33, %dot_general3A_41 : vector<240x272xf32>
    %slice3A_43 = vector.extract_strided_slice %get3A_3 {offsets = [4, 0], sizes = [240, 2432], strides = [1, 1]} : vector<244x2432xf32> to vector<240x2432xf32>
    %get3A_44 = arith.constant 4 : index
    %get3A_45 = arith.constant 0 : index
    %get3A_46 = arith.constant 0 : index
    %get3A_47 = vector.load %arg2[%get3A_44, %get3A_45, %get3A_46] : memref<5x2432x272xf32, #tpu.memory_space<vmem>>, vector<1x2432x272xf32>
    %get3A_48 = vector.shape_cast %get3A_47 : vector<1x2432x272xf32> to vector<2432x272xf32>
    %dot_general3A_49 = arith.constant dense<0.000000e+00> : vector<240x272xf32>
    %dot_general3A_50 = tpu.matmul %slice3A_43, %get3A_48, %dot_general3A_49 {dimension_numbers = #tpu.dot_dimension_numbers<[1], [0], [0], [1], [0, 0, 1, 1], [], []>, transpose_lhs_hint = false} : vector<240x2432xf32>, vector<2432x272xf32>, vector<240x272xf32> -> vector<240x272xf32>
    %add3A_51 = arith.addf %add3A_42, %dot_general3A_50 : vector<240x272xf32>
    %get3A_52 = arith.constant 0 : index
    %get3A_53 = arith.constant 0 : index
    %get3A_54 = vector.load %arg4[%get3A_52, %get3A_53] : memref<240x1xf32, #tpu.memory_space<vmem>>, vector<240x1xf32>
    %sub3A = vector.broadcast %get3A_54 : vector<240x1xf32> to vector<240x272xf32>
    %sub3A_55 = arith.subf %add3A_51, %sub3A : vector<240x272xf32>
    %get3A_56 = arith.constant 0 : index
    %get3A_57 = arith.constant 0 : index
    %get3A_58 = vector.load %arg5[%get3A_56, %get3A_57] : memref<240x1xf32, #tpu.memory_space<vmem>>, vector<240x1xf32>
    %mul3A = vector.broadcast %get3A_58 : vector<240x1xf32> to vector<240x272xf32>
    %mul3A_59 = arith.mulf %sub3A_55, %mul3A : vector<240x272xf32>
    %get3A_60 = arith.constant 0 : index
    %get3A_61 = arith.constant 0 : index
    %get3A_62 = vector.load %arg6[%get3A_60, %get3A_61] : memref<240x1xf32, #tpu.memory_space<vmem>>, vector<240x1xf32>
    %mul3A_63 = vector.broadcast %get3A_62 : vector<240x1xf32> to vector<240x272xf32>
    %mul3A_64 = arith.mulf %mul3A_59, %mul3A_63 : vector<240x272xf32>
    %get3A_65 = arith.constant 0 : index
    %get3A_66 = arith.constant 0 : index
    %get3A_67 = vector.load %arg7[%get3A_65, %get3A_66] : memref<240x1xf32, #tpu.memory_space<vmem>>, vector<240x1xf32>
    %add3A_68 = vector.broadcast %get3A_67 : vector<240x1xf32> to vector<240x272xf32>
    %add3A_69 = arith.addf %mul3A_64, %add3A_68 : vector<240x272xf32>
    %logistic3A = arith.negf %add3A_69 : vector<240x272xf32>
    %logistic3A_70 = math.exp %logistic3A : vector<240x272xf32>
    %logistic3A_71 = arith.constant 1.000000e+00 : f32
    %logistic3A_72 = vector.broadcast %logistic3A_71 : f32 to vector<240x272xf32>
    %logistic3A_73 = arith.addf %logistic3A_72, %logistic3A_70 : vector<240x272xf32>
    %logistic3A_74 = arith.divf %logistic3A_72, %logistic3A_73 : vector<240x272xf32>
    %sub3A_75 = arith.constant 5.000000e-01 : f32
    %sub3A_76 = vector.broadcast %sub3A_75 : f32 to vector<240x272xf32>
    %sub3A_77 = arith.subf %logistic3A_74, %sub3A_76 : vector<240x272xf32>
    %integer_pow3A = arith.mulf %sub3A_77, %sub3A_77 : vector<240x272xf32>
    %get3A_78 = arith.constant 0 : index
    %get3A_79 = arith.constant 0 : index
    %get3A_80 = vector.load %arg8[%get3A_78, %get3A_79] : memref<272x17xf32, #tpu.memory_space<vmem>>, vector<272x17xf32>
    %dot_general3A_81 = arith.constant dense<0.000000e+00> : vector<240x17xf32>
    %dot_general3A_82 = tpu.matmul %integer_pow3A, %get3A_80, %dot_general3A_81 {dimension_numbers = #tpu.dot_dimension_numbers<[1], [0], [0], [1], [0, 0, 1, 1], [], []>, transpose_lhs_hint = false} : vector<240x272xf32>, vector<272x17xf32>, vector<240x17xf32> -> vector<240x17xf32>
    %mul3A_83 = arith.constant 2.500000e-01 : f32
    %mul3A_84 = vector.broadcast %mul3A_83 : f32 to vector<240x17xf32>
    %mul3A_85 = arith.mulf %dot_general3A_82, %mul3A_84 : vector<240x17xf32>
    %sqrt3A = math.sqrt %mul3A_85 : vector<240x17xf32>
    %swap3A = arith.constant 0 : index
    %swap3A_86 = arith.constant 0 : index
    %swap3A_87 = arith.constant 0 : index
    %swap3A_88 = vector.load %arg9[%swap3A, %swap3A_86, %swap3A_87] : memref<1x240x17xf32, #tpu.memory_space<vmem>>, vector<1x240x17xf32>
    %swap3A_89 = vector.shape_cast %swap3A_88 : vector<1x240x17xf32> to vector<240x17xf32>
    %swap3A_90 = vector.shape_cast %sqrt3A : vector<240x17xf32> to vector<1x240x17xf32>
    tpu.vector_store %arg9[%swap3A, %swap3A_86, %swap3A_87], %swap3A_90 {strides = array<i32>} : memref<1x240x17xf32, #tpu.memory_space<vmem>>, vector<1x240x17xf32>,
    return
  }
  func.func @transform_0(%arg0: i32) -> (i32, i32, i32) {
    %c0_i32 = arith.constant 0 : i32
    %c0_i32_0 = arith.constant 0 : i32
    %c0_i32_1 = arith.constant 0 : i32
    return %arg0, %c0_i32, %c0_i32_0 : i32, i32, i32
  }
  func.func @transform_1(%arg0: i32) -> (i32, i32, i32) {
    %c0_i32 = arith.constant 0 : i32
    %c0_i32_0 = arith.constant 0 : i32
    %c0_i32_1 = arith.constant 0 : i32
    %c0_i32_2 = arith.constant 0 : i32
    return %c0_i32, %c0_i32_0, %c0_i32_1 : i32, i32, i32
  }
  func.func @transform_2(%arg0: i32) -> (i32, i32) {
    %c0_i32 = arith.constant 0 : i32
    %c0_i32_0 = arith.constant 0 : i32
    %c0_i32_1 = arith.constant 0 : i32
    return %c0_i32, %c0_i32_0 : i32, i32
  }
  func.func @transform_3(%arg0: i32) -> (i32, i32) {
    %c0_i32 = arith.constant 0 : i32
    %c0_i32_0 = arith.constant 0 : i32
    %c0_i32_1 = arith.constant 0 : i32
    return %c0_i32, %c0_i32_0 : i32, i32
  }
  func.func @transform_4(%arg0: i32) -> (i32, i32) {
    %c0_i32 = arith.constant 0 : i32
    %c0_i32_0 = arith.constant 0 : i32
    %c0_i32_1 = arith.constant 0 : i32
    return %c0_i32, %c0_i32_0 : i32, i32
  }
  func.func @transform_5(%arg0: i32) -> (i32, i32) {
    %c0_i32 = arith.constant 0 : i32
    %c0_i32_0 = arith.constant 0 : i32
    %c0_i32_1 = arith.constant 0 : i32
    return %c0_i32, %c0_i32_0 : i32, i32
  }
  func.func @transform_6(%arg0: i32) -> (i32, i32) {
    %c0_i32 = arith.constant 0 : i32
    %c0_i32_0 = arith.constant 0 : i32
    %c0_i32_1 = arith.constant 0 : i32
    return %c0_i32, %c0_i32_0 : i32, i32
  }
  func.func @transform_7(%arg0: i32) -> (i32, i32) {
    %c0_i32 = arith.constant 0 : i32
    %c0_i32_0 = arith.constant 0 : i32
    %c0_i32_1 = arith.constant 0 : i32
    return %c0_i32, %c0_i32_0 : i32, i32
  }
  func.func @transform_8(%arg0: i32) -> (i32, i32, i32) {
    %c0_i32 = arith.constant 0 : i32
    %c0_i32_0 = arith.constant 0 : i32
    %c0_i32_1 = arith.constant 0 : i32
    return %arg0, %c0_i32, %c0_i32_0 : i32, i32, i32
  }
}

</mosaic_0001>

<sc_bundles>
// kernel: kernel.13.cloned.1.call-start
scs
__scs_entry_jumppad:
0x0: {  	(pc) =	sbr.rel $0x88, $3  }
0x1: {  	(tag) =	ssettag $0x0;
	lr =	simm.s32 $0x1  }
0x2: {  	[smem:$0x3F8E] =	sst lr;
	_ =	strace $0xD0000000  }
0x3: {  	_ = 	snop  }
0x4: {  	_ = 	snop  }
0x5: {  	_ = 	snop  }
0x6: {  	_ = 	snop  }
0x7: {  	_ = 	snop  }
__scs_overlays_trampoline_lowered:
0x8: {  	[smem:$0x3F9D] =	sst s0  }
0x9: {  	[smem:$0x3F9E] =	sst s1  }
0xa: {  	[smem:$0x3F9F] =	sst s2  }
0xb: {  	[smem:$0x3FA0] =	sst s3  }
0xc: {  	[smem:$0x3FA1] =	sst s4  }
0xd: {  	[smem:$0x3FA2] =	sst s5  }
0xe: {  	[smem:$0x3FA3] =	sst s6  }
0xf: {  	[smem:$0x3FA4] =	sst s7  }
0x10: {  	[smem:$0x3FA5] =	sst s8  }
0x11: {  	[smem:$0x3FA6] =	sst s9;
	s0 =	simm.s32 @!p0 $0x0  }
0x12: {  	s1 =	sld [smem:$0x3F8C];
	s0 =	simm.s32 @p0 $0x1  }
0x13: {  	[smem:$0x3FA7] =	sst s0;
	s0 =	simm.s32 @!p1 $0x0  }
0x14: {  	s2 =	sld [smem:$0x3F8B];
	s0 =	simm.s32 @p1 $0x1  }
0x15: {  	[smem:$0x3FA8] =	sst s0;
	s0 =	simm.s32 @!p2 $0x0  }
0x16: {  	s3 =	sld [smem:$0x3FDB];
	s0 =	simm.s32 @p2 $0x1  }
0x17: {  	s4 =	simm.s32 $0x1BF5;
	[smem:$0x3FAA] =	sst s0  }
0x18: {  	s0 =	sld [smem:$0x3F8D];
	_ =	swait.ge [sflag:s4], $0x0  }
0x19: {  	s7 =	sld [smem:$0x3F8E]  }
0x1a: {  	s8 =	sadd.s32 $0xFFFFE003, lr  }
0x1b: {  	s9 =	sadd.s32 $0xFFFFFEF7, lr;
	s5 =	simm.s32 $0xFFFFFFFF;
	p2 =	slt.u32 s8, $0xFFFFF086  }
0x1c: {  	p1 =	slt.u32 s9, $0xF7A;
	s5 =	simm.s32 @!p2 $0x0  }
0x1d: {  	s5 =	simm.s32 @p1 $0x1;
	p0 =	seq.s32 s7, s2  }
0x1e: {  	s7 =	smul.u32 @!p0 $0xF7A, s2;
	p2 =	seq.s32 @!p0 s5, $0x0  }
0x1f: {  	s9 =	smul.u32 $0xF7A, s1;
	s8 =	simm.s32 @!p0 $0x1BF5;
	p2 =	por !p2, p0  }
0x20: {  	[sflag:s8] =	ssyncset.s32 @!p0 $0xFFFFF086;
	s6 =	sadd.s32 @!p0 s3, s7;
	s7 =	simm.s32 @!p0 $0x108  }
0x21: {  	s3 =	sadd.s32 s3, s9;
	s6 =	sadd.s32 @!p0 $0x88, s6;
	s7 =	simm.s32 @p2 $0x1082  }
0x22: {  	[simem:s7], [sflag:s8] =	dma.local @!p0 [hbm:s6], $0xF7A  }
0x23: {  	s9 =	sor.u32 $0xD0000000, s2;
	s6 =	simm.s32 $0x108;
	_ =	swait.ge @!p0 [sflag:s8], $0x0  }
0x24: {  	s3 =	sadd.s32 $0x88, s3;
	s6 =	simm.s32 @!p1 $0x1082;
	[sflag:s4] =	ssyncset.s32 $0xFFFFF086  }
0x25: {  	[simem:s6], [sflag:s4] =	dma.local [hbm:s3], $0xF7A  }
0x26: {  	[smem:$0x3F8E] =	sst s1;
	(tag) =	ssettag s2;
	_ =	strace s9  }
0x27: {  	s1 =	sld [smem:$0x3F9E]  }
0x28: {  	s2 =	sld [smem:$0x3F9F]  }
0x29: {  	s4 =	sld [smem:$0x3FA1]  }
0x2a: {  	p0 =	seq.s32 s5, $0x0;
	s5 =	sld [smem:$0x3FA2]  }
0x2b: {  	s6 =	sld [smem:$0x3FA3]  }
0x2c: {  	s7 =	sld [smem:$0x3FA4]  }
0x2d: {  	s3 =	simm.s32 $0x108;
	s8 =	sld [smem:$0x3FA5]  }
0x2e: {  	s3 =	simm.s32 @!p0 $0x1082;
	s9 =	sld [smem:$0x3FA6]  }
0x2f: {  	lr =	sadd.s32 s0, s3;
	s0 =	sld [smem:$0x3F9D]  }
0x30: {  	s3 =	sld [smem:$0x3FA0]  }
0x31: {  	[smem:$0x3FA9] =	sst s10  }
0x32: {  	s10 =	sld [smem:$0x3FA7];
	_ =	sdelay $0x3  }
0x33: {  	p0 =	seq.s32 s10, $0x1;
	s10 =	sld [smem:$0x3FA9];
	_ =	sdelay $0x3  }
0x34: {  	[smem:$0x3FA9] =	sst s10  }
0x35: {  	s10 =	sld [smem:$0x3FA8];
	_ =	sdelay $0x3  }
0x36: {  	p1 =	seq.s32 s10, $0x1;
	s10 =	sld [smem:$0x3FA9];
	_ =	sdelay $0x3  }
0x37: {  	[smem:$0x3FA9] =	sst s10  }
0x38: {  	s10 =	sld [smem:$0x3FAA]  }
0x39: {  	_ = 	snop;
	(pc) =	sbr.ind lr, $3  }
0x3a: {  	_ = 	snop  }
0x3b: {  	_ = 	snop  }
0x3c: {  	p2 =	seq.s32 s10, $0x1;
	s10 =	sld [smem:$0x3FA9]  }
0x3d: {  	_ =	shalt  }
0x3e: {  	_ =	shalt  }
0x3f: {  	_ =	shalt  }
0x40: {  	_ =	shalt  }
0x41: {  	_ =	shalt  }
0x42: {  	_ =	shalt  }
0x43: {  	_ =	shalt  }
0x44: {  	_ =	shalt  }
0x45: {  	_ =	shalt  }
0x46: {  	_ =	shalt  }
0x47: {  	_ =	shalt  }
0x48: {  	_ =	shalt  }
0x49: {  	_ =	shalt  }
0x4a: {  	_ =	shalt  }
0x4b: {  	_ =	shalt  }
0x4c: {  	_ =	shalt  }
0x4d: {  	_ =	shalt  }
0x4e: {  	_ =	shalt  }
0x4f: {  	_ =	shalt  }
0x50: {  	_ =	shalt  }
0x51: {  	_ =	shalt  }
0x52: {  	_ =	shalt  }
0x53: {  	_ =	shalt  }
0x54: {  	_ =	shalt  }
0x55: {  	_ =	shalt  }
0x56: {  	_ =	shalt  }
0x57: {  	_ =	shalt  }
0x58: {  	_ =	shalt  }
0x59: {  	_ =	shalt  }
0x5a: {  	_ =	shalt  }
0x5b: {  	_ =	shalt  }
0x5c: {  	_ =	shalt  }
0x5d: {  	_ =	shalt  }
0x5e: {  	_ =	shalt  }
0x5f: {  	_ =	shalt  }
0x60: {  	_ =	shalt  }
0x61: {  	_ =	shalt  }
0x62: {  	_ =	shalt  }
0x63: {  	_ =	shalt  }
0x64: {  	_ =	shalt  }
0x65: {  	_ =	shalt  }
0x66: {  	_ =	shalt  }
0x67: {  	_ =	shalt  }
0x68: {  	_ =	shalt  }
0x69: {  	_ =	shalt  }
0x6a: {  	_ =	shalt  }
0x6b: {  	_ =	shalt  }
0x6c: {  	_ =	shalt  }
0x6d: {  	_ =	shalt  }
0x6e: {  	_ =	shalt  }
0x6f: {  	_ =	shalt  }
0x70: {  	_ =	shalt  }
0x71: {  	_ =	shalt  }
0x72: {  	_ =	shalt  }
0x73: {  	_ =	shalt  }
0x74: {  	_ =	shalt  }
0x75: {  	_ =	shalt  }
0x76: {  	_ =	shalt  }
0x77: {  	_ =	shalt  }
0x78: {  	_ =	shalt  }
0x79: {  	_ =	shalt  }
0x7a: {  	_ =	shalt  }
0x7b: {  	_ =	shalt  }
0x7c: {  	_ =	shalt  }
0x7d: {  	_ =	shalt  }
0x7e: {  	_ =	shalt  }
0x7f: {  	_ =	shalt  }
0x80: {  	_ =	shalt  }
0x81: {  	_ =	shalt  }
0x82: {  	_ =	shalt  }
0x83: {  	_ =	shalt  }
0x84: {  	_ =	shalt  }
0x85: {  	_ =	shalt  }
0x86: {  	_ =	shalt  }
0x87: {  	_ =	shalt  }
.Lfunc_end0:
.L_simem_size_0:
called_computation_lowered:
.L_overlay_start_0:
0x88: {  	s2 =	sld [smem:$0x3FD9]  }
0x89: {  	s3 =	sld [smem:$0x3FFE];
	_ =	sdelay $0x1  }
0x8a: {  	s1 =	srdreg.scid  }
0x8b: {  	s0 =	sand.u32 $0x1, s1  }
0x8c: {  	s16 =	sshll.u32 s0, $0xA;
	s2 =	sadd.s32 s3, s2  }
0x8d: {  	s2 =	sadd.s32 s2, s16  }
0x8e: {  	[smem:$0x3FB5] =	sst s2  }
0x8f: {  	_ = 	snop  }
0x90: {  	(tm) =	ssettm $0x1  }
0x91: {  	s17 =	sld [smem:$0x3FFB];
	_ =	sdelay $0x3  }
0x92: {  	_ =	strace s17  }
0x93: {  	s2 =	sld [smem:$0x3FFC];
	_ =	sdelay $0x3  }
0x94: {  	_ =	strace s2  }
0x95: {  	s2 =	sld [smem:$0x3FFD];
	_ =	sdelay $0x3  }
0x96: {  	_ =	strace s2  }
0x97: {  	_ =	strace $0x8FFFFFFF  }
0x98: {  	s18 =	sld [smem:$0x3FDB];
	_ =	sdelay $0x1  }
0x99: {  	s19 =	simm.s32 $_scs_section_size  }
0x9a: {  	s4 =	simm.s32 $_size__tile_overlayer_lowered;
	s5 =	simm.s32 $_tile_overlayer_lowered  }
0x9b: {  	s22 =	simm.s32 $0x1BFF;
	s21 =	sshll.u32 s5, $0x1;
	s2 =	sadd.s32 s19, s18  }
0x9c: {  	s6 =	simm.s32 $0x0;
	s20 =	sshll.u32 s4, $0x1;
	s4 =	sadd.s32 s21, s2  }
0x9d: {  	[timem:s6], [sflag:s22] =	dma.local [hbm:s4], s20  }
0x9e: {  	_ =	swait.ge [sflag:s22], s20  }
0x9f: {  	s3 =	ssub.s32 $0x0, s20;
	[sflag:s22] =	ssyncset.done $0x0  }
0xa0: {  	[sflag:s22] =	ssyncadd.s32 s3;
	_ =	sdelay $0x1  }
0xa1: {  	s23 =	simm.s32 $0x1B8B  }
0xa2: {  	_ =	swait.ge [sflag:s23], $0x1  }
0xa3: {  	[sflag:s23] =	ssyncset.done $0x0  }
0xa4: {  	s25 =	simm.s32 $0x1B8E;
	s24 =	sld [smem:$0x3FFE];
	[sflag:s23] =	ssyncadd.s32 $0xFFFFFFFF  }
0xa5: {  	s26 =	simm.s32 $execute0_lowered;
	[smem:$0x3FD2] =	sst s25  }
0xa6: {  	s4 =	sshll.u32 s26, $0x1;
	_ =	strace $0x80000046;
	[dreg:$0x1] =	wrdreg $0xFFFFFFFF  }
0xa7: {  	s28 =	simm.s32 $_size_execute0_lowered;
	s2 =	sadd.s32 s2, s4;
	[dreg:$0x0] =	wrdreg $0x0  }
0xa8: {  	s4 =	sshll.u32 s28, $0x1;
	[dreg:$0x2] =	wrdreg s2  }
0xa9: {  	[dreg:$0x3] =	wrdreg s4  }
0xaa: {  	[dreg:$0x4] =	wrdreg $0xC0  }
0xab: {  	_ =	task [dreg:s6], $0x5FFFF  }
0xac: {  	[dreg:$0x1] =	wrdreg $0xFFFFFFFF  }
0xad: {  	[dreg:$0x0] =	wrdreg $0x60  }
0xae: {  	[dreg:$0x2] =	wrdreg s24  }
0xaf: {  	[dreg:$0x3] =	wrdreg $0x108B00  }
0xb0: {  	[dreg:$0x4] =	wrdreg $0x10DE00  }
0xb1: {  	[dreg:$0x5] =	wrdreg $0x9  }
0xb2: {  	_ =	task.clear_ibuf [dreg:s6], $0x6FFFF;
	_ =	strace $0x90000046  }
0xb3: {  	s29 =	simm.s32 $0x9;
	_ =	strace $0x80000048  }
0xb4: {  	_ =	swait.ge [sflag:s29], $0x1  }
0xb5: {  	[sflag:s29] =	ssyncadd.s32 $0xFFFFFFFF  }
0xb6: {  	_ =	strace $0x90000048  }
0xb7: {  	_ =	sfence  }
0xb8: {  	s30 =	sld [smem:$0x0];
	_ =	sdelay $0x2  }
0xb9: {  	s31 =	sshll.u32 s1, $0xD;
	s1 =	sshrl.u32 s1, $0x2  }
0xba: {  	s3 =	sand.u32 $0x4000, s31;
	s1 =	sadd.s32 s1, s30  }
0xbb: {  	s0 =	sor.u32 s3, s0;
	s1 =	sshll.u32 s1, $0x11  }
0xbc: {  	s0 =	sor.u32 s1, s0  }
0xbd: {  	s0 =	sadd.s32 $0x8F2B, s0  }
0xbe: {  	[sflag:s0] =	ssyncadd.remote.s32 $0x1  }
0xbf: {  	_ =	sfence.sel $0xFFFF  }
0xc0: {  	[dreg:$0x0] =	wrdreg $0xFFFFFFFF;
	(pc) =	sbr.abs _section_cstart, $3  }
0xc1: {  	[dreg:$0x1] =	wrdreg $0xFFFFFFFF  }
0xc2: {  	_ =	task.clear_ibuf [dreg:s6], $0x2FFFF;
	_ =	strace $0x9FFFFFFF  }
0xc3: {  	(tm) =	ssettm $0x7FFFFFFF  }
tec
execute0_lowered:
.L_overlay_start_1:
0x0: {  	(tag) =	ssettag $0x1  }
0x1: {  	s0 =	rddreg [dreg:$0x0]  }
0x2: {  	s2 =	rddreg [dreg:$0x1]  }
0x3: {  	s3 =	rddreg [dreg:$0x2];
	s4 =	simm.s32 $0x0  }
0x4: {  	s14 =	stileid.u32;
	s7 =	srdreg.scid;
	s17 =	simm.s32 $0xB8800  }
0x5: {  	s19 =	simm.s32 $0x2;
	s20 =	simm.s32 $0x62B0;
	s21 =	simm.s32 $0x80  }
0x6: {  	s22 =	simm.s32 $0x180;
	s23 =	simm.s32 $0xA80;
	s28 =	simm.s32 $0xB5B0  }
0x7: {  	s29 =	simm.s32 $0x0;
	[smem:$0x7FF] =	sst s4;
	s1 =	smul.u32 $0x5300, s14  }
0x8: {  	s13 =	smul.u32 $0x530, s14;
	s5 =	sadd.s32 $0x25C00, s0;
	s6 =	sadd.s32 $0xA2400, s0  }
0x9: {  	s24 =	sand.u32 $0x1, s7;
	s7 =	sadd.s32 $0xCD400, s0;
	s31 =	sshll.u32 s14, $0x1  }
0xa: {  	v0 =	vlaneseq.u32;
	s18 =	smul.u32 $0x2A00, s14;
	_ =	strace $0x80000047;
	s9 =	ssub.s32 $0x2, s24  }
0xb: {  	v1 =	vor.u32 $0x100, v0;
	v2 =	vor.u32 $0x110, v0;
	p0 =	seq.s32 s24, $0x0;
	s25 =	sshrl.u32 s1, $0x3;
	s8 =	sshrl.u32 s13, $0x3  }
0xc: {  	v3 =	vor.u32 $0x120, v0;
	v4 =	vor.u32 $0x130, v0;
	v5 =	vor.u32 $0x140, v0;
	s26 =	sshrl.u32 s9, $0x1;
	s11 =	sadd.s32 s1, s3;
	s1 =	sor.u32 s24, s31  }
0xd: {  	v6 =	vor.u32 $0x150, v0;
	v7 =	vor.u32 $0x160, v0;
	v8 =	vor.u32 $0x170, v0;
	s17 =	simm.s32 @!p0 $0xC2E00;
	p0 =	sne.s32 s24, $0x0;
	s24 =	simm.s32 $0x200  }
0xe: {  	v9 =	vor.u32 $0x80, v0;
	v10 =	vor.u32 $0x10, v0;
	v11 =	vor.u32 $0x90, v0;
	s16 =	sadd.s32 s25, s0;
	s12 =	sadd.s32 s8, s0;
	s30 =	ssub.s32 s9, s26  }
0xf: {  	v12 =	vor.u32 $0x20, v0;
	v13 =	vor.u32 $0xA0, v0;
	v14 =	vor.u32 $0x30, v0;
	s9 =	sadd.s32 s13, s2;
	s13 =	sadd.s32 $0xA80, s13;
	s14 =	smul.u32 $0x70, s1  }
0x10: {  	v15 =	vor.u32 $0xB0, v0;
	v16 =	vor.u32 $0x40, v0;
	v17 =	vor.u32 $0xC0, v0;
	s25 =	simm.s32 $0x280;
	s26 =	simm.s32 $0x1;
	s8 =	sadd.s32 $0xB7000, s12  }
0x11: {  	v18 =	vor.u32 $0x50, v0;
	v19 =	vor.u32 $0xD0, v0;
	v20 =	vor.u32 $0x60, v0;
	s10 =	sadd.s32 $0xACA00, s16;
	s12 =	sadd.s32 $0xB7C00, s12;
	s15 =	smax.u32 s30, $0x1  }
0x12: {  	v21 =	vor.u32 $0xE0, v0;
	v22 =	vor.u32 $0x70, v0;
	v23 =	vor.u32 $0xF0, v0;
	s16 =	sadd.s32 s17, s16;
	s17 =	sadd.s32 s18, s5;
	s18 =	simm.s32 $0x5D80  }
.LBB2_1:
0x13: {  	[tilespmem:s18], [sflag:$0x2] =	stream.linear.gather [hbm4b:s8+s4], $0x530, $0x38;
	[tilespmem:$0x160E0] =	vst v63  }
0x14: {  	_ =	swait.ge [sflag:s19], $0x530  }
0x15: {  	[sflag:s19] =	ssyncset.done $0x0  }
0x16: {  	[sflag:s19] =	ssyncadd.s32 $0xFFFFFAD0  }
0x17: {  	[spmem:s9] =	stream.linear.scatter [tilespmem:s18], [sflag:$0x2], $0x530, $0x38;
	[tilespmem:$0x160E0] =	vst v63  }
0x18: {  	_ =	swait.ge [sflag:s19], $0x530  }
0x19: {  	[sflag:s19] =	ssyncset.done $0x0  }
0x1a: {  	[sflag:s19] =	ssyncadd.s32 $0xFFFFFAD0  }
0x1b: {  	[tilespmem:s20], [sflag:$0x2] =	stream.linear.gather [hbm4b:s10+s4], $0x5300, $0x38;
	[tilespmem:$0x160E0] =	vst v63  }
0x1c: {  	_ =	swait.ge [sflag:s19], $0x5300  }
0x1d: {  	[sflag:s19] =	ssyncset.done $0x0  }
0x1e: {  	[sflag:s19] =	ssyncadd.s32 $0xFFFFAD00  }
0x1f: {  	[spmem:s11] =	stream.linear.scatter [tilespmem:s20], [sflag:$0x2], $0x5300, $0x38;
	[tilespmem:$0x160E0] =	vst v63  }
0x20: {  	_ =	swait.ge [sflag:s19], $0x5300  }
0x21: {  	[sflag:s19] =	ssyncset.done $0x0  }
0x22: {  	[sflag:s19] =	ssyncadd.s32 $0xFFFFAD00  }
0x23: {  	s0 =	sadd.s32 $0x0, s17;
	[bflag:$0x0] =	sbarrier.arrive $0xFFFF  }
0x24: {  	[tilespmem:s4], [sflag:$0x2] =	stream.linear.gather [hbm4b:s0+s4], $0x180, $0x38;
	[tilespmem:$0x160E0] =	vst v63  }
0x25: {  	_ =	swait.ge [sflag:s19], $0x180  }
0x26: {  	[sflag:s19] =	ssyncset.done $0x0  }
0x27: {  	[sflag:s19] =	ssyncadd.s32 $0xFFFFFE80  }
0x28: {  	v24 =	vld.idx.msk [tilespmem:v1+s4+$0x0], $0xffff;
	_ =	sdelay $0x4  }
0x29: {  	[tilespmem:$0x180] =	vst v24  }
0x2a: {  	v24 =	vld.idx.msk [tilespmem:v2+s4+$0x0], $0xffff;
	_ =	sdelay $0x4  }
0x2b: {  	[tilespmem:$0x190] =	vst v24  }
0x2c: {  	v24 =	vld.idx.msk [tilespmem:v3+s4+$0x0], $0xffff;
	_ =	sdelay $0x4  }
0x2d: {  	[tilespmem:$0x1A0] =	vst v24  }
0x2e: {  	v24 =	vld.idx.msk [tilespmem:v4+s4+$0x0], $0xffff;
	_ =	sdelay $0x4  }
0x2f: {  	[tilespmem:$0x1B0] =	vst v24  }
0x30: {  	v24 =	vld.idx.msk [tilespmem:v5+s4+$0x0], $0xffff;
	_ =	sdelay $0x4  }
0x31: {  	[tilespmem:$0x1C0] =	vst v24  }
0x32: {  	v24 =	vld.idx.msk [tilespmem:v6+s4+$0x0], $0xffff;
	_ =	sdelay $0x4  }
0x33: {  	[tilespmem:$0x1D0] =	vst v24  }
0x34: {  	v24 =	vld.idx.msk [tilespmem:v7+s4+$0x0], $0xffff;
	_ =	sdelay $0x4  }
0x35: {  	[tilespmem:$0x1E0] =	vst v24  }
0x36: {  	v24 =	vld.idx.msk [tilespmem:v8+s4+$0x0], $0xffff;
	_ =	sdelay $0x4  }
0x37: {  	[tilespmem:$0x1F0] =	vst v24  }
0x38: {  	[spmem:s2] =	stream.indirect.scatter.add.f32 [tilespmem:s22], [sflag:$0x2], $0x1, s21, s21, $0xb8;
	[tilespmem:$0x160E0] =	vst v63  }
0x39: {  	_ =	swait.ge [sflag:s19], $0x80  }
0x3a: {  	s30 =	simm.s32 $0x30;
	s0 =	simm.s32 $0x60;
	[sflag:s19] =	ssyncset.done $0x0  }
.LBB2_2:
0x3b: {  	s1 =	sadd.s32 s30, s17  }
0x3c: {  	[sflag:s19] =	ssyncadd.s32 $0xFFFFFF80;
	s30 =	smov.u32 s0;
	s31 =	sadd.s32 $0x30, s0  }
0x3d: {  	[tilespmem:s4], [sflag:$0x2] =	stream.linear.gather [hbm4b:s1+s4], $0x180, $0x38;
	[tilespmem:$0x160E0] =	vst v63  }
0x3e: {  	p1 =	sne.s32 s0, $0x29D0;
	_ =	swait.ge [sflag:s19], $0x180  }
0x3f: {  	[sflag:s19] =	ssyncset.done $0x0  }
0x40: {  	[sflag:s19] =	ssyncadd.s32 $0xFFFFFE80  }
0x41: {  	v24 =	vld.idx.msk [tilespmem:v1+s4+$0x0], $0xffff;
	_ =	sdelay $0x5  }
0x42: {  	[tilespmem:$0x180] =	vst v24  }
0x43: {  	v24 =	vld.idx.msk [tilespmem:v2+s4+$0x0], $0xffff;
	_ =	sdelay $0x5  }
0x44: {  	[tilespmem:$0x190] =	vst v24  }
0x45: {  	v24 =	vld.idx.msk [tilespmem:v3+s4+$0x0], $0xffff;
	_ =	sdelay $0x5  }
0x46: {  	[tilespmem:$0x1A0] =	vst v24  }
0x47: {  	v24 =	vld.idx.msk [tilespmem:v4+s4+$0x0], $0xffff;
	_ =	sdelay $0x5  }
0x48: {  	[tilespmem:$0x1B0] =	vst v24  }
0x49: {  	v24 =	vld.idx.msk [tilespmem:v5+s4+$0x0], $0xffff;
	_ =	sdelay $0x5  }
0x4a: {  	[tilespmem:$0x1C0] =	vst v24  }
0x4b: {  	v24 =	vld.idx.msk [tilespmem:v6+s4+$0x0], $0xffff;
	_ =	sdelay $0x5  }
0x4c: {  	[tilespmem:$0x1D0] =	vst v24  }
0x4d: {  	v24 =	vld.idx.msk [tilespmem:v7+s4+$0x0], $0xffff;
	_ =	sdelay $0x5  }
0x4e: {  	[tilespmem:$0x1E0] =	vst v24  }
0x4f: {  	v24 =	vld.idx.msk [tilespmem:v8+s4+$0x0], $0xffff;
	_ =	sdelay $0x4  }
.Ltmp0:
0x50: {  	(pc) =	sbr.rel @p1 .LBB2_2-.Ltmp0, $4  }
0x51: {  	[tilespmem:$0x1F0] =	vst v24  }
0x52: {  	[spmem:s2] =	stream.indirect.scatter.add.f32 [tilespmem:s22], [sflag:$0x2], $0x1, s21, s21, $0xb8;
	[tilespmem:$0x160E0] =	vst v63  }
0x53: {  	_ =	swait.ge [sflag:s19], $0x80  }
0x54: {  	s0 =	smov.u32 s31;
	[sflag:s19] =	ssyncset.done $0x0  }
0x55: {  	s0 =	sadd.s32 s30, s17;
	[sflag:s19] =	ssyncadd.s32 $0xFFFFFF80  }
0x56: {  	[tilespmem:s4], [sflag:$0x2] =	stream.linear.gather [hbm4b:s0+s4], $0x180, $0x38;
	[tilespmem:$0x160E0] =	vst v63  }
0x57: {  	_ =	swait.ge [sflag:s19], $0x180  }
0x58: {  	[sflag:s19] =	ssyncset.done $0x0  }
0x59: {  	[sflag:s19] =	ssyncadd.s32 $0xFFFFFE80  }
0x5a: {  	v24 =	vld.idx.msk [tilespmem:v1+s4+$0x0], $0xffff;
	_ =	sdelay $0x4  }
0x5b: {  	[tilespmem:$0x180] =	vst v24  }
0x5c: {  	v24 =	vld.idx.msk [tilespmem:v2+s4+$0x0], $0xffff;
	_ =	sdelay $0x4  }
0x5d: {  	[tilespmem:$0x190] =	vst v24  }
0x5e: {  	v24 =	vld.idx.msk [tilespmem:v3+s4+$0x0], $0xffff;
	_ =	sdelay $0x4  }
0x5f: {  	[tilespmem:$0x1A0] =	vst v24  }
0x60: {  	v24 =	vld.idx.msk [tilespmem:v4+s4+$0x0], $0xffff;
	_ =	sdelay $0x4  }
0x61: {  	[tilespmem:$0x1B0] =	vst v24  }
0x62: {  	v24 =	vld.idx.msk [tilespmem:v5+s4+$0x0], $0xffff;
	_ =	sdelay $0x4  }
0x63: {  	[tilespmem:$0x1C0] =	vst v24  }
0x64: {  	v24 =	vld.idx.msk [tilespmem:v6+s4+$0x0], $0xffff;
	_ =	sdelay $0x4  }
0x65: {  	[tilespmem:$0x1D0] =	vst v24  }
0x66: {  	v24 =	vld.idx.msk [tilespmem:v7+s4+$0x0], $0xffff;
	_ =	sdelay $0x4  }
0x67: {  	[tilespmem:$0x1E0] =	vst v24  }
0x68: {  	v24 =	vld.idx.msk [tilespmem:v8+s4+$0x0], $0xffff;
	_ =	sdelay $0x4  }
0x69: {  	[tilespmem:$0x1F0] =	vst v24  }
0x6a: {  	[spmem:s2] =	stream.indirect.scatter.add.f32 [tilespmem:s22], [sflag:$0x2], $0x1, s21, s21, $0xb8;
	[tilespmem:$0x160E0] =	vst v63  }
0x6b: {  	_ =	swait.ge [sflag:s19], $0x80  }
0x6c: {  	[sflag:s19] =	ssyncset.done $0x0  }
0x6d: {  	[sflag:s19] =	ssyncadd.s32 $0xFFFFFF80  }
0x6e: {  	[bflag:$0x0] =	sbarrier.arrive $0xFFFF  }
0x6f: {  	[tilespmem:s23], [sflag:$0x2] =	stream.linear.gather [spmem:s2], $0x5300, $0x38;
	[tilespmem:$0x160E0] =	vst v63  }
0x70: {  	_ =	swait.ge [sflag:s19], $0x5300  }
0x71: {  	[sflag:s19] =	ssyncset.done $0x0  }
0x72: {  	s30 =	simm.s32 $0x0;
	s0 =	simm.s32 $0x40;
	[sflag:s19] =	ssyncadd.s32 $0xFFFFAD00  }
.LBB2_4:
0x73: {  	p1 =	sne.s32 s0, $0x14BC0;
	v24 =	vld [tilespmem:s30+$0xA80];
	_ =	sdelay $0x4  }
0x74: {  	v24 =	vadd.f32 $1.000000000e+00, v24;
	_ =	sdelay $0x1  }
0x75: {  	v25 =	vshra.s32 v24, $0x1;
	v24 =	vmul.f32 $5.000000000e-01, v24  }
0x76: {  	v25 =	vsub.s32 $0x5F3759DF, v25  }
0x77: {  	v26 =	vmul.f32 v25, v24;
	_ =	sdelay $0x1  }
0x78: {  	v26 =	vmul.f32 v25, v26;
	_ =	sdelay $0x1  }
0x79: {  	v26 =	vsub.f32 $1.500000000e+00, v26;
	_ =	sdelay $0x1  }
0x7a: {  	v25 =	vmul.f32 v25, v26;
	_ =	sdelay $0x1  }
0x7b: {  	v26 =	vmul.f32 v25, v24;
	_ =	sdelay $0x1  }
0x7c: {  	v26 =	vmul.f32 v26, v25;
	_ =	sdelay $0x1  }
0x7d: {  	v26 =	vsub.f32 $1.500000000e+00, v26;
	_ =	sdelay $0x1  }
0x7e: {  	v25 =	vmul.f32 v26, v25;
	_ =	sdelay $0x1  }
0x7f: {  	v26 =	vmul.f32 v25, v24;
	_ =	sdelay $0x1  }
0x80: {  	v26 =	vmul.f32 v26, v25;
	_ =	sdelay $0x1  }
0x81: {  	v26 =	vsub.f32 $1.500000000e+00, v26;
	_ =	sdelay $0x1  }
0x82: {  	v25 =	vmul.f32 v26, v25;
	_ =	sdelay $0x1  }
0x83: {  	v24 =	vmul.f32 v25, v24;
	_ =	sdelay $0x1  }
0x84: {  	v24 =	vmul.f32 v24, v25;
	_ =	sdelay $0x1  }
.Ltmp1:
0x85: {  	v24 =	vsub.f32 $1.500000000e+00, v24;
	(pc) =	sbr.rel @p1 .LBB2_4-.Ltmp1, $3  }
0x86: {  	_ = 	snop  }
0x87: {  	v24 =	vmul.f32 v24, v25;
	_ =	sdelay $0x1  }
0x88: {  	[tilespmem:s30+$0xA80] =	vst v24;
	s30 =	sshra.s32 s0, $0x2;
	s0 =	sadd.s32 $0x40, s0  }
0x89: {  	v24 =	vld [tilespmem:s30+$0xA80];
	_ =	sdelay $0x4  }
0x8a: {  	v24 =	vadd.f32 $1.000000000e+00, v24;
	_ =	sdelay $0x1  }
0x8b: {  	v25 =	vshra.s32 v24, $0x1;
	v24 =	vmul.f32 $5.000000000e-01, v24  }
0x8c: {  	v25 =	vsub.s32 $0x5F3759DF, v25  }
0x8d: {  	v26 =	vmul.f32 v25, v24;
	_ =	sdelay $0x1  }
0x8e: {  	v26 =	vmul.f32 v25, v26;
	_ =	sdelay $0x1  }
0x8f: {  	v26 =	vsub.f32 $1.500000000e+00, v26;
	_ =	sdelay $0x1  }
0x90: {  	v25 =	vmul.f32 v25, v26;
	_ =	sdelay $0x1  }
0x91: {  	v26 =	vmul.f32 v25, v24;
	_ =	sdelay $0x1  }
0x92: {  	v26 =	vmul.f32 v26, v25;
	_ =	sdelay $0x1  }
0x93: {  	v26 =	vsub.f32 $1.500000000e+00, v26;
	_ =	sdelay $0x1  }
0x94: {  	v25 =	vmul.f32 v26, v25;
	_ =	sdelay $0x1  }
0x95: {  	v26 =	vmul.f32 v25, v24;
	_ =	sdelay $0x1  }
0x96: {  	v26 =	vmul.f32 v26, v25;
	_ =	sdelay $0x1  }
0x97: {  	v26 =	vsub.f32 $1.500000000e+00, v26;
	_ =	sdelay $0x1  }
0x98: {  	v25 =	vmul.f32 v26, v25;
	_ =	sdelay $0x1  }
0x99: {  	v24 =	vmul.f32 v25, v24;
	_ =	sdelay $0x1  }
0x9a: {  	v24 =	vmul.f32 v24, v25;
	_ =	sdelay $0x1  }
0x9b: {  	v24 =	vsub.f32 $1.500000000e+00, v24;
	_ =	sdelay $0x1  }
0x9c: {  	v24 =	vmul.f32 v24, v25;
	_ =	sdelay $0x1  }
0x9d: {  	s0 =	simm.s32 @!p0 $0x0;
	[tilespmem:s30+$0xA80] =	vst v24  }
0x9e: {  	[hbm4b:s12+s0] =	stream.linear.scatter @!p0 [tilespmem:s13], [sflag:$0x2], $0x530, $0x38;
	[tilespmem:$0x160E0] =	vst v63  }
0x9f: {  	s0 =	simm.s32 @!p0 $0x2  }
0xa0: {  	_ =	swait.ge @!p0 [sflag:s0], $0x530  }
0xa1: {  	[sflag:s0] =	ssyncset.done @!p0 $0x0  }
0xa2: {  	s31 =	simm.s32 $0x0;
	s30 =	simm.s32 $0x0;
	[sflag:s0] =	ssyncadd.s32 @!p0 $0xFFFFFAD0  }
.LBB2_6:
0xa3: {  	s0 =	sadd.s32 s14, s31  }
0xa4: {  	s1 =	smul.u32 $0x30, s0;
	_ =	sdelay $0x1  }
0xa5: {  	s1 =	sadd.s32 s5, s1  }
0xa6: {  	[tilespmem:s30], [sflag:$0x2] =	stream.linear.gather [hbm4b:s1+s30], $0x180, $0x38;
	[tilespmem:$0x160E0] =	vst v63  }
0xa7: {  	_ =	swait.ge [sflag:s19], $0x180  }
0xa8: {  	[sflag:s19] =	ssyncset.done $0x0  }
0xa9: {  	[sflag:s19] =	ssyncadd.s32 $0xFFFFFE80  }
0xaa: {  	v24 =	vld.idx.msk [tilespmem:v0+s30+$0x0], $0xffff;
	_ =	sdelay $0x1  }
0xab: {  	v25 =	vld.idx.msk [tilespmem:v9+s30+$0x0], $0xffff;
	_ =	sdelay $0x4  }
0xac: {  	v26 =	vld.idx.msk [tilespmem:v1+s30+$0x0], $0xffff  }
0xad: {  	v24 =	vld.idx.msk [tilespmem:v24+s23+$0x0], $0xffff;
	_ =	sdelay $0x1  }
0xae: {  	v25 =	vld.idx.msk [tilespmem:v25+s23+$0x0], $0xffff;
	_ =	sdelay $0x2  }
0xaf: {  	v24 =	vmul.f32 v26, v24;
	_ =	sdelay $0x1  }
0xb0: {  	v24 =	vmul.f32 v25, v24;
	_ =	sdelay $0x1  }
0xb1: {  	[tilespmem:$0x200] =	vst v24  }
0xb2: {  	v24 =	vld.idx.msk [tilespmem:v10+s30+$0x0], $0xffff;
	_ =	sdelay $0x1  }
0xb3: {  	v25 =	vld.idx.msk [tilespmem:v11+s30+$0x0], $0xffff;
	_ =	sdelay $0x4  }
0xb4: {  	v26 =	vld.idx.msk [tilespmem:v2+s30+$0x0], $0xffff  }
0xb5: {  	v24 =	vld.idx.msk [tilespmem:v24+s23+$0x0], $0xffff;
	_ =	sdelay $0x1  }
0xb6: {  	v25 =	vld.idx.msk [tilespmem:v25+s23+$0x0], $0xffff;
	_ =	sdelay $0x2  }
0xb7: {  	v24 =	vmul.f32 v26, v24;
	_ =	sdelay $0x1  }
0xb8: {  	v24 =	vmul.f32 v25, v24;
	_ =	sdelay $0x1  }
0xb9: {  	[tilespmem:$0x210] =	vst v24  }
0xba: {  	v24 =	vld.idx.msk [tilespmem:v12+s30+$0x0], $0xffff;
	_ =	sdelay $0x1  }
0xbb: {  	v25 =	vld.idx.msk [tilespmem:v13+s30+$0x0], $0xffff;
	_ =	sdelay $0x4  }
0xbc: {  	v26 =	vld.idx.msk [tilespmem:v3+s30+$0x0], $0xffff  }
0xbd: {  	v24 =	vld.idx.msk [tilespmem:v24+s23+$0x0], $0xffff;
	_ =	sdelay $0x1  }
0xbe: {  	v25 =	vld.idx.msk [tilespmem:v25+s23+$0x0], $0xffff;
	_ =	sdelay $0x2  }
0xbf: {  	v24 =	vmul.f32 v26, v24;
	_ =	sdelay $0x1  }
0xc0: {  	v24 =	vmul.f32 v25, v24;
	_ =	sdelay $0x1  }
0xc1: {  	[tilespmem:$0x220] =	vst v24  }
0xc2: {  	v24 =	vld.idx.msk [tilespmem:v14+s30+$0x0], $0xffff;
	_ =	sdelay $0x1  }
0xc3: {  	v25 =	vld.idx.msk [tilespmem:v15+s30+$0x0], $0xffff;
	_ =	sdelay $0x4  }
0xc4: {  	v26 =	vld.idx.msk [tilespmem:v4+s30+$0x0], $0xffff  }
0xc5: {  	v24 =	vld.idx.msk [tilespmem:v24+s23+$0x0], $0xffff;
	_ =	sdelay $0x1  }
0xc6: {  	v25 =	vld.idx.msk [tilespmem:v25+s23+$0x0], $0xffff;
	_ =	sdelay $0x2  }
0xc7: {  	v24 =	vmul.f32 v26, v24;
	_ =	sdelay $0x1  }
0xc8: {  	v24 =	vmul.f32 v25, v24;
	_ =	sdelay $0x1  }
0xc9: {  	[tilespmem:$0x230] =	vst v24  }
0xca: {  	v24 =	vld.idx.msk [tilespmem:v16+s30+$0x0], $0xffff;
	_ =	sdelay $0x1  }
0xcb: {  	v25 =	vld.idx.msk [tilespmem:v17+s30+$0x0], $0xffff;
	_ =	sdelay $0x4  }
0xcc: {  	v26 =	vld.idx.msk [tilespmem:v5+s30+$0x0], $0xffff  }
0xcd: {  	v24 =	vld.idx.msk [tilespmem:v24+s23+$0x0], $0xffff;
	_ =	sdelay $0x1  }
0xce: {  	v25 =	vld.idx.msk [tilespmem:v25+s23+$0x0], $0xffff;
	_ =	sdelay $0x2  }
0xcf: {  	v24 =	vmul.f32 v26, v24;
	_ =	sdelay $0x1  }
0xd0: {  	v24 =	vmul.f32 v25, v24;
	_ =	sdelay $0x1  }
0xd1: {  	[tilespmem:$0x240] =	vst v24  }
0xd2: {  	v24 =	vld.idx.msk [tilespmem:v18+s30+$0x0], $0xffff;
	_ =	sdelay $0x1  }
0xd3: {  	v25 =	vld.idx.msk [tilespmem:v19+s30+$0x0], $0xffff;
	_ =	sdelay $0x4  }
0xd4: {  	v26 =	vld.idx.msk [tilespmem:v6+s30+$0x0], $0xffff  }
0xd5: {  	v24 =	vld.idx.msk [tilespmem:v24+s23+$0x0], $0xffff;
	_ =	sdelay $0x1  }
0xd6: {  	v25 =	vld.idx.msk [tilespmem:v25+s23+$0x0], $0xffff;
	_ =	sdelay $0x2  }
0xd7: {  	v24 =	vmul.f32 v26, v24;
	_ =	sdelay $0x1  }
0xd8: {  	v24 =	vmul.f32 v25, v24;
	_ =	sdelay $0x1  }
0xd9: {  	[tilespmem:$0x250] =	vst v24  }
0xda: {  	v24 =	vld.idx.msk [tilespmem:v20+s30+$0x0], $0xffff;
	_ =	sdelay $0x1  }
0xdb: {  	v25 =	vld.idx.msk [tilespmem:v21+s30+$0x0], $0xffff;
	_ =	sdelay $0x4  }
0xdc: {  	v26 =	vld.idx.msk [tilespmem:v7+s30+$0x0], $0xffff  }
0xdd: {  	v24 =	vld.idx.msk [tilespmem:v24+s23+$0x0], $0xffff;
	_ =	sdelay $0x1  }
0xde: {  	v25 =	vld.idx.msk [tilespmem:v25+s23+$0x0], $0xffff;
	_ =	sdelay $0x2  }
0xdf: {  	v24 =	vmul.f32 v26, v24;
	_ =	sdelay $0x1  }
0xe0: {  	v24 =	vmul.f32 v25, v24;
	_ =	sdelay $0x1  }
0xe1: {  	[tilespmem:$0x260] =	vst v24  }
0xe2: {  	v24 =	vld.idx.msk [tilespmem:v22+s30+$0x0], $0xffff;
	_ =	sdelay $0x1  }
0xe3: {  	v25 =	vld.idx.msk [tilespmem:v23+s30+$0x0], $0xffff;
	_ =	sdelay $0x4  }
0xe4: {  	v26 =	vld.idx.msk [tilespmem:v8+s30+$0x0], $0xffff  }
0xe5: {  	v24 =	vld.idx.msk [tilespmem:v24+s23+$0x0], $0xffff;
	_ =	sdelay $0x1  }
0xe6: {  	v25 =	vld.idx.msk [tilespmem:v25+s23+$0x0], $0xffff;
	_ =	sdelay $0x2  }
0xe7: {  	v24 =	vmul.f32 v26, v24;
	_ =	sdelay $0x1  }
0xe8: {  	v24 =	vmul.f32 v25, v24  }
0xe9: {  	s0 =	sshll.u32 s0, $0x4  }
0xea: {  	s0 =	sadd.s32 s7, s0;
	[tilespmem:$0x270] =	vst v24  }
0xeb: {  	[hbm4b:s0+s30] =	stream.linear.scatter [tilespmem:s24], [sflag:$0x2], $0x80, $0x38;
	[tilespmem:$0x160E0] =	vst v63  }
0xec: {  	_ =	swait.ge [sflag:s19], $0x80  }
0xed: {  	v24 =	vmov s30;
	[sflag:s19] =	ssyncset.done $0x0  }
0xee: {  	v25 =	vshll.u32 v24, $0x4;
	[sflag:s19] =	ssyncadd.s32 $0xFFFFFF80  }
0xef: {  	v26 =	vor.u32 v0, v25;
	[tilespmem:s25], [sflag:$0x1] =	stream.indirect.gather [hbm4b:s6+s21], $0x10, s30, s21, $0xb8;
	[tilespmem:$0x160E0] =	vst v63  }
0xf0: {  	_ =	swait.ge [sflag:s26], $0x800  }
0xf1: {  	[sflag:s26] =	ssyncset.done $0x0  }
0xf2: {  	[sflag:s26] =	ssyncadd.s32 $0xFFFFF800  }
0xf3: {  	v27 =	vld.idx.msk [tilespmem:v24+s24+$0x0], $0xffff  }
0xf4: {  	v28 =	vld.idx.msk [tilespmem:v26+s25+$0x0], $0xffff;
	_ =	sdelay $0x1  }
0xf5: {  	v29 =	vor.u32 $0x1, v24  }
0xf6: {  	v30 =	vshll.u32 v29, $0x4  }
0xf7: {  	v30 =	vor.u32 v0, v30  }
0xf8: {  	v27 =	vmul.f32 v28, v27;
	_ =	sdelay $0x1  }
0xf9: {  	[tilespmem:v26+s25+$0x0] =	vst.idx.msk $0xffff, v27  }
0xfa: {  	v26 =	vld.idx.msk [tilespmem:v29+s24+$0x0], $0xffff  }
0xfb: {  	v27 =	vld.idx.msk [tilespmem:v30+s25+$0x0], $0xffff;
	_ =	sdelay $0x1  }
0xfc: {  	v28 =	vor.u32 $0x2, v24  }
0xfd: {  	v29 =	vshll.u32 v28, $0x4  }
0xfe: {  	v29 =	vor.u32 v0, v29  }
0xff: {  	v26 =	vmul.f32 v27, v26;
	_ =	sdelay $0x1  }
0x100: {  	[tilespmem:v30+s25+$0x0] =	vst.idx.msk $0xffff, v26  }
0x101: {  	v27 =	vld.idx.msk [tilespmem:v28+s24+$0x0], $0xffff  }
0x102: {  	v28 =	vld.idx.msk [tilespmem:v29+s25+$0x0], $0xffff;
	_ =	sdelay $0x2  }
0x103: {  	v24 =	vor.u32 $0x3, v24  }
0x104: {  	v26 =	vor.u32 v14, v25  }
0x105: {  	v25 =	vmul.f32 v28, v27;
	_ =	sdelay $0x1  }
0x106: {  	[tilespmem:v29+s25+$0x0] =	vst.idx.msk $0xffff, v25  }
0x107: {  	v27 =	vld.idx.msk [tilespmem:v24+s24+$0x0], $0xffff  }
0x108: {  	v28 =	vld.idx.msk [tilespmem:v26+s25+$0x0], $0xffff  }
0x109: {  	s1 =	simm.s32 $0x4  }
0x10a: {  	v24 =	vmov s1  }
0x10b: {  	s0 =	simm.s32 $0x8;
	v25 =	vshll.u32 v24, $0x4  }
.LBB2_7:
0x10c: {  	p1 =	sne.s32 s0, $0x7C;
	v29 =	vor.u32 v0, v25;
	s1 =	smov.u32 s0;
	s0 =	sadd.s32 $0x4, s0  }
0x10d: {  	v27 =	vmul.f32 v28, v27;
	_ =	sdelay $0x1  }
0x10e: {  	[tilespmem:v26+s25+$0x0] =	vst.idx.msk $0xffff, v27  }
0x10f: {  	v26 =	vld.idx.msk [tilespmem:v24+s24+$0x0], $0xffff  }
0x110: {  	v27 =	vld.idx.msk [tilespmem:v29+s25+$0x0], $0xffff;
	_ =	sdelay $0x1  }
0x111: {  	v28 =	vor.u32 $0x1, v24  }
0x112: {  	v30 =	vshll.u32 v28, $0x4  }
0x113: {  	v30 =	vor.u32 v0, v30;
	_ =	sdelay $0x1  }
0x114: {  	v26 =	vmul.f32 v27, v26;
	_ =	sdelay $0x1  }
0x115: {  	[tilespmem:v29+s25+$0x0] =	vst.idx.msk $0xffff, v26  }
0x116: {  	v26 =	vld.idx.msk [tilespmem:v28+s24+$0x0], $0xffff  }
0x117: {  	v27 =	vld.idx.msk [tilespmem:v30+s25+$0x0], $0xffff;
	_ =	sdelay $0x1  }
0x118: {  	v28 =	vor.u32 $0x2, v24  }
0x119: {  	v29 =	vshll.u32 v28, $0x4  }
0x11a: {  	v29 =	vor.u32 v0, v29;
	_ =	sdelay $0x1  }
0x11b: {  	v26 =	vmul.f32 v27, v26;
	_ =	sdelay $0x1  }
0x11c: {  	[tilespmem:v30+s25+$0x0] =	vst.idx.msk $0xffff, v26  }
0x11d: {  	v27 =	vld.idx.msk [tilespmem:v28+s24+$0x0], $0xffff  }
0x11e: {  	v28 =	vld.idx.msk [tilespmem:v29+s25+$0x0], $0xffff;
	_ =	sdelay $0x3  }
0x11f: {  	v24 =	vor.u32 $0x3, v24;
	v26 =	vor.u32 v14, v25;
	_ =	sdelay $0x1  }
0x120: {  	v25 =	vmul.f32 v28, v27;
	_ =	sdelay $0x1  }
0x121: {  	[tilespmem:v29+s25+$0x0] =	vst.idx.msk $0xffff, v25  }
0x122: {  	v27 =	vld.idx.msk [tilespmem:v24+s24+$0x0], $0xffff  }
.Ltmp2:
0x123: {  	v28 =	vld.idx.msk [tilespmem:v26+s25+$0x0], $0xffff;
	(pc) =	sbr.rel @p1 .LBB2_7-.Ltmp2, $3  }
0x124: {  	_ =	sdelay $0x1  }
0x125: {  	v24 =	vmov s1  }
0x126: {  	v25 =	vshll.u32 v24, $0x4  }
0x127: {  	_ = 	snop  }
0x128: {  	v29 =	vor.u32 v0, v25  }
0x129: {  	v27 =	vmul.f32 v28, v27;
	_ =	sdelay $0x1  }
0x12a: {  	[tilespmem:v26+s25+$0x0] =	vst.idx.msk $0xffff, v27  }
0x12b: {  	v26 =	vld.idx.msk [tilespmem:v24+s24+$0x0], $0xffff  }
0x12c: {  	v27 =	vld.idx.msk [tilespmem:v29+s25+$0x0], $0xffff;
	_ =	sdelay $0x1  }
0x12d: {  	v57 =	vor.u32 $0x1, v24  }
0x12e: {  	v30 =	vshll.u32 v57, $0x4  }
0x12f: {  	v30 =	vor.u32 v0, v30  }
0x130: {  	v26 =	vmul.f32 v27, v26;
	_ =	sdelay $0x1  }
0x131: {  	[tilespmem:v29+s25+$0x0] =	vst.idx.msk $0xffff, v26  }
0x132: {  	v26 =	vld.idx.msk [tilespmem:v57+s24+$0x0], $0xffff  }
0x133: {  	v58 =	vld.idx.msk [tilespmem:v30+s25+$0x0], $0xffff;
	_ =	sdelay $0x1  }
0x134: {  	v59 =	vor.u32 $0x2, v24  }
0x135: {  	v60 =	vshll.u32 v59, $0x4  }
0x136: {  	v29 =	vor.u32 v0, v60  }
0x137: {  	v26 =	vmul.f32 v58, v26;
	_ =	sdelay $0x1  }
0x138: {  	[tilespmem:v30+s25+$0x0] =	vst.idx.msk $0xffff, v26  }
0x139: {  	v26 =	vld.idx.msk [tilespmem:v59+s24+$0x0], $0xffff  }
0x13a: {  	v61 =	vld.idx.msk [tilespmem:v29+s25+$0x0], $0xffff;
	_ =	sdelay $0x2  }
0x13b: {  	v62 =	vor.u32 $0x3, v24  }
0x13c: {  	v63 =	vor.u32 v14, v25  }
0x13d: {  	v26 =	vmul.f32 v61, v26;
	_ =	sdelay $0x1  }
0x13e: {  	[tilespmem:v29+s25+$0x0] =	vst.idx.msk $0xffff, v26  }
0x13f: {  	v24 =	vld.idx.msk [tilespmem:v62+s24+$0x0], $0xffff  }
0x140: {  	v26 =	vld.idx.msk [tilespmem:v63+s25+$0x0], $0xffff;
	_ =	sdelay $0x4  }
0x141: {  	s31 =	sadd.s32 $0x1, s31;
	v24 =	vmul.f32 v26, v24  }
0x142: {  	p1 =	sne.s32 s31, $0x70  }
.Ltmp3:
0x143: {  	[tilespmem:v63+s25+$0x0] =	vst.idx.msk $0xffff, v24;
	(pc) =	sbr.rel @p1 .LBB2_6-.Ltmp3, $4  }
0x144: {  	[spmem:s3] =	stream.indirect.scatter.add.f32 [tilespmem:s25], [sflag:$0x2], $0x10, s21, s21, $0xb8;
	[tilespmem:$0x160E0] =	vst v63  }
0x145: {  	_ =	swait.ge [sflag:s19], $0x800  }
0x146: {  	[sflag:s19] =	ssyncset.done $0x0  }
0x147: {  	[sflag:s19] =	ssyncadd.s32 $0xFFFFF800  }
0x148: {  	[bflag:$0x0] =	sbarrier.arrive $0xFFFF  }
0x149: {  	[tilespmem:s28], [sflag:$0x2] =	stream.linear.gather [spmem:s11], $0x5300, $0x38;
	[tilespmem:$0x160E0] =	vst v63  }
0x14a: {  	s29 =	sadd.s32 $0x1, s29;
	_ =	swait.ge [sflag:s19], $0x5300  }
0x14b: {  	p1 =	sne.s32 s29, s15;
	[sflag:s19] =	ssyncset.done $0x0  }
.Ltmp4:
0x14c: {  	[sflag:s19] =	ssyncadd.s32 $0xFFFFAD00;
	(pc) =	sbr.rel @p1 .LBB2_1-.Ltmp4, $4  }
0x14d: {  	[hbm4b:s16+s4] =	stream.linear.scatter [tilespmem:s28], [sflag:$0x2], $0x5300, $0x38;
	[tilespmem:$0x160E0] =	vst v63  }
0x14e: {  	_ =	swait.ge [sflag:s19], $0x5300  }
0x14f: {  	[sflag:s19] =	ssyncset.done $0x0  }
0x150: {  	[sflag:s19] =	ssyncadd.s32 $0xFFFFAD00  }
0x151: {  	_ =	sfence.sel $0x180000  }
0x152: {  	[bflag:$0x0] =	sbarrier.arrive $0xFFFF  }
0x153: {  	_ =	strace $0x90000047  }
0x154: {  	s0 =	stileid.u32;
	[bflag:$0x2] =	sbarrier.arrive $0xFFFF  }
0x155: {  	p0 =	sne.s32 s0, $0x0;
	s0 =	rddreg [dreg:$0x3]  }
0x156: {  	s0 =	sadd.s32 @!p0 $0x100000, s0  }
0x157: {  	[sflag:s0] =	ssyncadd.tile.s32 @!p0 $0x1;
	_ =	shalt  }
.Lfunc_end2:
_tile_overlayer_lowered:
.L_overlay_start_2:
0x158: {  	(tag) =	ssettag $0x2  }
0x159: {  	s0 =	rddreg [dreg:$0x0];
	s2 =	stileid.u32  }
0x15a: {  	s1 =	rddreg [dreg:$0x1];
	p0 =	sne.s32 s2, $0x0  }
0x15b: {  	s3 =	rddreg [dreg:$0x2];
	[bflag:$0x3] =	sbarrier.arrive $0xFFFF;
	s2 =	simm.s32 @!p0 $0x1C02  }
0x15c: {  	[timem:s3], [sflag:s2] =	dma.local @!p0 [hbm:s0], s1  }
0x15d: {  	s0 =	simm.s32 @!p0 $0x2  }
0x15e: {  	_ =	swait.ge @!p0 [sflag:s0], s1  }
0x15f: {  	s1 =	ssub.s32 @!p0 $0x0, s1;
	[sflag:s0] =	ssyncset.done @!p0 $0x0  }
0x160: {  	[sflag:s0] =	ssyncadd.s32 @!p0 s1  }
0x161: {  	[bflag:$0x3] =	sbarrier.arrive $0xFFFF  }
0x162: {  	_ =	shalt  }

// kernel: kernel.16.cloned.1.call-start
scs
__scs_entry_jumppad:
0x0: {  	(pc) =	sbr.rel $0x88, $3  }
0x1: {  	(tag) =	ssettag $0x0;
	lr =	simm.s32 $0x1  }
0x2: {  	[smem:$0x3F8E] =	sst lr;
	_ =	strace $0xD0000000  }
0x3: {  	_ = 	snop  }
0x4: {  	_ = 	snop  }
0x5: {  	_ = 	snop  }
0x6: {  	_ = 	snop  }
0x7: {  	_ = 	snop  }
__scs_overlays_trampoline_lowered:
0x8: {  	[smem:$0x3F9D] =	sst s0  }
0x9: {  	[smem:$0x3F9E] =	sst s1  }
0xa: {  	[smem:$0x3F9F] =	sst s2  }
0xb: {  	[smem:$0x3FA0] =	sst s3  }
0xc: {  	[smem:$0x3FA1] =	sst s4  }
0xd: {  	[smem:$0x3FA2] =	sst s5  }
0xe: {  	[smem:$0x3FA3] =	sst s6  }
0xf: {  	[smem:$0x3FA4] =	sst s7  }
0x10: {  	[smem:$0x3FA5] =	sst s8  }
0x11: {  	[smem:$0x3FA6] =	sst s9;
	s0 =	simm.s32 @!p0 $0x0  }
0x12: {  	s1 =	sld [smem:$0x3F8C];
	s0 =	simm.s32 @p0 $0x1  }
0x13: {  	[smem:$0x3FA7] =	sst s0;
	s0 =	simm.s32 @!p1 $0x0  }
0x14: {  	s2 =	sld [smem:$0x3F8B];
	s0 =	simm.s32 @p1 $0x1  }
0x15: {  	[smem:$0x3FA8] =	sst s0;
	s0 =	simm.s32 @!p2 $0x0  }
0x16: {  	s3 =	sld [smem:$0x3FDB];
	s0 =	simm.s32 @p2 $0x1  }
0x17: {  	s4 =	simm.s32 $0x1BF5;
	[smem:$0x3FAA] =	sst s0  }
0x18: {  	s0 =	sld [smem:$0x3F8D];
	_ =	swait.ge [sflag:s4], $0x0  }
0x19: {  	s7 =	sld [smem:$0x3F8E]  }
0x1a: {  	s8 =	sadd.s32 $0xFFFFE003, lr  }
0x1b: {  	s9 =	sadd.s32 $0xFFFFFEF7, lr;
	s5 =	simm.s32 $0xFFFFFFFF;
	p2 =	slt.u32 s8, $0xFFFFF086  }
0x1c: {  	p1 =	slt.u32 s9, $0xF7A;
	s5 =	simm.s32 @!p2 $0x0  }
0x1d: {  	s5 =	simm.s32 @p1 $0x1;
	p0 =	seq.s32 s7, s2  }
0x1e: {  	s7 =	smul.u32 @!p0 $0xF7A, s2;
	p2 =	seq.s32 @!p0 s5, $0x0  }
0x1f: {  	s9 =	smul.u32 $0xF7A, s1;
	s8 =	simm.s32 @!p0 $0x1BF5;
	p2 =	por !p2, p0  }
0x20: {  	[sflag:s8] =	ssyncset.s32 @!p0 $0xFFFFF086;
	s6 =	sadd.s32 @!p0 s3, s7;
	s7 =	simm.s32 @!p0 $0x108  }
0x21: {  	s3 =	sadd.s32 s3, s9;
	s6 =	sadd.s32 @!p0 $0x88, s6;
	s7 =	simm.s32 @p2 $0x1082  }
0x22: {  	[simem:s7], [sflag:s8] =	dma.local @!p0 [hbm:s6], $0xF7A  }
0x23: {  	s9 =	sor.u32 $0xD0000000, s2;
	s6 =	simm.s32 $0x108;
	_ =	swait.ge @!p0 [sflag:s8], $0x0  }
0x24: {  	s3 =	sadd.s32 $0x88, s3;
	s6 =	simm.s32 @!p1 $0x1082;
	[sflag:s4] =	ssyncset.s32 $0xFFFFF086  }
0x25: {  	[simem:s6], [sflag:s4] =	dma.local [hbm:s3], $0xF7A  }
0x26: {  	[smem:$0x3F8E] =	sst s1;
	(tag) =	ssettag s2;
	_ =	strace s9  }
0x27: {  	s1 =	sld [smem:$0x3F9E]  }
0x28: {  	s2 =	sld [smem:$0x3F9F]  }
0x29: {  	s4 =	sld [smem:$0x3FA1]  }
0x2a: {  	p0 =	seq.s32 s5, $0x0;
	s5 =	sld [smem:$0x3FA2]  }
0x2b: {  	s6 =	sld [smem:$0x3FA3]  }
0x2c: {  	s7 =	sld [smem:$0x3FA4]  }
0x2d: {  	s3 =	simm.s32 $0x108;
	s8 =	sld [smem:$0x3FA5]  }
0x2e: {  	s3 =	simm.s32 @!p0 $0x1082;
	s9 =	sld [smem:$0x3FA6]  }
0x2f: {  	lr =	sadd.s32 s0, s3;
	s0 =	sld [smem:$0x3F9D]  }
0x30: {  	s3 =	sld [smem:$0x3FA0]  }
0x31: {  	[smem:$0x3FA9] =	sst s10  }
0x32: {  	s10 =	sld [smem:$0x3FA7];
	_ =	sdelay $0x3  }
0x33: {  	p0 =	seq.s32 s10, $0x1;
	s10 =	sld [smem:$0x3FA9];
	_ =	sdelay $0x3  }
0x34: {  	[smem:$0x3FA9] =	sst s10  }
0x35: {  	s10 =	sld [smem:$0x3FA8];
	_ =	sdelay $0x3  }
0x36: {  	p1 =	seq.s32 s10, $0x1;
	s10 =	sld [smem:$0x3FA9];
	_ =	sdelay $0x3  }
0x37: {  	[smem:$0x3FA9] =	sst s10  }
0x38: {  	s10 =	sld [smem:$0x3FAA]  }
0x39: {  	_ = 	snop;
	(pc) =	sbr.ind lr, $3  }
0x3a: {  	_ = 	snop  }
0x3b: {  	_ = 	snop  }
0x3c: {  	p2 =	seq.s32 s10, $0x1;
	s10 =	sld [smem:$0x3FA9]  }
0x3d: {  	_ =	shalt  }
0x3e: {  	_ =	shalt  }
0x3f: {  	_ =	shalt  }
0x40: {  	_ =	shalt  }
0x41: {  	_ =	shalt  }
0x42: {  	_ =	shalt  }
0x43: {  	_ =	shalt  }
0x44: {  	_ =	shalt  }
0x45: {  	_ =	shalt  }
0x46: {  	_ =	shalt  }
0x47: {  	_ =	shalt  }
0x48: {  	_ =	shalt  }
0x49: {  	_ =	shalt  }
0x4a: {  	_ =	shalt  }
0x4b: {  	_ =	shalt  }
0x4c: {  	_ =	shalt  }
0x4d: {  	_ =	shalt  }
0x4e: {  	_ =	shalt  }
0x4f: {  	_ =	shalt  }
0x50: {  	_ =	shalt  }
0x51: {  	_ =	shalt  }
0x52: {  	_ =	shalt  }
0x53: {  	_ =	shalt  }
0x54: {  	_ =	shalt  }
0x55: {  	_ =	shalt  }
0x56: {  	_ =	shalt  }
0x57: {  	_ =	shalt  }
0x58: {  	_ =	shalt  }
0x59: {  	_ =	shalt  }
0x5a: {  	_ =	shalt  }
0x5b: {  	_ =	shalt  }
0x5c: {  	_ =	shalt  }
0x5d: {  	_ =	shalt  }
0x5e: {  	_ =	shalt  }
0x5f: {  	_ =	shalt  }
0x60: {  	_ =	shalt  }
0x61: {  	_ =	shalt  }
0x62: {  	_ =	shalt  }
0x63: {  	_ =	shalt  }
0x64: {  	_ =	shalt  }
0x65: {  	_ =	shalt  }
0x66: {  	_ =	shalt  }
0x67: {  	_ =	shalt  }
0x68: {  	_ =	shalt  }
0x69: {  	_ =	shalt  }
0x6a: {  	_ =	shalt  }
0x6b: {  	_ =	shalt  }
0x6c: {  	_ =	shalt  }
0x6d: {  	_ =	shalt  }
0x6e: {  	_ =	shalt  }
0x6f: {  	_ =	shalt  }
0x70: {  	_ =	shalt  }
0x71: {  	_ =	shalt  }
0x72: {  	_ =	shalt  }
0x73: {  	_ =	shalt  }
0x74: {  	_ =	shalt  }
0x75: {  	_ =	shalt  }
0x76: {  	_ =	shalt  }
0x77: {  	_ =	shalt  }
0x78: {  	_ =	shalt  }
0x79: {  	_ =	shalt  }
0x7a: {  	_ =	shalt  }
0x7b: {  	_ =	shalt  }
0x7c: {  	_ =	shalt  }
0x7d: {  	_ =	shalt  }
0x7e: {  	_ =	shalt  }
0x7f: {  	_ =	shalt  }
0x80: {  	_ =	shalt  }
0x81: {  	_ =	shalt  }
0x82: {  	_ =	shalt  }
0x83: {  	_ =	shalt  }
0x84: {  	_ =	shalt  }
0x85: {  	_ =	shalt  }
0x86: {  	_ =	shalt  }
0x87: {  	_ =	shalt  }
.Lfunc_end0:
.L_simem_size_0:
called_computation.1_lowered:
.L_overlay_start_0:
0x88: {  	s2 =	sld [smem:$0x3FD9]  }
0x89: {  	s3 =	sld [smem:$0x3FFE];
	_ =	sdelay $0x1  }
0x8a: {  	s1 =	srdreg.scid  }
0x8b: {  	s0 =	sand.u32 $0x1, s1  }
0x8c: {  	s16 =	sshll.u32 s0, $0xA;
	s2 =	sadd.s32 s3, s2  }
0x8d: {  	s2 =	sadd.s32 s2, s16  }
0x8e: {  	[smem:$0x3FB5] =	sst s2  }
0x8f: {  	_ = 	snop  }
0x90: {  	(tm) =	ssettm $0x1  }
0x91: {  	s17 =	sld [smem:$0x3FFB];
	_ =	sdelay $0x3  }
0x92: {  	_ =	strace s17  }
0x93: {  	s2 =	sld [smem:$0x3FFC];
	_ =	sdelay $0x3  }
0x94: {  	_ =	strace s2  }
0x95: {  	s2 =	sld [smem:$0x3FFD];
	_ =	sdelay $0x3  }
0x96: {  	_ =	strace s2  }
0x97: {  	_ =	strace $0x8FFFFFFF  }
0x98: {  	s18 =	sld [smem:$0x3FDB];
	_ =	sdelay $0x1  }
0x99: {  	s19 =	simm.s32 $_scs_section_size  }
0x9a: {  	s4 =	simm.s32 $_size__tile_overlayer_lowered;
	s5 =	simm.s32 $_tile_overlayer_lowered  }
0x9b: {  	s22 =	simm.s32 $0x1BFF;
	s21 =	sshll.u32 s5, $0x1;
	s2 =	sadd.s32 s19, s18  }
0x9c: {  	s6 =	simm.s32 $0x0;
	s20 =	sshll.u32 s4, $0x1;
	s4 =	sadd.s32 s21, s2  }
0x9d: {  	[timem:s6], [sflag:s22] =	dma.local [hbm:s4], s20  }
0x9e: {  	_ =	swait.ge [sflag:s22], s20  }
0x9f: {  	s3 =	ssub.s32 $0x0, s20;
	[sflag:s22] =	ssyncset.done $0x0  }
0xa0: {  	[sflag:s22] =	ssyncadd.s32 s3;
	_ =	sdelay $0x1  }
0xa1: {  	s23 =	simm.s32 $0x1B8B  }
0xa2: {  	_ =	swait.ge [sflag:s23], $0x1  }
0xa3: {  	[sflag:s23] =	ssyncset.done $0x0  }
0xa4: {  	s25 =	simm.s32 $0x1B8E;
	s24 =	sld [smem:$0x3FFE];
	[sflag:s23] =	ssyncadd.s32 $0xFFFFFFFF  }
0xa5: {  	s26 =	simm.s32 $execute0_lowered;
	[smem:$0x3FD2] =	sst s25  }
0xa6: {  	s4 =	sshll.u32 s26, $0x1;
	_ =	strace $0x80000049;
	[dreg:$0x1] =	wrdreg $0xFFFFFFFF  }
0xa7: {  	s28 =	simm.s32 $_size_execute0_lowered;
	s2 =	sadd.s32 s2, s4;
	[dreg:$0x0] =	wrdreg $0x0  }
0xa8: {  	s4 =	sshll.u32 s28, $0x1;
	[dreg:$0x2] =	wrdreg s2  }
0xa9: {  	[dreg:$0x3] =	wrdreg s4  }
0xaa: {  	[dreg:$0x4] =	wrdreg $0xC0  }
0xab: {  	_ =	task [dreg:s6], $0x5FFFF  }
0xac: {  	[dreg:$0x1] =	wrdreg $0xFFFFFFFF  }
0xad: {  	[dreg:$0x0] =	wrdreg $0x60  }
0xae: {  	[dreg:$0x2] =	wrdreg s24  }
0xaf: {  	[dreg:$0x3] =	wrdreg $0xAF800  }
0xb0: {  	[dreg:$0x4] =	wrdreg $0x9  }
0xb1: {  	_ =	task.clear_ibuf [dreg:s6], $0x5FFFF;
	_ =	strace $0x90000049  }
0xb2: {  	s29 =	simm.s32 $0x9;
	_ =	strace $0x8000004B  }
0xb3: {  	_ =	swait.ge [sflag:s29], $0x1  }
0xb4: {  	[sflag:s29] =	ssyncadd.s32 $0xFFFFFFFF  }
0xb5: {  	_ =	strace $0x9000004B  }
0xb6: {  	_ =	sfence  }
0xb7: {  	s30 =	sld [smem:$0x0];
	_ =	sdelay $0x2  }
0xb8: {  	s31 =	sshll.u32 s1, $0xD;
	s1 =	sshrl.u32 s1, $0x2  }
0xb9: {  	s3 =	sand.u32 $0x4000, s31;
	s1 =	sadd.s32 s1, s30  }
0xba: {  	s0 =	sor.u32 s3, s0;
	s1 =	sshll.u32 s1, $0x11  }
0xbb: {  	s0 =	sor.u32 s1, s0  }
0xbc: {  	s0 =	sadd.s32 $0x8F2B, s0  }
0xbd: {  	[sflag:s0] =	ssyncadd.remote.s32 $0x1  }
0xbe: {  	_ =	sfence.sel $0xFFFF  }
0xbf: {  	[dreg:$0x0] =	wrdreg $0xFFFFFFFF;
	(pc) =	sbr.abs _section_cstart, $3  }
0xc0: {  	[dreg:$0x1] =	wrdreg $0xFFFFFFFF  }
0xc1: {  	_ =	task.clear_ibuf [dreg:s6], $0x2FFFF;
	_ =	strace $0x9FFFFFFF  }
0xc2: {  	(tm) =	ssettm $0x7FFFFFFF  }
0xc3: {  	_ =	shalt  }
tec
execute0_lowered:
.L_overlay_start_1:
0x0: {  	(tag) =	ssettag $0x1  }
0x1: {  	s6 =	rddreg [dreg:$0x0]  }
0x2: {  	s2 =	rddreg [dreg:$0x1]  }
0x3: {  	s0 =	rddreg [dreg:$0x2];
	s3 =	simm.s32 $0x0  }
0x4: {  	s1 =	stileid.u32;
	s4 =	srdreg.scid;
	s12 =	simm.s32 $0xCBC00  }
0x5: {  	s13 =	simm.s32 $0x80;
	s14 =	simm.s32 $0x180;
	s15 =	simm.s32 $0x1  }
0x6: {  	s16 =	simm.s32 $0x5C80;
	s17 =	simm.s32 $0x0;
	[smem:$0x7FF] =	sst s3  }
0x7: {  	s7 =	smul.u32 $0x5300, s1;
	s8 =	sand.u32 $0x1, s4;
	s4 =	sadd.s32 $0xB7000, s6  }
0x8: {  	s5 =	sadd.s32 $0x78400, s6;
	s31 =	sshll.u32 s1, $0x1;
	_ =	strace $0x8000004A  }
0x9: {  	s10 =	ssub.s32 $0x2, s8;
	p0 =	seq.s32 s8, $0x1;
	s9 =	sshrl.u32 s7, $0x3  }
0xa: {  	s29 =	sshrl.u32 s10, $0x1;
	s7 =	sadd.s32 s7, s2;
	s12 =	simm.s32 @!p0 $0xC1600  }
0xb: {  	s11 =	sadd.s32 s9, s6;
	s30 =	ssub.s32 s10, s29;
	s10 =	sor.u32 s8, s31  }
0xc: {  	s6 =	sadd.s32 $0xACA00, s11;
	s8 =	smul.u32 $0x70, s10;
	s9 =	smax.u32 s30, $0x1  }
0xd: {  	v0 =	vlaneseq.u32;
	s10 =	sadd.s32 s12, s11;
	s11 =	simm.s32 $0x980;
	s12 =	simm.s32 $0x2  }
.LBB2_1:
0xe: {  	[tilespmem:s11], [sflag:$0x2] =	stream.linear.gather [hbm4b:s6+s3], $0x5300, $0x38;
	[tilespmem:$0x10280] =	vst v63  }
0xf: {  	_ =	swait.ge [sflag:s12], $0x5300  }
0x10: {  	[sflag:s12] =	ssyncset.done $0x0  }
0x11: {  	[sflag:s12] =	ssyncadd.s32 $0xFFFFAD00  }
0x12: {  	[spmem:s7] =	stream.linear.scatter [tilespmem:s11], [sflag:$0x2], $0x5300, $0x38;
	[tilespmem:$0x10280] =	vst v63  }
0x13: {  	_ =	swait.ge [sflag:s12], $0x5300  }
0x14: {  	[sflag:s12] =	ssyncset.done $0x0  }
0x15: {  	[sflag:s12] =	ssyncadd.s32 $0xFFFFAD00  }
0x16: {  	s18 =	simm.s32 $0x0;
	[bflag:$0x0] =	sbarrier.arrive $0xFFFF  }
.LBB2_2:
0x17: {  	s19 =	sadd.s32 s8, s18  }
0x18: {  	s19 =	smul.u32 $0x30, s19;
	_ =	sdelay $0x1  }
0x19: {  	s20 =	simm.s32 $0x0;
	s19 =	sadd.s32 s5, s19  }
0x1a: {  	[tilespmem:s20], [sflag:$0x2] =	stream.linear.gather [hbm4b:s19+s20], $0x180, $0x38;
	[tilespmem:$0x10280] =	vst v63  }
0x1b: {  	_ =	swait.ge [sflag:s12], $0x180  }
0x1c: {  	v1 =	vmov s20;
	[sflag:s12] =	ssyncset.done $0x0  }
0x1d: {  	v2 =	vor.u32 $0x100, v1;
	v3 =	vshll.u32 v1, $0x4;
	[sflag:s12] =	ssyncadd.s32 $0xFFFFFE80  }
0x1e: {  	v3 =	vor.u32 v0, v3;
	[tilespmem:s14], [sflag:$0x1] =	stream.indirect.gather [hbm4b:s4+s13], $0x10, s20, s13, $0xb8;
	[tilespmem:$0x10280] =	vst v63  }
0x1f: {  	_ =	swait.ge [sflag:s15], $0x800  }
0x20: {  	[sflag:s15] =	ssyncset.done $0x0  }
0x21: {  	[sflag:s15] =	ssyncadd.s32 $0xFFFFF800  }
0x22: {  	v2 =	vld.idx.msk [tilespmem:v2+s3+$0x0], $0xffff  }
0x23: {  	v4 =	vld.idx.msk [tilespmem:v3+s14+$0x0], $0xffff  }
0x24: {  	v5 =	vor.u32 $0x1, v1;
	v6 =	vand.u32 $0x78, v1  }
0x25: {  	v6 =	vor.u32 $0x100, v6;
	v7 =	vand.u32 $0x5, v5  }
0x26: {  	v5 =	vshll.u32 v5, $0x4;
	v7 =	vor.u32 v7, v6  }
0x27: {  	v5 =	vor.u32 v0, v5  }
0x28: {  	v2 =	vmul.f32 v2, v4;
	_ =	sdelay $0x1  }
0x29: {  	[tilespmem:v3+s14+$0x0] =	vst.idx.msk $0xffff, v2  }
0x2a: {  	v2 =	vld.idx.msk [tilespmem:v7+s3+$0x0], $0xffff  }
0x2b: {  	v3 =	vld.idx.msk [tilespmem:v5+s14+$0x0], $0xffff  }
0x2c: {  	v4 =	vor.u32 $0x2, v1  }
0x2d: {  	v7 =	vand.u32 $0x6, v4  }
0x2e: {  	v4 =	vshll.u32 v4, $0x4;
	v7 =	vor.u32 v7, v6  }
0x2f: {  	v4 =	vor.u32 v0, v4  }
0x30: {  	v2 =	vmul.f32 v2, v3;
	_ =	sdelay $0x1  }
0x31: {  	[tilespmem:v5+s14+$0x0] =	vst.idx.msk $0xffff, v2  }
0x32: {  	v3 =	vld.idx.msk [tilespmem:v7+s3+$0x0], $0xffff  }
0x33: {  	v5 =	vld.idx.msk [tilespmem:v4+s14+$0x0], $0xffff  }
0x34: {  	v1 =	vor.u32 $0x3, v1  }
0x35: {  	v2 =	vand.u32 $0x7, v1  }
0x36: {  	v1 =	vshll.u32 v1, $0x4;
	v6 =	vor.u32 v2, v6  }
0x37: {  	v2 =	vor.u32 v0, v1  }
0x38: {  	v1 =	vmul.f32 v3, v5;
	_ =	sdelay $0x1  }
0x39: {  	[tilespmem:v4+s14+$0x0] =	vst.idx.msk $0xffff, v1  }
0x3a: {  	v4 =	vld.idx.msk [tilespmem:v6+s3+$0x0], $0xffff  }
0x3b: {  	v6 =	vld.idx.msk [tilespmem:v2+s14+$0x0], $0xffff  }
0x3c: {  	s31 =	simm.s32 $0x4  }
0x3d: {  	v1 =	vmov s31  }
0x3e: {  	s19 =	simm.s32 $0x8;
	v5 =	vor.u32 $0x100, v1;
	v7 =	vshll.u32 v1, $0x4;
	v3 =	vor.u32 $0x1, v1  }
.LBB2_3:
0x3f: {  	p0 =	sne.s32 s19, $0x7C;
	v7 =	vor.u32 v0, v7;
	v8 =	vand.u32 $0x78, v1;
	v9 =	vor.u32 $0x2, v1;
	s20 =	smov.u32 s19;
	s19 =	sadd.s32 $0x4, s19  }
0x40: {  	v4 =	vmul.f32 v4, v6;
	v8 =	vor.u32 $0x100, v8;
	v10 =	vand.u32 $0x6, v9  }
0x41: {  	v1 =	vor.u32 $0x3, v1;
	v9 =	vshll.u32 v9, $0x4;
	v6 =	vor.u32 v10, v8  }
0x42: {  	v10 =	vshll.u32 v1, $0x4;
	[tilespmem:v2+s14+$0x0] =	vst.idx.msk $0xffff, v4  }
0x43: {  	v2 =	vld.idx.msk [tilespmem:v5+s3+$0x0], $0xffff  }
0x44: {  	v4 =	vld.idx.msk [tilespmem:v7+s14+$0x0], $0xffff;
	_ =	sdelay $0x2  }
0x45: {  	v5 =	vand.u32 $0x5, v3;
	v3 =	vshll.u32 v3, $0x4  }
0x46: {  	v5 =	vor.u32 v5, v8;
	v3 =	vor.u32 v0, v3;
	_ =	sdelay $0x1  }
0x47: {  	v2 =	vmul.f32 v2, v4;
	_ =	sdelay $0x1  }
0x48: {  	[tilespmem:v7+s14+$0x0] =	vst.idx.msk $0xffff, v2  }
0x49: {  	v2 =	vld.idx.msk [tilespmem:v5+s3+$0x0], $0xffff  }
0x4a: {  	v4 =	vld.idx.msk [tilespmem:v3+s14+$0x0], $0xffff;
	_ =	sdelay $0x3  }
0x4b: {  	v5 =	vor.u32 v0, v9;
	_ =	sdelay $0x1  }
0x4c: {  	v2 =	vmul.f32 v2, v4;
	_ =	sdelay $0x1  }
0x4d: {  	[tilespmem:v3+s14+$0x0] =	vst.idx.msk $0xffff, v2  }
0x4e: {  	v3 =	vld.idx.msk [tilespmem:v6+s3+$0x0], $0xffff  }
0x4f: {  	v4 =	vld.idx.msk [tilespmem:v5+s14+$0x0], $0xffff;
	_ =	sdelay $0x2  }
0x50: {  	v1 =	vand.u32 $0x7, v1  }
0x51: {  	v1 =	vor.u32 v1, v8;
	v2 =	vor.u32 v0, v10;
	_ =	sdelay $0x1  }
0x52: {  	v3 =	vmul.f32 v3, v4;
	_ =	sdelay $0x1  }
0x53: {  	[tilespmem:v5+s14+$0x0] =	vst.idx.msk $0xffff, v3  }
0x54: {  	v4 =	vld.idx.msk [tilespmem:v1+s3+$0x0], $0xffff  }
.Ltmp0:
0x55: {  	v6 =	vld.idx.msk [tilespmem:v2+s14+$0x0], $0xffff;
	(pc) =	sbr.rel @p0 .LBB2_3-.Ltmp0, $3  }
0x56: {  	_ =	sdelay $0x1  }
0x57: {  	v1 =	vmov s20  }
0x58: {  	v5 =	vor.u32 $0x100, v1;
	v7 =	vshll.u32 v1, $0x4;
	v3 =	vor.u32 $0x1, v1  }
0x59: {  	_ = 	snop  }
0x5a: {  	v7 =	vor.u32 v0, v7  }
0x5b: {  	v4 =	vmul.f32 v4, v6;
	_ =	sdelay $0x1  }
0x5c: {  	[tilespmem:v2+s14+$0x0] =	vst.idx.msk $0xffff, v4  }
0x5d: {  	v2 =	vld.idx.msk [tilespmem:v5+s3+$0x0], $0xffff  }
0x5e: {  	v4 =	vld.idx.msk [tilespmem:v7+s14+$0x0], $0xffff  }
0x5f: {  	v58 =	vand.u32 $0x78, v1  }
0x60: {  	v59 =	vand.u32 $0x5, v3;
	v5 =	vor.u32 $0x100, v58  }
0x61: {  	v3 =	vshll.u32 v3, $0x4;
	v6 =	vor.u32 v59, v5  }
0x62: {  	v3 =	vor.u32 v0, v3  }
0x63: {  	v2 =	vmul.f32 v2, v4;
	_ =	sdelay $0x1  }
0x64: {  	[tilespmem:v7+s14+$0x0] =	vst.idx.msk $0xffff, v2  }
0x65: {  	v2 =	vld.idx.msk [tilespmem:v6+s3+$0x0], $0xffff  }
0x66: {  	v60 =	vld.idx.msk [tilespmem:v3+s14+$0x0], $0xffff  }
0x67: {  	v61 =	vor.u32 $0x2, v1  }
0x68: {  	v62 =	vand.u32 $0x6, v61  }
0x69: {  	v7 =	vor.u32 v62, v5;
	v6 =	vshll.u32 v61, $0x4  }
0x6a: {  	v6 =	vor.u32 v0, v6  }
0x6b: {  	v2 =	vmul.f32 v2, v60;
	_ =	sdelay $0x1  }
0x6c: {  	[tilespmem:v3+s14+$0x0] =	vst.idx.msk $0xffff, v2  }
0x6d: {  	v2 =	vld.idx.msk [tilespmem:v7+s3+$0x0], $0xffff  }
0x6e: {  	v3 =	vld.idx.msk [tilespmem:v6+s14+$0x0], $0xffff  }
0x6f: {  	v1 =	vor.u32 $0x3, v1  }
0x70: {  	v63 =	vand.u32 $0x7, v1  }
0x71: {  	v1 =	vshll.u32 v1, $0x4;
	v4 =	vor.u32 v63, v5  }
0x72: {  	v1 =	vor.u32 v0, v1  }
0x73: {  	v2 =	vmul.f32 v2, v3;
	_ =	sdelay $0x1  }
0x74: {  	[tilespmem:v6+s14+$0x0] =	vst.idx.msk $0xffff, v2  }
0x75: {  	v2 =	vld.idx.msk [tilespmem:v4+s3+$0x0], $0xffff  }
0x76: {  	v3 =	vld.idx.msk [tilespmem:v1+s14+$0x0], $0xffff;
	_ =	sdelay $0x4  }
0x77: {  	s18 =	sadd.s32 $0x1, s18;
	v2 =	vmul.f32 v2, v3  }
0x78: {  	p0 =	sne.s32 s18, $0x70  }
.Ltmp1:
0x79: {  	[tilespmem:v1+s14+$0x0] =	vst.idx.msk $0xffff, v2;
	(pc) =	sbr.rel @p0 .LBB2_2-.Ltmp1, $4  }
0x7a: {  	[spmem:s2] =	stream.indirect.scatter.add.f32 [tilespmem:s14], [sflag:$0x2], $0x10, s13, s13, $0xb8;
	[tilespmem:$0x10280] =	vst v63  }
0x7b: {  	_ =	swait.ge [sflag:s12], $0x800  }
0x7c: {  	[sflag:s12] =	ssyncset.done $0x0  }
0x7d: {  	[sflag:s12] =	ssyncadd.s32 $0xFFFFF800  }
0x7e: {  	[bflag:$0x0] =	sbarrier.arrive $0xFFFF  }
0x7f: {  	[tilespmem:s16], [sflag:$0x2] =	stream.linear.gather [spmem:s7], $0x5300, $0x38;
	[tilespmem:$0x10280] =	vst v63  }
0x80: {  	_ =	swait.ge [sflag:s12], $0x5300  }
0x81: {  	[sflag:s12] =	ssyncset.done $0x0  }
0x82: {  	[sflag:s12] =	ssyncadd.s32 $0xFFFFAD00  }
0x83: {  	[spmem:s7] =	stream.linear.scatter [tilespmem:s11], [sflag:$0x2], $0x5300, $0x38;
	[tilespmem:$0x10280] =	vst v63  }
0x84: {  	s17 =	sadd.s32 $0x1, s17;
	_ =	swait.ge [sflag:s12], $0x5300  }
0x85: {  	p0 =	sne.s32 s17, s9;
	[sflag:s12] =	ssyncset.done $0x0  }
.Ltmp2:
0x86: {  	[sflag:s12] =	ssyncadd.s32 $0xFFFFAD00;
	(pc) =	sbr.rel @p0 .LBB2_1-.Ltmp2, $4  }
0x87: {  	[hbm4b:s10+s3] =	stream.linear.scatter [tilespmem:s16], [sflag:$0x2], $0x5300, $0x38;
	[tilespmem:$0x10280] =	vst v63  }
0x88: {  	_ =	swait.ge [sflag:s12], $0x5300  }
0x89: {  	[sflag:s12] =	ssyncset.done $0x0  }
0x8a: {  	[sflag:s12] =	ssyncadd.s32 $0xFFFFAD00  }
0x8b: {  	_ =	sfence.sel $0x180000  }
0x8c: {  	[bflag:$0x0] =	sbarrier.arrive $0xFFFF  }
0x8d: {  	p0 =	sne.s32 s1, $0x0;
	_ =	strace $0x9000004A  }
0x8e: {  	s0 =	sadd.s32 @!p0 $0x100000, s0;
	[bflag:$0x2] =	sbarrier.arrive $0xFFFF  }
0x8f: {  	[sflag:s0] =	ssyncadd.tile.s32 @!p0 $0x1;
	_ =	shalt  }
.Lfunc_end2:
_tile_overlayer_lowered:
.L_overlay_start_2:
0x90: {  	(tag) =	ssettag $0x2  }
0x91: {  	s0 =	rddreg [dreg:$0x0];
	s2 =	stileid.u32  }
0x92: {  	s1 =	rddreg [dreg:$0x1];
	p0 =	sne.s32 s2, $0x0  }
0x93: {  	s3 =	rddreg [dreg:$0x2];
	[bflag:$0x3] =	sbarrier.arrive $0xFFFF;
	s2 =	simm.s32 @!p0 $0x1C02  }
0x94: {  	[timem:s3], [sflag:s2] =	dma.local @!p0 [hbm:s0], s1  }
0x95: {  	s0 =	simm.s32 @!p0 $0x2  }
0x96: {  	_ =	swait.ge @!p0 [sflag:s0], s1  }
0x97: {  	s1 =	ssub.s32 @!p0 $0x0, s1;
	[sflag:s0] =	ssyncset.done @!p0 $0x0  }
0x98: {  	[sflag:s0] =	ssyncadd.s32 @!p0 s1  }
0x99: {  	[bflag:$0x3] =	sbarrier.arrive $0xFFFF  }
0x9a: {  	_ =	shalt  }

// kernel: kernel.19.cloned.1.call-start
scs
__scs_entry_jumppad:
0x0: {  	(pc) =	sbr.rel $0x88, $3  }
0x1: {  	(tag) =	ssettag $0x0;
	lr =	simm.s32 $0x1  }
0x2: {  	[smem:$0x3F8E] =	sst lr;
	_ =	strace $0xD0000000  }
0x3: {  	_ = 	snop  }
0x4: {  	_ = 	snop  }
0x5: {  	_ = 	snop  }
0x6: {  	_ = 	snop  }
0x7: {  	_ = 	snop  }
__scs_overlays_trampoline_lowered:
0x8: {  	[smem:$0x3F9D] =	sst s0  }
0x9: {  	[smem:$0x3F9E] =	sst s1  }
0xa: {  	[smem:$0x3F9F] =	sst s2  }
0xb: {  	[smem:$0x3FA0] =	sst s3  }
0xc: {  	[smem:$0x3FA1] =	sst s4  }
0xd: {  	[smem:$0x3FA2] =	sst s5  }
0xe: {  	[smem:$0x3FA3] =	sst s6  }
0xf: {  	[smem:$0x3FA4] =	sst s7  }
0x10: {  	[smem:$0x3FA5] =	sst s8  }
0x11: {  	[smem:$0x3FA6] =	sst s9;
	s0 =	simm.s32 @!p0 $0x0  }
0x12: {  	s1 =	sld [smem:$0x3F8C];
	s0 =	simm.s32 @p0 $0x1  }
0x13: {  	[smem:$0x3FA7] =	sst s0;
	s0 =	simm.s32 @!p1 $0x0  }
0x14: {  	s2 =	sld [smem:$0x3F8B];
	s0 =	simm.s32 @p1 $0x1  }
0x15: {  	[smem:$0x3FA8] =	sst s0;
	s0 =	simm.s32 @!p2 $0x0  }
0x16: {  	s3 =	sld [smem:$0x3FDB];
	s0 =	simm.s32 @p2 $0x1  }
0x17: {  	s4 =	simm.s32 $0x1BF5;
	[smem:$0x3FAA] =	sst s0  }
0x18: {  	s0 =	sld [smem:$0x3F8D];
	_ =	swait.ge [sflag:s4], $0x0  }
0x19: {  	s7 =	sld [smem:$0x3F8E]  }
0x1a: {  	s8 =	sadd.s32 $0xFFFFE003, lr  }
0x1b: {  	s9 =	sadd.s32 $0xFFFFFEF7, lr;
	s5 =	simm.s32 $0xFFFFFFFF;
	p2 =	slt.u32 s8, $0xFFFFF086  }
0x1c: {  	p1 =	slt.u32 s9, $0xF7A;
	s5 =	simm.s32 @!p2 $0x0  }
0x1d: {  	s5 =	simm.s32 @p1 $0x1;
	p0 =	seq.s32 s7, s2  }
0x1e: {  	s7 =	smul.u32 @!p0 $0xF7A, s2;
	p2 =	seq.s32 @!p0 s5, $0x0  }
0x1f: {  	s9 =	smul.u32 $0xF7A, s1;
	s8 =	simm.s32 @!p0 $0x1BF5;
	p2 =	por !p2, p0  }
0x20: {  	[sflag:s8] =	ssyncset.s32 @!p0 $0xFFFFF086;
	s6 =	sadd.s32 @!p0 s3, s7;
	s7 =	simm.s32 @!p0 $0x108  }
0x21: {  	s3 =	sadd.s32 s3, s9;
	s6 =	sadd.s32 @!p0 $0x88, s6;
	s7 =	simm.s32 @p2 $0x1082  }
0x22: {  	[simem:s7], [sflag:s8] =	dma.local @!p0 [hbm:s6], $0xF7A  }
0x23: {  	s9 =	sor.u32 $0xD0000000, s2;
	s6 =	simm.s32 $0x108;
	_ =	swait.ge @!p0 [sflag:s8], $0x0  }
0x24: {  	s3 =	sadd.s32 $0x88, s3;
	s6 =	simm.s32 @!p1 $0x1082;
	[sflag:s4] =	ssyncset.s32 $0xFFFFF086  }
0x25: {  	[simem:s6], [sflag:s4] =	dma.local [hbm:s3], $0xF7A  }
0x26: {  	[smem:$0x3F8E] =	sst s1;
	(tag) =	ssettag s2;
	_ =	strace s9  }
0x27: {  	s1 =	sld [smem:$0x3F9E]  }
0x28: {  	s2 =	sld [smem:$0x3F9F]  }
0x29: {  	s4 =	sld [smem:$0x3FA1]  }
0x2a: {  	p0 =	seq.s32 s5, $0x0;
	s5 =	sld [smem:$0x3FA2]  }
0x2b: {  	s6 =	sld [smem:$0x3FA3]  }
0x2c: {  	s7 =	sld [smem:$0x3FA4]  }
0x2d: {  	s3 =	simm.s32 $0x108;
	s8 =	sld [smem:$0x3FA5]  }
0x2e: {  	s3 =	simm.s32 @!p0 $0x1082;
	s9 =	sld [smem:$0x3FA6]  }
0x2f: {  	lr =	sadd.s32 s0, s3;
	s0 =	sld [smem:$0x3F9D]  }
0x30: {  	s3 =	sld [smem:$0x3FA0]  }
0x31: {  	[smem:$0x3FA9] =	sst s10  }
0x32: {  	s10 =	sld [smem:$0x3FA7];
	_ =	sdelay $0x3  }
0x33: {  	p0 =	seq.s32 s10, $0x1;
	s10 =	sld [smem:$0x3FA9];
	_ =	sdelay $0x3  }
0x34: {  	[smem:$0x3FA9] =	sst s10  }
0x35: {  	s10 =	sld [smem:$0x3FA8];
	_ =	sdelay $0x3  }
0x36: {  	p1 =	seq.s32 s10, $0x1;
	s10 =	sld [smem:$0x3FA9];
	_ =	sdelay $0x3  }
0x37: {  	[smem:$0x3FA9] =	sst s10  }
0x38: {  	s10 =	sld [smem:$0x3FAA]  }
0x39: {  	_ = 	snop;
	(pc) =	sbr.ind lr, $3  }
0x3a: {  	_ = 	snop  }
0x3b: {  	_ = 	snop  }
0x3c: {  	p2 =	seq.s32 s10, $0x1;
	s10 =	sld [smem:$0x3FA9]  }
0x3d: {  	_ =	shalt  }
0x3e: {  	_ =	shalt  }
0x3f: {  	_ =	shalt  }
0x40: {  	_ =	shalt  }
0x41: {  	_ =	shalt  }
0x42: {  	_ =	shalt  }
0x43: {  	_ =	shalt  }
0x44: {  	_ =	shalt  }
0x45: {  	_ =	shalt  }
0x46: {  	_ =	shalt  }
0x47: {  	_ =	shalt  }
0x48: {  	_ =	shalt  }
0x49: {  	_ =	shalt  }
0x4a: {  	_ =	shalt  }
0x4b: {  	_ =	shalt  }
0x4c: {  	_ =	shalt  }
0x4d: {  	_ =	shalt  }
0x4e: {  	_ =	shalt  }
0x4f: {  	_ =	shalt  }
0x50: {  	_ =	shalt  }
0x51: {  	_ =	shalt  }
0x52: {  	_ =	shalt  }
0x53: {  	_ =	shalt  }
0x54: {  	_ =	shalt  }
0x55: {  	_ =	shalt  }
0x56: {  	_ =	shalt  }
0x57: {  	_ =	shalt  }
0x58: {  	_ =	shalt  }
0x59: {  	_ =	shalt  }
0x5a: {  	_ =	shalt  }
0x5b: {  	_ =	shalt  }
0x5c: {  	_ =	shalt  }
0x5d: {  	_ =	shalt  }
0x5e: {  	_ =	shalt  }
0x5f: {  	_ =	shalt  }
0x60: {  	_ =	shalt  }
0x61: {  	_ =	shalt  }
0x62: {  	_ =	shalt  }
0x63: {  	_ =	shalt  }
0x64: {  	_ =	shalt  }
0x65: {  	_ =	shalt  }
0x66: {  	_ =	shalt  }
0x67: {  	_ =	shalt  }
0x68: {  	_ =	shalt  }
0x69: {  	_ =	shalt  }
0x6a: {  	_ =	shalt  }
0x6b: {  	_ =	shalt  }
0x6c: {  	_ =	shalt  }
0x6d: {  	_ =	shalt  }
0x6e: {  	_ =	shalt  }
0x6f: {  	_ =	shalt  }
0x70: {  	_ =	shalt  }
0x71: {  	_ =	shalt  }
0x72: {  	_ =	shalt  }
0x73: {  	_ =	shalt  }
0x74: {  	_ =	shalt  }
0x75: {  	_ =	shalt  }
0x76: {  	_ =	shalt  }
0x77: {  	_ =	shalt  }
0x78: {  	_ =	shalt  }
0x79: {  	_ =	shalt  }
0x7a: {  	_ =	shalt  }
0x7b: {  	_ =	shalt  }
0x7c: {  	_ =	shalt  }
0x7d: {  	_ =	shalt  }
0x7e: {  	_ =	shalt  }
0x7f: {  	_ =	shalt  }
0x80: {  	_ =	shalt  }
0x81: {  	_ =	shalt  }
0x82: {  	_ =	shalt  }
0x83: {  	_ =	shalt  }
0x84: {  	_ =	shalt  }
0x85: {  	_ =	shalt  }
0x86: {  	_ =	shalt  }
0x87: {  	_ =	shalt  }
.Lfunc_end0:
.L_simem_size_0:
called_computation.2_lowered:
.L_overlay_start_0:
0x88: {  	s2 =	sld [smem:$0x3FD9]  }
0x89: {  	s3 =	sld [smem:$0x3FFE];
	_ =	sdelay $0x1  }
0x8a: {  	s1 =	srdreg.scid  }
0x8b: {  	s0 =	sand.u32 $0x1, s1  }
0x8c: {  	s16 =	sshll.u32 s0, $0xA;
	s2 =	sadd.s32 s3, s2  }
0x8d: {  	s2 =	sadd.s32 s2, s16  }
0x8e: {  	[smem:$0x3FB5] =	sst s2  }
0x8f: {  	_ = 	snop  }
0x90: {  	(tm) =	ssettm $0x1  }
0x91: {  	s17 =	sld [smem:$0x3FFB];
	_ =	sdelay $0x3  }
0x92: {  	_ =	strace s17  }
0x93: {  	s2 =	sld [smem:$0x3FFC];
	_ =	sdelay $0x3  }
0x94: {  	_ =	strace s2  }
0x95: {  	s2 =	sld [smem:$0x3FFD];
	_ =	sdelay $0x3  }
0x96: {  	_ =	strace s2  }
0x97: {  	_ =	strace $0x8FFFFFFF  }
0x98: {  	s18 =	sld [smem:$0x3FDB];
	_ =	sdelay $0x1  }
0x99: {  	s19 =	simm.s32 $_scs_section_size  }
0x9a: {  	s4 =	simm.s32 $_size__tile_overlayer_lowered;
	s5 =	simm.s32 $_tile_overlayer_lowered  }
0x9b: {  	s22 =	simm.s32 $0x1BFF;
	s21 =	sshll.u32 s5, $0x1;
	s2 =	sadd.s32 s19, s18  }
0x9c: {  	s6 =	simm.s32 $0x0;
	s20 =	sshll.u32 s4, $0x1;
	s4 =	sadd.s32 s21, s2  }
0x9d: {  	[timem:s6], [sflag:s22] =	dma.local [hbm:s4], s20  }
0x9e: {  	_ =	swait.ge [sflag:s22], s20  }
0x9f: {  	s3 =	ssub.s32 $0x0, s20;
	[sflag:s22] =	ssyncset.done $0x0  }
0xa0: {  	[sflag:s22] =	ssyncadd.s32 s3;
	_ =	sdelay $0x1  }
0xa1: {  	s23 =	simm.s32 $0x1B8B  }
0xa2: {  	_ =	swait.ge [sflag:s23], $0x1  }
0xa3: {  	[sflag:s23] =	ssyncset.done $0x0  }
0xa4: {  	s25 =	simm.s32 $0x1B8E;
	s24 =	sld [smem:$0x3FFE];
	[sflag:s23] =	ssyncadd.s32 $0xFFFFFFFF  }
0xa5: {  	s26 =	simm.s32 $execute0_lowered;
	[smem:$0x3FD2] =	sst s25  }
0xa6: {  	s4 =	sshll.u32 s26, $0x1;
	_ =	strace $0x8000004C;
	[dreg:$0x1] =	wrdreg $0xFFFFFFFF  }
0xa7: {  	s28 =	simm.s32 $_size_execute0_lowered;
	s2 =	sadd.s32 s2, s4;
	[dreg:$0x0] =	wrdreg $0x0  }
0xa8: {  	s4 =	sshll.u32 s28, $0x1;
	[dreg:$0x2] =	wrdreg s2  }
0xa9: {  	[dreg:$0x3] =	wrdreg s4  }
0xaa: {  	[dreg:$0x4] =	wrdreg $0xC0  }
0xab: {  	_ =	task [dreg:s6], $0x5FFFF  }
0xac: {  	[dreg:$0x1] =	wrdreg $0xFFFFFFFF  }
0xad: {  	[dreg:$0x0] =	wrdreg $0x60  }
0xae: {  	[dreg:$0x2] =	wrdreg s24  }
0xaf: {  	[dreg:$0x3] =	wrdreg $0xAF800  }
0xb0: {  	[dreg:$0x4] =	wrdreg $0x9  }
0xb1: {  	_ =	task.clear_ibuf [dreg:s6], $0x5FFFF;
	_ =	strace $0x9000004C  }
0xb2: {  	s29 =	simm.s32 $0x9;
	_ =	strace $0x8000004E  }
0xb3: {  	_ =	swait.ge [sflag:s29], $0x1  }
0xb4: {  	[sflag:s29] =	ssyncadd.s32 $0xFFFFFFFF  }
0xb5: {  	_ =	strace $0x9000004E  }
0xb6: {  	_ =	sfence  }
0xb7: {  	s30 =	sld [smem:$0x0];
	_ =	sdelay $0x2  }
0xb8: {  	s31 =	sshll.u32 s1, $0xD;
	s1 =	sshrl.u32 s1, $0x2  }
0xb9: {  	s3 =	sand.u32 $0x4000, s31;
	s1 =	sadd.s32 s1, s30  }
0xba: {  	s0 =	sor.u32 s3, s0;
	s1 =	sshll.u32 s1, $0x11  }
0xbb: {  	s0 =	sor.u32 s1, s0  }
0xbc: {  	s0 =	sadd.s32 $0x8F2B, s0  }
0xbd: {  	[sflag:s0] =	ssyncadd.remote.s32 $0x1  }
0xbe: {  	_ =	sfence.sel $0xFFFF  }
0xbf: {  	[dreg:$0x0] =	wrdreg $0xFFFFFFFF;
	(pc) =	sbr.abs _section_cstart, $3  }
0xc0: {  	[dreg:$0x1] =	wrdreg $0xFFFFFFFF  }
0xc1: {  	_ =	task.clear_ibuf [dreg:s6], $0x2FFFF;
	_ =	strace $0x9FFFFFFF  }
0xc2: {  	(tm) =	ssettm $0x7FFFFFFF  }
0xc3: {  	_ =	shalt  }
tec
execute0_lowered:
.L_overlay_start_1:
0x0: {  	(tag) =	ssettag $0x1  }
0x1: {  	s7 =	rddreg [dreg:$0x0]  }
0x2: {  	s2 =	rddreg [dreg:$0x1]  }
0x3: {  	s0 =	rddreg [dreg:$0x2];
	s3 =	simm.s32 $0x0  }
0x4: {  	s1 =	stileid.u32;
	s9 =	srdreg.scid;
	s19 =	simm.s32 $0x0  }
0x5: {  	[smem:$0x7FF] =	sst s3;
	s8 =	smul.u32 $0x5300, s1;
	s4 =	sadd.s32 $0x5C400, s7  }
0x6: {  	s5 =	sadd.s32 $0xA2400, s7;
	s6 =	sadd.s32 $0x78400, s7;
	s11 =	sadd.s32 $0xB7000, s7  }
0x7: {  	s13 =	sand.u32 $0x1, s9;
	s14 =	sadd.s32 $0xC1600, s7;
	s15 =	sadd.s32 $0xCBC00, s7  }
0x8: {  	s16 =	sadd.s32 $0x66A00, s7;
	s17 =	sshll.u32 s1, $0x1;
	_ =	strace $0x8000004D  }
0x9: {  	s9 =	ssub.s32 $0x2, s13;
	s31 =	sor.u32 s13, s17;
	p0 =	seq.s32 s13, $0x0  }
0xa: {  	s13 =	simm.s32 $0x980;
	s17 =	simm.s32 $0x1;
	s12 =	sshrl.u32 s8, $0x3  }
0xb: {  	s30 =	sshrl.u32 s9, $0x1;
	s8 =	sadd.s32 s8, s2;
	s15 =	smov.u32 @p0 s11  }
0xc: {  	s16 =	smov.u32 @p0 s14;
	s14 =	simm.s32 $0x2;
	s10 =	sadd.s32 s12, s7  }
0xd: {  	s18 =	ssub.s32 s9, s30;
	s9 =	smul.u32 $0x70, s31;
	s11 =	sadd.s32 s15, s12  }
0xe: {  	s12 =	sadd.s32 s16, s12;
	s15 =	simm.s32 $0x80;
	s16 =	simm.s32 $0x180  }
0xf: {  	v0 =	vlaneseq.u32;
	s7 =	sadd.s32 $0xACA00, s10;
	s10 =	smax.u32 s18, $0x1;
	s18 =	simm.s32 $0x5C80  }
.LBB2_1:
0x10: {  	[tilespmem:s13], [sflag:$0x2] =	stream.linear.gather [hbm4b:s7+s3], $0x5300, $0x38;
	[tilespmem:$0x10280] =	vst v63  }
0x11: {  	_ =	swait.ge [sflag:s14], $0x5300  }
0x12: {  	[sflag:s14] =	ssyncset.done $0x0  }
0x13: {  	[sflag:s14] =	ssyncadd.s32 $0xFFFFAD00  }
0x14: {  	[spmem:s8] =	stream.linear.scatter [tilespmem:s13], [sflag:$0x2], $0x5300, $0x38;
	[tilespmem:$0x10280] =	vst v63  }
0x15: {  	_ =	swait.ge [sflag:s14], $0x5300  }
0x16: {  	[sflag:s14] =	ssyncset.done $0x0  }
0x17: {  	[sflag:s14] =	ssyncadd.s32 $0xFFFFAD00  }
0x18: {  	s20 =	simm.s32 $0x0;
	[bflag:$0x0] =	sbarrier.arrive $0xFFFF  }
.LBB2_2:
0x19: {  	s21 =	sadd.s32 s9, s20  }
0x1a: {  	s21 =	smul.u32 $0x30, s21;
	_ =	sdelay $0x1  }
0x1b: {  	s22 =	simm.s32 $0x0;
	s21 =	sadd.s32 s6, s21  }
0x1c: {  	[tilespmem:s22], [sflag:$0x2] =	stream.linear.gather [hbm4b:s21+s22], $0x180, $0x38;
	[tilespmem:$0x10280] =	vst v63  }
0x1d: {  	_ =	swait.ge [sflag:s14], $0x180  }
0x1e: {  	v1 =	vmov s22;
	[sflag:s14] =	ssyncset.done $0x0  }
0x1f: {  	v2 =	vor.u32 $0x100, v1;
	v3 =	vshll.u32 v1, $0x4;
	[sflag:s14] =	ssyncadd.s32 $0xFFFFFE80  }
0x20: {  	v3 =	vor.u32 v0, v3;
	[tilespmem:s16], [sflag:$0x1] =	stream.indirect.gather [hbm4b:s4+s15], $0x10, s22, s15, $0xb8;
	[tilespmem:$0x10280] =	vst v63  }
0x21: {  	_ =	swait.ge [sflag:s17], $0x800  }
0x22: {  	[sflag:s17] =	ssyncset.done $0x0  }
0x23: {  	[sflag:s17] =	ssyncadd.s32 $0xFFFFF800  }
0x24: {  	v2 =	vld.idx.msk [tilespmem:v2+s3+$0x0], $0xffff  }
0x25: {  	v4 =	vld.idx.msk [tilespmem:v3+s16+$0x0], $0xffff  }
0x26: {  	v5 =	vor.u32 $0x1, v1;
	v6 =	vand.u32 $0x78, v1  }
0x27: {  	v6 =	vor.u32 $0x100, v6;
	v7 =	vand.u32 $0x5, v5  }
0x28: {  	v5 =	vshll.u32 v5, $0x4;
	v7 =	vor.u32 v7, v6  }
0x29: {  	v5 =	vor.u32 v0, v5  }
0x2a: {  	v2 =	vmul.f32 v2, v4;
	_ =	sdelay $0x1  }
0x2b: {  	[tilespmem:v3+s16+$0x0] =	vst.idx.msk $0xffff, v2  }
0x2c: {  	v2 =	vld.idx.msk [tilespmem:v7+s3+$0x0], $0xffff  }
0x2d: {  	v3 =	vld.idx.msk [tilespmem:v5+s16+$0x0], $0xffff  }
0x2e: {  	v4 =	vor.u32 $0x2, v1  }
0x2f: {  	v7 =	vand.u32 $0x6, v4  }
0x30: {  	v4 =	vshll.u32 v4, $0x4;
	v7 =	vor.u32 v7, v6  }
0x31: {  	v4 =	vor.u32 v0, v4  }
0x32: {  	v2 =	vmul.f32 v2, v3;
	_ =	sdelay $0x1  }
0x33: {  	[tilespmem:v5+s16+$0x0] =	vst.idx.msk $0xffff, v2  }
0x34: {  	v3 =	vld.idx.msk [tilespmem:v7+s3+$0x0], $0xffff  }
0x35: {  	v5 =	vld.idx.msk [tilespmem:v4+s16+$0x0], $0xffff  }
0x36: {  	v1 =	vor.u32 $0x3, v1  }
0x37: {  	v2 =	vand.u32 $0x7, v1  }
0x38: {  	v1 =	vshll.u32 v1, $0x4;
	v6 =	vor.u32 v2, v6  }
0x39: {  	v2 =	vor.u32 v0, v1  }
0x3a: {  	v1 =	vmul.f32 v3, v5;
	_ =	sdelay $0x1  }
0x3b: {  	[tilespmem:v4+s16+$0x0] =	vst.idx.msk $0xffff, v1  }
0x3c: {  	v4 =	vld.idx.msk [tilespmem:v6+s3+$0x0], $0xffff  }
0x3d: {  	v6 =	vld.idx.msk [tilespmem:v2+s16+$0x0], $0xffff  }
0x3e: {  	s31 =	simm.s32 $0x4  }
0x3f: {  	v1 =	vmov s31  }
0x40: {  	s21 =	simm.s32 $0x8;
	v5 =	vor.u32 $0x100, v1;
	v7 =	vshll.u32 v1, $0x4;
	v3 =	vor.u32 $0x1, v1  }
.LBB2_3:
0x41: {  	p0 =	sne.s32 s21, $0x7C;
	v7 =	vor.u32 v0, v7;
	v8 =	vand.u32 $0x78, v1;
	v9 =	vor.u32 $0x2, v1;
	s22 =	smov.u32 s21;
	s21 =	sadd.s32 $0x4, s21  }
0x42: {  	v4 =	vmul.f32 v4, v6;
	v8 =	vor.u32 $0x100, v8;
	v10 =	vand.u32 $0x6, v9  }
0x43: {  	v1 =	vor.u32 $0x3, v1;
	v9 =	vshll.u32 v9, $0x4;
	v6 =	vor.u32 v10, v8  }
0x44: {  	v10 =	vshll.u32 v1, $0x4;
	[tilespmem:v2+s16+$0x0] =	vst.idx.msk $0xffff, v4  }
0x45: {  	v2 =	vld.idx.msk [tilespmem:v5+s3+$0x0], $0xffff  }
0x46: {  	v4 =	vld.idx.msk [tilespmem:v7+s16+$0x0], $0xffff;
	_ =	sdelay $0x2  }
0x47: {  	v5 =	vand.u32 $0x5, v3;
	v3 =	vshll.u32 v3, $0x4  }
0x48: {  	v5 =	vor.u32 v5, v8;
	v3 =	vor.u32 v0, v3;
	_ =	sdelay $0x1  }
0x49: {  	v2 =	vmul.f32 v2, v4;
	_ =	sdelay $0x1  }
0x4a: {  	[tilespmem:v7+s16+$0x0] =	vst.idx.msk $0xffff, v2  }
0x4b: {  	v2 =	vld.idx.msk [tilespmem:v5+s3+$0x0], $0xffff  }
0x4c: {  	v4 =	vld.idx.msk [tilespmem:v3+s16+$0x0], $0xffff;
	_ =	sdelay $0x3  }
0x4d: {  	v5 =	vor.u32 v0, v9;
	_ =	sdelay $0x1  }
0x4e: {  	v2 =	vmul.f32 v2, v4;
	_ =	sdelay $0x1  }
0x4f: {  	[tilespmem:v3+s16+$0x0] =	vst.idx.msk $0xffff, v2  }
0x50: {  	v3 =	vld.idx.msk [tilespmem:v6+s3+$0x0], $0xffff  }
0x51: {  	v4 =	vld.idx.msk [tilespmem:v5+s16+$0x0], $0xffff;
	_ =	sdelay $0x2  }
0x52: {  	v1 =	vand.u32 $0x7, v1  }
0x53: {  	v1 =	vor.u32 v1, v8;
	v2 =	vor.u32 v0, v10;
	_ =	sdelay $0x1  }
0x54: {  	v3 =	vmul.f32 v3, v4;
	_ =	sdelay $0x1  }
0x55: {  	[tilespmem:v5+s16+$0x0] =	vst.idx.msk $0xffff, v3  }
0x56: {  	v4 =	vld.idx.msk [tilespmem:v1+s3+$0x0], $0xffff  }
.Ltmp0:
0x57: {  	v6 =	vld.idx.msk [tilespmem:v2+s16+$0x0], $0xffff;
	(pc) =	sbr.rel @p0 .LBB2_3-.Ltmp0, $3  }
0x58: {  	_ =	sdelay $0x1  }
0x59: {  	v1 =	vmov s22  }
0x5a: {  	v5 =	vor.u32 $0x100, v1;
	v7 =	vshll.u32 v1, $0x4;
	v3 =	vor.u32 $0x1, v1  }
0x5b: {  	_ = 	snop  }
0x5c: {  	v7 =	vor.u32 v0, v7  }
0x5d: {  	v4 =	vmul.f32 v4, v6;
	_ =	sdelay $0x1  }
0x5e: {  	[tilespmem:v2+s16+$0x0] =	vst.idx.msk $0xffff, v4  }
0x5f: {  	v2 =	vld.idx.msk [tilespmem:v5+s3+$0x0], $0xffff  }
0x60: {  	v4 =	vld.idx.msk [tilespmem:v7+s16+$0x0], $0xffff  }
0x61: {  	v58 =	vand.u32 $0x78, v1  }
0x62: {  	v59 =	vand.u32 $0x5, v3;
	v5 =	vor.u32 $0x100, v58  }
0x63: {  	v3 =	vshll.u32 v3, $0x4;
	v6 =	vor.u32 v59, v5  }
0x64: {  	v3 =	vor.u32 v0, v3  }
0x65: {  	v2 =	vmul.f32 v2, v4;
	_ =	sdelay $0x1  }
0x66: {  	[tilespmem:v7+s16+$0x0] =	vst.idx.msk $0xffff, v2  }
0x67: {  	v2 =	vld.idx.msk [tilespmem:v6+s3+$0x0], $0xffff  }
0x68: {  	v60 =	vld.idx.msk [tilespmem:v3+s16+$0x0], $0xffff  }
0x69: {  	v61 =	vor.u32 $0x2, v1  }
0x6a: {  	v62 =	vand.u32 $0x6, v61  }
0x6b: {  	v7 =	vor.u32 v62, v5;
	v6 =	vshll.u32 v61, $0x4  }
0x6c: {  	v6 =	vor.u32 v0, v6  }
0x6d: {  	v2 =	vmul.f32 v2, v60;
	_ =	sdelay $0x1  }
0x6e: {  	[tilespmem:v3+s16+$0x0] =	vst.idx.msk $0xffff, v2  }
0x6f: {  	v2 =	vld.idx.msk [tilespmem:v7+s3+$0x0], $0xffff  }
0x70: {  	v3 =	vld.idx.msk [tilespmem:v6+s16+$0x0], $0xffff  }
0x71: {  	v1 =	vor.u32 $0x3, v1  }
0x72: {  	v63 =	vand.u32 $0x7, v1  }
0x73: {  	v1 =	vshll.u32 v1, $0x4;
	v4 =	vor.u32 v63, v5  }
0x74: {  	v1 =	vor.u32 v0, v1  }
0x75: {  	v2 =	vmul.f32 v2, v3;
	_ =	sdelay $0x1  }
0x76: {  	[tilespmem:v6+s16+$0x0] =	vst.idx.msk $0xffff, v2  }
0x77: {  	v2 =	vld.idx.msk [tilespmem:v4+s3+$0x0], $0xffff  }
0x78: {  	v3 =	vld.idx.msk [tilespmem:v1+s16+$0x0], $0xffff;
	_ =	sdelay $0x4  }
0x79: {  	s20 =	sadd.s32 $0x1, s20;
	v2 =	vmul.f32 v2, v3  }
0x7a: {  	p0 =	sne.s32 s20, $0x70  }
.Ltmp1:
0x7b: {  	[tilespmem:v1+s16+$0x0] =	vst.idx.msk $0xffff, v2;
	(pc) =	sbr.rel @p0 .LBB2_2-.Ltmp1, $4  }
0x7c: {  	[spmem:s2] =	stream.indirect.scatter.add.f32 [tilespmem:s16], [sflag:$0x2], $0x10, s15, s15, $0xb8;
	[tilespmem:$0x10280] =	vst v63  }
0x7d: {  	_ =	swait.ge [sflag:s14], $0x800  }
0x7e: {  	[sflag:s14] =	ssyncset.done $0x0  }
0x7f: {  	[sflag:s14] =	ssyncadd.s32 $0xFFFFF800  }
0x80: {  	[bflag:$0x0] =	sbarrier.arrive $0xFFFF  }
0x81: {  	[tilespmem:s18], [sflag:$0x2] =	stream.linear.gather [spmem:s8], $0x5300, $0x38;
	[tilespmem:$0x10280] =	vst v63  }
0x82: {  	_ =	swait.ge [sflag:s14], $0x5300  }
0x83: {  	[sflag:s14] =	ssyncset.done $0x0  }
0x84: {  	[sflag:s14] =	ssyncadd.s32 $0xFFFFAD00  }
0x85: {  	[spmem:s8] =	stream.linear.scatter [tilespmem:s13], [sflag:$0x2], $0x5300, $0x38;
	[tilespmem:$0x10280] =	vst v63  }
0x86: {  	_ =	swait.ge [sflag:s14], $0x5300  }
0x87: {  	[sflag:s14] =	ssyncset.done $0x0  }
0x88: {  	s20 =	simm.s32 $0x0;
	[sflag:s14] =	ssyncadd.s32 $0xFFFFAD00  }
0x89: {  	[hbm4b:s11+s20] =	stream.linear.scatter [tilespmem:s18], [sflag:$0x2], $0x5300, $0x38;
	[tilespmem:$0x10280] =	vst v63  }
0x8a: {  	_ =	swait.ge [sflag:s14], $0x5300  }
0x8b: {  	[sflag:s14] =	ssyncset.done $0x0  }
0x8c: {  	[sflag:s14] =	ssyncadd.s32 $0xFFFFAD00  }
0x8d: {  	s21 =	simm.s32 $0x0;
	[bflag:$0x0] =	sbarrier.arrive $0xFFFF  }
.LBB2_6:
0x8e: {  	s22 =	sadd.s32 s9, s21  }
0x8f: {  	s22 =	smul.u32 $0x30, s22;
	_ =	sdelay $0x1  }
0x90: {  	s22 =	sadd.s32 s6, s22  }
0x91: {  	[tilespmem:s20], [sflag:$0x2] =	stream.linear.gather [hbm4b:s22+s20], $0x180, $0x38;
	[tilespmem:$0x10280] =	vst v63  }
0x92: {  	_ =	swait.ge [sflag:s14], $0x180  }
0x93: {  	v1 =	vmov s20;
	[sflag:s14] =	ssyncset.done $0x0  }
0x94: {  	v2 =	vor.u32 $0x100, v1;
	v3 =	vshll.u32 v1, $0x4;
	[sflag:s14] =	ssyncadd.s32 $0xFFFFFE80  }
0x95: {  	v3 =	vor.u32 v0, v3;
	[tilespmem:s16], [sflag:$0x1] =	stream.indirect.gather [hbm4b:s5+s15], $0x10, s20, s15, $0xb8;
	[tilespmem:$0x10280] =	vst v63  }
0x96: {  	_ =	swait.ge [sflag:s17], $0x800  }
0x97: {  	[sflag:s17] =	ssyncset.done $0x0  }
0x98: {  	[sflag:s17] =	ssyncadd.s32 $0xFFFFF800  }
0x99: {  	v2 =	vld.idx.msk [tilespmem:v2+s3+$0x0], $0xffff  }
0x9a: {  	v4 =	vld.idx.msk [tilespmem:v3+s16+$0x0], $0xffff  }
0x9b: {  	v5 =	vor.u32 $0x1, v1;
	v6 =	vand.u32 $0x78, v1  }
0x9c: {  	v6 =	vor.u32 $0x100, v6;
	v7 =	vand.u32 $0x5, v5  }
0x9d: {  	v5 =	vshll.u32 v5, $0x4;
	v7 =	vor.u32 v7, v6  }
0x9e: {  	v5 =	vor.u32 v0, v5  }
0x9f: {  	v2 =	vmul.f32 v2, v4;
	_ =	sdelay $0x1  }
0xa0: {  	[tilespmem:v3+s16+$0x0] =	vst.idx.msk $0xffff, v2  }
0xa1: {  	v2 =	vld.idx.msk [tilespmem:v7+s3+$0x0], $0xffff  }
0xa2: {  	v3 =	vld.idx.msk [tilespmem:v5+s16+$0x0], $0xffff  }
0xa3: {  	v4 =	vor.u32 $0x2, v1  }
0xa4: {  	v7 =	vand.u32 $0x6, v4  }
0xa5: {  	v4 =	vshll.u32 v4, $0x4;
	v7 =	vor.u32 v7, v6  }
0xa6: {  	v4 =	vor.u32 v0, v4  }
0xa7: {  	v2 =	vmul.f32 v2, v3;
	_ =	sdelay $0x1  }
0xa8: {  	[tilespmem:v5+s16+$0x0] =	vst.idx.msk $0xffff, v2  }
0xa9: {  	v3 =	vld.idx.msk [tilespmem:v7+s3+$0x0], $0xffff  }
0xaa: {  	v5 =	vld.idx.msk [tilespmem:v4+s16+$0x0], $0xffff  }
0xab: {  	v1 =	vor.u32 $0x3, v1  }
0xac: {  	v2 =	vand.u32 $0x7, v1  }
0xad: {  	v1 =	vshll.u32 v1, $0x4;
	v6 =	vor.u32 v2, v6  }
0xae: {  	v2 =	vor.u32 v0, v1  }
0xaf: {  	v1 =	vmul.f32 v3, v5;
	_ =	sdelay $0x1  }
0xb0: {  	[tilespmem:v4+s16+$0x0] =	vst.idx.msk $0xffff, v1  }
0xb1: {  	v4 =	vld.idx.msk [tilespmem:v6+s3+$0x0], $0xffff  }
0xb2: {  	v6 =	vld.idx.msk [tilespmem:v2+s16+$0x0], $0xffff  }
0xb3: {  	s31 =	simm.s32 $0x4  }
0xb4: {  	v1 =	vmov s31  }
0xb5: {  	s22 =	simm.s32 $0x8;
	v5 =	vor.u32 $0x100, v1;
	v7 =	vshll.u32 v1, $0x4;
	v3 =	vor.u32 $0x1, v1  }
.LBB2_7:
0xb6: {  	p0 =	sne.s32 s22, $0x7C;
	v7 =	vor.u32 v0, v7;
	v8 =	vand.u32 $0x78, v1;
	v9 =	vor.u32 $0x2, v1;
	s23 =	smov.u32 s22;
	s22 =	sadd.s32 $0x4, s22  }
0xb7: {  	v4 =	vmul.f32 v4, v6;
	v8 =	vor.u32 $0x100, v8;
	v10 =	vand.u32 $0x6, v9  }
0xb8: {  	v1 =	vor.u32 $0x3, v1;
	v9 =	vshll.u32 v9, $0x4;
	v6 =	vor.u32 v10, v8  }
0xb9: {  	v10 =	vshll.u32 v1, $0x4;
	[tilespmem:v2+s16+$0x0] =	vst.idx.msk $0xffff, v4  }
0xba: {  	v2 =	vld.idx.msk [tilespmem:v5+s3+$0x0], $0xffff  }
0xbb: {  	v4 =	vld.idx.msk [tilespmem:v7+s16+$0x0], $0xffff;
	_ =	sdelay $0x2  }
0xbc: {  	v5 =	vand.u32 $0x5, v3;
	v3 =	vshll.u32 v3, $0x4  }
0xbd: {  	v5 =	vor.u32 v5, v8;
	v3 =	vor.u32 v0, v3;
	_ =	sdelay $0x1  }
0xbe: {  	v2 =	vmul.f32 v2, v4;
	_ =	sdelay $0x1  }
0xbf: {  	[tilespmem:v7+s16+$0x0] =	vst.idx.msk $0xffff, v2  }
0xc0: {  	v2 =	vld.idx.msk [tilespmem:v5+s3+$0x0], $0xffff  }
0xc1: {  	v4 =	vld.idx.msk [tilespmem:v3+s16+$0x0], $0xffff;
	_ =	sdelay $0x3  }
0xc2: {  	v5 =	vor.u32 v0, v9;
	_ =	sdelay $0x1  }
0xc3: {  	v2 =	vmul.f32 v2, v4;
	_ =	sdelay $0x1  }
0xc4: {  	[tilespmem:v3+s16+$0x0] =	vst.idx.msk $0xffff, v2  }
0xc5: {  	v3 =	vld.idx.msk [tilespmem:v6+s3+$0x0], $0xffff  }
0xc6: {  	v4 =	vld.idx.msk [tilespmem:v5+s16+$0x0], $0xffff;
	_ =	sdelay $0x2  }
0xc7: {  	v1 =	vand.u32 $0x7, v1  }
0xc8: {  	v1 =	vor.u32 v1, v8;
	v2 =	vor.u32 v0, v10;
	_ =	sdelay $0x1  }
0xc9: {  	v3 =	vmul.f32 v3, v4;
	_ =	sdelay $0x1  }
0xca: {  	[tilespmem:v5+s16+$0x0] =	vst.idx.msk $0xffff, v3  }
0xcb: {  	v4 =	vld.idx.msk [tilespmem:v1+s3+$0x0], $0xffff  }
.Ltmp2:
0xcc: {  	v6 =	vld.idx.msk [tilespmem:v2+s16+$0x0], $0xffff;
	(pc) =	sbr.rel @p0 .LBB2_7-.Ltmp2, $3  }
0xcd: {  	_ =	sdelay $0x1  }
0xce: {  	v1 =	vmov s23  }
0xcf: {  	v5 =	vor.u32 $0x100, v1;
	v7 =	vshll.u32 v1, $0x4;
	v3 =	vor.u32 $0x1, v1  }
0xd0: {  	_ = 	snop  }
0xd1: {  	v7 =	vor.u32 v0, v7  }
0xd2: {  	v4 =	vmul.f32 v4, v6;
	_ =	sdelay $0x1  }
0xd3: {  	[tilespmem:v2+s16+$0x0] =	vst.idx.msk $0xffff, v4  }
0xd4: {  	v2 =	vld.idx.msk [tilespmem:v5+s3+$0x0], $0xffff  }
0xd5: {  	v4 =	vld.idx.msk [tilespmem:v7+s16+$0x0], $0xffff  }
0xd6: {  	v58 =	vand.u32 $0x78, v1  }
0xd7: {  	v59 =	vand.u32 $0x5, v3;
	v5 =	vor.u32 $0x100, v58  }
0xd8: {  	v3 =	vshll.u32 v3, $0x4;
	v6 =	vor.u32 v59, v5  }
0xd9: {  	v3 =	vor.u32 v0, v3  }
0xda: {  	v2 =	vmul.f32 v2, v4;
	_ =	sdelay $0x1  }
0xdb: {  	[tilespmem:v7+s16+$0x0] =	vst.idx.msk $0xffff, v2  }
0xdc: {  	v2 =	vld.idx.msk [tilespmem:v6+s3+$0x0], $0xffff  }
0xdd: {  	v60 =	vld.idx.msk [tilespmem:v3+s16+$0x0], $0xffff  }
0xde: {  	v61 =	vor.u32 $0x2, v1  }
0xdf: {  	v62 =	vand.u32 $0x6, v61  }
0xe0: {  	v7 =	vor.u32 v62, v5;
	v6 =	vshll.u32 v61, $0x4  }
0xe1: {  	v6 =	vor.u32 v0, v6  }
0xe2: {  	v2 =	vmul.f32 v2, v60;
	_ =	sdelay $0x1  }
0xe3: {  	[tilespmem:v3+s16+$0x0] =	vst.idx.msk $0xffff, v2  }
0xe4: {  	v2 =	vld.idx.msk [tilespmem:v7+s3+$0x0], $0xffff  }
0xe5: {  	v3 =	vld.idx.msk [tilespmem:v6+s16+$0x0], $0xffff  }
0xe6: {  	v1 =	vor.u32 $0x3, v1  }
0xe7: {  	v63 =	vand.u32 $0x7, v1  }
0xe8: {  	v1 =	vshll.u32 v1, $0x4;
	v4 =	vor.u32 v63, v5  }
0xe9: {  	v1 =	vor.u32 v0, v1  }
0xea: {  	v2 =	vmul.f32 v2, v3;
	_ =	sdelay $0x1  }
0xeb: {  	[tilespmem:v6+s16+$0x0] =	vst.idx.msk $0xffff, v2  }
0xec: {  	v2 =	vld.idx.msk [tilespmem:v4+s3+$0x0], $0xffff  }
0xed: {  	v3 =	vld.idx.msk [tilespmem:v1+s16+$0x0], $0xffff;
	_ =	sdelay $0x4  }
0xee: {  	s21 =	sadd.s32 $0x1, s21;
	v2 =	vmul.f32 v2, v3  }
0xef: {  	p0 =	sne.s32 s21, $0x70  }
.Ltmp3:
0xf0: {  	[tilespmem:v1+s16+$0x0] =	vst.idx.msk $0xffff, v2;
	(pc) =	sbr.rel @p0 .LBB2_6-.Ltmp3, $4  }
0xf1: {  	[spmem:s2] =	stream.indirect.scatter.add.f32 [tilespmem:s16], [sflag:$0x2], $0x10, s15, s15, $0xb8;
	[tilespmem:$0x10280] =	vst v63  }
0xf2: {  	_ =	swait.ge [sflag:s14], $0x800  }
0xf3: {  	[sflag:s14] =	ssyncset.done $0x0  }
0xf4: {  	[sflag:s14] =	ssyncadd.s32 $0xFFFFF800  }
0xf5: {  	[bflag:$0x0] =	sbarrier.arrive $0xFFFF  }
0xf6: {  	[tilespmem:s18], [sflag:$0x2] =	stream.linear.gather [spmem:s8], $0x5300, $0x38;
	[tilespmem:$0x10280] =	vst v63  }
0xf7: {  	_ =	swait.ge [sflag:s14], $0x5300  }
0xf8: {  	[sflag:s14] =	ssyncset.done $0x0  }
0xf9: {  	[sflag:s14] =	ssyncadd.s32 $0xFFFFAD00  }
0xfa: {  	[spmem:s8] =	stream.linear.scatter [tilespmem:s13], [sflag:$0x2], $0x5300, $0x38;
	[tilespmem:$0x10280] =	vst v63  }
0xfb: {  	s19 =	sadd.s32 $0x1, s19;
	_ =	swait.ge [sflag:s14], $0x5300  }
0xfc: {  	p0 =	sne.s32 s19, s10;
	[sflag:s14] =	ssyncset.done $0x0  }
.Ltmp4:
0xfd: {  	[sflag:s14] =	ssyncadd.s32 $0xFFFFAD00;
	(pc) =	sbr.rel @p0 .LBB2_1-.Ltmp4, $4  }
0xfe: {  	[hbm4b:s12+s3] =	stream.linear.scatter [tilespmem:s18], [sflag:$0x2], $0x5300, $0x38;
	[tilespmem:$0x10280] =	vst v63  }
0xff: {  	_ =	swait.ge [sflag:s14], $0x5300  }
0x100: {  	[sflag:s14] =	ssyncset.done $0x0  }
0x101: {  	[sflag:s14] =	ssyncadd.s32 $0xFFFFAD00  }
0x102: {  	_ =	sfence.sel $0x180000  }
0x103: {  	[bflag:$0x0] =	sbarrier.arrive $0xFFFF  }
0x104: {  	p0 =	sne.s32 s1, $0x0;
	_ =	strace $0x9000004D  }
0x105: {  	s0 =	sadd.s32 @!p0 $0x100000, s0;
	[bflag:$0x2] =	sbarrier.arrive $0xFFFF  }
0x106: {  	[sflag:s0] =	ssyncadd.tile.s32 @!p0 $0x1;
	_ =	shalt  }
.Lfunc_end2:
_tile_overlayer_lowered:
.L_overlay_start_2:
0x107: {  	(tag) =	ssettag $0x2  }
0x108: {  	s0 =	rddreg [dreg:$0x0];
	s2 =	stileid.u32  }
0x109: {  	s1 =	rddreg [dreg:$0x1];
	p0 =	sne.s32 s2, $0x0  }
0x10a: {  	s3 =	rddreg [dreg:$0x2];
	[bflag:$0x3] =	sbarrier.arrive $0xFFFF;
	s2 =	simm.s32 @!p0 $0x1C02  }
0x10b: {  	[timem:s3], [sflag:s2] =	dma.local @!p0 [hbm:s0], s1  }
0x10c: {  	s0 =	simm.s32 @!p0 $0x2  }
0x10d: {  	_ =	swait.ge @!p0 [sflag:s0], s1  }
0x10e: {  	s1 =	ssub.s32 @!p0 $0x0, s1;
	[sflag:s0] =	ssyncset.done @!p0 $0x0  }
0x10f: {  	[sflag:s0] =	ssyncadd.s32 @!p0 s1  }
0x110: {  	[bflag:$0x3] =	sbarrier.arrive $0xFFFF  }
0x111: {  	_ =	shalt  }

// kernel: kernel.22.cloned.1.call-start
scs
__scs_entry_jumppad:
0x0: {  	(pc) =	sbr.rel $0x88, $3  }
0x1: {  	(tag) =	ssettag $0x0;
	lr =	simm.s32 $0x1  }
0x2: {  	[smem:$0x3F8E] =	sst lr;
	_ =	strace $0xD0000000  }
0x3: {  	_ = 	snop  }
0x4: {  	_ = 	snop  }
0x5: {  	_ = 	snop  }
0x6: {  	_ = 	snop  }
0x7: {  	_ = 	snop  }
__scs_overlays_trampoline_lowered:
0x8: {  	[smem:$0x3F9D] =	sst s0  }
0x9: {  	[smem:$0x3F9E] =	sst s1  }
0xa: {  	[smem:$0x3F9F] =	sst s2  }
0xb: {  	[smem:$0x3FA0] =	sst s3  }
0xc: {  	[smem:$0x3FA1] =	sst s4  }
0xd: {  	[smem:$0x3FA2] =	sst s5  }
0xe: {  	[smem:$0x3FA3] =	sst s6  }
0xf: {  	[smem:$0x3FA4] =	sst s7  }
0x10: {  	[smem:$0x3FA5] =	sst s8  }
0x11: {  	[smem:$0x3FA6] =	sst s9;
	s0 =	simm.s32 @!p0 $0x0  }
0x12: {  	s1 =	sld [smem:$0x3F8C];
	s0 =	simm.s32 @p0 $0x1  }
0x13: {  	[smem:$0x3FA7] =	sst s0;
	s0 =	simm.s32 @!p1 $0x0  }
0x14: {  	s2 =	sld [smem:$0x3F8B];
	s0 =	simm.s32 @p1 $0x1  }
0x15: {  	[smem:$0x3FA8] =	sst s0;
	s0 =	simm.s32 @!p2 $0x0  }
0x16: {  	s3 =	sld [smem:$0x3FDB];
	s0 =	simm.s32 @p2 $0x1  }
0x17: {  	s4 =	simm.s32 $0x1BF5;
	[smem:$0x3FAA] =	sst s0  }
0x18: {  	s0 =	sld [smem:$0x3F8D];
	_ =	swait.ge [sflag:s4], $0x0  }
0x19: {  	s7 =	sld [smem:$0x3F8E]  }
0x1a: {  	s8 =	sadd.s32 $0xFFFFE003, lr  }
0x1b: {  	s9 =	sadd.s32 $0xFFFFFEF7, lr;
	s5 =	simm.s32 $0xFFFFFFFF;
	p2 =	slt.u32 s8, $0xFFFFF086  }
0x1c: {  	p1 =	slt.u32 s9, $0xF7A;
	s5 =	simm.s32 @!p2 $0x0  }
0x1d: {  	s5 =	simm.s32 @p1 $0x1;
	p0 =	seq.s32 s7, s2  }
0x1e: {  	s7 =	smul.u32 @!p0 $0xF7A, s2;
	p2 =	seq.s32 @!p0 s5, $0x0  }
0x1f: {  	s9 =	smul.u32 $0xF7A, s1;
	s8 =	simm.s32 @!p0 $0x1BF5;
	p2 =	por !p2, p0  }
0x20: {  	[sflag:s8] =	ssyncset.s32 @!p0 $0xFFFFF086;
	s6 =	sadd.s32 @!p0 s3, s7;
	s7 =	simm.s32 @!p0 $0x108  }
0x21: {  	s3 =	sadd.s32 s3, s9;
	s6 =	sadd.s32 @!p0 $0x88, s6;
	s7 =	simm.s32 @p2 $0x1082  }
0x22: {  	[simem:s7], [sflag:s8] =	dma.local @!p0 [hbm:s6], $0xF7A  }
0x23: {  	s9 =	sor.u32 $0xD0000000, s2;
	s6 =	simm.s32 $0x108;
	_ =	swait.ge @!p0 [sflag:s8], $0x0  }
0x24: {  	s3 =	sadd.s32 $0x88, s3;
	s6 =	simm.s32 @!p1 $0x1082;
	[sflag:s4] =	ssyncset.s32 $0xFFFFF086  }
0x25: {  	[simem:s6], [sflag:s4] =	dma.local [hbm:s3], $0xF7A  }
0x26: {  	[smem:$0x3F8E] =	sst s1;
	(tag) =	ssettag s2;
	_ =	strace s9  }
0x27: {  	s1 =	sld [smem:$0x3F9E]  }
0x28: {  	s2 =	sld [smem:$0x3F9F]  }
0x29: {  	s4 =	sld [smem:$0x3FA1]  }
0x2a: {  	p0 =	seq.s32 s5, $0x0;
	s5 =	sld [smem:$0x3FA2]  }
0x2b: {  	s6 =	sld [smem:$0x3FA3]  }
0x2c: {  	s7 =	sld [smem:$0x3FA4]  }
0x2d: {  	s3 =	simm.s32 $0x108;
	s8 =	sld [smem:$0x3FA5]  }
0x2e: {  	s3 =	simm.s32 @!p0 $0x1082;
	s9 =	sld [smem:$0x3FA6]  }
0x2f: {  	lr =	sadd.s32 s0, s3;
	s0 =	sld [smem:$0x3F9D]  }
0x30: {  	s3 =	sld [smem:$0x3FA0]  }
0x31: {  	[smem:$0x3FA9] =	sst s10  }
0x32: {  	s10 =	sld [smem:$0x3FA7];
	_ =	sdelay $0x3  }
0x33: {  	p0 =	seq.s32 s10, $0x1;
	s10 =	sld [smem:$0x3FA9];
	_ =	sdelay $0x3  }
0x34: {  	[smem:$0x3FA9] =	sst s10  }
0x35: {  	s10 =	sld [smem:$0x3FA8];
	_ =	sdelay $0x3  }
0x36: {  	p1 =	seq.s32 s10, $0x1;
	s10 =	sld [smem:$0x3FA9];
	_ =	sdelay $0x3  }
0x37: {  	[smem:$0x3FA9] =	sst s10  }
0x38: {  	s10 =	sld [smem:$0x3FAA]  }
0x39: {  	_ = 	snop;
	(pc) =	sbr.ind lr, $3  }
0x3a: {  	_ = 	snop  }
0x3b: {  	_ = 	snop  }
0x3c: {  	p2 =	seq.s32 s10, $0x1;
	s10 =	sld [smem:$0x3FA9]  }
0x3d: {  	_ =	shalt  }
0x3e: {  	_ =	shalt  }
0x3f: {  	_ =	shalt  }
0x40: {  	_ =	shalt  }
0x41: {  	_ =	shalt  }
0x42: {  	_ =	shalt  }
0x43: {  	_ =	shalt  }
0x44: {  	_ =	shalt  }
0x45: {  	_ =	shalt  }
0x46: {  	_ =	shalt  }
0x47: {  	_ =	shalt  }
0x48: {  	_ =	shalt  }
0x49: {  	_ =	shalt  }
0x4a: {  	_ =	shalt  }
0x4b: {  	_ =	shalt  }
0x4c: {  	_ =	shalt  }
0x4d: {  	_ =	shalt  }
0x4e: {  	_ =	shalt  }
0x4f: {  	_ =	shalt  }
0x50: {  	_ =	shalt  }
0x51: {  	_ =	shalt  }
0x52: {  	_ =	shalt  }
0x53: {  	_ =	shalt  }
0x54: {  	_ =	shalt  }
0x55: {  	_ =	shalt  }
0x56: {  	_ =	shalt  }
0x57: {  	_ =	shalt  }
0x58: {  	_ =	shalt  }
0x59: {  	_ =	shalt  }
0x5a: {  	_ =	shalt  }
0x5b: {  	_ =	shalt  }
0x5c: {  	_ =	shalt  }
0x5d: {  	_ =	shalt  }
0x5e: {  	_ =	shalt  }
0x5f: {  	_ =	shalt  }
0x60: {  	_ =	shalt  }
0x61: {  	_ =	shalt  }
0x62: {  	_ =	shalt  }
0x63: {  	_ =	shalt  }
0x64: {  	_ =	shalt  }
0x65: {  	_ =	shalt  }
0x66: {  	_ =	shalt  }
0x67: {  	_ =	shalt  }
0x68: {  	_ =	shalt  }
0x69: {  	_ =	shalt  }
0x6a: {  	_ =	shalt  }
0x6b: {  	_ =	shalt  }
0x6c: {  	_ =	shalt  }
0x6d: {  	_ =	shalt  }
0x6e: {  	_ =	shalt  }
0x6f: {  	_ =	shalt  }
0x70: {  	_ =	shalt  }
0x71: {  	_ =	shalt  }
0x72: {  	_ =	shalt  }
0x73: {  	_ =	shalt  }
0x74: {  	_ =	shalt  }
0x75: {  	_ =	shalt  }
0x76: {  	_ =	shalt  }
0x77: {  	_ =	shalt  }
0x78: {  	_ =	shalt  }
0x79: {  	_ =	shalt  }
0x7a: {  	_ =	shalt  }
0x7b: {  	_ =	shalt  }
0x7c: {  	_ =	shalt  }
0x7d: {  	_ =	shalt  }
0x7e: {  	_ =	shalt  }
0x7f: {  	_ =	shalt  }
0x80: {  	_ =	shalt  }
0x81: {  	_ =	shalt  }
0x82: {  	_ =	shalt  }
0x83: {  	_ =	shalt  }
0x84: {  	_ =	shalt  }
0x85: {  	_ =	shalt  }
0x86: {  	_ =	shalt  }
0x87: {  	_ =	shalt  }
.Lfunc_end0:
.L_simem_size_0:
called_computation.3_lowered:
.L_overlay_start_0:
0x88: {  	s2 =	sld [smem:$0x3FD9]  }
0x89: {  	s3 =	sld [smem:$0x3FFE];
	_ =	sdelay $0x1  }
0x8a: {  	s1 =	srdreg.scid  }
0x8b: {  	s0 =	sand.u32 $0x1, s1  }
0x8c: {  	s16 =	sshll.u32 s0, $0xA;
	s2 =	sadd.s32 s3, s2  }
0x8d: {  	s2 =	sadd.s32 s2, s16  }
0x8e: {  	[smem:$0x3FB5] =	sst s2  }
0x8f: {  	_ = 	snop  }
0x90: {  	(tm) =	ssettm $0x1  }
0x91: {  	s17 =	sld [smem:$0x3FFB];
	_ =	sdelay $0x3  }
0x92: {  	_ =	strace s17  }
0x93: {  	s2 =	sld [smem:$0x3FFC];
	_ =	sdelay $0x3  }
0x94: {  	_ =	strace s2  }
0x95: {  	s2 =	sld [smem:$0x3FFD];
	_ =	sdelay $0x3  }
0x96: {  	_ =	strace s2  }
0x97: {  	_ =	strace $0x8FFFFFFF  }
0x98: {  	s18 =	sld [smem:$0x3FDB];
	_ =	sdelay $0x1  }
0x99: {  	s19 =	simm.s32 $_scs_section_size  }
0x9a: {  	s4 =	simm.s32 $_size__tile_overlayer_lowered;
	s5 =	simm.s32 $_tile_overlayer_lowered  }
0x9b: {  	s22 =	simm.s32 $0x1BFF;
	s21 =	sshll.u32 s5, $0x1;
	s2 =	sadd.s32 s19, s18  }
0x9c: {  	s6 =	simm.s32 $0x0;
	s20 =	sshll.u32 s4, $0x1;
	s4 =	sadd.s32 s21, s2  }
0x9d: {  	[timem:s6], [sflag:s22] =	dma.local [hbm:s4], s20  }
0x9e: {  	_ =	swait.ge [sflag:s22], s20  }
0x9f: {  	s3 =	ssub.s32 $0x0, s20;
	[sflag:s22] =	ssyncset.done $0x0  }
0xa0: {  	[sflag:s22] =	ssyncadd.s32 s3;
	_ =	sdelay $0x1  }
0xa1: {  	s23 =	simm.s32 $0x1B8B  }
0xa2: {  	_ =	swait.ge [sflag:s23], $0x1  }
0xa3: {  	[sflag:s23] =	ssyncset.done $0x0  }
0xa4: {  	s25 =	simm.s32 $0x1B8E;
	s24 =	sld [smem:$0x3FFE];
	[sflag:s23] =	ssyncadd.s32 $0xFFFFFFFF  }
0xa5: {  	s26 =	simm.s32 $execute0_lowered;
	[smem:$0x3FD2] =	sst s25  }
0xa6: {  	s4 =	sshll.u32 s26, $0x1;
	_ =	strace $0x8000004F;
	[dreg:$0x1] =	wrdreg $0xFFFFFFFF  }
0xa7: {  	s28 =	simm.s32 $_size_execute0_lowered;
	s2 =	sadd.s32 s2, s4;
	[dreg:$0x0] =	wrdreg $0x0  }
0xa8: {  	s4 =	sshll.u32 s28, $0x1;
	[dreg:$0x2] =	wrdreg s2  }
0xa9: {  	[dreg:$0x3] =	wrdreg s4  }
0xaa: {  	[dreg:$0x4] =	wrdreg $0xC0  }
0xab: {  	_ =	task [dreg:s6], $0x5FFFF  }
0xac: {  	[dreg:$0x1] =	wrdreg $0xFFFFFFFF  }
0xad: {  	[dreg:$0x0] =	wrdreg $0x60  }
0xae: {  	[dreg:$0x2] =	wrdreg s24  }
0xaf: {  	[dreg:$0x3] =	wrdreg $0xAF800  }
0xb0: {  	[dreg:$0x4] =	wrdreg $0x9  }
0xb1: {  	_ =	task.clear_ibuf [dreg:s6], $0x5FFFF;
	_ =	strace $0x9000004F  }
0xb2: {  	s29 =	simm.s32 $0x9;
	_ =	strace $0x80000051  }
0xb3: {  	_ =	swait.ge [sflag:s29], $0x1  }
0xb4: {  	[sflag:s29] =	ssyncadd.s32 $0xFFFFFFFF  }
0xb5: {  	_ =	strace $0x90000051  }
0xb6: {  	_ =	sfence  }
0xb7: {  	s30 =	sld [smem:$0x0];
	_ =	sdelay $0x2  }
0xb8: {  	s31 =	sshll.u32 s1, $0xD;
	s1 =	sshrl.u32 s1, $0x2  }
0xb9: {  	s3 =	sand.u32 $0x4000, s31;
	s1 =	sadd.s32 s1, s30  }
0xba: {  	s0 =	sor.u32 s3, s0;
	s1 =	sshll.u32 s1, $0x11  }
0xbb: {  	s0 =	sor.u32 s1, s0  }
0xbc: {  	s0 =	sadd.s32 $0x8F2B, s0  }
0xbd: {  	[sflag:s0] =	ssyncadd.remote.s32 $0x1  }
0xbe: {  	_ =	sfence.sel $0xFFFF  }
0xbf: {  	[dreg:$0x0] =	wrdreg $0xFFFFFFFF;
	(pc) =	sbr.abs _section_cstart, $3  }
0xc0: {  	[dreg:$0x1] =	wrdreg $0xFFFFFFFF  }
0xc1: {  	_ =	task.clear_ibuf [dreg:s6], $0x2FFFF;
	_ =	strace $0x9FFFFFFF  }
0xc2: {  	(tm) =	ssettm $0x7FFFFFFF  }
0xc3: {  	_ =	shalt  }
tec
execute0_lowered:
.L_overlay_start_1:
0x0: {  	(tag) =	ssettag $0x1  }
0x1: {  	s9 =	rddreg [dreg:$0x0]  }
0x2: {  	s2 =	rddreg [dreg:$0x1]  }
0x3: {  	s0 =	rddreg [dreg:$0x2]  }
0x4: {  	s3 =	simm.s32 $0x0;
	s1 =	stileid.u32;
	s13 =	srdreg.scid  }
0x5: {  	[smem:$0x7FF] =	sst s3;
	s10 =	smul.u32 $0x5300, s1  }
0x6: {  	s4 =	sadd.s32 $0xB7000, s9;
	s5 =	sadd.s32 $0x66A00, s9;
	s6 =	sadd.s32 $0x5C400, s9  }
0x7: {  	s7 =	sadd.s32 $0xA2400, s9;
	s8 =	sadd.s32 $0x78400, s9;
	s12 =	sadd.s32 $0x142800, s9  }
0x8: {  	s14 =	sadd.s32 $0x14CE00, s9;
	s15 =	sadd.s32 $0x157400, s9;
	s13 =	sand.u32 $0x1, s13  }
0x9: {  	s17 =	sadd.s32 $0x161A00, s9;
	s18 =	sadd.s32 $0xC1600, s9;
	s20 =	sadd.s32 $0xCBC00, s9  }
0xa: {  	s21 =	sadd.s32 $0x12DC00, s9;
	s23 =	sadd.s32 $0x138200, s9;
	s30 =	sshll.u32 s1, $0x1  }
0xb: {  	_ =	strace $0x80000050;
	s19 =	ssub.s32 $0x2, s13;
	s31 =	sor.u32 s13, s30  }
0xc: {  	p0 =	seq.s32 s13, $0x0;
	s16 =	sshrl.u32 s10, $0x3;
	s22 =	sshrl.u32 s19, $0x1  }
0xd: {  	s10 =	sadd.s32 s10, s2;
	s18 =	smov.u32 @p0 s12;
	s20 =	smov.u32 @p0 s14  }
0xe: {  	s21 =	smov.u32 @p0 s15;
	s23 =	smov.u32 @p0 s17;
	s17 =	simm.s32 $0x980  }
0xf: {  	s11 =	sadd.s32 s16, s9;
	s19 =	ssub.s32 s19, s22;
	s13 =	sadd.s32 s18, s16  }
0x10: {  	s14 =	sadd.s32 s20, s16;
	s15 =	sadd.s32 s21, s16;
	s16 =	sadd.s32 s23, s16  }
0x11: {  	s18 =	simm.s32 $0x2;
	s20 =	simm.s32 $0x180;
	s21 =	simm.s32 $0x1  }
0x12: {  	s22 =	simm.s32 $0x5C80;
	s23 =	simm.s32 $0x0;
	s9 =	sadd.s32 $0xACA00, s11  }
0x13: {  	v0 =	vlaneseq.u32;
	s11 =	smul.u32 $0x70, s31;
	s12 =	smax.u32 s19, $0x1;
	s19 =	simm.s32 $0x80  }
.LBB2_1:
0x14: {  	[tilespmem:s17], [sflag:$0x2] =	stream.linear.gather [hbm4b:s9+s3], $0x5300, $0x38;
	[tilespmem:$0x10280] =	vst v63  }
0x15: {  	_ =	swait.ge [sflag:s18], $0x5300  }
0x16: {  	[sflag:s18] =	ssyncset.done $0x0  }
0x17: {  	[sflag:s18] =	ssyncadd.s32 $0xFFFFAD00  }
0x18: {  	[spmem:s10] =	stream.linear.scatter [tilespmem:s17], [sflag:$0x2], $0x5300, $0x38;
	[tilespmem:$0x10280] =	vst v63  }
0x19: {  	_ =	swait.ge [sflag:s18], $0x5300  }
0x1a: {  	[sflag:s18] =	ssyncset.done $0x0  }
0x1b: {  	[sflag:s18] =	ssyncadd.s32 $0xFFFFAD00  }
0x1c: {  	s24 =	simm.s32 $0x0;
	[bflag:$0x0] =	sbarrier.arrive $0xFFFF  }
.LBB2_2:
0x1d: {  	s25 =	sadd.s32 s11, s24  }
0x1e: {  	s25 =	smul.u32 $0x30, s25;
	_ =	sdelay $0x1  }
0x1f: {  	s26 =	simm.s32 $0x0;
	s25 =	sadd.s32 s8, s25  }
0x20: {  	[tilespmem:s26], [sflag:$0x2] =	stream.linear.gather [hbm4b:s25+s26], $0x180, $0x38;
	[tilespmem:$0x10280] =	vst v63  }
0x21: {  	_ =	swait.ge [sflag:s18], $0x180  }
0x22: {  	v1 =	vmov s26;
	[sflag:s18] =	ssyncset.done $0x0  }
0x23: {  	v2 =	vor.u32 $0x100, v1;
	v3 =	vshll.u32 v1, $0x4;
	[sflag:s18] =	ssyncadd.s32 $0xFFFFFE80  }
0x24: {  	v3 =	vor.u32 v0, v3;
	[tilespmem:s20], [sflag:$0x1] =	stream.indirect.gather [hbm4b:s4+s19], $0x10, s26, s19, $0xb8;
	[tilespmem:$0x10280] =	vst v63  }
0x25: {  	_ =	swait.ge [sflag:s21], $0x800  }
0x26: {  	[sflag:s21] =	ssyncset.done $0x0  }
0x27: {  	[sflag:s21] =	ssyncadd.s32 $0xFFFFF800  }
0x28: {  	v2 =	vld.idx.msk [tilespmem:v2+s3+$0x0], $0xffff  }
0x29: {  	v4 =	vld.idx.msk [tilespmem:v3+s20+$0x0], $0xffff  }
0x2a: {  	v5 =	vor.u32 $0x1, v1;
	v6 =	vand.u32 $0x78, v1  }
0x2b: {  	v6 =	vor.u32 $0x100, v6;
	v7 =	vand.u32 $0x5, v5  }
0x2c: {  	v5 =	vshll.u32 v5, $0x4;
	v7 =	vor.u32 v7, v6  }
0x2d: {  	v5 =	vor.u32 v0, v5  }
0x2e: {  	v2 =	vmul.f32 v2, v4;
	_ =	sdelay $0x1  }
0x2f: {  	[tilespmem:v3+s20+$0x0] =	vst.idx.msk $0xffff, v2  }
0x30: {  	v2 =	vld.idx.msk [tilespmem:v7+s3+$0x0], $0xffff  }
0x31: {  	v3 =	vld.idx.msk [tilespmem:v5+s20+$0x0], $0xffff  }
0x32: {  	v4 =	vor.u32 $0x2, v1  }
0x33: {  	v7 =	vand.u32 $0x6, v4  }
0x34: {  	v4 =	vshll.u32 v4, $0x4;
	v7 =	vor.u32 v7, v6  }
0x35: {  	v4 =	vor.u32 v0, v4  }
0x36: {  	v2 =	vmul.f32 v2, v3;
	_ =	sdelay $0x1  }
0x37: {  	[tilespmem:v5+s20+$0x0] =	vst.idx.msk $0xffff, v2  }
0x38: {  	v3 =	vld.idx.msk [tilespmem:v7+s3+$0x0], $0xffff  }
0x39: {  	v5 =	vld.idx.msk [tilespmem:v4+s20+$0x0], $0xffff  }
0x3a: {  	v1 =	vor.u32 $0x3, v1  }
0x3b: {  	v2 =	vand.u32 $0x7, v1  }
0x3c: {  	v1 =	vshll.u32 v1, $0x4;
	v6 =	vor.u32 v2, v6  }
0x3d: {  	v2 =	vor.u32 v0, v1  }
0x3e: {  	v1 =	vmul.f32 v3, v5;
	_ =	sdelay $0x1  }
0x3f: {  	[tilespmem:v4+s20+$0x0] =	vst.idx.msk $0xffff, v1  }
0x40: {  	v4 =	vld.idx.msk [tilespmem:v6+s3+$0x0], $0xffff  }
0x41: {  	v6 =	vld.idx.msk [tilespmem:v2+s20+$0x0], $0xffff  }
0x42: {  	s31 =	simm.s32 $0x4  }
0x43: {  	v1 =	vmov s31  }
0x44: {  	s25 =	simm.s32 $0x8;
	v5 =	vor.u32 $0x100, v1;
	v7 =	vshll.u32 v1, $0x4;
	v3 =	vor.u32 $0x1, v1  }
.LBB2_3:
0x45: {  	p0 =	sne.s32 s25, $0x7C;
	v7 =	vor.u32 v0, v7;
	v8 =	vand.u32 $0x78, v1;
	v9 =	vor.u32 $0x2, v1;
	s26 =	smov.u32 s25;
	s25 =	sadd.s32 $0x4, s25  }
0x46: {  	v4 =	vmul.f32 v4, v6;
	v8 =	vor.u32 $0x100, v8;
	v10 =	vand.u32 $0x6, v9  }
0x47: {  	v1 =	vor.u32 $0x3, v1;
	v9 =	vshll.u32 v9, $0x4;
	v6 =	vor.u32 v10, v8  }
0x48: {  	v10 =	vshll.u32 v1, $0x4;
	[tilespmem:v2+s20+$0x0] =	vst.idx.msk $0xffff, v4  }
0x49: {  	v2 =	vld.idx.msk [tilespmem:v5+s3+$0x0], $0xffff  }
0x4a: {  	v4 =	vld.idx.msk [tilespmem:v7+s20+$0x0], $0xffff;
	_ =	sdelay $0x2  }
0x4b: {  	v5 =	vand.u32 $0x5, v3;
	v3 =	vshll.u32 v3, $0x4  }
0x4c: {  	v5 =	vor.u32 v5, v8;
	v3 =	vor.u32 v0, v3;
	_ =	sdelay $0x1  }
0x4d: {  	v2 =	vmul.f32 v2, v4;
	_ =	sdelay $0x1  }
0x4e: {  	[tilespmem:v7+s20+$0x0] =	vst.idx.msk $0xffff, v2  }
0x4f: {  	v2 =	vld.idx.msk [tilespmem:v5+s3+$0x0], $0xffff  }
0x50: {  	v4 =	vld.idx.msk [tilespmem:v3+s20+$0x0], $0xffff;
	_ =	sdelay $0x3  }
0x51: {  	v5 =	vor.u32 v0, v9;
	_ =	sdelay $0x1  }
0x52: {  	v2 =	vmul.f32 v2, v4;
	_ =	sdelay $0x1  }
0x53: {  	[tilespmem:v3+s20+$0x0] =	vst.idx.msk $0xffff, v2  }
0x54: {  	v3 =	vld.idx.msk [tilespmem:v6+s3+$0x0], $0xffff  }
0x55: {  	v4 =	vld.idx.msk [tilespmem:v5+s20+$0x0], $0xffff;
	_ =	sdelay $0x2  }
0x56: {  	v1 =	vand.u32 $0x7, v1  }
0x57: {  	v1 =	vor.u32 v1, v8;
	v2 =	vor.u32 v0, v10;
	_ =	sdelay $0x1  }
0x58: {  	v3 =	vmul.f32 v3, v4;
	_ =	sdelay $0x1  }
0x59: {  	[tilespmem:v5+s20+$0x0] =	vst.idx.msk $0xffff, v3  }
0x5a: {  	v4 =	vld.idx.msk [tilespmem:v1+s3+$0x0], $0xffff  }
.Ltmp0:
0x5b: {  	v6 =	vld.idx.msk [tilespmem:v2+s20+$0x0], $0xffff;
	(pc) =	sbr.rel @p0 .LBB2_3-.Ltmp0, $3  }
0x5c: {  	_ =	sdelay $0x1  }
0x5d: {  	v1 =	vmov s26  }
0x5e: {  	v5 =	vor.u32 $0x100, v1;
	v7 =	vshll.u32 v1, $0x4;
	v3 =	vor.u32 $0x1, v1  }
0x5f: {  	_ = 	snop  }
0x60: {  	v7 =	vor.u32 v0, v7  }
0x61: {  	v4 =	vmul.f32 v4, v6;
	_ =	sdelay $0x1  }
0x62: {  	[tilespmem:v2+s20+$0x0] =	vst.idx.msk $0xffff, v4  }
0x63: {  	v2 =	vld.idx.msk [tilespmem:v5+s3+$0x0], $0xffff  }
0x64: {  	v4 =	vld.idx.msk [tilespmem:v7+s20+$0x0], $0xffff  }
0x65: {  	v58 =	vand.u32 $0x78, v1  }
0x66: {  	v59 =	vand.u32 $0x5, v3;
	v5 =	vor.u32 $0x100, v58  }
0x67: {  	v3 =	vshll.u32 v3, $0x4;
	v6 =	vor.u32 v59, v5  }
0x68: {  	v3 =	vor.u32 v0, v3  }
0x69: {  	v2 =	vmul.f32 v2, v4;
	_ =	sdelay $0x1  }
0x6a: {  	[tilespmem:v7+s20+$0x0] =	vst.idx.msk $0xffff, v2  }
0x6b: {  	v2 =	vld.idx.msk [tilespmem:v6+s3+$0x0], $0xffff  }
0x6c: {  	v60 =	vld.idx.msk [tilespmem:v3+s20+$0x0], $0xffff  }
0x6d: {  	v61 =	vor.u32 $0x2, v1  }
0x6e: {  	v62 =	vand.u32 $0x6, v61  }
0x6f: {  	v7 =	vor.u32 v62, v5;
	v6 =	vshll.u32 v61, $0x4  }
0x70: {  	v6 =	vor.u32 v0, v6  }
0x71: {  	v2 =	vmul.f32 v2, v60;
	_ =	sdelay $0x1  }
0x72: {  	[tilespmem:v3+s20+$0x0] =	vst.idx.msk $0xffff, v2  }
0x73: {  	v2 =	vld.idx.msk [tilespmem:v7+s3+$0x0], $0xffff  }
0x74: {  	v3 =	vld.idx.msk [tilespmem:v6+s20+$0x0], $0xffff  }
0x75: {  	v1 =	vor.u32 $0x3, v1  }
0x76: {  	v63 =	vand.u32 $0x7, v1  }
0x77: {  	v1 =	vshll.u32 v1, $0x4;
	v4 =	vor.u32 v63, v5  }
0x78: {  	v1 =	vor.u32 v0, v1  }
0x79: {  	v2 =	vmul.f32 v2, v3;
	_ =	sdelay $0x1  }
0x7a: {  	[tilespmem:v6+s20+$0x0] =	vst.idx.msk $0xffff, v2  }
0x7b: {  	v2 =	vld.idx.msk [tilespmem:v4+s3+$0x0], $0xffff  }
0x7c: {  	v3 =	vld.idx.msk [tilespmem:v1+s20+$0x0], $0xffff;
	_ =	sdelay $0x4  }
0x7d: {  	s24 =	sadd.s32 $0x1, s24;
	v2 =	vmul.f32 v2, v3  }
0x7e: {  	p0 =	sne.s32 s24, $0x70  }
.Ltmp1:
0x7f: {  	[tilespmem:v1+s20+$0x0] =	vst.idx.msk $0xffff, v2;
	(pc) =	sbr.rel @p0 .LBB2_2-.Ltmp1, $4  }
0x80: {  	[spmem:s2] =	stream.indirect.scatter.add.f32 [tilespmem:s20], [sflag:$0x2], $0x10, s19, s19, $0xb8;
	[tilespmem:$0x10280] =	vst v63  }
0x81: {  	_ =	swait.ge [sflag:s18], $0x800  }
0x82: {  	[sflag:s18] =	ssyncset.done $0x0  }
0x83: {  	[sflag:s18] =	ssyncadd.s32 $0xFFFFF800  }
0x84: {  	[bflag:$0x0] =	sbarrier.arrive $0xFFFF  }
0x85: {  	[tilespmem:s22], [sflag:$0x2] =	stream.linear.gather [spmem:s10], $0x5300, $0x38;
	[tilespmem:$0x10280] =	vst v63  }
0x86: {  	_ =	swait.ge [sflag:s18], $0x5300  }
0x87: {  	[sflag:s18] =	ssyncset.done $0x0  }
0x88: {  	[sflag:s18] =	ssyncadd.s32 $0xFFFFAD00  }
0x89: {  	[spmem:s10] =	stream.linear.scatter [tilespmem:s17], [sflag:$0x2], $0x5300, $0x38;
	[tilespmem:$0x10280] =	vst v63  }
0x8a: {  	_ =	swait.ge [sflag:s18], $0x5300  }
0x8b: {  	[sflag:s18] =	ssyncset.done $0x0  }
0x8c: {  	s24 =	simm.s32 $0x0;
	[sflag:s18] =	ssyncadd.s32 $0xFFFFAD00  }
0x8d: {  	[hbm4b:s13+s24] =	stream.linear.scatter [tilespmem:s22], [sflag:$0x2], $0x5300, $0x38;
	[tilespmem:$0x10280] =	vst v63  }
0x8e: {  	_ =	swait.ge [sflag:s18], $0x5300  }
0x8f: {  	[sflag:s18] =	ssyncset.done $0x0  }
0x90: {  	[sflag:s18] =	ssyncadd.s32 $0xFFFFAD00  }
0x91: {  	s25 =	simm.s32 $0x0;
	[bflag:$0x0] =	sbarrier.arrive $0xFFFF  }
.LBB2_6:
0x92: {  	s26 =	sadd.s32 s11, s25  }
0x93: {  	s26 =	smul.u32 $0x30, s26;
	_ =	sdelay $0x1  }
0x94: {  	s26 =	sadd.s32 s8, s26  }
0x95: {  	[tilespmem:s24], [sflag:$0x2] =	stream.linear.gather [hbm4b:s26+s24], $0x180, $0x38;
	[tilespmem:$0x10280] =	vst v63  }
0x96: {  	_ =	swait.ge [sflag:s18], $0x180  }
0x97: {  	v1 =	vmov s24;
	[sflag:s18] =	ssyncset.done $0x0  }
0x98: {  	v2 =	vor.u32 $0x100, v1;
	v3 =	vshll.u32 v1, $0x4;
	[sflag:s18] =	ssyncadd.s32 $0xFFFFFE80  }
0x99: {  	v3 =	vor.u32 v0, v3;
	[tilespmem:s20], [sflag:$0x1] =	stream.indirect.gather [hbm4b:s5+s19], $0x10, s24, s19, $0xb8;
	[tilespmem:$0x10280] =	vst v63  }
0x9a: {  	_ =	swait.ge [sflag:s21], $0x800  }
0x9b: {  	[sflag:s21] =	ssyncset.done $0x0  }
0x9c: {  	[sflag:s21] =	ssyncadd.s32 $0xFFFFF800  }
0x9d: {  	v2 =	vld.idx.msk [tilespmem:v2+s3+$0x0], $0xffff  }
0x9e: {  	v4 =	vld.idx.msk [tilespmem:v3+s20+$0x0], $0xffff  }
0x9f: {  	v5 =	vor.u32 $0x1, v1;
	v6 =	vand.u32 $0x78, v1  }
0xa0: {  	v6 =	vor.u32 $0x100, v6;
	v7 =	vand.u32 $0x5, v5  }
0xa1: {  	v5 =	vshll.u32 v5, $0x4;
	v7 =	vor.u32 v7, v6  }
0xa2: {  	v5 =	vor.u32 v0, v5  }
0xa3: {  	v2 =	vmul.f32 v2, v4;
	_ =	sdelay $0x1  }
0xa4: {  	[tilespmem:v3+s20+$0x0] =	vst.idx.msk $0xffff, v2  }
0xa5: {  	v2 =	vld.idx.msk [tilespmem:v7+s3+$0x0], $0xffff  }
0xa6: {  	v3 =	vld.idx.msk [tilespmem:v5+s20+$0x0], $0xffff  }
0xa7: {  	v4 =	vor.u32 $0x2, v1  }
0xa8: {  	v7 =	vand.u32 $0x6, v4  }
0xa9: {  	v4 =	vshll.u32 v4, $0x4;
	v7 =	vor.u32 v7, v6  }
0xaa: {  	v4 =	vor.u32 v0, v4  }
0xab: {  	v2 =	vmul.f32 v2, v3;
	_ =	sdelay $0x1  }
0xac: {  	[tilespmem:v5+s20+$0x0] =	vst.idx.msk $0xffff, v2  }
0xad: {  	v3 =	vld.idx.msk [tilespmem:v7+s3+$0x0], $0xffff  }
0xae: {  	v5 =	vld.idx.msk [tilespmem:v4+s20+$0x0], $0xffff  }
0xaf: {  	v1 =	vor.u32 $0x3, v1  }
0xb0: {  	v2 =	vand.u32 $0x7, v1  }
0xb1: {  	v1 =	vshll.u32 v1, $0x4;
	v6 =	vor.u32 v2, v6  }
0xb2: {  	v2 =	vor.u32 v0, v1  }
0xb3: {  	v1 =	vmul.f32 v3, v5;
	_ =	sdelay $0x1  }
0xb4: {  	[tilespmem:v4+s20+$0x0] =	vst.idx.msk $0xffff, v1  }
0xb5: {  	v4 =	vld.idx.msk [tilespmem:v6+s3+$0x0], $0xffff  }
0xb6: {  	v6 =	vld.idx.msk [tilespmem:v2+s20+$0x0], $0xffff  }
0xb7: {  	s31 =	simm.s32 $0x4  }
0xb8: {  	v1 =	vmov s31  }
0xb9: {  	s26 =	simm.s32 $0x8;
	v5 =	vor.u32 $0x100, v1;
	v7 =	vshll.u32 v1, $0x4;
	v3 =	vor.u32 $0x1, v1  }
.LBB2_7:
0xba: {  	p0 =	sne.s32 s26, $0x7C;
	v7 =	vor.u32 v0, v7;
	v8 =	vand.u32 $0x78, v1;
	v9 =	vor.u32 $0x2, v1;
	s28 =	smov.u32 s26;
	s26 =	sadd.s32 $0x4, s26  }
0xbb: {  	v4 =	vmul.f32 v4, v6;
	v8 =	vor.u32 $0x100, v8;
	v10 =	vand.u32 $0x6, v9  }
0xbc: {  	v1 =	vor.u32 $0x3, v1;
	v9 =	vshll.u32 v9, $0x4;
	v6 =	vor.u32 v10, v8  }
0xbd: {  	v10 =	vshll.u32 v1, $0x4;
	[tilespmem:v2+s20+$0x0] =	vst.idx.msk $0xffff, v4  }
0xbe: {  	v2 =	vld.idx.msk [tilespmem:v5+s3+$0x0], $0xffff  }
0xbf: {  	v4 =	vld.idx.msk [tilespmem:v7+s20+$0x0], $0xffff;
	_ =	sdelay $0x2  }
0xc0: {  	v5 =	vand.u32 $0x5, v3;
	v3 =	vshll.u32 v3, $0x4  }
0xc1: {  	v5 =	vor.u32 v5, v8;
	v3 =	vor.u32 v0, v3;
	_ =	sdelay $0x1  }
0xc2: {  	v2 =	vmul.f32 v2, v4;
	_ =	sdelay $0x1  }
0xc3: {  	[tilespmem:v7+s20+$0x0] =	vst.idx.msk $0xffff, v2  }
0xc4: {  	v2 =	vld.idx.msk [tilespmem:v5+s3+$0x0], $0xffff  }
0xc5: {  	v4 =	vld.idx.msk [tilespmem:v3+s20+$0x0], $0xffff;
	_ =	sdelay $0x3  }
0xc6: {  	v5 =	vor.u32 v0, v9;
	_ =	sdelay $0x1  }
0xc7: {  	v2 =	vmul.f32 v2, v4;
	_ =	sdelay $0x1  }
0xc8: {  	[tilespmem:v3+s20+$0x0] =	vst.idx.msk $0xffff, v2  }
0xc9: {  	v3 =	vld.idx.msk [tilespmem:v6+s3+$0x0], $0xffff  }
0xca: {  	v4 =	vld.idx.msk [tilespmem:v5+s20+$0x0], $0xffff;
	_ =	sdelay $0x2  }
0xcb: {  	v1 =	vand.u32 $0x7, v1  }
0xcc: {  	v1 =	vor.u32 v1, v8;
	v2 =	vor.u32 v0, v10;
	_ =	sdelay $0x1  }
0xcd: {  	v3 =	vmul.f32 v3, v4;
	_ =	sdelay $0x1  }
0xce: {  	[tilespmem:v5+s20+$0x0] =	vst.idx.msk $0xffff, v3  }
0xcf: {  	v4 =	vld.idx.msk [tilespmem:v1+s3+$0x0], $0xffff  }
.Ltmp2:
0xd0: {  	v6 =	vld.idx.msk [tilespmem:v2+s20+$0x0], $0xffff;
	(pc) =	sbr.rel @p0 .LBB2_7-.Ltmp2, $3  }
0xd1: {  	_ =	sdelay $0x1  }
0xd2: {  	v1 =	vmov s28  }
0xd3: {  	v5 =	vor.u32 $0x100, v1;
	v7 =	vshll.u32 v1, $0x4;
	v3 =	vor.u32 $0x1, v1  }
0xd4: {  	_ = 	snop  }
0xd5: {  	v7 =	vor.u32 v0, v7  }
0xd6: {  	v4 =	vmul.f32 v4, v6;
	_ =	sdelay $0x1  }
0xd7: {  	[tilespmem:v2+s20+$0x0] =	vst.idx.msk $0xffff, v4  }
0xd8: {  	v2 =	vld.idx.msk [tilespmem:v5+s3+$0x0], $0xffff  }
0xd9: {  	v4 =	vld.idx.msk [tilespmem:v7+s20+$0x0], $0xffff  }
0xda: {  	v58 =	vand.u32 $0x78, v1  }
0xdb: {  	v59 =	vand.u32 $0x5, v3;
	v5 =	vor.u32 $0x100, v58  }
0xdc: {  	v3 =	vshll.u32 v3, $0x4;
	v6 =	vor.u32 v59, v5  }
0xdd: {  	v3 =	vor.u32 v0, v3  }
0xde: {  	v2 =	vmul.f32 v2, v4;
	_ =	sdelay $0x1  }
0xdf: {  	[tilespmem:v7+s20+$0x0] =	vst.idx.msk $0xffff, v2  }
0xe0: {  	v2 =	vld.idx.msk [tilespmem:v6+s3+$0x0], $0xffff  }
0xe1: {  	v60 =	vld.idx.msk [tilespmem:v3+s20+$0x0], $0xffff  }
0xe2: {  	v61 =	vor.u32 $0x2, v1  }
0xe3: {  	v62 =	vand.u32 $0x6, v61  }
0xe4: {  	v7 =	vor.u32 v62, v5;
	v6 =	vshll.u32 v61, $0x4  }
0xe5: {  	v6 =	vor.u32 v0, v6  }
0xe6: {  	v2 =	vmul.f32 v2, v60;
	_ =	sdelay $0x1  }
0xe7: {  	[tilespmem:v3+s20+$0x0] =	vst.idx.msk $0xffff, v2  }
0xe8: {  	v2 =	vld.idx.msk [tilespmem:v7+s3+$0x0], $0xffff  }
0xe9: {  	v3 =	vld.idx.msk [tilespmem:v6+s20+$0x0], $0xffff  }
0xea: {  	v1 =	vor.u32 $0x3, v1  }
0xeb: {  	v63 =	vand.u32 $0x7, v1  }
0xec: {  	v1 =	vshll.u32 v1, $0x4;
	v4 =	vor.u32 v63, v5  }
0xed: {  	v1 =	vor.u32 v0, v1  }
0xee: {  	v2 =	vmul.f32 v2, v3;
	_ =	sdelay $0x1  }
0xef: {  	[tilespmem:v6+s20+$0x0] =	vst.idx.msk $0xffff, v2  }
0xf0: {  	v2 =	vld.idx.msk [tilespmem:v4+s3+$0x0], $0xffff  }
0xf1: {  	v3 =	vld.idx.msk [tilespmem:v1+s20+$0x0], $0xffff;
	_ =	sdelay $0x4  }
0xf2: {  	s25 =	sadd.s32 $0x1, s25;
	v2 =	vmul.f32 v2, v3  }
0xf3: {  	p0 =	sne.s32 s25, $0x70  }
.Ltmp3:
0xf4: {  	[tilespmem:v1+s20+$0x0] =	vst.idx.msk $0xffff, v2;
	(pc) =	sbr.rel @p0 .LBB2_6-.Ltmp3, $4  }
0xf5: {  	[spmem:s2] =	stream.indirect.scatter.add.f32 [tilespmem:s20], [sflag:$0x2], $0x10, s19, s19, $0xb8;
	[tilespmem:$0x10280] =	vst v63  }
0xf6: {  	_ =	swait.ge [sflag:s18], $0x800  }
0xf7: {  	[sflag:s18] =	ssyncset.done $0x0  }
0xf8: {  	[sflag:s18] =	ssyncadd.s32 $0xFFFFF800  }
0xf9: {  	[bflag:$0x0] =	sbarrier.arrive $0xFFFF  }
0xfa: {  	[tilespmem:s22], [sflag:$0x2] =	stream.linear.gather [spmem:s10], $0x5300, $0x38;
	[tilespmem:$0x10280] =	vst v63  }
0xfb: {  	_ =	swait.ge [sflag:s18], $0x5300  }
0xfc: {  	[sflag:s18] =	ssyncset.done $0x0  }
0xfd: {  	[sflag:s18] =	ssyncadd.s32 $0xFFFFAD00  }
0xfe: {  	[spmem:s10] =	stream.linear.scatter [tilespmem:s17], [sflag:$0x2], $0x5300, $0x38;
	[tilespmem:$0x10280] =	vst v63  }
0xff: {  	_ =	swait.ge [sflag:s18], $0x5300  }
0x100: {  	[sflag:s18] =	ssyncset.done $0x0  }
0x101: {  	s24 =	simm.s32 $0x0;
	[sflag:s18] =	ssyncadd.s32 $0xFFFFAD00  }
0x102: {  	[hbm4b:s14+s24] =	stream.linear.scatter [tilespmem:s22], [sflag:$0x2], $0x5300, $0x38;
	[tilespmem:$0x10280] =	vst v63  }
0x103: {  	_ =	swait.ge [sflag:s18], $0x5300  }
0x104: {  	[sflag:s18] =	ssyncset.done $0x0  }
0x105: {  	[sflag:s18] =	ssyncadd.s32 $0xFFFFAD00  }
0x106: {  	s25 =	simm.s32 $0x0;
	[bflag:$0x0] =	sbarrier.arrive $0xFFFF  }
.LBB2_10:
0x107: {  	s26 =	sadd.s32 s11, s25  }
0x108: {  	s26 =	smul.u32 $0x30, s26;
	_ =	sdelay $0x1  }
0x109: {  	s26 =	sadd.s32 s8, s26  }
0x10a: {  	[tilespmem:s24], [sflag:$0x2] =	stream.linear.gather [hbm4b:s26+s24], $0x180, $0x38;
	[tilespmem:$0x10280] =	vst v63  }
0x10b: {  	_ =	swait.ge [sflag:s18], $0x180  }
0x10c: {  	v1 =	vmov s24;
	[sflag:s18] =	ssyncset.done $0x0  }
0x10d: {  	v2 =	vor.u32 $0x100, v1;
	v3 =	vshll.u32 v1, $0x4;
	[sflag:s18] =	ssyncadd.s32 $0xFFFFFE80  }
0x10e: {  	v3 =	vor.u32 v0, v3;
	[tilespmem:s20], [sflag:$0x1] =	stream.indirect.gather [hbm4b:s6+s19], $0x10, s24, s19, $0xb8;
	[tilespmem:$0x10280] =	vst v63  }
0x10f: {  	_ =	swait.ge [sflag:s21], $0x800  }
0x110: {  	[sflag:s21] =	ssyncset.done $0x0  }
0x111: {  	[sflag:s21] =	ssyncadd.s32 $0xFFFFF800  }
0x112: {  	v2 =	vld.idx.msk [tilespmem:v2+s3+$0x0], $0xffff  }
0x113: {  	v4 =	vld.idx.msk [tilespmem:v3+s20+$0x0], $0xffff  }
0x114: {  	v5 =	vor.u32 $0x1, v1;
	v6 =	vand.u32 $0x78, v1  }
0x115: {  	v6 =	vor.u32 $0x100, v6;
	v7 =	vand.u32 $0x5, v5  }
0x116: {  	v5 =	vshll.u32 v5, $0x4;
	v7 =	vor.u32 v7, v6  }
0x117: {  	v5 =	vor.u32 v0, v5  }
0x118: {  	v2 =	vmul.f32 v2, v4;
	_ =	sdelay $0x1  }
0x119: {  	[tilespmem:v3+s20+$0x0] =	vst.idx.msk $0xffff, v2  }
0x11a: {  	v2 =	vld.idx.msk [tilespmem:v7+s3+$0x0], $0xffff  }
0x11b: {  	v3 =	vld.idx.msk [tilespmem:v5+s20+$0x0], $0xffff  }
0x11c: {  	v4 =	vor.u32 $0x2, v1  }
0x11d: {  	v7 =	vand.u32 $0x6, v4  }
0x11e: {  	v4 =	vshll.u32 v4, $0x4;
	v7 =	vor.u32 v7, v6  }
0x11f: {  	v4 =	vor.u32 v0, v4  }
0x120: {  	v2 =	vmul.f32 v2, v3;
	_ =	sdelay $0x1  }
0x121: {  	[tilespmem:v5+s20+$0x0] =	vst.idx.msk $0xffff, v2  }
0x122: {  	v3 =	vld.idx.msk [tilespmem:v7+s3+$0x0], $0xffff  }
0x123: {  	v5 =	vld.idx.msk [tilespmem:v4+s20+$0x0], $0xffff  }
0x124: {  	v1 =	vor.u32 $0x3, v1  }
0x125: {  	v2 =	vand.u32 $0x7, v1  }
0x126: {  	v1 =	vshll.u32 v1, $0x4;
	v6 =	vor.u32 v2, v6  }
0x127: {  	v2 =	vor.u32 v0, v1  }
0x128: {  	v1 =	vmul.f32 v3, v5;
	_ =	sdelay $0x1  }
0x129: {  	[tilespmem:v4+s20+$0x0] =	vst.idx.msk $0xffff, v1  }
0x12a: {  	v4 =	vld.idx.msk [tilespmem:v6+s3+$0x0], $0xffff  }
0x12b: {  	v6 =	vld.idx.msk [tilespmem:v2+s20+$0x0], $0xffff  }
0x12c: {  	s31 =	simm.s32 $0x4  }
0x12d: {  	v1 =	vmov s31  }
0x12e: {  	s26 =	simm.s32 $0x8;
	v5 =	vor.u32 $0x100, v1;
	v7 =	vshll.u32 v1, $0x4;
	v3 =	vor.u32 $0x1, v1  }
.LBB2_11:
0x12f: {  	p0 =	sne.s32 s26, $0x7C;
	v7 =	vor.u32 v0, v7;
	v8 =	vand.u32 $0x78, v1;
	v9 =	vor.u32 $0x2, v1;
	s28 =	smov.u32 s26;
	s26 =	sadd.s32 $0x4, s26  }
0x130: {  	v4 =	vmul.f32 v4, v6;
	v8 =	vor.u32 $0x100, v8;
	v10 =	vand.u32 $0x6, v9  }
0x131: {  	v1 =	vor.u32 $0x3, v1;
	v9 =	vshll.u32 v9, $0x4;
	v6 =	vor.u32 v10, v8  }
0x132: {  	v10 =	vshll.u32 v1, $0x4;
	[tilespmem:v2+s20+$0x0] =	vst.idx.msk $0xffff, v4  }
0x133: {  	v2 =	vld.idx.msk [tilespmem:v5+s3+$0x0], $0xffff  }
0x134: {  	v4 =	vld.idx.msk [tilespmem:v7+s20+$0x0], $0xffff;
	_ =	sdelay $0x2  }
0x135: {  	v5 =	vand.u32 $0x5, v3;
	v3 =	vshll.u32 v3, $0x4  }
0x136: {  	v5 =	vor.u32 v5, v8;
	v3 =	vor.u32 v0, v3;
	_ =	sdelay $0x1  }
0x137: {  	v2 =	vmul.f32 v2, v4;
	_ =	sdelay $0x1  }
0x138: {  	[tilespmem:v7+s20+$0x0] =	vst.idx.msk $0xffff, v2  }
0x139: {  	v2 =	vld.idx.msk [tilespmem:v5+s3+$0x0], $0xffff  }
0x13a: {  	v4 =	vld.idx.msk [tilespmem:v3+s20+$0x0], $0xffff;
	_ =	sdelay $0x3  }
0x13b: {  	v5 =	vor.u32 v0, v9;
	_ =	sdelay $0x1  }
0x13c: {  	v2 =	vmul.f32 v2, v4;
	_ =	sdelay $0x1  }
0x13d: {  	[tilespmem:v3+s20+$0x0] =	vst.idx.msk $0xffff, v2  }
0x13e: {  	v3 =	vld.idx.msk [tilespmem:v6+s3+$0x0], $0xffff  }
0x13f: {  	v4 =	vld.idx.msk [tilespmem:v5+s20+$0x0], $0xffff;
	_ =	sdelay $0x2  }
0x140: {  	v1 =	vand.u32 $0x7, v1  }
0x141: {  	v1 =	vor.u32 v1, v8;
	v2 =	vor.u32 v0, v10;
	_ =	sdelay $0x1  }
0x142: {  	v3 =	vmul.f32 v3, v4;
	_ =	sdelay $0x1  }
0x143: {  	[tilespmem:v5+s20+$0x0] =	vst.idx.msk $0xffff, v3  }
0x144: {  	v4 =	vld.idx.msk [tilespmem:v1+s3+$0x0], $0xffff  }
.Ltmp4:
0x145: {  	v6 =	vld.idx.msk [tilespmem:v2+s20+$0x0], $0xffff;
	(pc) =	sbr.rel @p0 .LBB2_11-.Ltmp4, $3  }
0x146: {  	_ =	sdelay $0x1  }
0x147: {  	v1 =	vmov s28  }
0x148: {  	v5 =	vor.u32 $0x100, v1;
	v7 =	vshll.u32 v1, $0x4;
	v3 =	vor.u32 $0x1, v1  }
0x149: {  	_ = 	snop  }
0x14a: {  	v7 =	vor.u32 v0, v7  }
0x14b: {  	v4 =	vmul.f32 v4, v6;
	_ =	sdelay $0x1  }
0x14c: {  	[tilespmem:v2+s20+$0x0] =	vst.idx.msk $0xffff, v4  }
0x14d: {  	v2 =	vld.idx.msk [tilespmem:v5+s3+$0x0], $0xffff  }
0x14e: {  	v4 =	vld.idx.msk [tilespmem:v7+s20+$0x0], $0xffff  }
0x14f: {  	v58 =	vand.u32 $0x78, v1  }
0x150: {  	v59 =	vand.u32 $0x5, v3;
	v5 =	vor.u32 $0x100, v58  }
0x151: {  	v3 =	vshll.u32 v3, $0x4;
	v6 =	vor.u32 v59, v5  }
0x152: {  	v3 =	vor.u32 v0, v3  }
0x153: {  	v2 =	vmul.f32 v2, v4;
	_ =	sdelay $0x1  }
0x154: {  	[tilespmem:v7+s20+$0x0] =	vst.idx.msk $0xffff, v2  }
0x155: {  	v2 =	vld.idx.msk [tilespmem:v6+s3+$0x0], $0xffff  }
0x156: {  	v60 =	vld.idx.msk [tilespmem:v3+s20+$0x0], $0xffff  }
0x157: {  	v61 =	vor.u32 $0x2, v1  }
0x158: {  	v62 =	vand.u32 $0x6, v61  }
0x159: {  	v7 =	vor.u32 v62, v5;
	v6 =	vshll.u32 v61, $0x4  }
0x15a: {  	v6 =	vor.u32 v0, v6  }
0x15b: {  	v2 =	vmul.f32 v2, v60;
	_ =	sdelay $0x1  }
0x15c: {  	[tilespmem:v3+s20+$0x0] =	vst.idx.msk $0xffff, v2  }
0x15d: {  	v2 =	vld.idx.msk [tilespmem:v7+s3+$0x0], $0xffff  }
0x15e: {  	v3 =	vld.idx.msk [tilespmem:v6+s20+$0x0], $0xffff  }
0x15f: {  	v1 =	vor.u32 $0x3, v1  }
0x160: {  	v63 =	vand.u32 $0x7, v1  }
0x161: {  	v1 =	vshll.u32 v1, $0x4;
	v4 =	vor.u32 v63, v5  }
0x162: {  	v1 =	vor.u32 v0, v1  }
0x163: {  	v2 =	vmul.f32 v2, v3;
	_ =	sdelay $0x1  }
0x164: {  	[tilespmem:v6+s20+$0x0] =	vst.idx.msk $0xffff, v2  }
0x165: {  	v2 =	vld.idx.msk [tilespmem:v4+s3+$0x0], $0xffff  }
0x166: {  	v3 =	vld.idx.msk [tilespmem:v1+s20+$0x0], $0xffff;
	_ =	sdelay $0x4  }
0x167: {  	s25 =	sadd.s32 $0x1, s25;
	v2 =	vmul.f32 v2, v3  }
0x168: {  	p0 =	sne.s32 s25, $0x70  }
.Ltmp5:
0x169: {  	[tilespmem:v1+s20+$0x0] =	vst.idx.msk $0xffff, v2;
	(pc) =	sbr.rel @p0 .LBB2_10-.Ltmp5, $4  }
0x16a: {  	[spmem:s2] =	stream.indirect.scatter.add.f32 [tilespmem:s20], [sflag:$0x2], $0x10, s19, s19, $0xb8;
	[tilespmem:$0x10280] =	vst v63  }
0x16b: {  	_ =	swait.ge [sflag:s18], $0x800  }
0x16c: {  	[sflag:s18] =	ssyncset.done $0x0  }
0x16d: {  	[sflag:s18] =	ssyncadd.s32 $0xFFFFF800  }
0x16e: {  	[bflag:$0x0] =	sbarrier.arrive $0xFFFF  }
0x16f: {  	[tilespmem:s22], [sflag:$0x2] =	stream.linear.gather [spmem:s10], $0x5300, $0x38;
	[tilespmem:$0x10280] =	vst v63  }
0x170: {  	_ =	swait.ge [sflag:s18], $0x5300  }
0x171: {  	[sflag:s18] =	ssyncset.done $0x0  }
0x172: {  	[sflag:s18] =	ssyncadd.s32 $0xFFFFAD00  }
0x173: {  	[spmem:s10] =	stream.linear.scatter [tilespmem:s17], [sflag:$0x2], $0x5300, $0x38;
	[tilespmem:$0x10280] =	vst v63  }
0x174: {  	_ =	swait.ge [sflag:s18], $0x5300  }
0x175: {  	[sflag:s18] =	ssyncset.done $0x0  }
0x176: {  	s24 =	simm.s32 $0x0;
	[sflag:s18] =	ssyncadd.s32 $0xFFFFAD00  }
0x177: {  	[hbm4b:s15+s24] =	stream.linear.scatter [tilespmem:s22], [sflag:$0x2], $0x5300, $0x38;
	[tilespmem:$0x10280] =	vst v63  }
0x178: {  	_ =	swait.ge [sflag:s18], $0x5300  }
0x179: {  	[sflag:s18] =	ssyncset.done $0x0  }
0x17a: {  	[sflag:s18] =	ssyncadd.s32 $0xFFFFAD00  }
0x17b: {  	s25 =	simm.s32 $0x0;
	[bflag:$0x0] =	sbarrier.arrive $0xFFFF  }
.LBB2_14:
0x17c: {  	s26 =	sadd.s32 s11, s25  }
0x17d: {  	s26 =	smul.u32 $0x30, s26;
	_ =	sdelay $0x1  }
0x17e: {  	s26 =	sadd.s32 s8, s26  }
0x17f: {  	[tilespmem:s24], [sflag:$0x2] =	stream.linear.gather [hbm4b:s26+s24], $0x180, $0x38;
	[tilespmem:$0x10280] =	vst v63  }
0x180: {  	_ =	swait.ge [sflag:s18], $0x180  }
0x181: {  	v1 =	vmov s24;
	[sflag:s18] =	ssyncset.done $0x0  }
0x182: {  	v2 =	vor.u32 $0x100, v1;
	v3 =	vshll.u32 v1, $0x4;
	[sflag:s18] =	ssyncadd.s32 $0xFFFFFE80  }
0x183: {  	v3 =	vor.u32 v0, v3;
	[tilespmem:s20], [sflag:$0x1] =	stream.indirect.gather [hbm4b:s7+s19], $0x10, s24, s19, $0xb8;
	[tilespmem:$0x10280] =	vst v63  }
0x184: {  	_ =	swait.ge [sflag:s21], $0x800  }
0x185: {  	[sflag:s21] =	ssyncset.done $0x0  }
0x186: {  	[sflag:s21] =	ssyncadd.s32 $0xFFFFF800  }
0x187: {  	v2 =	vld.idx.msk [tilespmem:v2+s3+$0x0], $0xffff  }
0x188: {  	v4 =	vld.idx.msk [tilespmem:v3+s20+$0x0], $0xffff  }
0x189: {  	v5 =	vor.u32 $0x1, v1;
	v6 =	vand.u32 $0x78, v1  }
0x18a: {  	v6 =	vor.u32 $0x100, v6;
	v7 =	vand.u32 $0x5, v5  }
0x18b: {  	v5 =	vshll.u32 v5, $0x4;
	v7 =	vor.u32 v7, v6  }
0x18c: {  	v5 =	vor.u32 v0, v5  }
0x18d: {  	v2 =	vmul.f32 v2, v4;
	_ =	sdelay $0x1  }
0x18e: {  	[tilespmem:v3+s20+$0x0] =	vst.idx.msk $0xffff, v2  }
0x18f: {  	v2 =	vld.idx.msk [tilespmem:v7+s3+$0x0], $0xffff  }
0x190: {  	v3 =	vld.idx.msk [tilespmem:v5+s20+$0x0], $0xffff  }
0x191: {  	v4 =	vor.u32 $0x2, v1  }
0x192: {  	v7 =	vand.u32 $0x6, v4  }
0x193: {  	v4 =	vshll.u32 v4, $0x4;
	v7 =	vor.u32 v7, v6  }
0x194: {  	v4 =	vor.u32 v0, v4  }
0x195: {  	v2 =	vmul.f32 v2, v3;
	_ =	sdelay $0x1  }
0x196: {  	[tilespmem:v5+s20+$0x0] =	vst.idx.msk $0xffff, v2  }
0x197: {  	v3 =	vld.idx.msk [tilespmem:v7+s3+$0x0], $0xffff  }
0x198: {  	v5 =	vld.idx.msk [tilespmem:v4+s20+$0x0], $0xffff  }
0x199: {  	v1 =	vor.u32 $0x3, v1  }
0x19a: {  	v2 =	vand.u32 $0x7, v1  }
0x19b: {  	v1 =	vshll.u32 v1, $0x4;
	v6 =	vor.u32 v2, v6  }
0x19c: {  	v2 =	vor.u32 v0, v1  }
0x19d: {  	v1 =	vmul.f32 v3, v5;
	_ =	sdelay $0x1  }
0x19e: {  	[tilespmem:v4+s20+$0x0] =	vst.idx.msk $0xffff, v1  }
0x19f: {  	v4 =	vld.idx.msk [tilespmem:v6+s3+$0x0], $0xffff  }
0x1a0: {  	v6 =	vld.idx.msk [tilespmem:v2+s20+$0x0], $0xffff  }
0x1a1: {  	s31 =	simm.s32 $0x4  }
0x1a2: {  	v1 =	vmov s31  }
0x1a3: {  	s26 =	simm.s32 $0x8;
	v5 =	vor.u32 $0x100, v1;
	v7 =	vshll.u32 v1, $0x4;
	v3 =	vor.u32 $0x1, v1  }
.LBB2_15:
0x1a4: {  	p0 =	sne.s32 s26, $0x7C;
	v7 =	vor.u32 v0, v7;
	v8 =	vand.u32 $0x78, v1;
	v9 =	vor.u32 $0x2, v1;
	s28 =	smov.u32 s26;
	s26 =	sadd.s32 $0x4, s26  }
0x1a5: {  	v4 =	vmul.f32 v4, v6;
	v8 =	vor.u32 $0x100, v8;
	v10 =	vand.u32 $0x6, v9  }
0x1a6: {  	v1 =	vor.u32 $0x3, v1;
	v9 =	vshll.u32 v9, $0x4;
	v6 =	vor.u32 v10, v8  }
0x1a7: {  	v10 =	vshll.u32 v1, $0x4;
	[tilespmem:v2+s20+$0x0] =	vst.idx.msk $0xffff, v4  }
0x1a8: {  	v2 =	vld.idx.msk [tilespmem:v5+s3+$0x0], $0xffff  }
0x1a9: {  	v4 =	vld.idx.msk [tilespmem:v7+s20+$0x0], $0xffff;
	_ =	sdelay $0x2  }
0x1aa: {  	v5 =	vand.u32 $0x5, v3;
	v3 =	vshll.u32 v3, $0x4  }
0x1ab: {  	v5 =	vor.u32 v5, v8;
	v3 =	vor.u32 v0, v3;
	_ =	sdelay $0x1  }
0x1ac: {  	v2 =	vmul.f32 v2, v4;
	_ =	sdelay $0x1  }
0x1ad: {  	[tilespmem:v7+s20+$0x0] =	vst.idx.msk $0xffff, v2  }
0x1ae: {  	v2 =	vld.idx.msk [tilespmem:v5+s3+$0x0], $0xffff  }
0x1af: {  	v4 =	vld.idx.msk [tilespmem:v3+s20+$0x0], $0xffff;
	_ =	sdelay $0x3  }
0x1b0: {  	v5 =	vor.u32 v0, v9;
	_ =	sdelay $0x1  }
0x1b1: {  	v2 =	vmul.f32 v2, v4;
	_ =	sdelay $0x1  }
0x1b2: {  	[tilespmem:v3+s20+$0x0] =	vst.idx.msk $0xffff, v2  }
0x1b3: {  	v3 =	vld.idx.msk [tilespmem:v6+s3+$0x0], $0xffff  }
0x1b4: {  	v4 =	vld.idx.msk [tilespmem:v5+s20+$0x0], $0xffff;
	_ =	sdelay $0x2  }
0x1b5: {  	v1 =	vand.u32 $0x7, v1  }
0x1b6: {  	v1 =	vor.u32 v1, v8;
	v2 =	vor.u32 v0, v10;
	_ =	sdelay $0x1  }
0x1b7: {  	v3 =	vmul.f32 v3, v4;
	_ =	sdelay $0x1  }
0x1b8: {  	[tilespmem:v5+s20+$0x0] =	vst.idx.msk $0xffff, v3  }
0x1b9: {  	v4 =	vld.idx.msk [tilespmem:v1+s3+$0x0], $0xffff  }
.Ltmp6:
0x1ba: {  	v6 =	vld.idx.msk [tilespmem:v2+s20+$0x0], $0xffff;
	(pc) =	sbr.rel @p0 .LBB2_15-.Ltmp6, $3  }
0x1bb: {  	_ =	sdelay $0x1  }
0x1bc: {  	v1 =	vmov s28  }
0x1bd: {  	v5 =	vor.u32 $0x100, v1;
	v7 =	vshll.u32 v1, $0x4;
	v3 =	vor.u32 $0x1, v1  }
0x1be: {  	_ = 	snop  }
0x1bf: {  	v7 =	vor.u32 v0, v7  }
0x1c0: {  	v4 =	vmul.f32 v4, v6;
	_ =	sdelay $0x1  }
0x1c1: {  	[tilespmem:v2+s20+$0x0] =	vst.idx.msk $0xffff, v4  }
0x1c2: {  	v2 =	vld.idx.msk [tilespmem:v5+s3+$0x0], $0xffff  }
0x1c3: {  	v4 =	vld.idx.msk [tilespmem:v7+s20+$0x0], $0xffff  }
0x1c4: {  	v58 =	vand.u32 $0x78, v1  }
0x1c5: {  	v59 =	vand.u32 $0x5, v3;
	v5 =	vor.u32 $0x100, v58  }
0x1c6: {  	v3 =	vshll.u32 v3, $0x4;
	v6 =	vor.u32 v59, v5  }
0x1c7: {  	v3 =	vor.u32 v0, v3  }
0x1c8: {  	v2 =	vmul.f32 v2, v4;
	_ =	sdelay $0x1  }
0x1c9: {  	[tilespmem:v7+s20+$0x0] =	vst.idx.msk $0xffff, v2  }
0x1ca: {  	v2 =	vld.idx.msk [tilespmem:v6+s3+$0x0], $0xffff  }
0x1cb: {  	v60 =	vld.idx.msk [tilespmem:v3+s20+$0x0], $0xffff  }
0x1cc: {  	v61 =	vor.u32 $0x2, v1  }
0x1cd: {  	v62 =	vand.u32 $0x6, v61  }
0x1ce: {  	v7 =	vor.u32 v62, v5;
	v6 =	vshll.u32 v61, $0x4  }
0x1cf: {  	v6 =	vor.u32 v0, v6  }
0x1d0: {  	v2 =	vmul.f32 v2, v60;
	_ =	sdelay $0x1  }
0x1d1: {  	[tilespmem:v3+s20+$0x0] =	vst.idx.msk $0xffff, v2  }
0x1d2: {  	v2 =	vld.idx.msk [tilespmem:v7+s3+$0x0], $0xffff  }
0x1d3: {  	v3 =	vld.idx.msk [tilespmem:v6+s20+$0x0], $0xffff  }
0x1d4: {  	v1 =	vor.u32 $0x3, v1  }
0x1d5: {  	v63 =	vand.u32 $0x7, v1  }
0x1d6: {  	v1 =	vshll.u32 v1, $0x4;
	v4 =	vor.u32 v63, v5  }
0x1d7: {  	v1 =	vor.u32 v0, v1  }
0x1d8: {  	v2 =	vmul.f32 v2, v3;
	_ =	sdelay $0x1  }
0x1d9: {  	[tilespmem:v6+s20+$0x0] =	vst.idx.msk $0xffff, v2  }
0x1da: {  	v2 =	vld.idx.msk [tilespmem:v4+s3+$0x0], $0xffff  }
0x1db: {  	v3 =	vld.idx.msk [tilespmem:v1+s20+$0x0], $0xffff;
	_ =	sdelay $0x4  }
0x1dc: {  	s25 =	sadd.s32 $0x1, s25;
	v2 =	vmul.f32 v2, v3  }
0x1dd: {  	p0 =	sne.s32 s25, $0x70  }
.Ltmp7:
0x1de: {  	[tilespmem:v1+s20+$0x0] =	vst.idx.msk $0xffff, v2;
	(pc) =	sbr.rel @p0 .LBB2_14-.Ltmp7, $4  }
0x1df: {  	[spmem:s2] =	stream.indirect.scatter.add.f32 [tilespmem:s20], [sflag:$0x2], $0x10, s19, s19, $0xb8;
	[tilespmem:$0x10280] =	vst v63  }
0x1e0: {  	_ =	swait.ge [sflag:s18], $0x800  }
0x1e1: {  	[sflag:s18] =	ssyncset.done $0x0  }
0x1e2: {  	[sflag:s18] =	ssyncadd.s32 $0xFFFFF800  }
0x1e3: {  	[bflag:$0x0] =	sbarrier.arrive $0xFFFF  }
0x1e4: {  	[tilespmem:s22], [sflag:$0x2] =	stream.linear.gather [spmem:s10], $0x5300, $0x38;
	[tilespmem:$0x10280] =	vst v63  }
0x1e5: {  	_ =	swait.ge [sflag:s18], $0x5300  }
0x1e6: {  	[sflag:s18] =	ssyncset.done $0x0  }
0x1e7: {  	[sflag:s18] =	ssyncadd.s32 $0xFFFFAD00  }
0x1e8: {  	[spmem:s10] =	stream.linear.scatter [tilespmem:s17], [sflag:$0x2], $0x5300, $0x38;
	[tilespmem:$0x10280] =	vst v63  }
0x1e9: {  	s23 =	sadd.s32 $0x1, s23;
	_ =	swait.ge [sflag:s18], $0x5300  }
0x1ea: {  	p0 =	sne.s32 s23, s12;
	[sflag:s18] =	ssyncset.done $0x0  }
.Ltmp8:
0x1eb: {  	[sflag:s18] =	ssyncadd.s32 $0xFFFFAD00;
	(pc) =	sbr.rel @p0 .LBB2_1-.Ltmp8, $4  }
0x1ec: {  	[hbm4b:s16+s3] =	stream.linear.scatter [tilespmem:s22], [sflag:$0x2], $0x5300, $0x38;
	[tilespmem:$0x10280] =	vst v63  }
0x1ed: {  	_ =	swait.ge [sflag:s18], $0x5300  }
0x1ee: {  	[sflag:s18] =	ssyncset.done $0x0  }
0x1ef: {  	[sflag:s18] =	ssyncadd.s32 $0xFFFFAD00  }
0x1f0: {  	_ =	sfence.sel $0x180000  }
0x1f1: {  	[bflag:$0x0] =	sbarrier.arrive $0xFFFF  }
0x1f2: {  	p0 =	sne.s32 s1, $0x0;
	_ =	strace $0x90000050  }
0x1f3: {  	s0 =	sadd.s32 @!p0 $0x100000, s0;
	[bflag:$0x2] =	sbarrier.arrive $0xFFFF  }
0x1f4: {  	[sflag:s0] =	ssyncadd.tile.s32 @!p0 $0x1;
	_ =	shalt  }
.Lfunc_end2:
_tile_overlayer_lowered:
.L_overlay_start_2:
0x1f5: {  	(tag) =	ssettag $0x2  }
0x1f6: {  	s0 =	rddreg [dreg:$0x0];
	s2 =	stileid.u32  }
0x1f7: {  	s1 =	rddreg [dreg:$0x1];
	p0 =	sne.s32 s2, $0x0  }
0x1f8: {  	s3 =	rddreg [dreg:$0x2];
	[bflag:$0x3] =	sbarrier.arrive $0xFFFF;
	s2 =	simm.s32 @!p0 $0x1C02  }
0x1f9: {  	[timem:s3], [sflag:s2] =	dma.local @!p0 [hbm:s0], s1  }
0x1fa: {  	s0 =	simm.s32 @!p0 $0x2  }
0x1fb: {  	_ =	swait.ge @!p0 [sflag:s0], s1  }
0x1fc: {  	s1 =	ssub.s32 @!p0 $0x0, s1;
	[sflag:s0] =	ssyncset.done @!p0 $0x0  }
0x1fd: {  	[sflag:s0] =	ssyncadd.s32 @!p0 s1  }
0x1fe: {  	[bflag:$0x3] =	sbarrier.arrive $0xFFFF  }
0x1ff: {  	_ =	shalt  }

</sc_bundles>
